<compile_context>
chip_gen: v7x
topology: tpu7x:2x2x1
jax: 0.10.2.dev20260603
libtpu: 0.0.44.dev20260713+nightly
codegen_flags: <defaults>
</compile_context>

<pallas_src>
import functools

import jax
import jax.numpy as jnp
from jax.experimental import pallas as pl

N_P = 50000
N_A = 50000
D = 128
H = 4
EPS = 1e-5
BLK = 1000


def _ln_proj_kernel(x_ref, g_ref, b_ref, w_ref, bias_ref, o_ref):
    x = x_ref[:, :]
    m = jnp.mean(x, axis=-1, keepdims=True)
    xc = x - m
    v = jnp.mean(xc * xc, axis=-1, keepdims=True)
    xn = xc * jax.lax.rsqrt(v + EPS) * g_ref[:, :] + b_ref[:, :]
    o_ref[:, :] = (
        jnp.dot(xn, w_ref[:, :], preferred_element_type=jnp.float32)
        + bias_ref[:, :]
    )


def _ln_proj(x, g, b, w, bias):
    n, d = x.shape
    cols = w.shape[1]
    return pl.pallas_call(
        _ln_proj_kernel,
        grid=(n // BLK,),
        in_specs=[
            pl.BlockSpec((BLK, d), lambda i: (i, 0)),
            pl.BlockSpec((1, d), lambda i: (0, 0)),
            pl.BlockSpec((1, d), lambda i: (0, 0)),
            pl.BlockSpec((d, cols), lambda i: (0, 0)),
            pl.BlockSpec((1, cols), lambda i: (0, 0)),
        ],
        out_specs=pl.BlockSpec((BLK, cols), lambda i: (i, 0)),
        out_shape=jax.ShapeDtypeStruct((n, cols), jnp.float32),
    )(x, g.reshape(1, d), b.reshape(1, d), w, bias.reshape(1, cols))


def _combine_kernel(x_ref, o1_ref, s1_ref, o2_ref, s2_ref, out_ref):
    o1 = o1_ref[:, :]
    o2 = o2_ref[:, :]
    m1 = (o1[:, 0:D] + o1[:, D:2 * D] + o1[:, 2 * D:3 * D] + o1[:, 3 * D:4 * D]) * 0.25
    m2 = (o2[:, 0:D] + o2[:, D:2 * D] + o2[:, 2 * D:3 * D] + o2[:, 3 * D:4 * D]) * 0.25
    out_ref[:, :] = x_ref[:, :] + (
        (m1 + s1_ref[:, :]) + (m2 + s2_ref[:, :])
    ) * 0.5


def _combine(x, o1, s1, o2, s2):
    n = x.shape[0]
    return pl.pallas_call(
        _combine_kernel,
        grid=(n // BLK,),
        in_specs=[
            pl.BlockSpec((BLK, D), lambda i: (i, 0)),
            pl.BlockSpec((BLK, H * D), lambda i: (i, 0)),
            pl.BlockSpec((BLK, D), lambda i: (i, 0)),
            pl.BlockSpec((BLK, H * D), lambda i: (i, 0)),
            pl.BlockSpec((BLK, D), lambda i: (i, 0)),
        ],
        out_specs=pl.BlockSpec((BLK, D), lambda i: (i, 0)),
        out_shape=jax.ShapeDtypeStruct((n, D), jnp.float32),
    )(x, o1, s1, o2, s2)


def _edge_aggregate(q, k, v, ei, n_dst):
    src = ei[0]
    dst = ei[1]
    qh = q.reshape(-1, H, D)
    kh = k.reshape(-1, H, D)
    alpha = (qh[dst] * kh[src]).sum(-1) / jnp.sqrt(jnp.float32(D))
    ex = jnp.exp(alpha)
    vh = v.reshape(-1, H, D)
    upd = jnp.concatenate(
        [(vh[src] * ex[:, :, None]).reshape(-1, H * D), ex], axis=1
    )
    agg = jax.ops.segment_sum(upd, dst, num_segments=n_dst)
    num = agg[:, :H * D].reshape(n_dst, H, D)
    den = agg[:, H * D:]
    out = num / (den[:, :, None] + 1e-16)
    return out.reshape(n_dst, H * D)


@functools.partial(jax.jit, donate_argnums=())
def kernel(x_paper, x_author, ei_cites, ei_writes,
           r1_Wq, r1_bq, r1_Wk, r1_bk, r1_Wv, r1_bv, r1_Ws, r1_bs,
           r2_Wq, r2_bq, r2_Wk, r2_bk, r2_Wv, r2_bv, r2_Ws, r2_bs,
           ln_p_g, ln_p_b, ln_a_g, ln_a_b):
    wp = jnp.concatenate([r1_Wq, r1_Wk, r1_Wv, r2_Wq, r1_Ws, r2_Ws], axis=1)
    bp = jnp.concatenate([r1_bq, r1_bk, r1_bv, r2_bq, r1_bs, r2_bs], axis=0)
    proj_p = _ln_proj(x_paper, ln_p_g, ln_p_b, wp, bp)
    wa = jnp.concatenate([r2_Wk, r2_Wv], axis=1)
    ba = jnp.concatenate([r2_bk, r2_bv], axis=0)
    proj_a = _ln_proj(x_author, ln_a_g, ln_a_b, wa, ba)

    q1 = proj_p[:, 0:H * D]
    k1 = proj_p[:, H * D:2 * H * D]
    v1 = proj_p[:, 2 * H * D:3 * H * D]
    q2 = proj_p[:, 3 * H * D:4 * H * D]
    s1 = proj_p[:, 4 * H * D:4 * H * D + D]
    s2 = proj_p[:, 4 * H * D + D:4 * H * D + 2 * D]
    k2 = proj_a[:, 0:H * D]
    v2 = proj_a[:, H * D:2 * H * D]

    o1 = _edge_aggregate(q1, k1, v1, ei_cites, N_P)
    o2 = _edge_aggregate(q2, k2, v2, ei_writes, N_P)

    new_paper = _combine(x_paper, o1, s1, o2, s2)
    return (new_paper, x_author)

# --- scband reference (transcript-rebuilt; emitter-appended) ---
"""Pipeline reference for scband-relational-graph-layer-42494406427175 (READ-ONLY COPY).

The authoritative reference and input builder live on the scoring server;
editing this copy changes nothing except your own understanding.
"""

import jax, jax.numpy as jnp
import numpy as np

N_P = 50000
N_A = 50000
D = 128
H = 4
E1 = 300000
E2 = 300000
EPS = 1e-5


def _ln(x, g, b):
    m = x.mean(axis=-1, keepdims=True)
    v = x.var(axis=-1, keepdims=True)
    return (x - m) / jnp.sqrt(v + EPS) * g + b


def _tconv(x_src, x_dst, ei, Wq, bq, Wk, bk, Wv, bv, Ws, bs):
    # PyG TransformerConv: heads=H, out_channels=D, concat=False, beta=False,
    # root_weight=True, edge_dim=None, eval mode (dropout off)
    n_dst = x_dst.shape[0]
    q = (x_dst @ Wq + bq).reshape(n_dst, H, D)
    k = (x_src @ Wk + bk).reshape(-1, H, D)
    v = (x_src @ Wv + bv).reshape(-1, H, D)
    src = ei[0]
    dst = ei[1]
    alpha = (q[dst] * k[src]).sum(-1) / jnp.sqrt(jnp.float32(D))  # [E, H]
    amax = jax.ops.segment_max(alpha, dst, num_segments=n_dst)
    amax = jnp.where(jnp.isfinite(amax), amax, 0.0)
    ex = jnp.exp(alpha - amax[dst])
    den = jax.ops.segment_sum(ex, dst, num_segments=n_dst)
    w = ex / (den[dst] + 1e-16)
    out = jax.ops.segment_sum(v[src] * w[:, :, None], dst, num_segments=n_dst)
    out = out.mean(axis=1)  # concat=False -> mean over heads
    return out + x_dst @ Ws + bs  # root/skip connection


def setup_inputs(seed: int = 0):
    key = jax.random.key(seed)
    ks = jax.random.split(key, 16)

    def lin(k, fi, fo):
        return jax.random.normal(k, (fi, fo), dtype=jnp.float32) / np.sqrt(fi)

    inp = {}
    inp["x_paper"] = jax.random.normal(ks[0], (N_P, D), dtype=jnp.float32)
    inp["x_author"] = jax.random.normal(ks[1], (N_A, D), dtype=jnp.float32)
    inp["ei_cites"] = jax.random.randint(ks[2], (2, E1), 0, N_P, dtype=jnp.int32)
    inp["ei_writes"] = jax.random.randint(ks[3], (2, E2), 0, N_A, dtype=jnp.int32)
    # relation 1: paper -cites-> paper
    inp["r1_Wq"] = lin(ks[4], D, H * D)
    inp["r1_bq"] = jnp.zeros((H * D,), jnp.float32)
    inp["r1_Wk"] = lin(ks[5], D, H * D)
    inp["r1_bk"] = jnp.zeros((H * D,), jnp.float32)
    inp["r1_Wv"] = lin(ks[6], D, H * D)
    inp["r1_bv"] = jnp.zeros((H * D,), jnp.float32)
    inp["r1_Ws"] = lin(ks[7], D, D)
    inp["r1_bs"] = jnp.zeros((D,), jnp.float32)
    # relation 2: author -writes-> paper
    inp["r2_Wq"] = lin(ks[8], D, H * D)
    inp["r2_bq"] = jnp.zeros((H * D,), jnp.float32)
    inp["r2_Wk"] = lin(ks[9], D, H * D)
    inp["r2_bk"] = jnp.zeros((H * D,), jnp.float32)
    inp["r2_Wv"] = lin(ks[10], D, H * D)
    inp["r2_bv"] = jnp.zeros((H * D,), jnp.float32)
    inp["r2_Ws"] = lin(ks[11], D, D)
    inp["r2_bs"] = jnp.zeros((D,), jnp.float32)
    # layer norms per node type
    inp["ln_p_g"] = jnp.ones((D,), jnp.float32)
    inp["ln_p_b"] = jnp.zeros((D,), jnp.float32)
    inp["ln_a_g"] = jnp.ones((D,), jnp.float32)
    inp["ln_a_b"] = jnp.zeros((D,), jnp.float32)
    return inp


def reference(x_paper, x_author, ei_cites, ei_writes,
              r1_Wq, r1_bq, r1_Wk, r1_bk, r1_Wv, r1_bv, r1_Ws, r1_bs,
              r2_Wq, r2_bq, r2_Wk, r2_bk, r2_Wv, r2_bv, r2_Ws, r2_bs,
              ln_p_g, ln_p_b, ln_a_g, ln_a_b):
    xp = _ln(x_paper, ln_p_g, ln_p_b)
    xa = _ln(x_author, ln_a_g, ln_a_b)
    o1 = _tconv(xp, xp, ei_cites, r1_Wq, r1_bq, r1_Wk, r1_bk, r1_Wv, r1_bv, r1_Ws, r1_bs)
    o2 = _tconv(xa, xp, ei_writes, r2_Wq, r2_bq, r2_Wk, r2_bk, r2_Wv, r2_bv, r2_Ws, r2_bs)
    out_p = (o1 + o2) / 2.0  # HeteroConv aggr='mean' across relations targeting 'paper'
    new_paper = x_paper + out_p  # dropout is identity in eval mode
    new_author = x_author  # 'author' receives no messages -> passthrough
    return (new_paper, new_author)

if __name__ == "__main__":
    import jax
    _d = setup_inputs()
    print(jax.jit(kernel)(*tuple(_d.values())))

</pallas_src>

<mosaic_0001>
module attributes {stable_mosaic.version = 14 : i64} {
  func.func @_ln_proj_kernel(%arg0: i32, %arg1: memref<1000x128xf32, #tpu.memory_space<vmem>>, %arg2: memref<1x128xf32, #tpu.memory_space<vmem>>, %arg3: memref<1x128xf32, #tpu.memory_space<vmem>>, %arg4: memref<128x2304xf32, #tpu.memory_space<vmem>>, %arg5: memref<1x2304xf32, #tpu.memory_space<vmem>>, %arg6: memref<1000x2304xf32, #tpu.memory_space<vmem>>) attributes {dimension_semantics = [#tpu.dimension_semantics<arbitrary>], iteration_bounds = array<i64: 50>, scalar_prefetch = 0 : i64, scratch_operands = 0 : i64, tpu.core_type = #tpu.core_type<tc>, window_params = [{transform_indices = @transform_0, window_bounds = array<i64: 1000, 128>}, {pipeline_mode = #tpu.pipeline_mode<synchronous>, transform_indices = @transform_1, window_bounds = array<i64: 1, 128>}, {pipeline_mode = #tpu.pipeline_mode<synchronous>, transform_indices = @transform_2, window_bounds = array<i64: 1, 128>}, {pipeline_mode = #tpu.pipeline_mode<synchronous>, transform_indices = @transform_3, window_bounds = array<i64: 128, 2304>}, {pipeline_mode = #tpu.pipeline_mode<synchronous>, transform_indices = @transform_4, window_bounds = array<i64: 1, 2304>}, {transform_indices = @transform_5, window_bounds = array<i64: 1000, 2304>}]} {
    %get3A = arith.constant 0 : index
    %get3A_0 = arith.constant 0 : index
    %get3A_1 = vector.load %arg1[%get3A, %get3A_0] : memref<1000x128xf32, #tpu.memory_space<vmem>>, vector<1000x128xf32>
    %reduce_sum3A = arith.constant dense<0.000000e+00> : vector<1000xf32>
    %reduce_sum3A_2 = vector.multi_reduction <add>, %get3A_1, %reduce_sum3A [1] : vector<1000x128xf32> to vector<1000xf32>
    %broadcast_in_dim3A = vector.shape_cast %reduce_sum3A_2 : vector<1000xf32> to vector<1000x1xf32>
    %div3A = arith.constant 1.280000e+02 : f32
    %div3A_3 = vector.broadcast %div3A : f32 to vector<1000x1xf32>
    %div3A_4 = arith.divf %broadcast_in_dim3A, %div3A_3 : vector<1000x1xf32>
    %sub3A = vector.broadcast %div3A_4 : vector<1000x1xf32> to vector<1000x128xf32>
    %sub3A_5 = arith.subf %get3A_1, %sub3A : vector<1000x128xf32>
    %mul3A = arith.mulf %sub3A_5, %sub3A_5 : vector<1000x128xf32>
    %reduce_sum3A_6 = arith.constant dense<0.000000e+00> : vector<1000xf32>
    %reduce_sum3A_7 = vector.multi_reduction <add>, %mul3A, %reduce_sum3A_6 [1] : vector<1000x128xf32> to vector<1000xf32>
    %broadcast_in_dim3A_8 = vector.shape_cast %reduce_sum3A_7 : vector<1000xf32> to vector<1000x1xf32>
    %div3A_9 = arith.constant 1.280000e+02 : f32
    %div3A_10 = vector.broadcast %div3A_9 : f32 to vector<1000x1xf32>
    %div3A_11 = arith.divf %broadcast_in_dim3A_8, %div3A_10 : vector<1000x1xf32>
    %add3A = arith.constant 9.99999974E-6 : f32
    %add3A_12 = vector.broadcast %add3A : f32 to vector<1000x1xf32>
    %add3A_13 = arith.addf %div3A_11, %add3A_12 : vector<1000x1xf32>
    %rsqrt3A = math.rsqrt %add3A_13 : vector<1000x1xf32>
    %mul3A_14 = vector.broadcast %rsqrt3A : vector<1000x1xf32> to vector<1000x128xf32>
    %mul3A_15 = arith.mulf %sub3A_5, %mul3A_14 : vector<1000x128xf32>
    %get3A_16 = arith.constant 0 : index
    %get3A_17 = arith.constant 0 : index
    %get3A_18 = vector.load %arg2[%get3A_16, %get3A_17] : memref<1x128xf32, #tpu.memory_space<vmem>>, vector<1x128xf32>
    %mul3A_19 = vector.broadcast %get3A_18 : vector<1x128xf32> to vector<1000x128xf32>
    %mul3A_20 = arith.mulf %mul3A_15, %mul3A_19 : vector<1000x128xf32>
    %get3A_21 = arith.constant 0 : index
    %get3A_22 = arith.constant 0 : index
    %get3A_23 = vector.load %arg3[%get3A_21, %get3A_22] : memref<1x128xf32, #tpu.memory_space<vmem>>, vector<1x128xf32>
    %add3A_24 = vector.broadcast %get3A_23 : vector<1x128xf32> to vector<1000x128xf32>
    %add3A_25 = arith.addf %mul3A_20, %add3A_24 : vector<1000x128xf32>
    %get3A_26 = arith.constant 0 : index
    %get3A_27 = arith.constant 0 : index
    %get3A_28 = vector.load %arg4[%get3A_26, %get3A_27] : memref<128x2304xf32, #tpu.memory_space<vmem>>, vector<128x2304xf32>
    %dot_general3A = arith.constant dense<0.000000e+00> : vector<1000x2304xf32>
    %dot_general3A_29 = tpu.matmul %add3A_25, %get3A_28, %dot_general3A {dimension_numbers = #tpu.dot_dimension_numbers<[1], [0], [0], [1], [0, 0, 1, 1], [], []>, transpose_lhs_hint = false} : vector<1000x128xf32>, vector<128x2304xf32>, vector<1000x2304xf32> -> vector<1000x2304xf32>
    %get3A_30 = arith.constant 0 : index
    %get3A_31 = arith.constant 0 : index
    %get3A_32 = vector.load %arg5[%get3A_30, %get3A_31] : memref<1x2304xf32, #tpu.memory_space<vmem>>, vector<1x2304xf32>
    %add3A_33 = vector.broadcast %get3A_32 : vector<1x2304xf32> to vector<1000x2304xf32>
    %add3A_34 = arith.addf %dot_general3A_29, %add3A_33 : vector<1000x2304xf32>
    %swap3A = arith.constant 0 : index
    %swap3A_35 = arith.constant 0 : index
    %swap3A_36 = vector.load %arg6[%swap3A, %swap3A_35] : memref<1000x2304xf32, #tpu.memory_space<vmem>>, vector<1000x2304xf32>
    tpu.vector_store %arg6[%swap3A, %swap3A_35], %add3A_34 {strides = array<i32>} : memref<1000x2304xf32, #tpu.memory_space<vmem>>, vector<1000x2304xf32>,
    return
  }
  func.func @transform_0(%arg0: i32) -> (i32, i32) {
    %c0_i32 = arith.constant 0 : i32
    %c0_i32_0 = arith.constant 0 : i32
    return %arg0, %c0_i32 : i32, i32
  }
  func.func @transform_1(%arg0: i32) -> (i32, i32) {
    %c0_i32 = arith.constant 0 : i32
    %c0_i32_0 = arith.constant 0 : i32
    %c0_i32_1 = arith.constant 0 : i32
    return %c0_i32, %c0_i32_0 : i32, i32
  }
  func.func @transform_2(%arg0: i32) -> (i32, i32) {
    %c0_i32 = arith.constant 0 : i32
    %c0_i32_0 = arith.constant 0 : i32
    %c0_i32_1 = arith.constant 0 : i32
    return %c0_i32, %c0_i32_0 : i32, i32
  }
  func.func @transform_3(%arg0: i32) -> (i32, i32) {
    %c0_i32 = arith.constant 0 : i32
    %c0_i32_0 = arith.constant 0 : i32
    %c0_i32_1 = arith.constant 0 : i32
    return %c0_i32, %c0_i32_0 : i32, i32
  }
  func.func @transform_4(%arg0: i32) -> (i32, i32) {
    %c0_i32 = arith.constant 0 : i32
    %c0_i32_0 = arith.constant 0 : i32
    %c0_i32_1 = arith.constant 0 : i32
    return %c0_i32, %c0_i32_0 : i32, i32
  }
  func.func @transform_5(%arg0: i32) -> (i32, i32) {
    %c0_i32 = arith.constant 0 : i32
    %c0_i32_0 = arith.constant 0 : i32
    return %arg0, %c0_i32 : i32, i32
  }
}

module attributes {stable_mosaic.version = 14 : i64} {
  func.func @_ln_proj_kernel(%arg0: i32, %arg1: memref<1000x128xf32, #tpu.memory_space<vmem>>, %arg2: memref<1x128xf32, #tpu.memory_space<vmem>>, %arg3: memref<1x128xf32, #tpu.memory_space<vmem>>, %arg4: memref<128x1024xf32, #tpu.memory_space<vmem>>, %arg5: memref<1x1024xf32, #tpu.memory_space<vmem>>, %arg6: memref<1000x1024xf32, #tpu.memory_space<vmem>>) attributes {dimension_semantics = [#tpu.dimension_semantics<arbitrary>], iteration_bounds = array<i64: 50>, scalar_prefetch = 0 : i64, scratch_operands = 0 : i64, tpu.core_type = #tpu.core_type<tc>, window_params = [{transform_indices = @transform_0, window_bounds = array<i64: 1000, 128>}, {pipeline_mode = #tpu.pipeline_mode<synchronous>, transform_indices = @transform_1, window_bounds = array<i64: 1, 128>}, {pipeline_mode = #tpu.pipeline_mode<synchronous>, transform_indices = @transform_2, window_bounds = array<i64: 1, 128>}, {pipeline_mode = #tpu.pipeline_mode<synchronous>, transform_indices = @transform_3, window_bounds = array<i64: 128, 1024>}, {pipeline_mode = #tpu.pipeline_mode<synchronous>, transform_indices = @transform_4, window_bounds = array<i64: 1, 1024>}, {transform_indices = @transform_5, window_bounds = array<i64: 1000, 1024>}]} {
    %get3A = arith.constant 0 : index
    %get3A_0 = arith.constant 0 : index
    %get3A_1 = vector.load %arg1[%get3A, %get3A_0] : memref<1000x128xf32, #tpu.memory_space<vmem>>, vector<1000x128xf32>
    %reduce_sum3A = arith.constant dense<0.000000e+00> : vector<1000xf32>
    %reduce_sum3A_2 = vector.multi_reduction <add>, %get3A_1, %reduce_sum3A [1] : vector<1000x128xf32> to vector<1000xf32>
    %broadcast_in_dim3A = vector.shape_cast %reduce_sum3A_2 : vector<1000xf32> to vector<1000x1xf32>
    %div3A = arith.constant 1.280000e+02 : f32
    %div3A_3 = vector.broadcast %div3A : f32 to vector<1000x1xf32>
    %div3A_4 = arith.divf %broadcast_in_dim3A, %div3A_3 : vector<1000x1xf32>
    %sub3A = vector.broadcast %div3A_4 : vector<1000x1xf32> to vector<1000x128xf32>
    %sub3A_5 = arith.subf %get3A_1, %sub3A : vector<1000x128xf32>
    %mul3A = arith.mulf %sub3A_5, %sub3A_5 : vector<1000x128xf32>
    %reduce_sum3A_6 = arith.constant dense<0.000000e+00> : vector<1000xf32>
    %reduce_sum3A_7 = vector.multi_reduction <add>, %mul3A, %reduce_sum3A_6 [1] : vector<1000x128xf32> to vector<1000xf32>
    %broadcast_in_dim3A_8 = vector.shape_cast %reduce_sum3A_7 : vector<1000xf32> to vector<1000x1xf32>
    %div3A_9 = arith.constant 1.280000e+02 : f32
    %div3A_10 = vector.broadcast %div3A_9 : f32 to vector<1000x1xf32>
    %div3A_11 = arith.divf %broadcast_in_dim3A_8, %div3A_10 : vector<1000x1xf32>
    %add3A = arith.constant 9.99999974E-6 : f32
    %add3A_12 = vector.broadcast %add3A : f32 to vector<1000x1xf32>
    %add3A_13 = arith.addf %div3A_11, %add3A_12 : vector<1000x1xf32>
    %rsqrt3A = math.rsqrt %add3A_13 : vector<1000x1xf32>
    %mul3A_14 = vector.broadcast %rsqrt3A : vector<1000x1xf32> to vector<1000x128xf32>
    %mul3A_15 = arith.mulf %sub3A_5, %mul3A_14 : vector<1000x128xf32>
    %get3A_16 = arith.constant 0 : index
    %get3A_17 = arith.constant 0 : index
    %get3A_18 = vector.load %arg2[%get3A_16, %get3A_17] : memref<1x128xf32, #tpu.memory_space<vmem>>, vector<1x128xf32>
    %mul3A_19 = vector.broadcast %get3A_18 : vector<1x128xf32> to vector<1000x128xf32>
    %mul3A_20 = arith.mulf %mul3A_15, %mul3A_19 : vector<1000x128xf32>
    %get3A_21 = arith.constant 0 : index
    %get3A_22 = arith.constant 0 : index
    %get3A_23 = vector.load %arg3[%get3A_21, %get3A_22] : memref<1x128xf32, #tpu.memory_space<vmem>>, vector<1x128xf32>
    %add3A_24 = vector.broadcast %get3A_23 : vector<1x128xf32> to vector<1000x128xf32>
    %add3A_25 = arith.addf %mul3A_20, %add3A_24 : vector<1000x128xf32>
    %get3A_26 = arith.constant 0 : index
    %get3A_27 = arith.constant 0 : index
    %get3A_28 = vector.load %arg4[%get3A_26, %get3A_27] : memref<128x1024xf32, #tpu.memory_space<vmem>>, vector<128x1024xf32>
    %dot_general3A = arith.constant dense<0.000000e+00> : vector<1000x1024xf32>
    %dot_general3A_29 = tpu.matmul %add3A_25, %get3A_28, %dot_general3A {dimension_numbers = #tpu.dot_dimension_numbers<[1], [0], [0], [1], [0, 0, 1, 1], [], []>, transpose_lhs_hint = false} : vector<1000x128xf32>, vector<128x1024xf32>, vector<1000x1024xf32> -> vector<1000x1024xf32>
    %get3A_30 = arith.constant 0 : index
    %get3A_31 = arith.constant 0 : index
    %get3A_32 = vector.load %arg5[%get3A_30, %get3A_31] : memref<1x1024xf32, #tpu.memory_space<vmem>>, vector<1x1024xf32>
    %add3A_33 = vector.broadcast %get3A_32 : vector<1x1024xf32> to vector<1000x1024xf32>
    %add3A_34 = arith.addf %dot_general3A_29, %add3A_33 : vector<1000x1024xf32>
    %swap3A = arith.constant 0 : index
    %swap3A_35 = arith.constant 0 : index
    %swap3A_36 = vector.load %arg6[%swap3A, %swap3A_35] : memref<1000x1024xf32, #tpu.memory_space<vmem>>, vector<1000x1024xf32>
    tpu.vector_store %arg6[%swap3A, %swap3A_35], %add3A_34 {strides = array<i32>} : memref<1000x1024xf32, #tpu.memory_space<vmem>>, vector<1000x1024xf32>,
    return
  }
  func.func @transform_0(%arg0: i32) -> (i32, i32) {
    %c0_i32 = arith.constant 0 : i32
    %c0_i32_0 = arith.constant 0 : i32
    return %arg0, %c0_i32 : i32, i32
  }
  func.func @transform_1(%arg0: i32) -> (i32, i32) {
    %c0_i32 = arith.constant 0 : i32
    %c0_i32_0 = arith.constant 0 : i32
    %c0_i32_1 = arith.constant 0 : i32
    return %c0_i32, %c0_i32_0 : i32, i32
  }
  func.func @transform_2(%arg0: i32) -> (i32, i32) {
    %c0_i32 = arith.constant 0 : i32
    %c0_i32_0 = arith.constant 0 : i32
    %c0_i32_1 = arith.constant 0 : i32
    return %c0_i32, %c0_i32_0 : i32, i32
  }
  func.func @transform_3(%arg0: i32) -> (i32, i32) {
    %c0_i32 = arith.constant 0 : i32
    %c0_i32_0 = arith.constant 0 : i32
    %c0_i32_1 = arith.constant 0 : i32
    return %c0_i32, %c0_i32_0 : i32, i32
  }
  func.func @transform_4(%arg0: i32) -> (i32, i32) {
    %c0_i32 = arith.constant 0 : i32
    %c0_i32_0 = arith.constant 0 : i32
    %c0_i32_1 = arith.constant 0 : i32
    return %c0_i32, %c0_i32_0 : i32, i32
  }
  func.func @transform_5(%arg0: i32) -> (i32, i32) {
    %c0_i32 = arith.constant 0 : i32
    %c0_i32_0 = arith.constant 0 : i32
    return %arg0, %c0_i32 : i32, i32
  }
}

module attributes {stable_mosaic.version = 14 : i64} {
  func.func @_combine_kernel(%arg0: i32, %arg1: memref<1000x128xf32, #tpu.memory_space<vmem>>, %arg2: memref<1000x512xf32, #tpu.memory_space<vmem>>, %arg3: memref<1000x128xf32, #tpu.memory_space<vmem>>, %arg4: memref<1000x512xf32, #tpu.memory_space<vmem>>, %arg5: memref<1000x128xf32, #tpu.memory_space<vmem>>, %arg6: memref<1000x128xf32, #tpu.memory_space<vmem>>) attributes {dimension_semantics = [#tpu.dimension_semantics<arbitrary>], iteration_bounds = array<i64: 50>, scalar_prefetch = 0 : i64, scratch_operands = 0 : i64, tpu.core_type = #tpu.core_type<tc>, window_params = [{transform_indices = @transform_0, window_bounds = array<i64: 1000, 128>}, {transform_indices = @transform_1, window_bounds = array<i64: 1000, 512>}, {transform_indices = @transform_2, window_bounds = array<i64: 1000, 128>}, {transform_indices = @transform_3, window_bounds = array<i64: 1000, 512>}, {transform_indices = @transform_4, window_bounds = array<i64: 1000, 128>}, {transform_indices = @transform_5, window_bounds = array<i64: 1000, 128>}]} {
    %get3A = arith.constant 0 : index
    %get3A_0 = arith.constant 0 : index
    %get3A_1 = vector.load %arg2[%get3A, %get3A_0] : memref<1000x512xf32, #tpu.memory_space<vmem>>, vector<1000x512xf32>
    %get3A_2 = arith.constant 0 : index
    %get3A_3 = arith.constant 0 : index
    %get3A_4 = vector.load %arg4[%get3A_2, %get3A_3] : memref<1000x512xf32, #tpu.memory_space<vmem>>, vector<1000x512xf32>
    %slice3A = vector.extract_strided_slice %get3A_1 {offsets = [0, 0], sizes = [1000, 128], strides = [1, 1]} : vector<1000x512xf32> to vector<1000x128xf32>
    %slice3A_5 = vector.extract_strided_slice %get3A_1 {offsets = [0, 128], sizes = [1000, 128], strides = [1, 1]} : vector<1000x512xf32> to vector<1000x128xf32>
    %add3A = arith.addf %slice3A, %slice3A_5 : vector<1000x128xf32>
    %slice3A_6 = vector.extract_strided_slice %get3A_1 {offsets = [0, 256], sizes = [1000, 128], strides = [1, 1]} : vector<1000x512xf32> to vector<1000x128xf32>
    %add3A_7 = arith.addf %add3A, %slice3A_6 : vector<1000x128xf32>
    %slice3A_8 = vector.extract_strided_slice %get3A_1 {offsets = [0, 384], sizes = [1000, 128], strides = [1, 1]} : vector<1000x512xf32> to vector<1000x128xf32>
    %add3A_9 = arith.addf %add3A_7, %slice3A_8 : vector<1000x128xf32>
    %mul3A = arith.constant 2.500000e-01 : f32
    %mul3A_10 = vector.broadcast %mul3A : f32 to vector<1000x128xf32>
    %mul3A_11 = arith.mulf %add3A_9, %mul3A_10 : vector<1000x128xf32>
    %slice3A_12 = vector.extract_strided_slice %get3A_4 {offsets = [0, 0], sizes = [1000, 128], strides = [1, 1]} : vector<1000x512xf32> to vector<1000x128xf32>
    %slice3A_13 = vector.extract_strided_slice %get3A_4 {offsets = [0, 128], sizes = [1000, 128], strides = [1, 1]} : vector<1000x512xf32> to vector<1000x128xf32>
    %add3A_14 = arith.addf %slice3A_12, %slice3A_13 : vector<1000x128xf32>
    %slice3A_15 = vector.extract_strided_slice %get3A_4 {offsets = [0, 256], sizes = [1000, 128], strides = [1, 1]} : vector<1000x512xf32> to vector<1000x128xf32>
    %add3A_16 = arith.addf %add3A_14, %slice3A_15 : vector<1000x128xf32>
    %slice3A_17 = vector.extract_strided_slice %get3A_4 {offsets = [0, 384], sizes = [1000, 128], strides = [1, 1]} : vector<1000x512xf32> to vector<1000x128xf32>
    %add3A_18 = arith.addf %add3A_16, %slice3A_17 : vector<1000x128xf32>
    %mul3A_19 = arith.constant 2.500000e-01 : f32
    %mul3A_20 = vector.broadcast %mul3A_19 : f32 to vector<1000x128xf32>
    %mul3A_21 = arith.mulf %add3A_18, %mul3A_20 : vector<1000x128xf32>
    %get3A_22 = arith.constant 0 : index
    %get3A_23 = arith.constant 0 : index
    %get3A_24 = vector.load %arg1[%get3A_22, %get3A_23] : memref<1000x128xf32, #tpu.memory_space<vmem>>, vector<1000x128xf32>
    %get3A_25 = arith.constant 0 : index
    %get3A_26 = arith.constant 0 : index
    %get3A_27 = vector.load %arg3[%get3A_25, %get3A_26] : memref<1000x128xf32, #tpu.memory_space<vmem>>, vector<1000x128xf32>
    %add3A_28 = arith.addf %mul3A_11, %get3A_27 : vector<1000x128xf32>
    %get3A_29 = arith.constant 0 : index
    %get3A_30 = arith.constant 0 : index
    %get3A_31 = vector.load %arg5[%get3A_29, %get3A_30] : memref<1000x128xf32, #tpu.memory_space<vmem>>, vector<1000x128xf32>
    %add3A_32 = arith.addf %mul3A_21, %get3A_31 : vector<1000x128xf32>
    %add3A_33 = arith.addf %add3A_28, %add3A_32 : vector<1000x128xf32>
    %mul3A_34 = arith.constant 5.000000e-01 : f32
    %mul3A_35 = vector.broadcast %mul3A_34 : f32 to vector<1000x128xf32>
    %mul3A_36 = arith.mulf %add3A_33, %mul3A_35 : vector<1000x128xf32>
    %add3A_37 = arith.addf %get3A_24, %mul3A_36 : vector<1000x128xf32>
    %swap3A = arith.constant 0 : index
    %swap3A_38 = arith.constant 0 : index
    %swap3A_39 = vector.load %arg6[%swap3A, %swap3A_38] : memref<1000x128xf32, #tpu.memory_space<vmem>>, vector<1000x128xf32>
    tpu.vector_store %arg6[%swap3A, %swap3A_38], %add3A_37 {strides = array<i32>} : memref<1000x128xf32, #tpu.memory_space<vmem>>, vector<1000x128xf32>,
    return
  }
  func.func @transform_0(%arg0: i32) -> (i32, i32) {
    %c0_i32 = arith.constant 0 : i32
    %c0_i32_0 = arith.constant 0 : i32
    return %arg0, %c0_i32 : i32, i32
  }
  func.func @transform_1(%arg0: i32) -> (i32, i32) {
    %c0_i32 = arith.constant 0 : i32
    %c0_i32_0 = arith.constant 0 : i32
    return %arg0, %c0_i32 : i32, i32
  }
  func.func @transform_2(%arg0: i32) -> (i32, i32) {
    %c0_i32 = arith.constant 0 : i32
    %c0_i32_0 = arith.constant 0 : i32
    return %arg0, %c0_i32 : i32, i32
  }
  func.func @transform_3(%arg0: i32) -> (i32, i32) {
    %c0_i32 = arith.constant 0 : i32
    %c0_i32_0 = arith.constant 0 : i32
    return %arg0, %c0_i32 : i32, i32
  }
  func.func @transform_4(%arg0: i32) -> (i32, i32) {
    %c0_i32 = arith.constant 0 : i32
    %c0_i32_0 = arith.constant 0 : i32
    return %arg0, %c0_i32 : i32, i32
  }
  func.func @transform_5(%arg0: i32) -> (i32, i32) {
    %c0_i32 = arith.constant 0 : i32
    %c0_i32_0 = arith.constant 0 : i32
    return %arg0, %c0_i32 : i32, i32
  }
}

</mosaic_0001>

<sc_bundles>
// kernel: gather_offload_async_start.1
scs
__scs_entry_jumppad:
0x0: {  	(pc) =	sbr.rel $0x88, $3  }
0x1: {  	(tag) =	ssettag $0x0;
	lr =	simm.s32 $0x1  }
0x2: {  	[smem:$0x3F89] =	sst lr;
	_ =	strace $0xD0000000  }
0x3: {  	_ = 	snop  }
0x4: {  	_ = 	snop  }
0x5: {  	_ = 	snop  }
0x6: {  	_ = 	snop  }
0x7: {  	_ = 	snop  }
__scs_overlays_trampoline_lowered:
0x8: {  	[smem:$0x3F98] =	sst s0  }
0x9: {  	[smem:$0x3F99] =	sst s1  }
0xa: {  	[smem:$0x3F9A] =	sst s2  }
0xb: {  	[smem:$0x3F9B] =	sst s3  }
0xc: {  	[smem:$0x3F9C] =	sst s4  }
0xd: {  	[smem:$0x3F9D] =	sst s5  }
0xe: {  	[smem:$0x3F9E] =	sst s6  }
0xf: {  	[smem:$0x3F9F] =	sst s7  }
0x10: {  	[smem:$0x3FA0] =	sst s8  }
0x11: {  	[smem:$0x3FA1] =	sst s9;
	s0 =	simm.s32 @!p0 $0x0  }
0x12: {  	s1 =	sld [smem:$0x3F87];
	s0 =	simm.s32 @p0 $0x1  }
0x13: {  	[smem:$0x3FA2] =	sst s0;
	s0 =	simm.s32 @!p1 $0x0  }
0x14: {  	s2 =	sld [smem:$0x3F86];
	s0 =	simm.s32 @p1 $0x1  }
0x15: {  	[smem:$0x3FA3] =	sst s0;
	s0 =	simm.s32 @!p2 $0x0  }
0x16: {  	s3 =	sld [smem:$0x3FDB];
	s0 =	simm.s32 @p2 $0x1  }
0x17: {  	s4 =	simm.s32 $0x1BF5;
	[smem:$0x3FA5] =	sst s0  }
0x18: {  	s0 =	sld [smem:$0x3F88];
	_ =	swait.ge [sflag:s4], $0x0  }
0x19: {  	s7 =	sld [smem:$0x3F89]  }
0x1a: {  	s8 =	sadd.s32 $0xFFFFE003, lr  }
0x1b: {  	s9 =	sadd.s32 $0xFFFFFEF7, lr;
	s5 =	simm.s32 $0xFFFFFFFF;
	p2 =	slt.u32 s8, $0xFFFFF086  }
0x1c: {  	p1 =	slt.u32 s9, $0xF7A;
	s5 =	simm.s32 @!p2 $0x0  }
0x1d: {  	s5 =	simm.s32 @p1 $0x1;
	p0 =	seq.s32 s7, s2  }
0x1e: {  	s7 =	smul.u32 @!p0 $0xF7A, s2;
	p2 =	seq.s32 @!p0 s5, $0x0  }
0x1f: {  	s9 =	smul.u32 $0xF7A, s1;
	s8 =	simm.s32 @!p0 $0x1BF5;
	p2 =	por !p2, p0  }
0x20: {  	[sflag:s8] =	ssyncset.s32 @!p0 $0xFFFFF086;
	s6 =	sadd.s32 @!p0 s3, s7;
	s7 =	simm.s32 @!p0 $0x108  }
0x21: {  	s3 =	sadd.s32 s3, s9;
	s6 =	sadd.s32 @!p0 $0x88, s6;
	s7 =	simm.s32 @p2 $0x1082  }
0x22: {  	[simem:s7], [sflag:s8] =	dma.local @!p0 [hbm:s6], $0xF7A  }
0x23: {  	s9 =	sor.u32 $0xD0000000, s2;
	s6 =	simm.s32 $0x108;
	_ =	swait.ge @!p0 [sflag:s8], $0x0  }
0x24: {  	s3 =	sadd.s32 $0x88, s3;
	s6 =	simm.s32 @!p1 $0x1082;
	[sflag:s4] =	ssyncset.s32 $0xFFFFF086  }
0x25: {  	[simem:s6], [sflag:s4] =	dma.local [hbm:s3], $0xF7A  }
0x26: {  	[smem:$0x3F89] =	sst s1;
	(tag) =	ssettag s2;
	_ =	strace s9  }
0x27: {  	s1 =	sld [smem:$0x3F99]  }
0x28: {  	s2 =	sld [smem:$0x3F9A]  }
0x29: {  	s4 =	sld [smem:$0x3F9C]  }
0x2a: {  	p0 =	seq.s32 s5, $0x0;
	s5 =	sld [smem:$0x3F9D]  }
0x2b: {  	s6 =	sld [smem:$0x3F9E]  }
0x2c: {  	s7 =	sld [smem:$0x3F9F]  }
0x2d: {  	s3 =	simm.s32 $0x108;
	s8 =	sld [smem:$0x3FA0]  }
0x2e: {  	s3 =	simm.s32 @!p0 $0x1082;
	s9 =	sld [smem:$0x3FA1]  }
0x2f: {  	lr =	sadd.s32 s0, s3;
	s0 =	sld [smem:$0x3F98]  }
0x30: {  	s3 =	sld [smem:$0x3F9B]  }
0x31: {  	[smem:$0x3FA4] =	sst s10  }
0x32: {  	s10 =	sld [smem:$0x3FA2];
	_ =	sdelay $0x3  }
0x33: {  	p0 =	seq.s32 s10, $0x1;
	s10 =	sld [smem:$0x3FA4];
	_ =	sdelay $0x3  }
0x34: {  	[smem:$0x3FA4] =	sst s10  }
0x35: {  	s10 =	sld [smem:$0x3FA3];
	_ =	sdelay $0x3  }
0x36: {  	p1 =	seq.s32 s10, $0x1;
	s10 =	sld [smem:$0x3FA4];
	_ =	sdelay $0x3  }
0x37: {  	[smem:$0x3FA4] =	sst s10  }
0x38: {  	s10 =	sld [smem:$0x3FA5]  }
0x39: {  	_ = 	snop;
	(pc) =	sbr.ind lr, $3  }
0x3a: {  	_ = 	snop  }
0x3b: {  	_ = 	snop  }
0x3c: {  	p2 =	seq.s32 s10, $0x1;
	s10 =	sld [smem:$0x3FA4]  }
0x3d: {  	_ =	shalt  }
0x3e: {  	_ =	shalt  }
0x3f: {  	_ =	shalt  }
0x40: {  	_ =	shalt  }
0x41: {  	_ =	shalt  }
0x42: {  	_ =	shalt  }
0x43: {  	_ =	shalt  }
0x44: {  	_ =	shalt  }
0x45: {  	_ =	shalt  }
0x46: {  	_ =	shalt  }
0x47: {  	_ =	shalt  }
0x48: {  	_ =	shalt  }
0x49: {  	_ =	shalt  }
0x4a: {  	_ =	shalt  }
0x4b: {  	_ =	shalt  }
0x4c: {  	_ =	shalt  }
0x4d: {  	_ =	shalt  }
0x4e: {  	_ =	shalt  }
0x4f: {  	_ =	shalt  }
0x50: {  	_ =	shalt  }
0x51: {  	_ =	shalt  }
0x52: {  	_ =	shalt  }
0x53: {  	_ =	shalt  }
0x54: {  	_ =	shalt  }
0x55: {  	_ =	shalt  }
0x56: {  	_ =	shalt  }
0x57: {  	_ =	shalt  }
0x58: {  	_ =	shalt  }
0x59: {  	_ =	shalt  }
0x5a: {  	_ =	shalt  }
0x5b: {  	_ =	shalt  }
0x5c: {  	_ =	shalt  }
0x5d: {  	_ =	shalt  }
0x5e: {  	_ =	shalt  }
0x5f: {  	_ =	shalt  }
0x60: {  	_ =	shalt  }
0x61: {  	_ =	shalt  }
0x62: {  	_ =	shalt  }
0x63: {  	_ =	shalt  }
0x64: {  	_ =	shalt  }
0x65: {  	_ =	shalt  }
0x66: {  	_ =	shalt  }
0x67: {  	_ =	shalt  }
0x68: {  	_ =	shalt  }
0x69: {  	_ =	shalt  }
0x6a: {  	_ =	shalt  }
0x6b: {  	_ =	shalt  }
0x6c: {  	_ =	shalt  }
0x6d: {  	_ =	shalt  }
0x6e: {  	_ =	shalt  }
0x6f: {  	_ =	shalt  }
0x70: {  	_ =	shalt  }
0x71: {  	_ =	shalt  }
0x72: {  	_ =	shalt  }
0x73: {  	_ =	shalt  }
0x74: {  	_ =	shalt  }
0x75: {  	_ =	shalt  }
0x76: {  	_ =	shalt  }
0x77: {  	_ =	shalt  }
0x78: {  	_ =	shalt  }
0x79: {  	_ =	shalt  }
0x7a: {  	_ =	shalt  }
0x7b: {  	_ =	shalt  }
0x7c: {  	_ =	shalt  }
0x7d: {  	_ =	shalt  }
0x7e: {  	_ =	shalt  }
0x7f: {  	_ =	shalt  }
0x80: {  	_ =	shalt  }
0x81: {  	_ =	shalt  }
0x82: {  	_ =	shalt  }
0x83: {  	_ =	shalt  }
0x84: {  	_ =	shalt  }
0x85: {  	_ =	shalt  }
0x86: {  	_ =	shalt  }
0x87: {  	_ =	shalt  }
.Lfunc_end0:
.L_simem_size_0:
called_computation.5_lowered:
.L_overlay_start_0:
0x88: {  	s2 =	sld [smem:$0x3FD9]  }
0x89: {  	s3 =	sld [smem:$0x3FFE];
	_ =	sdelay $0x1  }
0x8a: {  	s1 =	srdreg.scid  }
0x8b: {  	s0 =	sand.u32 $0x1, s1  }
0x8c: {  	s16 =	sshll.u32 s0, $0xA;
	s2 =	sadd.s32 s3, s2  }
0x8d: {  	s2 =	sadd.s32 s2, s16  }
0x8e: {  	[smem:$0x3FB0] =	sst s2  }
0x8f: {  	_ = 	snop  }
0x90: {  	(tm) =	ssettm $0x1  }
0x91: {  	s17 =	sld [smem:$0x3FFB];
	_ =	sdelay $0x3  }
0x92: {  	_ =	strace s17  }
0x93: {  	s2 =	sld [smem:$0x3FFC];
	_ =	sdelay $0x3  }
0x94: {  	_ =	strace s2  }
0x95: {  	s2 =	sld [smem:$0x3FFD];
	_ =	sdelay $0x3  }
0x96: {  	_ =	strace s2  }
0x97: {  	_ =	strace $0x8FFFFFFF  }
0x98: {  	s18 =	sld [smem:$0x3FDB];
	_ =	sdelay $0x1  }
0x99: {  	s19 =	simm.s32 $_scs_section_size  }
0x9a: {  	s4 =	simm.s32 $_size__tile_overlayer_lowered;
	s5 =	simm.s32 $_tile_overlayer_lowered  }
0x9b: {  	s22 =	simm.s32 $0x1BFF;
	s21 =	sshll.u32 s5, $0x1;
	s2 =	sadd.s32 s19, s18  }
0x9c: {  	s6 =	simm.s32 $0x0;
	s20 =	sshll.u32 s4, $0x1;
	s4 =	sadd.s32 s21, s2  }
0x9d: {  	[timem:s6], [sflag:s22] =	dma.local [hbm:s4], s20  }
0x9e: {  	_ =	swait.ge [sflag:s22], s20  }
0x9f: {  	s3 =	ssub.s32 $0x0, s20;
	[sflag:s22] =	ssyncset.done $0x0  }
0xa0: {  	[sflag:s22] =	ssyncadd.s32 s3;
	_ =	sdelay $0x1  }
0xa1: {  	s23 =	simm.s32 $0x1B8B  }
0xa2: {  	_ =	swait.ge [sflag:s23], $0x1  }
0xa3: {  	[sflag:s23] =	ssyncset.done $0x0  }
0xa4: {  	s25 =	simm.s32 $0x1B8E;
	s24 =	sld [smem:$0x3FFE];
	[sflag:s23] =	ssyncadd.s32 $0xFFFFFFFF  }
0xa5: {  	s26 =	simm.s32 $execute0_lowered;
	[smem:$0x3FD2] =	sst s25  }
0xa6: {  	s4 =	sshll.u32 s26, $0x1;
	_ =	strace $0x80000046;
	[dreg:$0x1] =	wrdreg $0xFFFFFFFF  }
0xa7: {  	s28 =	simm.s32 $_size_execute0_lowered;
	s2 =	sadd.s32 s2, s4;
	[dreg:$0x0] =	wrdreg $0x0  }
0xa8: {  	s4 =	sshll.u32 s28, $0x1;
	[dreg:$0x2] =	wrdreg s2  }
0xa9: {  	[dreg:$0x3] =	wrdreg s4  }
0xaa: {  	[dreg:$0x4] =	wrdreg $0xC0  }
0xab: {  	_ =	task [dreg:s6], $0x5FFFF  }
0xac: {  	[dreg:$0x1] =	wrdreg $0xFFFFFFFF  }
0xad: {  	[dreg:$0x0] =	wrdreg $0x60  }
0xae: {  	[dreg:$0x2] =	wrdreg s24  }
0xaf: {  	[dreg:$0x3] =	wrdreg $0xA  }
0xb0: {  	_ =	task.clear_ibuf [dreg:s6], $0x4FFFF;
	_ =	strace $0x90000046  }
0xb1: {  	s29 =	simm.s32 $0xA;
	_ =	strace $0x80000048  }
0xb2: {  	_ =	swait.ge [sflag:s29], $0x1  }
0xb3: {  	[sflag:s29] =	ssyncadd.s32 $0xFFFFFFFF  }
0xb4: {  	_ =	strace $0x90000048  }
0xb5: {  	_ =	sfence  }
0xb6: {  	s30 =	sld [smem:$0x0];
	_ =	sdelay $0x2  }
0xb7: {  	s31 =	sshll.u32 s1, $0xD;
	s1 =	sshrl.u32 s1, $0x2  }
0xb8: {  	s3 =	sand.u32 $0x4000, s31;
	s1 =	sadd.s32 s1, s30  }
0xb9: {  	s0 =	sor.u32 s3, s0;
	s1 =	sshll.u32 s1, $0x11  }
0xba: {  	s0 =	sor.u32 s1, s0  }
0xbb: {  	s0 =	sadd.s32 $0x8F2B, s0  }
0xbc: {  	[sflag:s0] =	ssyncadd.remote.s32 $0x1  }
0xbd: {  	_ =	sfence.sel $0xFFFF  }
0xbe: {  	[dreg:$0x0] =	wrdreg $0xFFFFFFFF;
	(pc) =	sbr.abs _section_cstart, $3  }
0xbf: {  	[dreg:$0x1] =	wrdreg $0xFFFFFFFF  }
0xc0: {  	_ =	task.clear_ibuf [dreg:s6], $0x2FFFF;
	_ =	strace $0x9FFFFFFF  }
0xc1: {  	(tm) =	ssettm $0x7FFFFFFF  }
tec
execute0_lowered:
.L_overlay_start_1:
0x0: {  	(tag) =	ssettag $0x1  }
0x1: {  	s0 =	srdreg.scid  }
0x2: {  	s1 =	sshll.u32 s0, $0x4  }
0x3: {  	s0 =	stileid.u32;
	s1 =	sand.u32 $0x10, s1  }
0x4: {  	s1 =	sor.u32 s0, s1  }
0x5: {  	s2 =	smul.u32 $0x61, s1  }
0x6: {  	s3 =	smin.u32 s1, $0x15  }
0x7: {  	s2 =	sadd.s32 s3, s2  }
0x8: {  	p0 =	slt.u32 s1, $0x15;
	s1 =	simm.s32 $0x24C0;
	s2 =	smul.u32 $0x60, s2  }
0x9: {  	s1 =	simm.s32 @!p0 $0x2460  }
0xa: {  	s1 =	sadd.s32 s1, s2  }
0xb: {  	s3 =	smin.u32 s1, $0x493E0  }
0xc: {  	s7 =	ssub.s32 s3, s2  }
0xd: {  	p0 =	sgt.s32 s7, $0x0  }
0xe: {  	s7 =	simm.s32 @!p0 $0x0  }
0xf: {  	s4 =	smulhi.u32 $0x2AAAAAAB, s7  }
0x10: {  	s9 =	rddreg [dreg:$0x0];
	s6 =	simm.s32 $0x1;
	s11 =	simm.s32 $0x3  }
0x11: {  	s13 =	simm.s32 $0x0;
	s12 =	simm.s32 $0x0;
	s8 =	sshrl.u32 s4, $0x4  }
0x12: {  	s1 =	rddreg [dreg:$0x1];
	_ =	strace $0x80000047;
	s10 =	smul.u32 $0x60, s8  }
.Ltmp0:
0x13: {  	s5 =	sadd.s32 $0xDC6C00, s9;
	[sflag:s6] =	ssyncpa.u1 $0x0;
	(pc) =	sbr.rel .LBB2_1-.Ltmp0, $4  }
0x14: {  	s4 =	sadd.s32 $0x19FBC00, s9;
	p0 =	sne.s32 s7, s10;
	s10 =	simm.s32 $0x1  }
0x15: {  	s9 =	sadd.s32 $0x2630C00, s9;
	s7 =	simm.s32 $0x2;
	s10 =	simm.s32 @!p0 $0x0  }
0x16: {  	[sflag:s7] =	ssyncpa.u1 $0x0;
	p0 =	por $0x0, $0x0;
	s8 =	sadd.s32 s10, s8  }
0x17: {  	vm0 =	vmmov $0xffff;
	[sflag:s11] =	ssyncpa.u1 $0x0;
	s11 =	smov.u32 s2;
	s10 =	sadd.s32 $0x1, s8  }
.LBB2_6:
0x18: {  	[hbm:s17] =	stream.linear.scatter [tilespmem:s14], [sflag:$0x3], $0x200, $0x38;
	[tilespmem:$0x180C0] =	vst v63  }
.LBB2_7:
0x19: {  	s13 =	sadd.s32 $0x60, s11  }
0x1a: {  	s15 =	smov.u32 s2;
	p2 =	slt.s32 s13, s3  }
0x1b: {  	s15 =	smov.u32 @p2 s13;
	p2 =	sne.s32 s12, s10  }
.Ltmp1:
0x1c: {  	p1 =	slt.u32 s12, $0x2;
	(pc) =	sbr.rel @!p2 .LBB2_8-.Ltmp1, $4  }
0x1d: {  	s14 =	simm.s32 @!p1 $0x3  }
0x1e: {  	s16 =	sadd.s32 $0x1, s12;
	_ =	swait.ge @!p1 [sflag:s14], $0xC000  }
0x1f: {  	p0 =	por !p0, !p0;
	s13 =	smov.u32 s11;
	[sflag:s14] =	ssyncset.done @!p1 $0x0  }
0x20: {  	s12 =	smov.u32 s16;
	s11 =	smov.u32 s15;
	[sflag:s14] =	ssyncadd.s32 @!p1 $0xFFFF4000  }
.LBB2_1:
0x21: {  	p1 =	sge.u32 s12, s8  }
0x22: {  	s14 =	sxor.u32 @!p1 $0xFFFFFFFF, s12  }
0x23: {  	s14 =	sand.u32 @!p1 $0x1, s14  }
0x24: {  	s14 =	smul.u32 @!p1 $0x180, s14  }
0x25: {  	s31 =	sadd.s32 $0xFFFFFFFF, s12;
	s15 =	sshrl.u32 @!p1 s11, $0x3  }
0x26: {  	s16 =	sand.u32 @!p1 $0x7, s11;
	s15 =	sadd.s32 @!p1 s5, s15;
	s14 =	sshrl.u32 @!p1 s14, $0x2  }
0x27: {  	[tilespmem:s14], [sflag:$0x2] =	stream.linear.gather @!p1 [hbm4b:s15+s16], $0x60, $0x38;
	[tilespmem:$0x180C0] =	vst v63  }
0x28: {  	p1 =	sge.u32 s31, s8  }
.Ltmp2:
0x29: {  	_ = 	snop;
	(pc) =	sbr.rel @p1 .LBB2_7-.Ltmp2, $1  }
0x2a: {  	_ =	sdelay $0x3  }
0x2b: {  	s14 =	simm.s32 $0x1  }
0x2c: {  	s14 =	simm.s32 @!p0 $0x0  }
0x2d: {  	s15 =	smul.u32 $0x180, s14  }
0x2e: {  	_ =	swait.ge [sflag:s7], $0x60  }
0x2f: {  	[sflag:s7] =	ssyncset.done $0x0;
	s15 =	sshrl.u32 s15, $0x2  }
0x30: {  	[sflag:s7] =	ssyncadd.s32 $0xFFFFFFA0;
	s16 =	sadd.s32 $0x0, s15  }
0x31: {  	v0 =	vld.msk [tilespmem:s16+$0x0 ss:$0x1], $0xffff;
	_ =	sdelay $0x4  }
0x32: {  	vm1 =	vgt.s32 v0, $0x0  }
0x33: {  	v0 =	vnsel vm1, $0x0, v0  }
0x34: {  	v0 =	vmin.u32 v0, $0xC34F  }
0x35: {  	v0 =	vshll.u32 v0, $0x6  }
0x36: {  	s14 =	smul.u32 $0x30000, s14;
	_ =	sdelay $0x1  }
0x37: {  	s14 =	sshrl.u32 s14, $0x2  }
0x38: {  	s14 =	sor.u32 $0xC0, s14;
	s31 =	sadd.s32 $0x10, s15  }
0x39: {  	[tilespmem:s14], [sflag:$0x1] =	stream.indirect_vreg.gather [hbm:s4], $0x200, v0, vm0, $0x38;
	[tilespmem:$0x180C0] =	vst v63  }
0x3a: {  	s17 =	simm.s32 $0x80;
	s16 =	smov.u32 s14;
	v0 =	vld.msk [tilespmem:s31+$0x0 ss:$0x1], $0xffff  }
.LBB2_3:
0x3b: {  	p1 =	sne.s32 s17, $0x140;
	_ =	sdelay $0x4  }
0x3c: {  	vm1 =	vgt.s32 v0, $0x0  }
0x3d: {  	v0 =	vnsel vm1, $0x0, v0  }
0x3e: {  	v0 =	vmin.u32 v0, $0xC34F  }
0x3f: {  	v0 =	vshll.u32 v0, $0x6;
	_ =	sdelay $0x1  }
.Ltmp3:
0x40: {  	(pc) =	sbr.rel @p1 .LBB2_3-.Ltmp3, $4  }
0x41: {  	s18 =	sshra.s32 s17, $0x2  }
0x42: {  	s16 =	sadd.s32 $0x2000, s16;
	s18 =	sadd.s32 s18, s15  }
0x43: {  	[tilespmem:s16], [sflag:$0x1] =	stream.indirect_vreg.gather [hbm:s4], $0x200, v0, vm0, $0x38;
	[tilespmem:$0x180C0] =	vst v63  }
0x44: {  	s17 =	sadd.s32 $0x40, s17;
	v0 =	vld.msk [tilespmem:s18+$0x0 ss:$0x1], $0xffff  }
0x45: {  	_ =	sdelay $0x3  }
0x46: {  	vm1 =	vgt.s32 v0, $0x0  }
0x47: {  	v0 =	vnsel vm1, $0x0, v0  }
0x48: {  	v0 =	vmin.u32 v0, $0xC34F  }
0x49: {  	v0 =	vshll.u32 v0, $0x6;
	_ =	sdelay $0x3  }
0x4a: {  	s15 =	sadd.s32 $0x2000, s16  }
0x4b: {  	[tilespmem:s15], [sflag:$0x1] =	stream.indirect_vreg.gather [hbm:s4], $0x200, v0, vm0, $0x38;
	[tilespmem:$0x180C0] =	vst v63  }
0x4c: {  	s13 =	sshll.u32 s13, $0x6;
	_ =	swait.ge [sflag:s6], $0xC000  }
0x4d: {  	s16 =	sadd.s32 $0x200, s14;
	s13 =	sadd.s32 s13, s9;
	[sflag:s6] =	ssyncset.done $0x0  }
0x4e: {  	s17 =	sadd.s32 $0x0, s13;
	s15 =	simm.s32 $0x40;
	[sflag:s6] =	ssyncadd.s32 $0xFFFF4000  }
.LBB2_5:
0x4f: {  	[hbm:s17] =	stream.linear.scatter [tilespmem:s14], [sflag:$0x3], $0x200, $0x38;
	[tilespmem:$0x180C0] =	vst v63  }
0x50: {  	s17 =	smov.u32 s15;
	s14 =	smov.u32 s16;
	p1 =	sne.s32 s15, $0x17C0  }
.Ltmp4:
0x51: {  	s15 =	sadd.s32 $0x40, s15;
	(pc) =	sbr.rel @p1 .LBB2_5-.Ltmp4, $2  }
0x52: {  	_ =	sdelay $0x2  }
0x53: {  	s16 =	sadd.s32 $0x200, s16;
	s17 =	sadd.s32 s17, s13  }
.Ltmp5:
0x54: {  	_ = 	snop;
	(pc) =	sbr.rel .LBB2_6-.Ltmp5, $1  }
0x55: {  	_ =	sdelay $0x3  }
.LBB2_8:
0x56: {  	_ =	sfence.sel $0x180000  }
0x57: {  	s2 =	simm.s32 $0x2;
	[bflag:$0x0] =	sbarrier.arrive $0xFFFF  }
0x58: {  	s30 =	simm.s32 $0x3;
	[sflag:s2] =	ssyncpa.u1 $0x1  }
0x59: {  	s31 =	simm.s32 $0x1;
	[sflag:s30] =	ssyncpa.u1 $0x1  }
0x5a: {  	[sflag:s31] =	ssyncpa.u1 $0x1  }
0x5b: {  	p0 =	sne.s32 s0, $0x0;
	_ =	strace $0x90000047  }
0x5c: {  	s0 =	sadd.s32 @!p0 $0x100000, s1;
	[bflag:$0x2] =	sbarrier.arrive $0xFFFF  }
0x5d: {  	[sflag:s0] =	ssyncadd.tile.s32 @!p0 $0x1;
	_ =	shalt  }
.Lfunc_end2:
_tile_overlayer_lowered:
.L_overlay_start_2:
0x5e: {  	(tag) =	ssettag $0x2  }
0x5f: {  	s0 =	rddreg [dreg:$0x0];
	s2 =	stileid.u32  }
0x60: {  	s1 =	rddreg [dreg:$0x1];
	p0 =	sne.s32 s2, $0x0  }
0x61: {  	s3 =	rddreg [dreg:$0x2];
	[bflag:$0x3] =	sbarrier.arrive $0xFFFF;
	s2 =	simm.s32 @!p0 $0x1C01  }
0x62: {  	[timem:s3], [sflag:s2] =	dma.local @!p0 [hbm:s0], s1  }
0x63: {  	s0 =	simm.s32 @!p0 $0x1  }
0x64: {  	_ =	swait.ge @!p0 [sflag:s0], s1  }
0x65: {  	s1 =	ssub.s32 @!p0 $0x0, s1;
	[sflag:s0] =	ssyncset.done @!p0 $0x0  }
0x66: {  	[sflag:s0] =	ssyncadd.s32 @!p0 s1  }
0x67: {  	[bflag:$0x3] =	sbarrier.arrive $0xFFFF  }
0x68: {  	_ =	shalt  }

// kernel: gather_offload_async_start.2
scs
__scs_entry_jumppad:
0x0: {  	(pc) =	sbr.rel $0x88, $3  }
0x1: {  	(tag) =	ssettag $0x0;
	lr =	simm.s32 $0x1  }
0x2: {  	[smem:$0x3F89] =	sst lr;
	_ =	strace $0xD0000000  }
0x3: {  	_ = 	snop  }
0x4: {  	_ = 	snop  }
0x5: {  	_ = 	snop  }
0x6: {  	_ = 	snop  }
0x7: {  	_ = 	snop  }
__scs_overlays_trampoline_lowered:
0x8: {  	[smem:$0x3F98] =	sst s0  }
0x9: {  	[smem:$0x3F99] =	sst s1  }
0xa: {  	[smem:$0x3F9A] =	sst s2  }
0xb: {  	[smem:$0x3F9B] =	sst s3  }
0xc: {  	[smem:$0x3F9C] =	sst s4  }
0xd: {  	[smem:$0x3F9D] =	sst s5  }
0xe: {  	[smem:$0x3F9E] =	sst s6  }
0xf: {  	[smem:$0x3F9F] =	sst s7  }
0x10: {  	[smem:$0x3FA0] =	sst s8  }
0x11: {  	[smem:$0x3FA1] =	sst s9;
	s0 =	simm.s32 @!p0 $0x0  }
0x12: {  	s1 =	sld [smem:$0x3F87];
	s0 =	simm.s32 @p0 $0x1  }
0x13: {  	[smem:$0x3FA2] =	sst s0;
	s0 =	simm.s32 @!p1 $0x0  }
0x14: {  	s2 =	sld [smem:$0x3F86];
	s0 =	simm.s32 @p1 $0x1  }
0x15: {  	[smem:$0x3FA3] =	sst s0;
	s0 =	simm.s32 @!p2 $0x0  }
0x16: {  	s3 =	sld [smem:$0x3FDB];
	s0 =	simm.s32 @p2 $0x1  }
0x17: {  	s4 =	simm.s32 $0x1BF5;
	[smem:$0x3FA5] =	sst s0  }
0x18: {  	s0 =	sld [smem:$0x3F88];
	_ =	swait.ge [sflag:s4], $0x0  }
0x19: {  	s7 =	sld [smem:$0x3F89]  }
0x1a: {  	s8 =	sadd.s32 $0xFFFFE003, lr  }
0x1b: {  	s9 =	sadd.s32 $0xFFFFFEF7, lr;
	s5 =	simm.s32 $0xFFFFFFFF;
	p2 =	slt.u32 s8, $0xFFFFF086  }
0x1c: {  	p1 =	slt.u32 s9, $0xF7A;
	s5 =	simm.s32 @!p2 $0x0  }
0x1d: {  	s5 =	simm.s32 @p1 $0x1;
	p0 =	seq.s32 s7, s2  }
0x1e: {  	s7 =	smul.u32 @!p0 $0xF7A, s2;
	p2 =	seq.s32 @!p0 s5, $0x0  }
0x1f: {  	s9 =	smul.u32 $0xF7A, s1;
	s8 =	simm.s32 @!p0 $0x1BF5;
	p2 =	por !p2, p0  }
0x20: {  	[sflag:s8] =	ssyncset.s32 @!p0 $0xFFFFF086;
	s6 =	sadd.s32 @!p0 s3, s7;
	s7 =	simm.s32 @!p0 $0x108  }
0x21: {  	s3 =	sadd.s32 s3, s9;
	s6 =	sadd.s32 @!p0 $0x88, s6;
	s7 =	simm.s32 @p2 $0x1082  }
0x22: {  	[simem:s7], [sflag:s8] =	dma.local @!p0 [hbm:s6], $0xF7A  }
0x23: {  	s9 =	sor.u32 $0xD0000000, s2;
	s6 =	simm.s32 $0x108;
	_ =	swait.ge @!p0 [sflag:s8], $0x0  }
0x24: {  	s3 =	sadd.s32 $0x88, s3;
	s6 =	simm.s32 @!p1 $0x1082;
	[sflag:s4] =	ssyncset.s32 $0xFFFFF086  }
0x25: {  	[simem:s6], [sflag:s4] =	dma.local [hbm:s3], $0xF7A  }
0x26: {  	[smem:$0x3F89] =	sst s1;
	(tag) =	ssettag s2;
	_ =	strace s9  }
0x27: {  	s1 =	sld [smem:$0x3F99]  }
0x28: {  	s2 =	sld [smem:$0x3F9A]  }
0x29: {  	s4 =	sld [smem:$0x3F9C]  }
0x2a: {  	p0 =	seq.s32 s5, $0x0;
	s5 =	sld [smem:$0x3F9D]  }
0x2b: {  	s6 =	sld [smem:$0x3F9E]  }
0x2c: {  	s7 =	sld [smem:$0x3F9F]  }
0x2d: {  	s3 =	simm.s32 $0x108;
	s8 =	sld [smem:$0x3FA0]  }
0x2e: {  	s3 =	simm.s32 @!p0 $0x1082;
	s9 =	sld [smem:$0x3FA1]  }
0x2f: {  	lr =	sadd.s32 s0, s3;
	s0 =	sld [smem:$0x3F98]  }
0x30: {  	s3 =	sld [smem:$0x3F9B]  }
0x31: {  	[smem:$0x3FA4] =	sst s10  }
0x32: {  	s10 =	sld [smem:$0x3FA2];
	_ =	sdelay $0x3  }
0x33: {  	p0 =	seq.s32 s10, $0x1;
	s10 =	sld [smem:$0x3FA4];
	_ =	sdelay $0x3  }
0x34: {  	[smem:$0x3FA4] =	sst s10  }
0x35: {  	s10 =	sld [smem:$0x3FA3];
	_ =	sdelay $0x3  }
0x36: {  	p1 =	seq.s32 s10, $0x1;
	s10 =	sld [smem:$0x3FA4];
	_ =	sdelay $0x3  }
0x37: {  	[smem:$0x3FA4] =	sst s10  }
0x38: {  	s10 =	sld [smem:$0x3FA5]  }
0x39: {  	_ = 	snop;
	(pc) =	sbr.ind lr, $3  }
0x3a: {  	_ = 	snop  }
0x3b: {  	_ = 	snop  }
0x3c: {  	p2 =	seq.s32 s10, $0x1;
	s10 =	sld [smem:$0x3FA4]  }
0x3d: {  	_ =	shalt  }
0x3e: {  	_ =	shalt  }
0x3f: {  	_ =	shalt  }
0x40: {  	_ =	shalt  }
0x41: {  	_ =	shalt  }
0x42: {  	_ =	shalt  }
0x43: {  	_ =	shalt  }
0x44: {  	_ =	shalt  }
0x45: {  	_ =	shalt  }
0x46: {  	_ =	shalt  }
0x47: {  	_ =	shalt  }
0x48: {  	_ =	shalt  }
0x49: {  	_ =	shalt  }
0x4a: {  	_ =	shalt  }
0x4b: {  	_ =	shalt  }
0x4c: {  	_ =	shalt  }
0x4d: {  	_ =	shalt  }
0x4e: {  	_ =	shalt  }
0x4f: {  	_ =	shalt  }
0x50: {  	_ =	shalt  }
0x51: {  	_ =	shalt  }
0x52: {  	_ =	shalt  }
0x53: {  	_ =	shalt  }
0x54: {  	_ =	shalt  }
0x55: {  	_ =	shalt  }
0x56: {  	_ =	shalt  }
0x57: {  	_ =	shalt  }
0x58: {  	_ =	shalt  }
0x59: {  	_ =	shalt  }
0x5a: {  	_ =	shalt  }
0x5b: {  	_ =	shalt  }
0x5c: {  	_ =	shalt  }
0x5d: {  	_ =	shalt  }
0x5e: {  	_ =	shalt  }
0x5f: {  	_ =	shalt  }
0x60: {  	_ =	shalt  }
0x61: {  	_ =	shalt  }
0x62: {  	_ =	shalt  }
0x63: {  	_ =	shalt  }
0x64: {  	_ =	shalt  }
0x65: {  	_ =	shalt  }
0x66: {  	_ =	shalt  }
0x67: {  	_ =	shalt  }
0x68: {  	_ =	shalt  }
0x69: {  	_ =	shalt  }
0x6a: {  	_ =	shalt  }
0x6b: {  	_ =	shalt  }
0x6c: {  	_ =	shalt  }
0x6d: {  	_ =	shalt  }
0x6e: {  	_ =	shalt  }
0x6f: {  	_ =	shalt  }
0x70: {  	_ =	shalt  }
0x71: {  	_ =	shalt  }
0x72: {  	_ =	shalt  }
0x73: {  	_ =	shalt  }
0x74: {  	_ =	shalt  }
0x75: {  	_ =	shalt  }
0x76: {  	_ =	shalt  }
0x77: {  	_ =	shalt  }
0x78: {  	_ =	shalt  }
0x79: {  	_ =	shalt  }
0x7a: {  	_ =	shalt  }
0x7b: {  	_ =	shalt  }
0x7c: {  	_ =	shalt  }
0x7d: {  	_ =	shalt  }
0x7e: {  	_ =	shalt  }
0x7f: {  	_ =	shalt  }
0x80: {  	_ =	shalt  }
0x81: {  	_ =	shalt  }
0x82: {  	_ =	shalt  }
0x83: {  	_ =	shalt  }
0x84: {  	_ =	shalt  }
0x85: {  	_ =	shalt  }
0x86: {  	_ =	shalt  }
0x87: {  	_ =	shalt  }
.Lfunc_end0:
.L_simem_size_0:
called_computation.6_lowered:
.L_overlay_start_0:
0x88: {  	s2 =	sld [smem:$0x3FD9]  }
0x89: {  	s3 =	sld [smem:$0x3FFE];
	_ =	sdelay $0x1  }
0x8a: {  	s1 =	srdreg.scid  }
0x8b: {  	s0 =	sand.u32 $0x1, s1  }
0x8c: {  	s16 =	sshll.u32 s0, $0xA;
	s2 =	sadd.s32 s3, s2  }
0x8d: {  	s2 =	sadd.s32 s2, s16  }
0x8e: {  	[smem:$0x3FB0] =	sst s2  }
0x8f: {  	_ = 	snop  }
0x90: {  	(tm) =	ssettm $0x1  }
0x91: {  	s17 =	sld [smem:$0x3FFB];
	_ =	sdelay $0x3  }
0x92: {  	_ =	strace s17  }
0x93: {  	s2 =	sld [smem:$0x3FFC];
	_ =	sdelay $0x3  }
0x94: {  	_ =	strace s2  }
0x95: {  	s2 =	sld [smem:$0x3FFD];
	_ =	sdelay $0x3  }
0x96: {  	_ =	strace s2  }
0x97: {  	_ =	strace $0x8FFFFFFF  }
0x98: {  	s18 =	sld [smem:$0x3FDB];
	_ =	sdelay $0x1  }
0x99: {  	s19 =	simm.s32 $_scs_section_size  }
0x9a: {  	s4 =	simm.s32 $_size__tile_overlayer_lowered;
	s5 =	simm.s32 $_tile_overlayer_lowered  }
0x9b: {  	s22 =	simm.s32 $0x1BFF;
	s21 =	sshll.u32 s5, $0x1;
	s2 =	sadd.s32 s19, s18  }
0x9c: {  	s6 =	simm.s32 $0x0;
	s20 =	sshll.u32 s4, $0x1;
	s4 =	sadd.s32 s21, s2  }
0x9d: {  	[timem:s6], [sflag:s22] =	dma.local [hbm:s4], s20  }
0x9e: {  	_ =	swait.ge [sflag:s22], s20  }
0x9f: {  	s3 =	ssub.s32 $0x0, s20;
	[sflag:s22] =	ssyncset.done $0x0  }
0xa0: {  	[sflag:s22] =	ssyncadd.s32 s3;
	_ =	sdelay $0x1  }
0xa1: {  	s23 =	simm.s32 $0x1B8B  }
0xa2: {  	_ =	swait.ge [sflag:s23], $0x1  }
0xa3: {  	[sflag:s23] =	ssyncset.done $0x0  }
0xa4: {  	s25 =	simm.s32 $0x1B8E;
	s24 =	sld [smem:$0x3FFE];
	[sflag:s23] =	ssyncadd.s32 $0xFFFFFFFF  }
0xa5: {  	s26 =	simm.s32 $execute0_lowered;
	[smem:$0x3FD2] =	sst s25  }
0xa6: {  	s4 =	sshll.u32 s26, $0x1;
	_ =	strace $0x80000052;
	[dreg:$0x1] =	wrdreg $0xFFFFFFFF  }
0xa7: {  	s28 =	simm.s32 $_size_execute0_lowered;
	s2 =	sadd.s32 s2, s4;
	[dreg:$0x0] =	wrdreg $0x0  }
0xa8: {  	s4 =	sshll.u32 s28, $0x1;
	[dreg:$0x2] =	wrdreg s2  }
0xa9: {  	[dreg:$0x3] =	wrdreg s4  }
0xaa: {  	[dreg:$0x4] =	wrdreg $0xC0  }
0xab: {  	_ =	task [dreg:s6], $0x5FFFF  }
0xac: {  	[dreg:$0x1] =	wrdreg $0xFFFFFFFF  }
0xad: {  	[dreg:$0x0] =	wrdreg $0x60  }
0xae: {  	[dreg:$0x2] =	wrdreg s24  }
0xaf: {  	[dreg:$0x3] =	wrdreg $0x9  }
0xb0: {  	_ =	task.clear_ibuf [dreg:s6], $0x4FFFF;
	_ =	strace $0x90000052  }
0xb1: {  	s29 =	simm.s32 $0x9;
	_ =	strace $0x80000054  }
0xb2: {  	_ =	swait.ge [sflag:s29], $0x1  }
0xb3: {  	[sflag:s29] =	ssyncadd.s32 $0xFFFFFFFF  }
0xb4: {  	_ =	strace $0x90000054  }
0xb5: {  	_ =	sfence  }
0xb6: {  	s30 =	sld [smem:$0x0];
	_ =	sdelay $0x2  }
0xb7: {  	s31 =	sshll.u32 s1, $0xD;
	s1 =	sshrl.u32 s1, $0x2  }
0xb8: {  	s3 =	sand.u32 $0x4000, s31;
	s1 =	sadd.s32 s1, s30  }
0xb9: {  	s0 =	sor.u32 s3, s0;
	s1 =	sshll.u32 s1, $0x11  }
0xba: {  	s0 =	sor.u32 s1, s0  }
0xbb: {  	s0 =	sadd.s32 $0x8F2B, s0  }
0xbc: {  	[sflag:s0] =	ssyncadd.remote.s32 $0x1  }
0xbd: {  	_ =	sfence.sel $0xFFFF  }
0xbe: {  	[dreg:$0x0] =	wrdreg $0xFFFFFFFF;
	(pc) =	sbr.abs _section_cstart, $3  }
0xbf: {  	[dreg:$0x1] =	wrdreg $0xFFFFFFFF  }
0xc0: {  	_ =	task.clear_ibuf [dreg:s6], $0x2FFFF;
	_ =	strace $0x9FFFFFFF  }
0xc1: {  	(tm) =	ssettm $0x7FFFFFFF  }
tec
execute0_lowered:
.L_overlay_start_1:
0x0: {  	(tag) =	ssettag $0x1  }
0x1: {  	s0 =	srdreg.scid  }
0x2: {  	s1 =	sshll.u32 s0, $0x4  }
0x3: {  	s0 =	stileid.u32;
	s1 =	sand.u32 $0x10, s1  }
0x4: {  	s1 =	sor.u32 s0, s1  }
0x5: {  	s2 =	smul.u32 $0x61, s1  }
0x6: {  	s3 =	smin.u32 s1, $0x15  }
0x7: {  	s2 =	sadd.s32 s3, s2  }
0x8: {  	p0 =	slt.u32 s1, $0x15;
	s1 =	simm.s32 $0x24C0;
	s2 =	smul.u32 $0x60, s2  }
0x9: {  	s1 =	simm.s32 @!p0 $0x2460  }
0xa: {  	s1 =	sadd.s32 s1, s2  }
0xb: {  	s3 =	smin.u32 s1, $0x493E0  }
0xc: {  	s7 =	ssub.s32 s3, s2  }
0xd: {  	p0 =	sgt.s32 s7, $0x0  }
0xe: {  	s7 =	simm.s32 @!p0 $0x0  }
0xf: {  	s4 =	smulhi.u32 $0x2AAAAAAB, s7  }
0x10: {  	s9 =	rddreg [dreg:$0x0];
	s6 =	simm.s32 $0x1;
	s11 =	simm.s32 $0x3  }
0x11: {  	s13 =	simm.s32 $0x0;
	s12 =	simm.s32 $0x0;
	s8 =	sshrl.u32 s4, $0x4  }
0x12: {  	s1 =	rddreg [dreg:$0x1];
	_ =	strace $0x80000053;
	s10 =	smul.u32 $0x60, s8  }
.Ltmp0:
0x13: {  	s5 =	sadd.s32 $0xDC6C00, s9;
	[sflag:s6] =	ssyncpa.u1 $0x0;
	(pc) =	sbr.rel .LBB2_1-.Ltmp0, $4  }
0x14: {  	s4 =	sadd.s32 $0xDD9400, s9;
	p0 =	sne.s32 s7, s10;
	s10 =	simm.s32 $0x1  }
0x15: {  	s9 =	sadd.s32 $0x2630C00, s9;
	s7 =	simm.s32 $0x2;
	s10 =	simm.s32 @!p0 $0x0  }
0x16: {  	[sflag:s7] =	ssyncpa.u1 $0x0;
	p0 =	por $0x0, $0x0;
	s8 =	sadd.s32 s10, s8  }
0x17: {  	vm0 =	vmmov $0xffff;
	[sflag:s11] =	ssyncpa.u1 $0x0;
	s11 =	smov.u32 s2;
	s10 =	sadd.s32 $0x1, s8  }
.LBB2_6:
0x18: {  	[hbm:s17] =	stream.linear.scatter [tilespmem:s14], [sflag:$0x3], $0x200, $0x38;
	[tilespmem:$0x180C0] =	vst v63  }
.LBB2_7:
0x19: {  	s13 =	sadd.s32 $0x60, s11  }
0x1a: {  	s15 =	smov.u32 s2;
	p2 =	slt.s32 s13, s3  }
0x1b: {  	s15 =	smov.u32 @p2 s13;
	p2 =	sne.s32 s12, s10  }
.Ltmp1:
0x1c: {  	p1 =	slt.u32 s12, $0x2;
	(pc) =	sbr.rel @!p2 .LBB2_8-.Ltmp1, $4  }
0x1d: {  	s14 =	simm.s32 @!p1 $0x3  }
0x1e: {  	s16 =	sadd.s32 $0x1, s12;
	_ =	swait.ge @!p1 [sflag:s14], $0xC000  }
0x1f: {  	p0 =	por !p0, !p0;
	s13 =	smov.u32 s11;
	[sflag:s14] =	ssyncset.done @!p1 $0x0  }
0x20: {  	s12 =	smov.u32 s16;
	s11 =	smov.u32 s15;
	[sflag:s14] =	ssyncadd.s32 @!p1 $0xFFFF4000  }
.LBB2_1:
0x21: {  	p1 =	sge.u32 s12, s8  }
0x22: {  	s14 =	sxor.u32 @!p1 $0xFFFFFFFF, s12  }
0x23: {  	s14 =	sand.u32 @!p1 $0x1, s14  }
0x24: {  	s14 =	smul.u32 @!p1 $0x180, s14  }
0x25: {  	s31 =	sadd.s32 $0xFFFFFFFF, s12;
	s15 =	sshrl.u32 @!p1 s11, $0x3  }
0x26: {  	s16 =	sand.u32 @!p1 $0x7, s11;
	s15 =	sadd.s32 @!p1 s5, s15;
	s14 =	sshrl.u32 @!p1 s14, $0x2  }
0x27: {  	[tilespmem:s14], [sflag:$0x2] =	stream.linear.gather @!p1 [hbm4b:s15+s16], $0x60, $0x38;
	[tilespmem:$0x180C0] =	vst v63  }
0x28: {  	p1 =	sge.u32 s31, s8  }
.Ltmp2:
0x29: {  	_ = 	snop;
	(pc) =	sbr.rel @p1 .LBB2_7-.Ltmp2, $1  }
0x2a: {  	_ =	sdelay $0x3  }
0x2b: {  	s14 =	simm.s32 $0x1  }
0x2c: {  	s14 =	simm.s32 @!p0 $0x0  }
0x2d: {  	s15 =	smul.u32 $0x180, s14  }
0x2e: {  	_ =	swait.ge [sflag:s7], $0x60  }
0x2f: {  	[sflag:s7] =	ssyncset.done $0x0;
	s15 =	sshrl.u32 s15, $0x2  }
0x30: {  	[sflag:s7] =	ssyncadd.s32 $0xFFFFFFA0;
	s16 =	sadd.s32 $0x0, s15  }
0x31: {  	v0 =	vld.msk [tilespmem:s16+$0x0 ss:$0x1], $0xffff;
	_ =	sdelay $0x4  }
0x32: {  	vm1 =	vgt.s32 v0, $0x0  }
0x33: {  	v0 =	vnsel vm1, $0x0, v0  }
0x34: {  	v0 =	vmin.u32 v0, $0xC34F  }
0x35: {  	v0 =	vshll.u32 v0, $0x6  }
0x36: {  	s14 =	smul.u32 $0x30000, s14;
	_ =	sdelay $0x1  }
0x37: {  	s14 =	sshrl.u32 s14, $0x2  }
0x38: {  	s14 =	sor.u32 $0xC0, s14;
	s31 =	sadd.s32 $0x10, s15  }
0x39: {  	[tilespmem:s14], [sflag:$0x1] =	stream.indirect_vreg.gather [hbm:s4], $0x200, v0, vm0, $0x38;
	[tilespmem:$0x180C0] =	vst v63  }
0x3a: {  	s17 =	simm.s32 $0x80;
	s16 =	smov.u32 s14;
	v0 =	vld.msk [tilespmem:s31+$0x0 ss:$0x1], $0xffff  }
.LBB2_3:
0x3b: {  	p1 =	sne.s32 s17, $0x140;
	_ =	sdelay $0x4  }
0x3c: {  	vm1 =	vgt.s32 v0, $0x0  }
0x3d: {  	v0 =	vnsel vm1, $0x0, v0  }
0x3e: {  	v0 =	vmin.u32 v0, $0xC34F  }
0x3f: {  	v0 =	vshll.u32 v0, $0x6;
	_ =	sdelay $0x1  }
.Ltmp3:
0x40: {  	(pc) =	sbr.rel @p1 .LBB2_3-.Ltmp3, $4  }
0x41: {  	s18 =	sshra.s32 s17, $0x2  }
0x42: {  	s16 =	sadd.s32 $0x2000, s16;
	s18 =	sadd.s32 s18, s15  }
0x43: {  	[tilespmem:s16], [sflag:$0x1] =	stream.indirect_vreg.gather [hbm:s4], $0x200, v0, vm0, $0x38;
	[tilespmem:$0x180C0] =	vst v63  }
0x44: {  	s17 =	sadd.s32 $0x40, s17;
	v0 =	vld.msk [tilespmem:s18+$0x0 ss:$0x1], $0xffff  }
0x45: {  	_ =	sdelay $0x3  }
0x46: {  	vm1 =	vgt.s32 v0, $0x0  }
0x47: {  	v0 =	vnsel vm1, $0x0, v0  }
0x48: {  	v0 =	vmin.u32 v0, $0xC34F  }
0x49: {  	v0 =	vshll.u32 v0, $0x6;
	_ =	sdelay $0x3  }
0x4a: {  	s15 =	sadd.s32 $0x2000, s16  }
0x4b: {  	[tilespmem:s15], [sflag:$0x1] =	stream.indirect_vreg.gather [hbm:s4], $0x200, v0, vm0, $0x38;
	[tilespmem:$0x180C0] =	vst v63  }
0x4c: {  	s13 =	sshll.u32 s13, $0x6;
	_ =	swait.ge [sflag:s6], $0xC000  }
0x4d: {  	s16 =	sadd.s32 $0x200, s14;
	s13 =	sadd.s32 s13, s9;
	[sflag:s6] =	ssyncset.done $0x0  }
0x4e: {  	s17 =	sadd.s32 $0x0, s13;
	s15 =	simm.s32 $0x40;
	[sflag:s6] =	ssyncadd.s32 $0xFFFF4000  }
.LBB2_5:
0x4f: {  	[hbm:s17] =	stream.linear.scatter [tilespmem:s14], [sflag:$0x3], $0x200, $0x38;
	[tilespmem:$0x180C0] =	vst v63  }
0x50: {  	s17 =	smov.u32 s15;
	s14 =	smov.u32 s16;
	p1 =	sne.s32 s15, $0x17C0  }
.Ltmp4:
0x51: {  	s15 =	sadd.s32 $0x40, s15;
	(pc) =	sbr.rel @p1 .LBB2_5-.Ltmp4, $2  }
0x52: {  	_ =	sdelay $0x2  }
0x53: {  	s16 =	sadd.s32 $0x200, s16;
	s17 =	sadd.s32 s17, s13  }
.Ltmp5:
0x54: {  	_ = 	snop;
	(pc) =	sbr.rel .LBB2_6-.Ltmp5, $1  }
0x55: {  	_ =	sdelay $0x3  }
.LBB2_8:
0x56: {  	_ =	sfence.sel $0x180000  }
0x57: {  	s2 =	simm.s32 $0x2;
	[bflag:$0x0] =	sbarrier.arrive $0xFFFF  }
0x58: {  	s30 =	simm.s32 $0x3;
	[sflag:s2] =	ssyncpa.u1 $0x1  }
0x59: {  	s31 =	simm.s32 $0x1;
	[sflag:s30] =	ssyncpa.u1 $0x1  }
0x5a: {  	[sflag:s31] =	ssyncpa.u1 $0x1  }
0x5b: {  	p0 =	sne.s32 s0, $0x0;
	_ =	strace $0x90000053  }
0x5c: {  	s0 =	sadd.s32 @!p0 $0x100000, s1;
	[bflag:$0x2] =	sbarrier.arrive $0xFFFF  }
0x5d: {  	[sflag:s0] =	ssyncadd.tile.s32 @!p0 $0x1;
	_ =	shalt  }
.Lfunc_end2:
_tile_overlayer_lowered:
.L_overlay_start_2:
0x5e: {  	(tag) =	ssettag $0x2  }
0x5f: {  	s0 =	rddreg [dreg:$0x0];
	s2 =	stileid.u32  }
0x60: {  	s1 =	rddreg [dreg:$0x1];
	p0 =	sne.s32 s2, $0x0  }
0x61: {  	s3 =	rddreg [dreg:$0x2];
	[bflag:$0x3] =	sbarrier.arrive $0xFFFF;
	s2 =	simm.s32 @!p0 $0x1C01  }
0x62: {  	[timem:s3], [sflag:s2] =	dma.local @!p0 [hbm:s0], s1  }
0x63: {  	s0 =	simm.s32 @!p0 $0x1  }
0x64: {  	_ =	swait.ge @!p0 [sflag:s0], s1  }
0x65: {  	s1 =	ssub.s32 @!p0 $0x0, s1;
	[sflag:s0] =	ssyncset.done @!p0 $0x0  }
0x66: {  	[sflag:s0] =	ssyncadd.s32 @!p0 s1  }
0x67: {  	[bflag:$0x3] =	sbarrier.arrive $0xFFFF  }
0x68: {  	_ =	shalt  }

// kernel: gather_offload_async_start.3
scs
__scs_entry_jumppad:
0x0: {  	(pc) =	sbr.rel $0x88, $3  }
0x1: {  	(tag) =	ssettag $0x0;
	lr =	simm.s32 $0x1  }
0x2: {  	[smem:$0x3F89] =	sst lr;
	_ =	strace $0xD0000000  }
0x3: {  	_ = 	snop  }
0x4: {  	_ = 	snop  }
0x5: {  	_ = 	snop  }
0x6: {  	_ = 	snop  }
0x7: {  	_ = 	snop  }
__scs_overlays_trampoline_lowered:
0x8: {  	[smem:$0x3F98] =	sst s0  }
0x9: {  	[smem:$0x3F99] =	sst s1  }
0xa: {  	[smem:$0x3F9A] =	sst s2  }
0xb: {  	[smem:$0x3F9B] =	sst s3  }
0xc: {  	[smem:$0x3F9C] =	sst s4  }
0xd: {  	[smem:$0x3F9D] =	sst s5  }
0xe: {  	[smem:$0x3F9E] =	sst s6  }
0xf: {  	[smem:$0x3F9F] =	sst s7  }
0x10: {  	[smem:$0x3FA0] =	sst s8  }
0x11: {  	[smem:$0x3FA1] =	sst s9;
	s0 =	simm.s32 @!p0 $0x0  }
0x12: {  	s1 =	sld [smem:$0x3F87];
	s0 =	simm.s32 @p0 $0x1  }
0x13: {  	[smem:$0x3FA2] =	sst s0;
	s0 =	simm.s32 @!p1 $0x0  }
0x14: {  	s2 =	sld [smem:$0x3F86];
	s0 =	simm.s32 @p1 $0x1  }
0x15: {  	[smem:$0x3FA3] =	sst s0;
	s0 =	simm.s32 @!p2 $0x0  }
0x16: {  	s3 =	sld [smem:$0x3FDB];
	s0 =	simm.s32 @p2 $0x1  }
0x17: {  	s4 =	simm.s32 $0x1BF5;
	[smem:$0x3FA5] =	sst s0  }
0x18: {  	s0 =	sld [smem:$0x3F88];
	_ =	swait.ge [sflag:s4], $0x0  }
0x19: {  	s7 =	sld [smem:$0x3F89]  }
0x1a: {  	s8 =	sadd.s32 $0xFFFFE003, lr  }
0x1b: {  	s9 =	sadd.s32 $0xFFFFFEF7, lr;
	s5 =	simm.s32 $0xFFFFFFFF;
	p2 =	slt.u32 s8, $0xFFFFF086  }
0x1c: {  	p1 =	slt.u32 s9, $0xF7A;
	s5 =	simm.s32 @!p2 $0x0  }
0x1d: {  	s5 =	simm.s32 @p1 $0x1;
	p0 =	seq.s32 s7, s2  }
0x1e: {  	s7 =	smul.u32 @!p0 $0xF7A, s2;
	p2 =	seq.s32 @!p0 s5, $0x0  }
0x1f: {  	s9 =	smul.u32 $0xF7A, s1;
	s8 =	simm.s32 @!p0 $0x1BF5;
	p2 =	por !p2, p0  }
0x20: {  	[sflag:s8] =	ssyncset.s32 @!p0 $0xFFFFF086;
	s6 =	sadd.s32 @!p0 s3, s7;
	s7 =	simm.s32 @!p0 $0x108  }
0x21: {  	s3 =	sadd.s32 s3, s9;
	s6 =	sadd.s32 @!p0 $0x88, s6;
	s7 =	simm.s32 @p2 $0x1082  }
0x22: {  	[simem:s7], [sflag:s8] =	dma.local @!p0 [hbm:s6], $0xF7A  }
0x23: {  	s9 =	sor.u32 $0xD0000000, s2;
	s6 =	simm.s32 $0x108;
	_ =	swait.ge @!p0 [sflag:s8], $0x0  }
0x24: {  	s3 =	sadd.s32 $0x88, s3;
	s6 =	simm.s32 @!p1 $0x1082;
	[sflag:s4] =	ssyncset.s32 $0xFFFFF086  }
0x25: {  	[simem:s6], [sflag:s4] =	dma.local [hbm:s3], $0xF7A  }
0x26: {  	[smem:$0x3F89] =	sst s1;
	(tag) =	ssettag s2;
	_ =	strace s9  }
0x27: {  	s1 =	sld [smem:$0x3F99]  }
0x28: {  	s2 =	sld [smem:$0x3F9A]  }
0x29: {  	s4 =	sld [smem:$0x3F9C]  }
0x2a: {  	p0 =	seq.s32 s5, $0x0;
	s5 =	sld [smem:$0x3F9D]  }
0x2b: {  	s6 =	sld [smem:$0x3F9E]  }
0x2c: {  	s7 =	sld [smem:$0x3F9F]  }
0x2d: {  	s3 =	simm.s32 $0x108;
	s8 =	sld [smem:$0x3FA0]  }
0x2e: {  	s3 =	simm.s32 @!p0 $0x1082;
	s9 =	sld [smem:$0x3FA1]  }
0x2f: {  	lr =	sadd.s32 s0, s3;
	s0 =	sld [smem:$0x3F98]  }
0x30: {  	s3 =	sld [smem:$0x3F9B]  }
0x31: {  	[smem:$0x3FA4] =	sst s10  }
0x32: {  	s10 =	sld [smem:$0x3FA2];
	_ =	sdelay $0x3  }
0x33: {  	p0 =	seq.s32 s10, $0x1;
	s10 =	sld [smem:$0x3FA4];
	_ =	sdelay $0x3  }
0x34: {  	[smem:$0x3FA4] =	sst s10  }
0x35: {  	s10 =	sld [smem:$0x3FA3];
	_ =	sdelay $0x3  }
0x36: {  	p1 =	seq.s32 s10, $0x1;
	s10 =	sld [smem:$0x3FA4];
	_ =	sdelay $0x3  }
0x37: {  	[smem:$0x3FA4] =	sst s10  }
0x38: {  	s10 =	sld [smem:$0x3FA5]  }
0x39: {  	_ = 	snop;
	(pc) =	sbr.ind lr, $3  }
0x3a: {  	_ = 	snop  }
0x3b: {  	_ = 	snop  }
0x3c: {  	p2 =	seq.s32 s10, $0x1;
	s10 =	sld [smem:$0x3FA4]  }
0x3d: {  	_ =	shalt  }
0x3e: {  	_ =	shalt  }
0x3f: {  	_ =	shalt  }
0x40: {  	_ =	shalt  }
0x41: {  	_ =	shalt  }
0x42: {  	_ =	shalt  }
0x43: {  	_ =	shalt  }
0x44: {  	_ =	shalt  }
0x45: {  	_ =	shalt  }
0x46: {  	_ =	shalt  }
0x47: {  	_ =	shalt  }
0x48: {  	_ =	shalt  }
0x49: {  	_ =	shalt  }
0x4a: {  	_ =	shalt  }
0x4b: {  	_ =	shalt  }
0x4c: {  	_ =	shalt  }
0x4d: {  	_ =	shalt  }
0x4e: {  	_ =	shalt  }
0x4f: {  	_ =	shalt  }
0x50: {  	_ =	shalt  }
0x51: {  	_ =	shalt  }
0x52: {  	_ =	shalt  }
0x53: {  	_ =	shalt  }
0x54: {  	_ =	shalt  }
0x55: {  	_ =	shalt  }
0x56: {  	_ =	shalt  }
0x57: {  	_ =	shalt  }
0x58: {  	_ =	shalt  }
0x59: {  	_ =	shalt  }
0x5a: {  	_ =	shalt  }
0x5b: {  	_ =	shalt  }
0x5c: {  	_ =	shalt  }
0x5d: {  	_ =	shalt  }
0x5e: {  	_ =	shalt  }
0x5f: {  	_ =	shalt  }
0x60: {  	_ =	shalt  }
0x61: {  	_ =	shalt  }
0x62: {  	_ =	shalt  }
0x63: {  	_ =	shalt  }
0x64: {  	_ =	shalt  }
0x65: {  	_ =	shalt  }
0x66: {  	_ =	shalt  }
0x67: {  	_ =	shalt  }
0x68: {  	_ =	shalt  }
0x69: {  	_ =	shalt  }
0x6a: {  	_ =	shalt  }
0x6b: {  	_ =	shalt  }
0x6c: {  	_ =	shalt  }
0x6d: {  	_ =	shalt  }
0x6e: {  	_ =	shalt  }
0x6f: {  	_ =	shalt  }
0x70: {  	_ =	shalt  }
0x71: {  	_ =	shalt  }
0x72: {  	_ =	shalt  }
0x73: {  	_ =	shalt  }
0x74: {  	_ =	shalt  }
0x75: {  	_ =	shalt  }
0x76: {  	_ =	shalt  }
0x77: {  	_ =	shalt  }
0x78: {  	_ =	shalt  }
0x79: {  	_ =	shalt  }
0x7a: {  	_ =	shalt  }
0x7b: {  	_ =	shalt  }
0x7c: {  	_ =	shalt  }
0x7d: {  	_ =	shalt  }
0x7e: {  	_ =	shalt  }
0x7f: {  	_ =	shalt  }
0x80: {  	_ =	shalt  }
0x81: {  	_ =	shalt  }
0x82: {  	_ =	shalt  }
0x83: {  	_ =	shalt  }
0x84: {  	_ =	shalt  }
0x85: {  	_ =	shalt  }
0x86: {  	_ =	shalt  }
0x87: {  	_ =	shalt  }
.Lfunc_end0:
.L_simem_size_0:
called_computation.7_lowered:
.L_overlay_start_0:
0x88: {  	s2 =	sld [smem:$0x3FD9]  }
0x89: {  	s3 =	sld [smem:$0x3FFE];
	_ =	sdelay $0x1  }
0x8a: {  	s1 =	srdreg.scid  }
0x8b: {  	s0 =	sand.u32 $0x1, s1  }
0x8c: {  	s14 =	sshll.u32 s0, $0xA;
	s2 =	sadd.s32 s3, s2  }
0x8d: {  	s2 =	sadd.s32 s2, s14  }
0x8e: {  	[smem:$0x3FB0] =	sst s2  }
0x8f: {  	_ = 	snop  }
0x90: {  	s2 =	sld [smem:$0x3FD0];
	_ =	sdelay $0x2  }
0x91: {  	s15 =	simm.s32 $0xD;
	s4 =	simm.s32 $0x10  }
0x92: {  	[smem:s4], [sflag:s15] =	dma.local [hbm:s2], $0x1  }
0x93: {  	_ =	swait.eq [sflag:s15], $0x1  }
0x94: {  	[sflag:s15] =	ssyncset.done $0x0  }
0x95: {  	[sflag:s15] =	ssyncadd.s32 $0xFFFFFFFF  }
0x96: {  	s16 =	sld [smem:$0x11];
	(tm) =	ssettm $0x1  }
0x97: {  	s17 =	sld [smem:$0x3FFB];
	_ =	sdelay $0x3  }
0x98: {  	_ =	strace s17  }
0x99: {  	s3 =	sld [smem:$0x3FFC];
	_ =	sdelay $0x3  }
0x9a: {  	_ =	strace s3  }
0x9b: {  	s3 =	sld [smem:$0x3FFD];
	_ =	sdelay $0x3  }
0x9c: {  	_ =	strace s3  }
0x9d: {  	_ =	strace $0x8FFFFFFF  }
0x9e: {  	s18 =	sld [smem:$0x3FDB];
	_ =	sdelay $0x1  }
0x9f: {  	s19 =	simm.s32 $_scs_section_size  }
0xa0: {  	s5 =	simm.s32 $_size__tile_overlayer_lowered;
	s6 =	simm.s32 $_tile_overlayer_lowered  }
0xa1: {  	s22 =	simm.s32 $0x1BFF;
	s21 =	sshll.u32 s6, $0x1;
	s3 =	sadd.s32 s19, s18  }
0xa2: {  	s7 =	simm.s32 $0x0;
	s20 =	sshll.u32 s5, $0x1;
	s5 =	sadd.s32 s21, s3  }
0xa3: {  	[timem:s7], [sflag:s22] =	dma.local [hbm:s5], s20  }
0xa4: {  	_ =	swait.ge [sflag:s22], s20  }
0xa5: {  	s4 =	ssub.s32 $0x0, s20;
	[sflag:s22] =	ssyncset.done $0x0  }
0xa6: {  	[sflag:s22] =	ssyncadd.s32 s4;
	_ =	sdelay $0x1  }
0xa7: {  	s23 =	simm.s32 $0x1B8B  }
0xa8: {  	_ =	swait.ge [sflag:s23], $0x1  }
0xa9: {  	[sflag:s23] =	ssyncset.done $0x0  }
0xaa: {  	s25 =	simm.s32 $0x1B8E;
	s24 =	sld [smem:$0x3FFE];
	[sflag:s23] =	ssyncadd.s32 $0xFFFFFFFF  }
0xab: {  	s26 =	simm.s32 $execute0_lowered;
	[smem:$0x3FD2] =	sst s25  }
0xac: {  	s5 =	sshll.u32 s26, $0x1;
	_ =	strace $0x8000004C;
	[dreg:$0x1] =	wrdreg $0xFFFFFFFF  }
0xad: {  	s28 =	simm.s32 $_size_execute0_lowered;
	s3 =	sadd.s32 s3, s5;
	[dreg:$0x0] =	wrdreg $0x0  }
0xae: {  	s5 =	sshll.u32 s28, $0x1;
	[dreg:$0x2] =	wrdreg s3  }
0xaf: {  	[dreg:$0x3] =	wrdreg s5  }
0xb0: {  	[dreg:$0x4] =	wrdreg $0xC0  }
0xb1: {  	_ =	task [dreg:s7], $0x5FFFF  }
0xb2: {  	[dreg:$0x1] =	wrdreg $0xFFFFFFFF  }
0xb3: {  	[dreg:$0x0] =	wrdreg $0x60  }
0xb4: {  	[dreg:$0x2] =	wrdreg s24  }
0xb5: {  	[dreg:$0x3] =	wrdreg s16  }
0xb6: {  	[dreg:$0x4] =	wrdreg $0x9  }
0xb7: {  	_ =	task.clear_ibuf [dreg:s7], $0x5FFFF;
	_ =	strace $0x9000004C  }
0xb8: {  	s29 =	simm.s32 $0x9;
	_ =	strace $0x8000004E  }
0xb9: {  	_ =	swait.ge [sflag:s29], $0x1  }
0xba: {  	[sflag:s29] =	ssyncadd.s32 $0xFFFFFFFF  }
0xbb: {  	_ =	strace $0x9000004E  }
0xbc: {  	_ =	sfence  }
0xbd: {  	s30 =	sld [smem:$0x0];
	_ =	sdelay $0x2  }
0xbe: {  	s31 =	sshll.u32 s1, $0xD;
	s1 =	sshrl.u32 s1, $0x2  }
0xbf: {  	s3 =	sand.u32 $0x4000, s31;
	s1 =	sadd.s32 s1, s30  }
0xc0: {  	s0 =	sor.u32 s3, s0;
	s1 =	sshll.u32 s1, $0x11  }
0xc1: {  	s0 =	sor.u32 s1, s0  }
0xc2: {  	s0 =	sadd.s32 $0x8F2B, s0  }
0xc3: {  	[sflag:s0] =	ssyncadd.remote.s32 $0x1  }
0xc4: {  	_ =	sfence.sel $0xFFFF  }
0xc5: {  	[dreg:$0x0] =	wrdreg $0xFFFFFFFF;
	(pc) =	sbr.abs _section_cstart, $3  }
0xc6: {  	[dreg:$0x1] =	wrdreg $0xFFFFFFFF  }
0xc7: {  	_ =	task.clear_ibuf [dreg:s7], $0x2FFFF;
	_ =	strace $0x9FFFFFFF  }
0xc8: {  	(tm) =	ssettm $0x7FFFFFFF  }
0xc9: {  	_ =	shalt  }
tec
execute0_lowered:
.L_overlay_start_1:
0x0: {  	(tag) =	ssettag $0x1  }
0x1: {  	s0 =	srdreg.scid  }
0x2: {  	s1 =	sshll.u32 s0, $0x4  }
0x3: {  	s0 =	stileid.u32;
	s1 =	sand.u32 $0x10, s1  }
0x4: {  	s2 =	sor.u32 s0, s1  }
0x5: {  	s1 =	smul.u32 $0x61, s2  }
0x6: {  	s3 =	smin.u32 s2, $0x15  }
0x7: {  	s1 =	sadd.s32 s3, s1  }
0x8: {  	p0 =	slt.u32 s2, $0x15;
	s2 =	simm.s32 $0x24C0;
	s1 =	smul.u32 $0x60, s1  }
0x9: {  	s2 =	simm.s32 @!p0 $0x2460  }
0xa: {  	s2 =	sadd.s32 s2, s1  }
0xb: {  	s3 =	smin.u32 s2, $0x493E0  }
0xc: {  	s7 =	ssub.s32 s3, s1  }
0xd: {  	p0 =	sgt.s32 s7, $0x0  }
0xe: {  	s7 =	simm.s32 @!p0 $0x0  }
0xf: {  	s9 =	rddreg [dreg:$0x0];
	s31 =	smulhi.u32 $0x2AAAAAAB, s7  }
0x10: {  	s4 =	rddreg [dreg:$0x1];
	s6 =	simm.s32 $0x1  }
0x11: {  	s11 =	simm.s32 $0x3;
	s13 =	simm.s32 $0x0;
	s8 =	sshrl.u32 s31, $0x4  }
0x12: {  	s12 =	simm.s32 $0x0;
	s5 =	sadd.s32 $0x10E6800, s9;
	s10 =	smul.u32 $0x60, s8  }
.Ltmp0:
0x13: {  	s9 =	sadd.s32 $0x2630C00, s9;
	s2 =	rddreg [dreg:$0x2];
	(pc) =	sbr.rel .LBB2_1-.Ltmp0, $4  }
0x14: {  	_ =	strace $0x8000004D;
	p0 =	sne.s32 s7, s10;
	s10 =	simm.s32 $0x1  }
0x15: {  	[sflag:s6] =	ssyncpa.u1 $0x0;
	s7 =	simm.s32 $0x2;
	s10 =	simm.s32 @!p0 $0x0  }
0x16: {  	[sflag:s7] =	ssyncpa.u1 $0x0;
	p0 =	por $0x0, $0x0;
	s8 =	sadd.s32 s10, s8  }
0x17: {  	vm0 =	vmmov $0xffff;
	[sflag:s11] =	ssyncpa.u1 $0x0;
	s11 =	smov.u32 s1;
	s10 =	sadd.s32 $0x1, s8  }
.LBB2_6:
0x18: {  	[hbm:s17] =	stream.linear.scatter [tilespmem:s14], [sflag:$0x3], $0x200, $0x38;
	[tilespmem:$0x180C0] =	vst v63  }
.LBB2_7:
0x19: {  	s13 =	sadd.s32 $0x60, s11  }
0x1a: {  	s15 =	smov.u32 s1;
	p2 =	slt.s32 s13, s3  }
0x1b: {  	s15 =	smov.u32 @p2 s13;
	p2 =	sne.s32 s12, s10  }
.Ltmp1:
0x1c: {  	p1 =	slt.u32 s12, $0x2;
	(pc) =	sbr.rel @!p2 .LBB2_8-.Ltmp1, $4  }
0x1d: {  	s14 =	simm.s32 @!p1 $0x3  }
0x1e: {  	s16 =	sadd.s32 $0x1, s12;
	_ =	swait.ge @!p1 [sflag:s14], $0xC000  }
0x1f: {  	p0 =	por !p0, !p0;
	s13 =	smov.u32 s11;
	[sflag:s14] =	ssyncset.done @!p1 $0x0  }
0x20: {  	s12 =	smov.u32 s16;
	s11 =	smov.u32 s15;
	[sflag:s14] =	ssyncadd.s32 @!p1 $0xFFFF4000  }
.LBB2_1:
0x21: {  	p1 =	sge.u32 s12, s8  }
0x22: {  	s14 =	sxor.u32 @!p1 $0xFFFFFFFF, s12  }
0x23: {  	s14 =	sand.u32 @!p1 $0x1, s14  }
0x24: {  	s14 =	smul.u32 @!p1 $0x180, s14  }
0x25: {  	s31 =	sadd.s32 $0xFFFFFFFF, s12;
	s15 =	sshrl.u32 @!p1 s11, $0x3  }
0x26: {  	s16 =	sand.u32 @!p1 $0x7, s11;
	s15 =	sadd.s32 @!p1 s4, s15;
	s14 =	sshrl.u32 @!p1 s14, $0x2  }
0x27: {  	[tilespmem:s14], [sflag:$0x2] =	stream.linear.gather @!p1 [hbm4b:s15+s16], $0x60, $0x38;
	[tilespmem:$0x180C0] =	vst v63  }
0x28: {  	p1 =	sge.u32 s31, s8  }
.Ltmp2:
0x29: {  	_ = 	snop;
	(pc) =	sbr.rel @p1 .LBB2_7-.Ltmp2, $1  }
0x2a: {  	_ =	sdelay $0x3  }
0x2b: {  	s14 =	simm.s32 $0x1  }
0x2c: {  	s14 =	simm.s32 @!p0 $0x0  }
0x2d: {  	s15 =	smul.u32 $0x180, s14  }
0x2e: {  	_ =	swait.ge [sflag:s7], $0x60  }
0x2f: {  	[sflag:s7] =	ssyncset.done $0x0;
	s15 =	sshrl.u32 s15, $0x2  }
0x30: {  	[sflag:s7] =	ssyncadd.s32 $0xFFFFFFA0;
	s16 =	sadd.s32 $0x0, s15  }
0x31: {  	v0 =	vld.msk [tilespmem:s16+$0x0 ss:$0x1], $0xffff;
	_ =	sdelay $0x4  }
0x32: {  	vm1 =	vgt.s32 v0, $0x0  }
0x33: {  	v0 =	vnsel vm1, $0x0, v0  }
0x34: {  	v0 =	vmin.u32 v0, $0xC34F  }
0x35: {  	v0 =	vshll.u32 v0, $0x6  }
0x36: {  	s14 =	smul.u32 $0x30000, s14;
	_ =	sdelay $0x1  }
0x37: {  	s14 =	sshrl.u32 s14, $0x2  }
0x38: {  	s14 =	sor.u32 $0xC0, s14;
	s31 =	sadd.s32 $0x10, s15  }
0x39: {  	[tilespmem:s14], [sflag:$0x1] =	stream.indirect_vreg.gather [hbm:s5], $0x200, v0, vm0, $0x38;
	[tilespmem:$0x180C0] =	vst v63  }
0x3a: {  	s17 =	simm.s32 $0x80;
	s16 =	smov.u32 s14;
	v0 =	vld.msk [tilespmem:s31+$0x0 ss:$0x1], $0xffff  }
.LBB2_3:
0x3b: {  	p1 =	sne.s32 s17, $0x140;
	_ =	sdelay $0x4  }
0x3c: {  	vm1 =	vgt.s32 v0, $0x0  }
0x3d: {  	v0 =	vnsel vm1, $0x0, v0  }
0x3e: {  	v0 =	vmin.u32 v0, $0xC34F  }
0x3f: {  	v0 =	vshll.u32 v0, $0x6;
	_ =	sdelay $0x1  }
.Ltmp3:
0x40: {  	(pc) =	sbr.rel @p1 .LBB2_3-.Ltmp3, $4  }
0x41: {  	s18 =	sshra.s32 s17, $0x2  }
0x42: {  	s16 =	sadd.s32 $0x2000, s16;
	s18 =	sadd.s32 s18, s15  }
0x43: {  	[tilespmem:s16], [sflag:$0x1] =	stream.indirect_vreg.gather [hbm:s5], $0x200, v0, vm0, $0x38;
	[tilespmem:$0x180C0] =	vst v63  }
0x44: {  	s17 =	sadd.s32 $0x40, s17;
	v0 =	vld.msk [tilespmem:s18+$0x0 ss:$0x1], $0xffff  }
0x45: {  	_ =	sdelay $0x3  }
0x46: {  	vm1 =	vgt.s32 v0, $0x0  }
0x47: {  	v0 =	vnsel vm1, $0x0, v0  }
0x48: {  	v0 =	vmin.u32 v0, $0xC34F  }
0x49: {  	v0 =	vshll.u32 v0, $0x6;
	_ =	sdelay $0x3  }
0x4a: {  	s15 =	sadd.s32 $0x2000, s16  }
0x4b: {  	[tilespmem:s15], [sflag:$0x1] =	stream.indirect_vreg.gather [hbm:s5], $0x200, v0, vm0, $0x38;
	[tilespmem:$0x180C0] =	vst v63  }
0x4c: {  	s13 =	sshll.u32 s13, $0x6;
	_ =	swait.ge [sflag:s6], $0xC000  }
0x4d: {  	s16 =	sadd.s32 $0x200, s14;
	s13 =	sadd.s32 s13, s9;
	[sflag:s6] =	ssyncset.done $0x0  }
0x4e: {  	s17 =	sadd.s32 $0x0, s13;
	s15 =	simm.s32 $0x40;
	[sflag:s6] =	ssyncadd.s32 $0xFFFF4000  }
.LBB2_5:
0x4f: {  	[hbm:s17] =	stream.linear.scatter [tilespmem:s14], [sflag:$0x3], $0x200, $0x38;
	[tilespmem:$0x180C0] =	vst v63  }
0x50: {  	s17 =	smov.u32 s15;
	s14 =	smov.u32 s16;
	p1 =	sne.s32 s15, $0x17C0  }
.Ltmp4:
0x51: {  	s15 =	sadd.s32 $0x40, s15;
	(pc) =	sbr.rel @p1 .LBB2_5-.Ltmp4, $2  }
0x52: {  	_ =	sdelay $0x2  }
0x53: {  	s16 =	sadd.s32 $0x200, s16;
	s17 =	sadd.s32 s17, s13  }
.Ltmp5:
0x54: {  	_ = 	snop;
	(pc) =	sbr.rel .LBB2_6-.Ltmp5, $1  }
0x55: {  	_ =	sdelay $0x3  }
.LBB2_8:
0x56: {  	_ =	sfence.sel $0x180000  }
0x57: {  	s1 =	simm.s32 $0x2;
	[bflag:$0x0] =	sbarrier.arrive $0xFFFF  }
0x58: {  	s30 =	simm.s32 $0x3;
	[sflag:s1] =	ssyncpa.u1 $0x1  }
0x59: {  	s31 =	simm.s32 $0x1;
	[sflag:s30] =	ssyncpa.u1 $0x1  }
0x5a: {  	[sflag:s31] =	ssyncpa.u1 $0x1  }
0x5b: {  	p0 =	sne.s32 s0, $0x0;
	_ =	strace $0x9000004D  }
0x5c: {  	s0 =	sadd.s32 @!p0 $0x100000, s2;
	[bflag:$0x2] =	sbarrier.arrive $0xFFFF  }
0x5d: {  	[sflag:s0] =	ssyncadd.tile.s32 @!p0 $0x1;
	_ =	shalt  }
.Lfunc_end2:
_tile_overlayer_lowered:
.L_overlay_start_2:
0x5e: {  	(tag) =	ssettag $0x2  }
0x5f: {  	s0 =	rddreg [dreg:$0x0];
	s2 =	stileid.u32  }
0x60: {  	s1 =	rddreg [dreg:$0x1];
	p0 =	sne.s32 s2, $0x0  }
0x61: {  	s3 =	rddreg [dreg:$0x2];
	[bflag:$0x3] =	sbarrier.arrive $0xFFFF;
	s2 =	simm.s32 @!p0 $0x1C01  }
0x62: {  	[timem:s3], [sflag:s2] =	dma.local @!p0 [hbm:s0], s1  }
0x63: {  	s0 =	simm.s32 @!p0 $0x1  }
0x64: {  	_ =	swait.ge @!p0 [sflag:s0], s1  }
0x65: {  	s1 =	ssub.s32 @!p0 $0x0, s1;
	[sflag:s0] =	ssyncset.done @!p0 $0x0  }
0x66: {  	[sflag:s0] =	ssyncadd.s32 @!p0 s1  }
0x67: {  	[bflag:$0x3] =	sbarrier.arrive $0xFFFF  }
0x68: {  	_ =	shalt  }

// kernel: gather_offload_async_start.4
scs
__scs_entry_jumppad:
0x0: {  	(pc) =	sbr.rel $0x88, $3  }
0x1: {  	(tag) =	ssettag $0x0;
	lr =	simm.s32 $0x1  }
0x2: {  	[smem:$0x3F89] =	sst lr;
	_ =	strace $0xD0000000  }
0x3: {  	_ = 	snop  }
0x4: {  	_ = 	snop  }
0x5: {  	_ = 	snop  }
0x6: {  	_ = 	snop  }
0x7: {  	_ = 	snop  }
__scs_overlays_trampoline_lowered:
0x8: {  	[smem:$0x3F98] =	sst s0  }
0x9: {  	[smem:$0x3F99] =	sst s1  }
0xa: {  	[smem:$0x3F9A] =	sst s2  }
0xb: {  	[smem:$0x3F9B] =	sst s3  }
0xc: {  	[smem:$0x3F9C] =	sst s4  }
0xd: {  	[smem:$0x3F9D] =	sst s5  }
0xe: {  	[smem:$0x3F9E] =	sst s6  }
0xf: {  	[smem:$0x3F9F] =	sst s7  }
0x10: {  	[smem:$0x3FA0] =	sst s8  }
0x11: {  	[smem:$0x3FA1] =	sst s9;
	s0 =	simm.s32 @!p0 $0x0  }
0x12: {  	s1 =	sld [smem:$0x3F87];
	s0 =	simm.s32 @p0 $0x1  }
0x13: {  	[smem:$0x3FA2] =	sst s0;
	s0 =	simm.s32 @!p1 $0x0  }
0x14: {  	s2 =	sld [smem:$0x3F86];
	s0 =	simm.s32 @p1 $0x1  }
0x15: {  	[smem:$0x3FA3] =	sst s0;
	s0 =	simm.s32 @!p2 $0x0  }
0x16: {  	s3 =	sld [smem:$0x3FDB];
	s0 =	simm.s32 @p2 $0x1  }
0x17: {  	s4 =	simm.s32 $0x1BF5;
	[smem:$0x3FA5] =	sst s0  }
0x18: {  	s0 =	sld [smem:$0x3F88];
	_ =	swait.ge [sflag:s4], $0x0  }
0x19: {  	s7 =	sld [smem:$0x3F89]  }
0x1a: {  	s8 =	sadd.s32 $0xFFFFE003, lr  }
0x1b: {  	s9 =	sadd.s32 $0xFFFFFEF7, lr;
	s5 =	simm.s32 $0xFFFFFFFF;
	p2 =	slt.u32 s8, $0xFFFFF086  }
0x1c: {  	p1 =	slt.u32 s9, $0xF7A;
	s5 =	simm.s32 @!p2 $0x0  }
0x1d: {  	s5 =	simm.s32 @p1 $0x1;
	p0 =	seq.s32 s7, s2  }
0x1e: {  	s7 =	smul.u32 @!p0 $0xF7A, s2;
	p2 =	seq.s32 @!p0 s5, $0x0  }
0x1f: {  	s9 =	smul.u32 $0xF7A, s1;
	s8 =	simm.s32 @!p0 $0x1BF5;
	p2 =	por !p2, p0  }
0x20: {  	[sflag:s8] =	ssyncset.s32 @!p0 $0xFFFFF086;
	s6 =	sadd.s32 @!p0 s3, s7;
	s7 =	simm.s32 @!p0 $0x108  }
0x21: {  	s3 =	sadd.s32 s3, s9;
	s6 =	sadd.s32 @!p0 $0x88, s6;
	s7 =	simm.s32 @p2 $0x1082  }
0x22: {  	[simem:s7], [sflag:s8] =	dma.local @!p0 [hbm:s6], $0xF7A  }
0x23: {  	s9 =	sor.u32 $0xD0000000, s2;
	s6 =	simm.s32 $0x108;
	_ =	swait.ge @!p0 [sflag:s8], $0x0  }
0x24: {  	s3 =	sadd.s32 $0x88, s3;
	s6 =	simm.s32 @!p1 $0x1082;
	[sflag:s4] =	ssyncset.s32 $0xFFFFF086  }
0x25: {  	[simem:s6], [sflag:s4] =	dma.local [hbm:s3], $0xF7A  }
0x26: {  	[smem:$0x3F89] =	sst s1;
	(tag) =	ssettag s2;
	_ =	strace s9  }
0x27: {  	s1 =	sld [smem:$0x3F99]  }
0x28: {  	s2 =	sld [smem:$0x3F9A]  }
0x29: {  	s4 =	sld [smem:$0x3F9C]  }
0x2a: {  	p0 =	seq.s32 s5, $0x0;
	s5 =	sld [smem:$0x3F9D]  }
0x2b: {  	s6 =	sld [smem:$0x3F9E]  }
0x2c: {  	s7 =	sld [smem:$0x3F9F]  }
0x2d: {  	s3 =	simm.s32 $0x108;
	s8 =	sld [smem:$0x3FA0]  }
0x2e: {  	s3 =	simm.s32 @!p0 $0x1082;
	s9 =	sld [smem:$0x3FA1]  }
0x2f: {  	lr =	sadd.s32 s0, s3;
	s0 =	sld [smem:$0x3F98]  }
0x30: {  	s3 =	sld [smem:$0x3F9B]  }
0x31: {  	[smem:$0x3FA4] =	sst s10  }
0x32: {  	s10 =	sld [smem:$0x3FA2];
	_ =	sdelay $0x3  }
0x33: {  	p0 =	seq.s32 s10, $0x1;
	s10 =	sld [smem:$0x3FA4];
	_ =	sdelay $0x3  }
0x34: {  	[smem:$0x3FA4] =	sst s10  }
0x35: {  	s10 =	sld [smem:$0x3FA3];
	_ =	sdelay $0x3  }
0x36: {  	p1 =	seq.s32 s10, $0x1;
	s10 =	sld [smem:$0x3FA4];
	_ =	sdelay $0x3  }
0x37: {  	[smem:$0x3FA4] =	sst s10  }
0x38: {  	s10 =	sld [smem:$0x3FA5]  }
0x39: {  	_ = 	snop;
	(pc) =	sbr.ind lr, $3  }
0x3a: {  	_ = 	snop  }
0x3b: {  	_ = 	snop  }
0x3c: {  	p2 =	seq.s32 s10, $0x1;
	s10 =	sld [smem:$0x3FA4]  }
0x3d: {  	_ =	shalt  }
0x3e: {  	_ =	shalt  }
0x3f: {  	_ =	shalt  }
0x40: {  	_ =	shalt  }
0x41: {  	_ =	shalt  }
0x42: {  	_ =	shalt  }
0x43: {  	_ =	shalt  }
0x44: {  	_ =	shalt  }
0x45: {  	_ =	shalt  }
0x46: {  	_ =	shalt  }
0x47: {  	_ =	shalt  }
0x48: {  	_ =	shalt  }
0x49: {  	_ =	shalt  }
0x4a: {  	_ =	shalt  }
0x4b: {  	_ =	shalt  }
0x4c: {  	_ =	shalt  }
0x4d: {  	_ =	shalt  }
0x4e: {  	_ =	shalt  }
0x4f: {  	_ =	shalt  }
0x50: {  	_ =	shalt  }
0x51: {  	_ =	shalt  }
0x52: {  	_ =	shalt  }
0x53: {  	_ =	shalt  }
0x54: {  	_ =	shalt  }
0x55: {  	_ =	shalt  }
0x56: {  	_ =	shalt  }
0x57: {  	_ =	shalt  }
0x58: {  	_ =	shalt  }
0x59: {  	_ =	shalt  }
0x5a: {  	_ =	shalt  }
0x5b: {  	_ =	shalt  }
0x5c: {  	_ =	shalt  }
0x5d: {  	_ =	shalt  }
0x5e: {  	_ =	shalt  }
0x5f: {  	_ =	shalt  }
0x60: {  	_ =	shalt  }
0x61: {  	_ =	shalt  }
0x62: {  	_ =	shalt  }
0x63: {  	_ =	shalt  }
0x64: {  	_ =	shalt  }
0x65: {  	_ =	shalt  }
0x66: {  	_ =	shalt  }
0x67: {  	_ =	shalt  }
0x68: {  	_ =	shalt  }
0x69: {  	_ =	shalt  }
0x6a: {  	_ =	shalt  }
0x6b: {  	_ =	shalt  }
0x6c: {  	_ =	shalt  }
0x6d: {  	_ =	shalt  }
0x6e: {  	_ =	shalt  }
0x6f: {  	_ =	shalt  }
0x70: {  	_ =	shalt  }
0x71: {  	_ =	shalt  }
0x72: {  	_ =	shalt  }
0x73: {  	_ =	shalt  }
0x74: {  	_ =	shalt  }
0x75: {  	_ =	shalt  }
0x76: {  	_ =	shalt  }
0x77: {  	_ =	shalt  }
0x78: {  	_ =	shalt  }
0x79: {  	_ =	shalt  }
0x7a: {  	_ =	shalt  }
0x7b: {  	_ =	shalt  }
0x7c: {  	_ =	shalt  }
0x7d: {  	_ =	shalt  }
0x7e: {  	_ =	shalt  }
0x7f: {  	_ =	shalt  }
0x80: {  	_ =	shalt  }
0x81: {  	_ =	shalt  }
0x82: {  	_ =	shalt  }
0x83: {  	_ =	shalt  }
0x84: {  	_ =	shalt  }
0x85: {  	_ =	shalt  }
0x86: {  	_ =	shalt  }
0x87: {  	_ =	shalt  }
.Lfunc_end0:
.L_simem_size_0:
called_computation.8_lowered:
.L_overlay_start_0:
0x88: {  	s2 =	sld [smem:$0x3FD9]  }
0x89: {  	s3 =	sld [smem:$0x3FFE];
	_ =	sdelay $0x1  }
0x8a: {  	s1 =	srdreg.scid  }
0x8b: {  	s0 =	sand.u32 $0x1, s1  }
0x8c: {  	s15 =	sshll.u32 s0, $0xA;
	s2 =	sadd.s32 s3, s2  }
0x8d: {  	s2 =	sadd.s32 s2, s15  }
0x8e: {  	[smem:$0x3FB0] =	sst s2  }
0x8f: {  	_ = 	snop  }
0x90: {  	s2 =	sld [smem:$0x3FD0];
	_ =	sdelay $0x2  }
0x91: {  	s16 =	simm.s32 $0xD;
	s4 =	simm.s32 $0x10  }
0x92: {  	[smem:s4], [sflag:s16] =	dma.local [hbm:s2], $0x1  }
0x93: {  	_ =	swait.eq [sflag:s16], $0x1  }
0x94: {  	[sflag:s16] =	ssyncset.done $0x0  }
0x95: {  	[sflag:s16] =	ssyncadd.s32 $0xFFFFFFFF  }
0x96: {  	s17 =	sld [smem:$0x10];
	(tm) =	ssettm $0x1  }
0x97: {  	s18 =	sld [smem:$0x3FFB];
	_ =	sdelay $0x3  }
0x98: {  	_ =	strace s18  }
0x99: {  	s2 =	sld [smem:$0x3FFC];
	_ =	sdelay $0x3  }
0x9a: {  	_ =	strace s2  }
0x9b: {  	s2 =	sld [smem:$0x3FFD];
	_ =	sdelay $0x3  }
0x9c: {  	_ =	strace s2  }
0x9d: {  	_ =	strace $0x8FFFFFFF  }
0x9e: {  	s19 =	sld [smem:$0x3FDB];
	_ =	sdelay $0x1  }
0x9f: {  	s20 =	simm.s32 $_scs_section_size  }
0xa0: {  	s5 =	simm.s32 $_size__tile_overlayer_lowered;
	s6 =	simm.s32 $_tile_overlayer_lowered  }
0xa1: {  	s7 =	simm.s32 $0x1BFF;
	s21 =	sshll.u32 s6, $0x1;
	s4 =	sadd.s32 s20, s19  }
0xa2: {  	s22 =	simm.s32 $0x0;
	s5 =	sshll.u32 s5, $0x1;
	s6 =	sadd.s32 s21, s4  }
0xa3: {  	[timem:s22], [sflag:s7] =	dma.local [hbm:s6], s5  }
0xa4: {  	_ =	swait.ge [sflag:s7], s5  }
0xa5: {  	s5 =	ssub.s32 $0x0, s5;
	[sflag:s7] =	ssyncset.done $0x0  }
0xa6: {  	[sflag:s7] =	ssyncadd.s32 s5;
	_ =	sdelay $0x1  }
0xa7: {  	s23 =	simm.s32 $0x1B8B  }
0xa8: {  	_ =	swait.ge [sflag:s23], $0x1  }
0xa9: {  	[sflag:s23] =	ssyncset.done $0x0  }
0xaa: {  	[sflag:s23] =	ssyncadd.s32 $0xFFFFFFFF  }
0xab: {  	s5 =	sld [smem:$0x0]  }
0xac: {  	s6 =	sand.u32 $0xFFFFFFFE, s1  }
0xad: {  	p0 =	sne.s32 s1, s6  }
0xae: {  	s6 =	sshll.u32 @p0 s6, $0xE  }
0xaf: {  	s6 =	sadd.s32 @p0 $0x11B8D, s6;
	s7 =	sshll.u32 @p0 s5, $0x11  }
0xb0: {  	s6 =	sor.u32 @p0 s7, s6  }
0xb1: {  	[sflag:s6] =	ssyncadd.remote.s32 @p0 $0x1;
	_ =	sdelay $0x1  }
0xb2: {  	s6 =	simm.s32 @p0 $0x1B8D  }
0xb3: {  	_ =	swait.eq @p0 [sflag:s6], $0x1  }
0xb4: {  	[sflag:s6] =	ssyncadd.s32 @p0 $0xFFFFFFFF  }
0xb5: {  	s7 =	sshll.u32 @!p0 s1, $0xE  }
0xb6: {  	s7 =	sor.u32 @!p0 $0x4000, s7;
	s6 =	simm.s32 @!p0 $0x1B8D  }
0xb7: {  	s5 =	sshll.u32 @!p0 s5, $0x11;
	s7 =	sadd.s32 @!p0 $0x11B8D, s7;
	_ =	swait.eq @!p0 [sflag:s6], $0x1  }
0xb8: {  	s5 =	sor.u32 @!p0 s5, s7;
	[sflag:s6] =	ssyncadd.s32 @!p0 $0xFFFFFFFF  }
0xb9: {  	s25 =	simm.s32 $0x1B8E;
	s24 =	sld [smem:$0x3FFE];
	[sflag:s5] =	ssyncadd.remote.s32 @!p0 $0x1  }
0xba: {  	s26 =	simm.s32 $execute0_lowered;
	[smem:$0x3FD2] =	sst s25  }
0xbb: {  	s6 =	sshll.u32 s26, $0x1;
	_ =	strace $0x8000004F;
	[dreg:$0x1] =	wrdreg $0xFFFFFFFF  }
0xbc: {  	s28 =	simm.s32 $_size_execute0_lowered;
	s4 =	sadd.s32 s4, s6;
	[dreg:$0x0] =	wrdreg $0x0  }
0xbd: {  	s6 =	sshll.u32 s28, $0x1;
	[dreg:$0x2] =	wrdreg s4  }
0xbe: {  	[dreg:$0x3] =	wrdreg s6  }
0xbf: {  	[dreg:$0x4] =	wrdreg $0xC0  }
0xc0: {  	_ =	task [dreg:s22], $0x5FFFF  }
0xc1: {  	[dreg:$0x1] =	wrdreg $0xFFFFFFFF  }
0xc2: {  	[dreg:$0x0] =	wrdreg $0x60  }
0xc3: {  	[dreg:$0x2] =	wrdreg s24  }
0xc4: {  	[dreg:$0x3] =	wrdreg s17  }
0xc5: {  	[dreg:$0x4] =	wrdreg $0xA  }
0xc6: {  	_ =	task.clear_ibuf [dreg:s22], $0x5FFFF;
	_ =	strace $0x9000004F  }
0xc7: {  	s29 =	simm.s32 $0xA;
	_ =	strace $0x80000051  }
0xc8: {  	_ =	swait.ge [sflag:s29], $0x1  }
0xc9: {  	[sflag:s29] =	ssyncadd.s32 $0xFFFFFFFF  }
0xca: {  	_ =	strace $0x90000051  }
0xcb: {  	_ =	sfence  }
0xcc: {  	s30 =	sld [smem:$0x0];
	_ =	sdelay $0x2  }
0xcd: {  	s31 =	sshll.u32 s1, $0xD;
	s1 =	sshrl.u32 s1, $0x2  }
0xce: {  	s4 =	sand.u32 $0x4000, s31;
	s1 =	sadd.s32 s1, s30  }
0xcf: {  	s0 =	sor.u32 s4, s0;
	s1 =	sshll.u32 s1, $0x11  }
0xd0: {  	s0 =	sor.u32 s1, s0  }
0xd1: {  	s0 =	sadd.s32 $0x8F2B, s0  }
0xd2: {  	[sflag:s0] =	ssyncadd.remote.s32 $0x1  }
0xd3: {  	_ =	sfence.sel $0xFFFF  }
0xd4: {  	[dreg:$0x0] =	wrdreg $0xFFFFFFFF;
	(pc) =	sbr.abs _section_cstart, $3  }
0xd5: {  	[dreg:$0x1] =	wrdreg $0xFFFFFFFF  }
0xd6: {  	_ =	task.clear_ibuf [dreg:s22], $0x2FFFF;
	_ =	strace $0x9FFFFFFF  }
0xd7: {  	(tm) =	ssettm $0x7FFFFFFF  }
tec
execute0_lowered:
.L_overlay_start_1:
0x0: {  	(tag) =	ssettag $0x1  }
0x1: {  	s0 =	srdreg.scid  }
0x2: {  	s1 =	sshll.u32 s0, $0x4  }
0x3: {  	s0 =	stileid.u32;
	s1 =	sand.u32 $0x10, s1  }
0x4: {  	s2 =	sor.u32 s0, s1  }
0x5: {  	s1 =	smul.u32 $0x61, s2  }
0x6: {  	s3 =	smin.u32 s2, $0x15  }
0x7: {  	s1 =	sadd.s32 s3, s1  }
0x8: {  	p0 =	slt.u32 s2, $0x15;
	s2 =	simm.s32 $0x24C0;
	s1 =	smul.u32 $0x60, s1  }
0x9: {  	s2 =	simm.s32 @!p0 $0x2460  }
0xa: {  	s2 =	sadd.s32 s2, s1  }
0xb: {  	s3 =	smin.u32 s2, $0x493E0  }
0xc: {  	s7 =	ssub.s32 s3, s1  }
0xd: {  	p0 =	sgt.s32 s7, $0x0  }
0xe: {  	s7 =	simm.s32 @!p0 $0x0  }
0xf: {  	s9 =	rddreg [dreg:$0x0];
	s31 =	smulhi.u32 $0x2AAAAAAB, s7  }
0x10: {  	s4 =	rddreg [dreg:$0x1];
	s6 =	simm.s32 $0x1  }
0x11: {  	s11 =	simm.s32 $0x3;
	s13 =	simm.s32 $0x0;
	s8 =	sshrl.u32 s31, $0x4  }
0x12: {  	s12 =	simm.s32 $0x0;
	s5 =	sadd.s32 $0x2016400, s9;
	s10 =	smul.u32 $0x60, s8  }
.Ltmp0:
0x13: {  	s9 =	sadd.s32 $0x3880400, s9;
	s2 =	rddreg [dreg:$0x2];
	(pc) =	sbr.rel .LBB2_1-.Ltmp0, $4  }
0x14: {  	_ =	strace $0x80000050;
	p0 =	sne.s32 s7, s10;
	s10 =	simm.s32 $0x1  }
0x15: {  	[sflag:s6] =	ssyncpa.u1 $0x0;
	s7 =	simm.s32 $0x2;
	s10 =	simm.s32 @!p0 $0x0  }
0x16: {  	[sflag:s7] =	ssyncpa.u1 $0x0;
	p0 =	por $0x0, $0x0;
	s8 =	sadd.s32 s10, s8  }
0x17: {  	vm0 =	vmmov $0xffff;
	[sflag:s11] =	ssyncpa.u1 $0x0;
	s11 =	smov.u32 s1;
	s10 =	sadd.s32 $0x1, s8  }
.LBB2_6:
0x18: {  	[hbm:s17] =	stream.linear.scatter [tilespmem:s14], [sflag:$0x3], $0x200, $0x38;
	[tilespmem:$0x180C0] =	vst v63  }
.LBB2_7:
0x19: {  	s13 =	sadd.s32 $0x60, s11  }
0x1a: {  	s15 =	smov.u32 s1;
	p2 =	slt.s32 s13, s3  }
0x1b: {  	s15 =	smov.u32 @p2 s13;
	p2 =	sne.s32 s12, s10  }
.Ltmp1:
0x1c: {  	p1 =	slt.u32 s12, $0x2;
	(pc) =	sbr.rel @!p2 .LBB2_8-.Ltmp1, $4  }
0x1d: {  	s14 =	simm.s32 @!p1 $0x3  }
0x1e: {  	s16 =	sadd.s32 $0x1, s12;
	_ =	swait.ge @!p1 [sflag:s14], $0xC000  }
0x1f: {  	p0 =	por !p0, !p0;
	s13 =	smov.u32 s11;
	[sflag:s14] =	ssyncset.done @!p1 $0x0  }
0x20: {  	s12 =	smov.u32 s16;
	s11 =	smov.u32 s15;
	[sflag:s14] =	ssyncadd.s32 @!p1 $0xFFFF4000  }
.LBB2_1:
0x21: {  	p1 =	sge.u32 s12, s8  }
0x22: {  	s14 =	sxor.u32 @!p1 $0xFFFFFFFF, s12  }
0x23: {  	s14 =	sand.u32 @!p1 $0x1, s14  }
0x24: {  	s14 =	smul.u32 @!p1 $0x180, s14  }
0x25: {  	s31 =	sadd.s32 $0xFFFFFFFF, s12;
	s15 =	sshrl.u32 @!p1 s11, $0x3  }
0x26: {  	s16 =	sand.u32 @!p1 $0x7, s11;
	s15 =	sadd.s32 @!p1 s4, s15;
	s14 =	sshrl.u32 @!p1 s14, $0x2  }
0x27: {  	[tilespmem:s14], [sflag:$0x2] =	stream.linear.gather @!p1 [hbm4b:s15+s16], $0x60, $0x38;
	[tilespmem:$0x180C0] =	vst v63  }
0x28: {  	p1 =	sge.u32 s31, s8  }
.Ltmp2:
0x29: {  	_ = 	snop;
	(pc) =	sbr.rel @p1 .LBB2_7-.Ltmp2, $1  }
0x2a: {  	_ =	sdelay $0x3  }
0x2b: {  	s14 =	simm.s32 $0x1  }
0x2c: {  	s14 =	simm.s32 @!p0 $0x0  }
0x2d: {  	s15 =	smul.u32 $0x180, s14  }
0x2e: {  	_ =	swait.ge [sflag:s7], $0x60  }
0x2f: {  	[sflag:s7] =	ssyncset.done $0x0;
	s15 =	sshrl.u32 s15, $0x2  }
0x30: {  	[sflag:s7] =	ssyncadd.s32 $0xFFFFFFA0;
	s16 =	sadd.s32 $0x0, s15  }
0x31: {  	v0 =	vld.msk [tilespmem:s16+$0x0 ss:$0x1], $0xffff;
	_ =	sdelay $0x4  }
0x32: {  	vm1 =	vgt.s32 v0, $0x0  }
0x33: {  	v0 =	vnsel vm1, $0x0, v0  }
0x34: {  	v0 =	vmin.u32 v0, $0xC34F  }
0x35: {  	v0 =	vshll.u32 v0, $0x6  }
0x36: {  	s14 =	smul.u32 $0x30000, s14;
	_ =	sdelay $0x1  }
0x37: {  	s14 =	sshrl.u32 s14, $0x2  }
0x38: {  	s14 =	sor.u32 $0xC0, s14;
	s31 =	sadd.s32 $0x10, s15  }
0x39: {  	[tilespmem:s14], [sflag:$0x1] =	stream.indirect_vreg.gather [hbm:s5], $0x200, v0, vm0, $0x38;
	[tilespmem:$0x180C0] =	vst v63  }
0x3a: {  	s17 =	simm.s32 $0x80;
	s16 =	smov.u32 s14;
	v0 =	vld.msk [tilespmem:s31+$0x0 ss:$0x1], $0xffff  }
.LBB2_3:
0x3b: {  	p1 =	sne.s32 s17, $0x140;
	_ =	sdelay $0x4  }
0x3c: {  	vm1 =	vgt.s32 v0, $0x0  }
0x3d: {  	v0 =	vnsel vm1, $0x0, v0  }
0x3e: {  	v0 =	vmin.u32 v0, $0xC34F  }
0x3f: {  	v0 =	vshll.u32 v0, $0x6;
	_ =	sdelay $0x1  }
.Ltmp3:
0x40: {  	(pc) =	sbr.rel @p1 .LBB2_3-.Ltmp3, $4  }
0x41: {  	s18 =	sshra.s32 s17, $0x2  }
0x42: {  	s16 =	sadd.s32 $0x2000, s16;
	s18 =	sadd.s32 s18, s15  }
0x43: {  	[tilespmem:s16], [sflag:$0x1] =	stream.indirect_vreg.gather [hbm:s5], $0x200, v0, vm0, $0x38;
	[tilespmem:$0x180C0] =	vst v63  }
0x44: {  	s17 =	sadd.s32 $0x40, s17;
	v0 =	vld.msk [tilespmem:s18+$0x0 ss:$0x1], $0xffff  }
0x45: {  	_ =	sdelay $0x3  }
0x46: {  	vm1 =	vgt.s32 v0, $0x0  }
0x47: {  	v0 =	vnsel vm1, $0x0, v0  }
0x48: {  	v0 =	vmin.u32 v0, $0xC34F  }
0x49: {  	v0 =	vshll.u32 v0, $0x6;
	_ =	sdelay $0x3  }
0x4a: {  	s15 =	sadd.s32 $0x2000, s16  }
0x4b: {  	[tilespmem:s15], [sflag:$0x1] =	stream.indirect_vreg.gather [hbm:s5], $0x200, v0, vm0, $0x38;
	[tilespmem:$0x180C0] =	vst v63  }
0x4c: {  	s13 =	sshll.u32 s13, $0x6;
	_ =	swait.ge [sflag:s6], $0xC000  }
0x4d: {  	s16 =	sadd.s32 $0x200, s14;
	s13 =	sadd.s32 s13, s9;
	[sflag:s6] =	ssyncset.done $0x0  }
0x4e: {  	s17 =	sadd.s32 $0x0, s13;
	s15 =	simm.s32 $0x40;
	[sflag:s6] =	ssyncadd.s32 $0xFFFF4000  }
.LBB2_5:
0x4f: {  	[hbm:s17] =	stream.linear.scatter [tilespmem:s14], [sflag:$0x3], $0x200, $0x38;
	[tilespmem:$0x180C0] =	vst v63  }
0x50: {  	s17 =	smov.u32 s15;
	s14 =	smov.u32 s16;
	p1 =	sne.s32 s15, $0x17C0  }
.Ltmp4:
0x51: {  	s15 =	sadd.s32 $0x40, s15;
	(pc) =	sbr.rel @p1 .LBB2_5-.Ltmp4, $2  }
0x52: {  	_ =	sdelay $0x2  }
0x53: {  	s16 =	sadd.s32 $0x200, s16;
	s17 =	sadd.s32 s17, s13  }
.Ltmp5:
0x54: {  	_ = 	snop;
	(pc) =	sbr.rel .LBB2_6-.Ltmp5, $1  }
0x55: {  	_ =	sdelay $0x3  }
.LBB2_8:
0x56: {  	_ =	sfence.sel $0x180000  }
0x57: {  	s1 =	simm.s32 $0x2;
	[bflag:$0x0] =	sbarrier.arrive $0xFFFF  }
0x58: {  	s30 =	simm.s32 $0x3;
	[sflag:s1] =	ssyncpa.u1 $0x1  }
0x59: {  	s31 =	simm.s32 $0x1;
	[sflag:s30] =	ssyncpa.u1 $0x1  }
0x5a: {  	[sflag:s31] =	ssyncpa.u1 $0x1  }
0x5b: {  	p0 =	sne.s32 s0, $0x0;
	_ =	strace $0x90000050  }
0x5c: {  	s0 =	sadd.s32 @!p0 $0x100000, s2;
	[bflag:$0x2] =	sbarrier.arrive $0xFFFF  }
0x5d: {  	[sflag:s0] =	ssyncadd.tile.s32 @!p0 $0x1;
	_ =	shalt  }
.Lfunc_end2:
_tile_overlayer_lowered:
.L_overlay_start_2:
0x5e: {  	(tag) =	ssettag $0x2  }
0x5f: {  	s0 =	rddreg [dreg:$0x0];
	s2 =	stileid.u32  }
0x60: {  	s1 =	rddreg [dreg:$0x1];
	p0 =	sne.s32 s2, $0x0  }
0x61: {  	s3 =	rddreg [dreg:$0x2];
	[bflag:$0x3] =	sbarrier.arrive $0xFFFF;
	s2 =	simm.s32 @!p0 $0x1C01  }
0x62: {  	[timem:s3], [sflag:s2] =	dma.local @!p0 [hbm:s0], s1  }
0x63: {  	s0 =	simm.s32 @!p0 $0x1  }
0x64: {  	_ =	swait.ge @!p0 [sflag:s0], s1  }
0x65: {  	s1 =	ssub.s32 @!p0 $0x0, s1;
	[sflag:s0] =	ssyncset.done @!p0 $0x0  }
0x66: {  	[sflag:s0] =	ssyncadd.s32 @!p0 s1  }
0x67: {  	[bflag:$0x3] =	sbarrier.arrive $0xFFFF  }
0x68: {  	_ =	shalt  }

// kernel: gather_offload_async_start.5
scs
__scs_entry_jumppad:
0x0: {  	(pc) =	sbr.rel $0x88, $3  }
0x1: {  	(tag) =	ssettag $0x0;
	lr =	simm.s32 $0x1  }
0x2: {  	[smem:$0x3F89] =	sst lr;
	_ =	strace $0xD0000000  }
0x3: {  	_ = 	snop  }
0x4: {  	_ = 	snop  }
0x5: {  	_ = 	snop  }
0x6: {  	_ = 	snop  }
0x7: {  	_ = 	snop  }
__scs_overlays_trampoline_lowered:
0x8: {  	[smem:$0x3F98] =	sst s0  }
0x9: {  	[smem:$0x3F99] =	sst s1  }
0xa: {  	[smem:$0x3F9A] =	sst s2  }
0xb: {  	[smem:$0x3F9B] =	sst s3  }
0xc: {  	[smem:$0x3F9C] =	sst s4  }
0xd: {  	[smem:$0x3F9D] =	sst s5  }
0xe: {  	[smem:$0x3F9E] =	sst s6  }
0xf: {  	[smem:$0x3F9F] =	sst s7  }
0x10: {  	[smem:$0x3FA0] =	sst s8  }
0x11: {  	[smem:$0x3FA1] =	sst s9;
	s0 =	simm.s32 @!p0 $0x0  }
0x12: {  	s1 =	sld [smem:$0x3F87];
	s0 =	simm.s32 @p0 $0x1  }
0x13: {  	[smem:$0x3FA2] =	sst s0;
	s0 =	simm.s32 @!p1 $0x0  }
0x14: {  	s2 =	sld [smem:$0x3F86];
	s0 =	simm.s32 @p1 $0x1  }
0x15: {  	[smem:$0x3FA3] =	sst s0;
	s0 =	simm.s32 @!p2 $0x0  }
0x16: {  	s3 =	sld [smem:$0x3FDB];
	s0 =	simm.s32 @p2 $0x1  }
0x17: {  	s4 =	simm.s32 $0x1BF5;
	[smem:$0x3FA5] =	sst s0  }
0x18: {  	s0 =	sld [smem:$0x3F88];
	_ =	swait.ge [sflag:s4], $0x0  }
0x19: {  	s7 =	sld [smem:$0x3F89]  }
0x1a: {  	s8 =	sadd.s32 $0xFFFFE003, lr  }
0x1b: {  	s9 =	sadd.s32 $0xFFFFFEF7, lr;
	s5 =	simm.s32 $0xFFFFFFFF;
	p2 =	slt.u32 s8, $0xFFFFF086  }
0x1c: {  	p1 =	slt.u32 s9, $0xF7A;
	s5 =	simm.s32 @!p2 $0x0  }
0x1d: {  	s5 =	simm.s32 @p1 $0x1;
	p0 =	seq.s32 s7, s2  }
0x1e: {  	s7 =	smul.u32 @!p0 $0xF7A, s2;
	p2 =	seq.s32 @!p0 s5, $0x0  }
0x1f: {  	s9 =	smul.u32 $0xF7A, s1;
	s8 =	simm.s32 @!p0 $0x1BF5;
	p2 =	por !p2, p0  }
0x20: {  	[sflag:s8] =	ssyncset.s32 @!p0 $0xFFFFF086;
	s6 =	sadd.s32 @!p0 s3, s7;
	s7 =	simm.s32 @!p0 $0x108  }
0x21: {  	s3 =	sadd.s32 s3, s9;
	s6 =	sadd.s32 @!p0 $0x88, s6;
	s7 =	simm.s32 @p2 $0x1082  }
0x22: {  	[simem:s7], [sflag:s8] =	dma.local @!p0 [hbm:s6], $0xF7A  }
0x23: {  	s9 =	sor.u32 $0xD0000000, s2;
	s6 =	simm.s32 $0x108;
	_ =	swait.ge @!p0 [sflag:s8], $0x0  }
0x24: {  	s3 =	sadd.s32 $0x88, s3;
	s6 =	simm.s32 @!p1 $0x1082;
	[sflag:s4] =	ssyncset.s32 $0xFFFFF086  }
0x25: {  	[simem:s6], [sflag:s4] =	dma.local [hbm:s3], $0xF7A  }
0x26: {  	[smem:$0x3F89] =	sst s1;
	(tag) =	ssettag s2;
	_ =	strace s9  }
0x27: {  	s1 =	sld [smem:$0x3F99]  }
0x28: {  	s2 =	sld [smem:$0x3F9A]  }
0x29: {  	s4 =	sld [smem:$0x3F9C]  }
0x2a: {  	p0 =	seq.s32 s5, $0x0;
	s5 =	sld [smem:$0x3F9D]  }
0x2b: {  	s6 =	sld [smem:$0x3F9E]  }
0x2c: {  	s7 =	sld [smem:$0x3F9F]  }
0x2d: {  	s3 =	simm.s32 $0x108;
	s8 =	sld [smem:$0x3FA0]  }
0x2e: {  	s3 =	simm.s32 @!p0 $0x1082;
	s9 =	sld [smem:$0x3FA1]  }
0x2f: {  	lr =	sadd.s32 s0, s3;
	s0 =	sld [smem:$0x3F98]  }
0x30: {  	s3 =	sld [smem:$0x3F9B]  }
0x31: {  	[smem:$0x3FA4] =	sst s10  }
0x32: {  	s10 =	sld [smem:$0x3FA2];
	_ =	sdelay $0x3  }
0x33: {  	p0 =	seq.s32 s10, $0x1;
	s10 =	sld [smem:$0x3FA4];
	_ =	sdelay $0x3  }
0x34: {  	[smem:$0x3FA4] =	sst s10  }
0x35: {  	s10 =	sld [smem:$0x3FA3];
	_ =	sdelay $0x3  }
0x36: {  	p1 =	seq.s32 s10, $0x1;
	s10 =	sld [smem:$0x3FA4];
	_ =	sdelay $0x3  }
0x37: {  	[smem:$0x3FA4] =	sst s10  }
0x38: {  	s10 =	sld [smem:$0x3FA5]  }
0x39: {  	_ = 	snop;
	(pc) =	sbr.ind lr, $3  }
0x3a: {  	_ = 	snop  }
0x3b: {  	_ = 	snop  }
0x3c: {  	p2 =	seq.s32 s10, $0x1;
	s10 =	sld [smem:$0x3FA4]  }
0x3d: {  	_ =	shalt  }
0x3e: {  	_ =	shalt  }
0x3f: {  	_ =	shalt  }
0x40: {  	_ =	shalt  }
0x41: {  	_ =	shalt  }
0x42: {  	_ =	shalt  }
0x43: {  	_ =	shalt  }
0x44: {  	_ =	shalt  }
0x45: {  	_ =	shalt  }
0x46: {  	_ =	shalt  }
0x47: {  	_ =	shalt  }
0x48: {  	_ =	shalt  }
0x49: {  	_ =	shalt  }
0x4a: {  	_ =	shalt  }
0x4b: {  	_ =	shalt  }
0x4c: {  	_ =	shalt  }
0x4d: {  	_ =	shalt  }
0x4e: {  	_ =	shalt  }
0x4f: {  	_ =	shalt  }
0x50: {  	_ =	shalt  }
0x51: {  	_ =	shalt  }
0x52: {  	_ =	shalt  }
0x53: {  	_ =	shalt  }
0x54: {  	_ =	shalt  }
0x55: {  	_ =	shalt  }
0x56: {  	_ =	shalt  }
0x57: {  	_ =	shalt  }
0x58: {  	_ =	shalt  }
0x59: {  	_ =	shalt  }
0x5a: {  	_ =	shalt  }
0x5b: {  	_ =	shalt  }
0x5c: {  	_ =	shalt  }
0x5d: {  	_ =	shalt  }
0x5e: {  	_ =	shalt  }
0x5f: {  	_ =	shalt  }
0x60: {  	_ =	shalt  }
0x61: {  	_ =	shalt  }
0x62: {  	_ =	shalt  }
0x63: {  	_ =	shalt  }
0x64: {  	_ =	shalt  }
0x65: {  	_ =	shalt  }
0x66: {  	_ =	shalt  }
0x67: {  	_ =	shalt  }
0x68: {  	_ =	shalt  }
0x69: {  	_ =	shalt  }
0x6a: {  	_ =	shalt  }
0x6b: {  	_ =	shalt  }
0x6c: {  	_ =	shalt  }
0x6d: {  	_ =	shalt  }
0x6e: {  	_ =	shalt  }
0x6f: {  	_ =	shalt  }
0x70: {  	_ =	shalt  }
0x71: {  	_ =	shalt  }
0x72: {  	_ =	shalt  }
0x73: {  	_ =	shalt  }
0x74: {  	_ =	shalt  }
0x75: {  	_ =	shalt  }
0x76: {  	_ =	shalt  }
0x77: {  	_ =	shalt  }
0x78: {  	_ =	shalt  }
0x79: {  	_ =	shalt  }
0x7a: {  	_ =	shalt  }
0x7b: {  	_ =	shalt  }
0x7c: {  	_ =	shalt  }
0x7d: {  	_ =	shalt  }
0x7e: {  	_ =	shalt  }
0x7f: {  	_ =	shalt  }
0x80: {  	_ =	shalt  }
0x81: {  	_ =	shalt  }
0x82: {  	_ =	shalt  }
0x83: {  	_ =	shalt  }
0x84: {  	_ =	shalt  }
0x85: {  	_ =	shalt  }
0x86: {  	_ =	shalt  }
0x87: {  	_ =	shalt  }
.Lfunc_end0:
.L_simem_size_0:
called_computation.9_lowered:
.L_overlay_start_0:
0x88: {  	s2 =	sld [smem:$0x3FD9]  }
0x89: {  	s3 =	sld [smem:$0x3FFE];
	_ =	sdelay $0x1  }
0x8a: {  	s1 =	srdreg.scid  }
0x8b: {  	s0 =	sand.u32 $0x1, s1  }
0x8c: {  	s14 =	sshll.u32 s0, $0xA;
	s2 =	sadd.s32 s3, s2  }
0x8d: {  	s2 =	sadd.s32 s2, s14  }
0x8e: {  	[smem:$0x3FB0] =	sst s2  }
0x8f: {  	_ = 	snop  }
0x90: {  	s2 =	sld [smem:$0x3FD0];
	_ =	sdelay $0x2  }
0x91: {  	s15 =	simm.s32 $0xD;
	s4 =	simm.s32 $0x10  }
0x92: {  	[smem:s4], [sflag:s15] =	dma.local [hbm:s2], $0x1  }
0x93: {  	_ =	swait.eq [sflag:s15], $0x1  }
0x94: {  	[sflag:s15] =	ssyncset.done $0x0  }
0x95: {  	[sflag:s15] =	ssyncadd.s32 $0xFFFFFFFF  }
0x96: {  	s16 =	sld [smem:$0x10];
	(tm) =	ssettm $0x1  }
0x97: {  	s17 =	sld [smem:$0x3FFB];
	_ =	sdelay $0x3  }
0x98: {  	_ =	strace s17  }
0x99: {  	s3 =	sld [smem:$0x3FFC];
	_ =	sdelay $0x3  }
0x9a: {  	_ =	strace s3  }
0x9b: {  	s3 =	sld [smem:$0x3FFD];
	_ =	sdelay $0x3  }
0x9c: {  	_ =	strace s3  }
0x9d: {  	_ =	strace $0x8FFFFFFF  }
0x9e: {  	s18 =	sld [smem:$0x3FDB];
	_ =	sdelay $0x1  }
0x9f: {  	s19 =	simm.s32 $_scs_section_size  }
0xa0: {  	s5 =	simm.s32 $_size__tile_overlayer_lowered;
	s6 =	simm.s32 $_tile_overlayer_lowered  }
0xa1: {  	s22 =	simm.s32 $0x1BFF;
	s21 =	sshll.u32 s6, $0x1;
	s3 =	sadd.s32 s19, s18  }
0xa2: {  	s7 =	simm.s32 $0x0;
	s20 =	sshll.u32 s5, $0x1;
	s5 =	sadd.s32 s21, s3  }
0xa3: {  	[timem:s7], [sflag:s22] =	dma.local [hbm:s5], s20  }
0xa4: {  	_ =	swait.ge [sflag:s22], s20  }
0xa5: {  	s4 =	ssub.s32 $0x0, s20;
	[sflag:s22] =	ssyncset.done $0x0  }
0xa6: {  	[sflag:s22] =	ssyncadd.s32 s4;
	_ =	sdelay $0x1  }
0xa7: {  	s23 =	simm.s32 $0x1B8B  }
0xa8: {  	_ =	swait.ge [sflag:s23], $0x1  }
0xa9: {  	[sflag:s23] =	ssyncset.done $0x0  }
0xaa: {  	s25 =	simm.s32 $0x1B8E;
	s24 =	sld [smem:$0x3FFE];
	[sflag:s23] =	ssyncadd.s32 $0xFFFFFFFF  }
0xab: {  	s26 =	simm.s32 $execute0_lowered;
	[smem:$0x3FD2] =	sst s25  }
0xac: {  	s5 =	sshll.u32 s26, $0x1;
	_ =	strace $0x80000055;
	[dreg:$0x1] =	wrdreg $0xFFFFFFFF  }
0xad: {  	s28 =	simm.s32 $_size_execute0_lowered;
	s3 =	sadd.s32 s3, s5;
	[dreg:$0x0] =	wrdreg $0x0  }
0xae: {  	s5 =	sshll.u32 s28, $0x1;
	[dreg:$0x2] =	wrdreg s3  }
0xaf: {  	[dreg:$0x3] =	wrdreg s5  }
0xb0: {  	[dreg:$0x4] =	wrdreg $0xC0  }
0xb1: {  	_ =	task [dreg:s7], $0x5FFFF  }
0xb2: {  	[dreg:$0x1] =	wrdreg $0xFFFFFFFF  }
0xb3: {  	[dreg:$0x0] =	wrdreg $0x60  }
0xb4: {  	[dreg:$0x2] =	wrdreg s24  }
0xb5: {  	[dreg:$0x3] =	wrdreg s16  }
0xb6: {  	[dreg:$0x4] =	wrdreg $0xA  }
0xb7: {  	_ =	task.clear_ibuf [dreg:s7], $0x5FFFF;
	_ =	strace $0x90000055  }
0xb8: {  	s29 =	simm.s32 $0xA;
	_ =	strace $0x80000057  }
0xb9: {  	_ =	swait.ge [sflag:s29], $0x1  }
0xba: {  	[sflag:s29] =	ssyncadd.s32 $0xFFFFFFFF  }
0xbb: {  	_ =	strace $0x90000057  }
0xbc: {  	_ =	sfence  }
0xbd: {  	s30 =	sld [smem:$0x0];
	_ =	sdelay $0x2  }
0xbe: {  	s31 =	sshll.u32 s1, $0xD;
	s1 =	sshrl.u32 s1, $0x2  }
0xbf: {  	s3 =	sand.u32 $0x4000, s31;
	s1 =	sadd.s32 s1, s30  }
0xc0: {  	s0 =	sor.u32 s3, s0;
	s1 =	sshll.u32 s1, $0x11  }
0xc1: {  	s0 =	sor.u32 s1, s0  }
0xc2: {  	s0 =	sadd.s32 $0x8F2B, s0  }
0xc3: {  	[sflag:s0] =	ssyncadd.remote.s32 $0x1  }
0xc4: {  	_ =	sfence.sel $0xFFFF  }
0xc5: {  	[dreg:$0x0] =	wrdreg $0xFFFFFFFF;
	(pc) =	sbr.abs _section_cstart, $3  }
0xc6: {  	[dreg:$0x1] =	wrdreg $0xFFFFFFFF  }
0xc7: {  	_ =	task.clear_ibuf [dreg:s7], $0x2FFFF;
	_ =	strace $0x9FFFFFFF  }
0xc8: {  	(tm) =	ssettm $0x7FFFFFFF  }
0xc9: {  	_ =	shalt  }
tec
execute0_lowered:
.L_overlay_start_1:
0x0: {  	(tag) =	ssettag $0x1  }
0x1: {  	s0 =	srdreg.scid  }
0x2: {  	s1 =	sshll.u32 s0, $0x4  }
0x3: {  	s0 =	stileid.u32;
	s1 =	sand.u32 $0x10, s1  }
0x4: {  	s2 =	sor.u32 s0, s1  }
0x5: {  	s1 =	smul.u32 $0x61, s2  }
0x6: {  	s3 =	smin.u32 s2, $0x15  }
0x7: {  	s1 =	sadd.s32 s3, s1  }
0x8: {  	p0 =	slt.u32 s2, $0x15;
	s2 =	simm.s32 $0x24C0;
	s1 =	smul.u32 $0x60, s1  }
0x9: {  	s2 =	simm.s32 @!p0 $0x2460  }
0xa: {  	s2 =	sadd.s32 s2, s1  }
0xb: {  	s3 =	smin.u32 s2, $0x493E0  }
0xc: {  	s7 =	ssub.s32 s3, s1  }
0xd: {  	p0 =	sgt.s32 s7, $0x0  }
0xe: {  	s7 =	simm.s32 @!p0 $0x0  }
0xf: {  	s9 =	rddreg [dreg:$0x0];
	s31 =	smulhi.u32 $0x2AAAAAAB, s7  }
0x10: {  	s4 =	rddreg [dreg:$0x1];
	s6 =	simm.s32 $0x1  }
0x11: {  	s11 =	simm.s32 $0x3;
	s13 =	simm.s32 $0x0;
	s8 =	sshrl.u32 s31, $0x4  }
0x12: {  	s12 =	simm.s32 $0x0;
	s5 =	sadd.s32 $0x2323800, s9;
	s10 =	smul.u32 $0x60, s8  }
.Ltmp0:
0x13: {  	s9 =	sadd.s32 $0x2630C00, s9;
	s2 =	rddreg [dreg:$0x2];
	(pc) =	sbr.rel .LBB2_1-.Ltmp0, $4  }
0x14: {  	_ =	strace $0x80000056;
	p0 =	sne.s32 s7, s10;
	s10 =	simm.s32 $0x1  }
0x15: {  	[sflag:s6] =	ssyncpa.u1 $0x0;
	s7 =	simm.s32 $0x2;
	s10 =	simm.s32 @!p0 $0x0  }
0x16: {  	[sflag:s7] =	ssyncpa.u1 $0x0;
	p0 =	por $0x0, $0x0;
	s8 =	sadd.s32 s10, s8  }
0x17: {  	vm0 =	vmmov $0xffff;
	[sflag:s11] =	ssyncpa.u1 $0x0;
	s11 =	smov.u32 s1;
	s10 =	sadd.s32 $0x1, s8  }
.LBB2_6:
0x18: {  	[hbm:s17] =	stream.linear.scatter [tilespmem:s14], [sflag:$0x3], $0x200, $0x38;
	[tilespmem:$0x180C0] =	vst v63  }
.LBB2_7:
0x19: {  	s13 =	sadd.s32 $0x60, s11  }
0x1a: {  	s15 =	smov.u32 s1;
	p2 =	slt.s32 s13, s3  }
0x1b: {  	s15 =	smov.u32 @p2 s13;
	p2 =	sne.s32 s12, s10  }
.Ltmp1:
0x1c: {  	p1 =	slt.u32 s12, $0x2;
	(pc) =	sbr.rel @!p2 .LBB2_8-.Ltmp1, $4  }
0x1d: {  	s14 =	simm.s32 @!p1 $0x3  }
0x1e: {  	s16 =	sadd.s32 $0x1, s12;
	_ =	swait.ge @!p1 [sflag:s14], $0xC000  }
0x1f: {  	p0 =	por !p0, !p0;
	s13 =	smov.u32 s11;
	[sflag:s14] =	ssyncset.done @!p1 $0x0  }
0x20: {  	s12 =	smov.u32 s16;
	s11 =	smov.u32 s15;
	[sflag:s14] =	ssyncadd.s32 @!p1 $0xFFFF4000  }
.LBB2_1:
0x21: {  	p1 =	sge.u32 s12, s8  }
0x22: {  	s14 =	sxor.u32 @!p1 $0xFFFFFFFF, s12  }
0x23: {  	s14 =	sand.u32 @!p1 $0x1, s14  }
0x24: {  	s14 =	smul.u32 @!p1 $0x180, s14  }
0x25: {  	s31 =	sadd.s32 $0xFFFFFFFF, s12;
	s15 =	sshrl.u32 @!p1 s11, $0x3  }
0x26: {  	s16 =	sand.u32 @!p1 $0x7, s11;
	s15 =	sadd.s32 @!p1 s4, s15;
	s14 =	sshrl.u32 @!p1 s14, $0x2  }
0x27: {  	[tilespmem:s14], [sflag:$0x2] =	stream.linear.gather @!p1 [hbm4b:s15+s16], $0x60, $0x38;
	[tilespmem:$0x180C0] =	vst v63  }
0x28: {  	p1 =	sge.u32 s31, s8  }
.Ltmp2:
0x29: {  	_ = 	snop;
	(pc) =	sbr.rel @p1 .LBB2_7-.Ltmp2, $1  }
0x2a: {  	_ =	sdelay $0x3  }
0x2b: {  	s14 =	simm.s32 $0x1  }
0x2c: {  	s14 =	simm.s32 @!p0 $0x0  }
0x2d: {  	s15 =	smul.u32 $0x180, s14  }
0x2e: {  	_ =	swait.ge [sflag:s7], $0x60  }
0x2f: {  	[sflag:s7] =	ssyncset.done $0x0;
	s15 =	sshrl.u32 s15, $0x2  }
0x30: {  	[sflag:s7] =	ssyncadd.s32 $0xFFFFFFA0;
	s16 =	sadd.s32 $0x0, s15  }
0x31: {  	v0 =	vld.msk [tilespmem:s16+$0x0 ss:$0x1], $0xffff;
	_ =	sdelay $0x4  }
0x32: {  	vm1 =	vgt.s32 v0, $0x0  }
0x33: {  	v0 =	vnsel vm1, $0x0, v0  }
0x34: {  	v0 =	vmin.u32 v0, $0xC34F  }
0x35: {  	v0 =	vshll.u32 v0, $0x6  }
0x36: {  	s14 =	smul.u32 $0x30000, s14;
	_ =	sdelay $0x1  }
0x37: {  	s14 =	sshrl.u32 s14, $0x2  }
0x38: {  	s14 =	sor.u32 $0xC0, s14;
	s31 =	sadd.s32 $0x10, s15  }
0x39: {  	[tilespmem:s14], [sflag:$0x1] =	stream.indirect_vreg.gather [hbm:s5], $0x200, v0, vm0, $0x38;
	[tilespmem:$0x180C0] =	vst v63  }
0x3a: {  	s17 =	simm.s32 $0x80;
	s16 =	smov.u32 s14;
	v0 =	vld.msk [tilespmem:s31+$0x0 ss:$0x1], $0xffff  }
.LBB2_3:
0x3b: {  	p1 =	sne.s32 s17, $0x140;
	_ =	sdelay $0x4  }
0x3c: {  	vm1 =	vgt.s32 v0, $0x0  }
0x3d: {  	v0 =	vnsel vm1, $0x0, v0  }
0x3e: {  	v0 =	vmin.u32 v0, $0xC34F  }
0x3f: {  	v0 =	vshll.u32 v0, $0x6;
	_ =	sdelay $0x1  }
.Ltmp3:
0x40: {  	(pc) =	sbr.rel @p1 .LBB2_3-.Ltmp3, $4  }
0x41: {  	s18 =	sshra.s32 s17, $0x2  }
0x42: {  	s16 =	sadd.s32 $0x2000, s16;
	s18 =	sadd.s32 s18, s15  }
0x43: {  	[tilespmem:s16], [sflag:$0x1] =	stream.indirect_vreg.gather [hbm:s5], $0x200, v0, vm0, $0x38;
	[tilespmem:$0x180C0] =	vst v63  }
0x44: {  	s17 =	sadd.s32 $0x40, s17;
	v0 =	vld.msk [tilespmem:s18+$0x0 ss:$0x1], $0xffff  }
0x45: {  	_ =	sdelay $0x3  }
0x46: {  	vm1 =	vgt.s32 v0, $0x0  }
0x47: {  	v0 =	vnsel vm1, $0x0, v0  }
0x48: {  	v0 =	vmin.u32 v0, $0xC34F  }
0x49: {  	v0 =	vshll.u32 v0, $0x6;
	_ =	sdelay $0x3  }
0x4a: {  	s15 =	sadd.s32 $0x2000, s16  }
0x4b: {  	[tilespmem:s15], [sflag:$0x1] =	stream.indirect_vreg.gather [hbm:s5], $0x200, v0, vm0, $0x38;
	[tilespmem:$0x180C0] =	vst v63  }
0x4c: {  	s13 =	sshll.u32 s13, $0x6;
	_ =	swait.ge [sflag:s6], $0xC000  }
0x4d: {  	s16 =	sadd.s32 $0x200, s14;
	s13 =	sadd.s32 s13, s9;
	[sflag:s6] =	ssyncset.done $0x0  }
0x4e: {  	s17 =	sadd.s32 $0x0, s13;
	s15 =	simm.s32 $0x40;
	[sflag:s6] =	ssyncadd.s32 $0xFFFF4000  }
.LBB2_5:
0x4f: {  	[hbm:s17] =	stream.linear.scatter [tilespmem:s14], [sflag:$0x3], $0x200, $0x38;
	[tilespmem:$0x180C0] =	vst v63  }
0x50: {  	s17 =	smov.u32 s15;
	s14 =	smov.u32 s16;
	p1 =	sne.s32 s15, $0x17C0  }
.Ltmp4:
0x51: {  	s15 =	sadd.s32 $0x40, s15;
	(pc) =	sbr.rel @p1 .LBB2_5-.Ltmp4, $2  }
0x52: {  	_ =	sdelay $0x2  }
0x53: {  	s16 =	sadd.s32 $0x200, s16;
	s17 =	sadd.s32 s17, s13  }
.Ltmp5:
0x54: {  	_ = 	snop;
	(pc) =	sbr.rel .LBB2_6-.Ltmp5, $1  }
0x55: {  	_ =	sdelay $0x3  }
.LBB2_8:
0x56: {  	_ =	sfence.sel $0x180000  }
0x57: {  	s1 =	simm.s32 $0x2;
	[bflag:$0x0] =	sbarrier.arrive $0xFFFF  }
0x58: {  	s30 =	simm.s32 $0x3;
	[sflag:s1] =	ssyncpa.u1 $0x1  }
0x59: {  	s31 =	simm.s32 $0x1;
	[sflag:s30] =	ssyncpa.u1 $0x1  }
0x5a: {  	[sflag:s31] =	ssyncpa.u1 $0x1  }
0x5b: {  	p0 =	sne.s32 s0, $0x0;
	_ =	strace $0x90000056  }
0x5c: {  	s0 =	sadd.s32 @!p0 $0x100000, s2;
	[bflag:$0x2] =	sbarrier.arrive $0xFFFF  }
0x5d: {  	[sflag:s0] =	ssyncadd.tile.s32 @!p0 $0x1;
	_ =	shalt  }
.Lfunc_end2:
_tile_overlayer_lowered:
.L_overlay_start_2:
0x5e: {  	(tag) =	ssettag $0x2  }
0x5f: {  	s0 =	rddreg [dreg:$0x0];
	s2 =	stileid.u32  }
0x60: {  	s1 =	rddreg [dreg:$0x1];
	p0 =	sne.s32 s2, $0x0  }
0x61: {  	s3 =	rddreg [dreg:$0x2];
	[bflag:$0x3] =	sbarrier.arrive $0xFFFF;
	s2 =	simm.s32 @!p0 $0x1C01  }
0x62: {  	[timem:s3], [sflag:s2] =	dma.local @!p0 [hbm:s0], s1  }
0x63: {  	s0 =	simm.s32 @!p0 $0x1  }
0x64: {  	_ =	swait.ge @!p0 [sflag:s0], s1  }
0x65: {  	s1 =	ssub.s32 @!p0 $0x0, s1;
	[sflag:s0] =	ssyncset.done @!p0 $0x0  }
0x66: {  	[sflag:s0] =	ssyncadd.s32 @!p0 s1  }
0x67: {  	[bflag:$0x3] =	sbarrier.arrive $0xFFFF  }
0x68: {  	_ =	shalt  }

// kernel: gather_offload_async_start
scs
__scs_entry_jumppad:
0x0: {  	(pc) =	sbr.rel $0x88, $3  }
0x1: {  	(tag) =	ssettag $0x0;
	lr =	simm.s32 $0x1  }
0x2: {  	[smem:$0x3F89] =	sst lr;
	_ =	strace $0xD0000000  }
0x3: {  	_ = 	snop  }
0x4: {  	_ = 	snop  }
0x5: {  	_ = 	snop  }
0x6: {  	_ = 	snop  }
0x7: {  	_ = 	snop  }
__scs_overlays_trampoline_lowered:
0x8: {  	[smem:$0x3F98] =	sst s0  }
0x9: {  	[smem:$0x3F99] =	sst s1  }
0xa: {  	[smem:$0x3F9A] =	sst s2  }
0xb: {  	[smem:$0x3F9B] =	sst s3  }
0xc: {  	[smem:$0x3F9C] =	sst s4  }
0xd: {  	[smem:$0x3F9D] =	sst s5  }
0xe: {  	[smem:$0x3F9E] =	sst s6  }
0xf: {  	[smem:$0x3F9F] =	sst s7  }
0x10: {  	[smem:$0x3FA0] =	sst s8  }
0x11: {  	[smem:$0x3FA1] =	sst s9;
	s0 =	simm.s32 @!p0 $0x0  }
0x12: {  	s1 =	sld [smem:$0x3F87];
	s0 =	simm.s32 @p0 $0x1  }
0x13: {  	[smem:$0x3FA2] =	sst s0;
	s0 =	simm.s32 @!p1 $0x0  }
0x14: {  	s2 =	sld [smem:$0x3F86];
	s0 =	simm.s32 @p1 $0x1  }
0x15: {  	[smem:$0x3FA3] =	sst s0;
	s0 =	simm.s32 @!p2 $0x0  }
0x16: {  	s3 =	sld [smem:$0x3FDB];
	s0 =	simm.s32 @p2 $0x1  }
0x17: {  	s4 =	simm.s32 $0x1BF5;
	[smem:$0x3FA5] =	sst s0  }
0x18: {  	s0 =	sld [smem:$0x3F88];
	_ =	swait.ge [sflag:s4], $0x0  }
0x19: {  	s7 =	sld [smem:$0x3F89]  }
0x1a: {  	s8 =	sadd.s32 $0xFFFFE003, lr  }
0x1b: {  	s9 =	sadd.s32 $0xFFFFFEF7, lr;
	s5 =	simm.s32 $0xFFFFFFFF;
	p2 =	slt.u32 s8, $0xFFFFF086  }
0x1c: {  	p1 =	slt.u32 s9, $0xF7A;
	s5 =	simm.s32 @!p2 $0x0  }
0x1d: {  	s5 =	simm.s32 @p1 $0x1;
	p0 =	seq.s32 s7, s2  }
0x1e: {  	s7 =	smul.u32 @!p0 $0xF7A, s2;
	p2 =	seq.s32 @!p0 s5, $0x0  }
0x1f: {  	s9 =	smul.u32 $0xF7A, s1;
	s8 =	simm.s32 @!p0 $0x1BF5;
	p2 =	por !p2, p0  }
0x20: {  	[sflag:s8] =	ssyncset.s32 @!p0 $0xFFFFF086;
	s6 =	sadd.s32 @!p0 s3, s7;
	s7 =	simm.s32 @!p0 $0x108  }
0x21: {  	s3 =	sadd.s32 s3, s9;
	s6 =	sadd.s32 @!p0 $0x88, s6;
	s7 =	simm.s32 @p2 $0x1082  }
0x22: {  	[simem:s7], [sflag:s8] =	dma.local @!p0 [hbm:s6], $0xF7A  }
0x23: {  	s9 =	sor.u32 $0xD0000000, s2;
	s6 =	simm.s32 $0x108;
	_ =	swait.ge @!p0 [sflag:s8], $0x0  }
0x24: {  	s3 =	sadd.s32 $0x88, s3;
	s6 =	simm.s32 @!p1 $0x1082;
	[sflag:s4] =	ssyncset.s32 $0xFFFFF086  }
0x25: {  	[simem:s6], [sflag:s4] =	dma.local [hbm:s3], $0xF7A  }
0x26: {  	[smem:$0x3F89] =	sst s1;
	(tag) =	ssettag s2;
	_ =	strace s9  }
0x27: {  	s1 =	sld [smem:$0x3F99]  }
0x28: {  	s2 =	sld [smem:$0x3F9A]  }
0x29: {  	s4 =	sld [smem:$0x3F9C]  }
0x2a: {  	p0 =	seq.s32 s5, $0x0;
	s5 =	sld [smem:$0x3F9D]  }
0x2b: {  	s6 =	sld [smem:$0x3F9E]  }
0x2c: {  	s7 =	sld [smem:$0x3F9F]  }
0x2d: {  	s3 =	simm.s32 $0x108;
	s8 =	sld [smem:$0x3FA0]  }
0x2e: {  	s3 =	simm.s32 @!p0 $0x1082;
	s9 =	sld [smem:$0x3FA1]  }
0x2f: {  	lr =	sadd.s32 s0, s3;
	s0 =	sld [smem:$0x3F98]  }
0x30: {  	s3 =	sld [smem:$0x3F9B]  }
0x31: {  	[smem:$0x3FA4] =	sst s10  }
0x32: {  	s10 =	sld [smem:$0x3FA2];
	_ =	sdelay $0x3  }
0x33: {  	p0 =	seq.s32 s10, $0x1;
	s10 =	sld [smem:$0x3FA4];
	_ =	sdelay $0x3  }
0x34: {  	[smem:$0x3FA4] =	sst s10  }
0x35: {  	s10 =	sld [smem:$0x3FA3];
	_ =	sdelay $0x3  }
0x36: {  	p1 =	seq.s32 s10, $0x1;
	s10 =	sld [smem:$0x3FA4];
	_ =	sdelay $0x3  }
0x37: {  	[smem:$0x3FA4] =	sst s10  }
0x38: {  	s10 =	sld [smem:$0x3FA5]  }
0x39: {  	_ = 	snop;
	(pc) =	sbr.ind lr, $3  }
0x3a: {  	_ = 	snop  }
0x3b: {  	_ = 	snop  }
0x3c: {  	p2 =	seq.s32 s10, $0x1;
	s10 =	sld [smem:$0x3FA4]  }
0x3d: {  	_ =	shalt  }
0x3e: {  	_ =	shalt  }
0x3f: {  	_ =	shalt  }
0x40: {  	_ =	shalt  }
0x41: {  	_ =	shalt  }
0x42: {  	_ =	shalt  }
0x43: {  	_ =	shalt  }
0x44: {  	_ =	shalt  }
0x45: {  	_ =	shalt  }
0x46: {  	_ =	shalt  }
0x47: {  	_ =	shalt  }
0x48: {  	_ =	shalt  }
0x49: {  	_ =	shalt  }
0x4a: {  	_ =	shalt  }
0x4b: {  	_ =	shalt  }
0x4c: {  	_ =	shalt  }
0x4d: {  	_ =	shalt  }
0x4e: {  	_ =	shalt  }
0x4f: {  	_ =	shalt  }
0x50: {  	_ =	shalt  }
0x51: {  	_ =	shalt  }
0x52: {  	_ =	shalt  }
0x53: {  	_ =	shalt  }
0x54: {  	_ =	shalt  }
0x55: {  	_ =	shalt  }
0x56: {  	_ =	shalt  }
0x57: {  	_ =	shalt  }
0x58: {  	_ =	shalt  }
0x59: {  	_ =	shalt  }
0x5a: {  	_ =	shalt  }
0x5b: {  	_ =	shalt  }
0x5c: {  	_ =	shalt  }
0x5d: {  	_ =	shalt  }
0x5e: {  	_ =	shalt  }
0x5f: {  	_ =	shalt  }
0x60: {  	_ =	shalt  }
0x61: {  	_ =	shalt  }
0x62: {  	_ =	shalt  }
0x63: {  	_ =	shalt  }
0x64: {  	_ =	shalt  }
0x65: {  	_ =	shalt  }
0x66: {  	_ =	shalt  }
0x67: {  	_ =	shalt  }
0x68: {  	_ =	shalt  }
0x69: {  	_ =	shalt  }
0x6a: {  	_ =	shalt  }
0x6b: {  	_ =	shalt  }
0x6c: {  	_ =	shalt  }
0x6d: {  	_ =	shalt  }
0x6e: {  	_ =	shalt  }
0x6f: {  	_ =	shalt  }
0x70: {  	_ =	shalt  }
0x71: {  	_ =	shalt  }
0x72: {  	_ =	shalt  }
0x73: {  	_ =	shalt  }
0x74: {  	_ =	shalt  }
0x75: {  	_ =	shalt  }
0x76: {  	_ =	shalt  }
0x77: {  	_ =	shalt  }
0x78: {  	_ =	shalt  }
0x79: {  	_ =	shalt  }
0x7a: {  	_ =	shalt  }
0x7b: {  	_ =	shalt  }
0x7c: {  	_ =	shalt  }
0x7d: {  	_ =	shalt  }
0x7e: {  	_ =	shalt  }
0x7f: {  	_ =	shalt  }
0x80: {  	_ =	shalt  }
0x81: {  	_ =	shalt  }
0x82: {  	_ =	shalt  }
0x83: {  	_ =	shalt  }
0x84: {  	_ =	shalt  }
0x85: {  	_ =	shalt  }
0x86: {  	_ =	shalt  }
0x87: {  	_ =	shalt  }
.Lfunc_end0:
.L_simem_size_0:
called_computation.4_lowered:
.L_overlay_start_0:
0x88: {  	s2 =	sld [smem:$0x3FD9]  }
0x89: {  	s3 =	sld [smem:$0x3FFE];
	_ =	sdelay $0x1  }
0x8a: {  	s1 =	srdreg.scid  }
0x8b: {  	s0 =	sand.u32 $0x1, s1  }
0x8c: {  	s17 =	sshll.u32 s0, $0xA;
	s2 =	sadd.s32 s3, s2  }
0x8d: {  	s2 =	sadd.s32 s2, s17  }
0x8e: {  	[smem:$0x3FB0] =	sst s2  }
0x8f: {  	_ = 	snop  }
0x90: {  	(tm) =	ssettm $0x1  }
0x91: {  	s18 =	sld [smem:$0x3FFB];
	_ =	sdelay $0x3  }
0x92: {  	_ =	strace s18  }
0x93: {  	s2 =	sld [smem:$0x3FFC];
	_ =	sdelay $0x3  }
0x94: {  	_ =	strace s2  }
0x95: {  	s2 =	sld [smem:$0x3FFD];
	_ =	sdelay $0x3  }
0x96: {  	_ =	strace s2  }
0x97: {  	_ =	strace $0x8FFFFFFF  }
0x98: {  	s19 =	sld [smem:$0x3FDB];
	_ =	sdelay $0x1  }
0x99: {  	s20 =	simm.s32 $_scs_section_size  }
0x9a: {  	s4 =	simm.s32 $_size__tile_overlayer_lowered;
	s5 =	simm.s32 $_tile_overlayer_lowered  }
0x9b: {  	s6 =	simm.s32 $0x1BFF;
	s21 =	sshll.u32 s5, $0x1;
	s3 =	sadd.s32 s20, s19  }
0x9c: {  	s22 =	simm.s32 $0x0;
	s4 =	sshll.u32 s4, $0x1;
	s5 =	sadd.s32 s21, s3  }
0x9d: {  	[timem:s22], [sflag:s6] =	dma.local [hbm:s5], s4  }
0x9e: {  	_ =	swait.ge [sflag:s6], s4  }
0x9f: {  	s4 =	ssub.s32 $0x0, s4;
	[sflag:s6] =	ssyncset.done $0x0  }
0xa0: {  	[sflag:s6] =	ssyncadd.s32 s4;
	_ =	sdelay $0x1  }
0xa1: {  	s23 =	simm.s32 $0x1B8B  }
0xa2: {  	_ =	swait.ge [sflag:s23], $0x1  }
0xa3: {  	[sflag:s23] =	ssyncset.done $0x0  }
0xa4: {  	[sflag:s23] =	ssyncadd.s32 $0xFFFFFFFF  }
0xa5: {  	s4 =	sld [smem:$0x0]  }
0xa6: {  	s5 =	sand.u32 $0xFFFFFFFE, s1  }
0xa7: {  	p0 =	sne.s32 s1, s5  }
0xa8: {  	s5 =	sshll.u32 @p0 s5, $0xE  }
0xa9: {  	s5 =	sadd.s32 @p0 $0x11B8D, s5;
	s6 =	sshll.u32 @p0 s4, $0x11  }
0xaa: {  	s5 =	sor.u32 @p0 s6, s5  }
0xab: {  	[sflag:s5] =	ssyncadd.remote.s32 @p0 $0x1;
	_ =	sdelay $0x1  }
0xac: {  	s5 =	simm.s32 @p0 $0x1B8D  }
0xad: {  	_ =	swait.eq @p0 [sflag:s5], $0x1  }
0xae: {  	[sflag:s5] =	ssyncadd.s32 @p0 $0xFFFFFFFF  }
0xaf: {  	s6 =	sshll.u32 @!p0 s1, $0xE  }
0xb0: {  	s6 =	sor.u32 @!p0 $0x4000, s6;
	s5 =	simm.s32 @!p0 $0x1B8D  }
0xb1: {  	s4 =	sshll.u32 @!p0 s4, $0x11;
	s6 =	sadd.s32 @!p0 $0x11B8D, s6;
	_ =	swait.eq @!p0 [sflag:s5], $0x1  }
0xb2: {  	s4 =	sor.u32 @!p0 s4, s6;
	[sflag:s5] =	ssyncadd.s32 @!p0 $0xFFFFFFFF  }
0xb3: {  	s25 =	simm.s32 $0x1B8E;
	s24 =	sld [smem:$0x3FFE];
	[sflag:s4] =	ssyncadd.remote.s32 @!p0 $0x1  }
0xb4: {  	s26 =	simm.s32 $execute0_lowered;
	[smem:$0x3FD2] =	sst s25  }
0xb5: {  	s5 =	sshll.u32 s26, $0x1;
	_ =	strace $0x80000049;
	[dreg:$0x1] =	wrdreg $0xFFFFFFFF  }
0xb6: {  	s28 =	simm.s32 $_size_execute0_lowered;
	s3 =	sadd.s32 s3, s5;
	[dreg:$0x0] =	wrdreg $0x0  }
0xb7: {  	s5 =	sshll.u32 s28, $0x1;
	[dreg:$0x2] =	wrdreg s3  }
0xb8: {  	[dreg:$0x3] =	wrdreg s5  }
0xb9: {  	[dreg:$0x4] =	wrdreg $0xC0  }
0xba: {  	_ =	task [dreg:s22], $0x5FFFF  }
0xbb: {  	[dreg:$0x1] =	wrdreg $0xFFFFFFFF  }
0xbc: {  	[dreg:$0x0] =	wrdreg $0x60  }
0xbd: {  	[dreg:$0x2] =	wrdreg s24  }
0xbe: {  	[dreg:$0x3] =	wrdreg $0x9  }
0xbf: {  	_ =	task.clear_ibuf [dreg:s22], $0x4FFFF;
	_ =	strace $0x90000049  }
0xc0: {  	s29 =	simm.s32 $0x9;
	_ =	strace $0x8000004B  }
0xc1: {  	_ =	swait.ge [sflag:s29], $0x1  }
0xc2: {  	[sflag:s29] =	ssyncadd.s32 $0xFFFFFFFF  }
0xc3: {  	_ =	strace $0x9000004B  }
0xc4: {  	_ =	sfence  }
0xc5: {  	s30 =	sld [smem:$0x0];
	_ =	sdelay $0x2  }
0xc6: {  	s31 =	sshll.u32 s1, $0xD;
	s1 =	sshrl.u32 s1, $0x2  }
0xc7: {  	s4 =	sand.u32 $0x4000, s31;
	s1 =	sadd.s32 s1, s30  }
0xc8: {  	s0 =	sor.u32 s4, s0;
	s1 =	sshll.u32 s1, $0x11  }
0xc9: {  	s0 =	sor.u32 s1, s0  }
0xca: {  	s0 =	sadd.s32 $0x8F2B, s0  }
0xcb: {  	[sflag:s0] =	ssyncadd.remote.s32 $0x1  }
0xcc: {  	_ =	sfence.sel $0xFFFF  }
0xcd: {  	[dreg:$0x0] =	wrdreg $0xFFFFFFFF;
	(pc) =	sbr.abs _section_cstart, $3  }
0xce: {  	[dreg:$0x1] =	wrdreg $0xFFFFFFFF  }
0xcf: {  	_ =	task.clear_ibuf [dreg:s22], $0x2FFFF;
	_ =	strace $0x9FFFFFFF  }
0xd0: {  	(tm) =	ssettm $0x7FFFFFFF  }
0xd1: {  	_ =	shalt  }
tec
execute0_lowered:
.L_overlay_start_1:
0x0: {  	(tag) =	ssettag $0x1  }
0x1: {  	s0 =	srdreg.scid  }
0x2: {  	s1 =	sshll.u32 s0, $0x4  }
0x3: {  	s0 =	stileid.u32;
	s1 =	sand.u32 $0x10, s1  }
0x4: {  	s1 =	sor.u32 s0, s1  }
0x5: {  	s2 =	smul.u32 $0x61, s1  }
0x6: {  	s3 =	smin.u32 s1, $0x15  }
0x7: {  	s2 =	sadd.s32 s3, s2  }
0x8: {  	p0 =	slt.u32 s1, $0x15;
	s1 =	simm.s32 $0x24C0;
	s2 =	smul.u32 $0x60, s2  }
0x9: {  	s1 =	simm.s32 @!p0 $0x2460  }
0xa: {  	s1 =	sadd.s32 s1, s2  }
0xb: {  	s3 =	smin.u32 s1, $0x493E0  }
0xc: {  	s7 =	ssub.s32 s3, s2  }
0xd: {  	p0 =	sgt.s32 s7, $0x0  }
0xe: {  	s7 =	simm.s32 @!p0 $0x0  }
0xf: {  	s31 =	smulhi.u32 $0x2AAAAAAB, s7  }
0x10: {  	s9 =	rddreg [dreg:$0x0];
	s6 =	simm.s32 $0x1;
	s11 =	simm.s32 $0x3  }
0x11: {  	s13 =	simm.s32 $0x0;
	s12 =	simm.s32 $0x0;
	s8 =	sshrl.u32 s31, $0x4  }
0x12: {  	s4 =	sadd.s32 $0x1D09000, s9;
	s5 =	sadd.s32 $0xDD0000, s9;
	s10 =	smul.u32 $0x60, s8  }
.Ltmp0:
0x13: {  	s9 =	sadd.s32 $0x3880400, s9;
	s1 =	rddreg [dreg:$0x1];
	(pc) =	sbr.rel .LBB2_1-.Ltmp0, $4  }
0x14: {  	_ =	strace $0x8000004A;
	p0 =	sne.s32 s7, s10;
	s10 =	simm.s32 $0x1  }
0x15: {  	[sflag:s6] =	ssyncpa.u1 $0x0;
	s7 =	simm.s32 $0x2;
	s10 =	simm.s32 @!p0 $0x0  }
0x16: {  	[sflag:s7] =	ssyncpa.u1 $0x0;
	p0 =	por $0x0, $0x0;
	s8 =	sadd.s32 s10, s8  }
0x17: {  	vm0 =	vmmov $0xffff;
	[sflag:s11] =	ssyncpa.u1 $0x0;
	s11 =	smov.u32 s2;
	s10 =	sadd.s32 $0x1, s8  }
.LBB2_6:
0x18: {  	[hbm:s17] =	stream.linear.scatter [tilespmem:s14], [sflag:$0x3], $0x200, $0x38;
	[tilespmem:$0x180C0] =	vst v63  }
.LBB2_7:
0x19: {  	s13 =	sadd.s32 $0x60, s11  }
0x1a: {  	s15 =	smov.u32 s2;
	p2 =	slt.s32 s13, s3  }
0x1b: {  	s15 =	smov.u32 @p2 s13;
	p2 =	sne.s32 s12, s10  }
.Ltmp1:
0x1c: {  	p1 =	slt.u32 s12, $0x2;
	(pc) =	sbr.rel @!p2 .LBB2_8-.Ltmp1, $4  }
0x1d: {  	s14 =	simm.s32 @!p1 $0x3  }
0x1e: {  	s16 =	sadd.s32 $0x1, s12;
	_ =	swait.ge @!p1 [sflag:s14], $0xC000  }
0x1f: {  	p0 =	por !p0, !p0;
	s13 =	smov.u32 s11;
	[sflag:s14] =	ssyncset.done @!p1 $0x0  }
0x20: {  	s12 =	smov.u32 s16;
	s11 =	smov.u32 s15;
	[sflag:s14] =	ssyncadd.s32 @!p1 $0xFFFF4000  }
.LBB2_1:
0x21: {  	p1 =	sge.u32 s12, s8  }
0x22: {  	s14 =	sxor.u32 @!p1 $0xFFFFFFFF, s12  }
0x23: {  	s14 =	sand.u32 @!p1 $0x1, s14  }
0x24: {  	s14 =	smul.u32 @!p1 $0x180, s14  }
0x25: {  	s31 =	sadd.s32 $0xFFFFFFFF, s12;
	s15 =	sshrl.u32 @!p1 s11, $0x3  }
0x26: {  	s16 =	sand.u32 @!p1 $0x7, s11;
	s15 =	sadd.s32 @!p1 s5, s15;
	s14 =	sshrl.u32 @!p1 s14, $0x2  }
0x27: {  	[tilespmem:s14], [sflag:$0x2] =	stream.linear.gather @!p1 [hbm4b:s15+s16], $0x60, $0x38;
	[tilespmem:$0x180C0] =	vst v63  }
0x28: {  	p1 =	sge.u32 s31, s8  }
.Ltmp2:
0x29: {  	_ = 	snop;
	(pc) =	sbr.rel @p1 .LBB2_7-.Ltmp2, $1  }
0x2a: {  	_ =	sdelay $0x3  }
0x2b: {  	s14 =	simm.s32 $0x1  }
0x2c: {  	s14 =	simm.s32 @!p0 $0x0  }
0x2d: {  	s15 =	smul.u32 $0x180, s14  }
0x2e: {  	_ =	swait.ge [sflag:s7], $0x60  }
0x2f: {  	[sflag:s7] =	ssyncset.done $0x0;
	s15 =	sshrl.u32 s15, $0x2  }
0x30: {  	[sflag:s7] =	ssyncadd.s32 $0xFFFFFFA0;
	s16 =	sadd.s32 $0x0, s15  }
0x31: {  	v0 =	vld.msk [tilespmem:s16+$0x0 ss:$0x1], $0xffff;
	_ =	sdelay $0x4  }
0x32: {  	vm1 =	vgt.s32 v0, $0x0  }
0x33: {  	v0 =	vnsel vm1, $0x0, v0  }
0x34: {  	v0 =	vmin.u32 v0, $0xC34F  }
0x35: {  	v0 =	vshll.u32 v0, $0x6  }
0x36: {  	s14 =	smul.u32 $0x30000, s14;
	_ =	sdelay $0x1  }
0x37: {  	s14 =	sshrl.u32 s14, $0x2  }
0x38: {  	s14 =	sor.u32 $0xC0, s14;
	s31 =	sadd.s32 $0x10, s15  }
0x39: {  	[tilespmem:s14], [sflag:$0x1] =	stream.indirect_vreg.gather [hbm:s4], $0x200, v0, vm0, $0x38;
	[tilespmem:$0x180C0] =	vst v63  }
0x3a: {  	s17 =	simm.s32 $0x80;
	s16 =	smov.u32 s14;
	v0 =	vld.msk [tilespmem:s31+$0x0 ss:$0x1], $0xffff  }
.LBB2_3:
0x3b: {  	p1 =	sne.s32 s17, $0x140;
	_ =	sdelay $0x4  }
0x3c: {  	vm1 =	vgt.s32 v0, $0x0  }
0x3d: {  	v0 =	vnsel vm1, $0x0, v0  }
0x3e: {  	v0 =	vmin.u32 v0, $0xC34F  }
0x3f: {  	v0 =	vshll.u32 v0, $0x6;
	_ =	sdelay $0x1  }
.Ltmp3:
0x40: {  	(pc) =	sbr.rel @p1 .LBB2_3-.Ltmp3, $4  }
0x41: {  	s18 =	sshra.s32 s17, $0x2  }
0x42: {  	s16 =	sadd.s32 $0x2000, s16;
	s18 =	sadd.s32 s18, s15  }
0x43: {  	[tilespmem:s16], [sflag:$0x1] =	stream.indirect_vreg.gather [hbm:s4], $0x200, v0, vm0, $0x38;
	[tilespmem:$0x180C0] =	vst v63  }
0x44: {  	s17 =	sadd.s32 $0x40, s17;
	v0 =	vld.msk [tilespmem:s18+$0x0 ss:$0x1], $0xffff  }
0x45: {  	_ =	sdelay $0x3  }
0x46: {  	vm1 =	vgt.s32 v0, $0x0  }
0x47: {  	v0 =	vnsel vm1, $0x0, v0  }
0x48: {  	v0 =	vmin.u32 v0, $0xC34F  }
0x49: {  	v0 =	vshll.u32 v0, $0x6;
	_ =	sdelay $0x3  }
0x4a: {  	s15 =	sadd.s32 $0x2000, s16  }
0x4b: {  	[tilespmem:s15], [sflag:$0x1] =	stream.indirect_vreg.gather [hbm:s4], $0x200, v0, vm0, $0x38;
	[tilespmem:$0x180C0] =	vst v63  }
0x4c: {  	s13 =	sshll.u32 s13, $0x6;
	_ =	swait.ge [sflag:s6], $0xC000  }
0x4d: {  	s16 =	sadd.s32 $0x200, s14;
	s13 =	sadd.s32 s13, s9;
	[sflag:s6] =	ssyncset.done $0x0  }
0x4e: {  	s17 =	sadd.s32 $0x0, s13;
	s15 =	simm.s32 $0x40;
	[sflag:s6] =	ssyncadd.s32 $0xFFFF4000  }
.LBB2_5:
0x4f: {  	[hbm:s17] =	stream.linear.scatter [tilespmem:s14], [sflag:$0x3], $0x200, $0x38;
	[tilespmem:$0x180C0] =	vst v63  }
0x50: {  	s17 =	smov.u32 s15;
	s14 =	smov.u32 s16;
	p1 =	sne.s32 s15, $0x17C0  }
.Ltmp4:
0x51: {  	s15 =	sadd.s32 $0x40, s15;
	(pc) =	sbr.rel @p1 .LBB2_5-.Ltmp4, $2  }
0x52: {  	_ =	sdelay $0x2  }
0x53: {  	s16 =	sadd.s32 $0x200, s16;
	s17 =	sadd.s32 s17, s13  }
.Ltmp5:
0x54: {  	_ = 	snop;
	(pc) =	sbr.rel .LBB2_6-.Ltmp5, $1  }
0x55: {  	_ =	sdelay $0x3  }
.LBB2_8:
0x56: {  	_ =	sfence.sel $0x180000  }
0x57: {  	s2 =	simm.s32 $0x2;
	[bflag:$0x0] =	sbarrier.arrive $0xFFFF  }
0x58: {  	s30 =	simm.s32 $0x3;
	[sflag:s2] =	ssyncpa.u1 $0x1  }
0x59: {  	s31 =	simm.s32 $0x1;
	[sflag:s30] =	ssyncpa.u1 $0x1  }
0x5a: {  	[sflag:s31] =	ssyncpa.u1 $0x1  }
0x5b: {  	p0 =	sne.s32 s0, $0x0;
	_ =	strace $0x9000004A  }
0x5c: {  	s0 =	sadd.s32 @!p0 $0x100000, s1;
	[bflag:$0x2] =	sbarrier.arrive $0xFFFF  }
0x5d: {  	[sflag:s0] =	ssyncadd.tile.s32 @!p0 $0x1;
	_ =	shalt  }
.Lfunc_end2:
_tile_overlayer_lowered:
.L_overlay_start_2:
0x5e: {  	(tag) =	ssettag $0x2  }
0x5f: {  	s0 =	rddreg [dreg:$0x0];
	s2 =	stileid.u32  }
0x60: {  	s1 =	rddreg [dreg:$0x1];
	p0 =	sne.s32 s2, $0x0  }
0x61: {  	s3 =	rddreg [dreg:$0x2];
	[bflag:$0x3] =	sbarrier.arrive $0xFFFF;
	s2 =	simm.s32 @!p0 $0x1C01  }
0x62: {  	[timem:s3], [sflag:s2] =	dma.local @!p0 [hbm:s0], s1  }
0x63: {  	s0 =	simm.s32 @!p0 $0x1  }
0x64: {  	_ =	swait.ge @!p0 [sflag:s0], s1  }
0x65: {  	s1 =	ssub.s32 @!p0 $0x0, s1;
	[sflag:s0] =	ssyncset.done @!p0 $0x0  }
0x66: {  	[sflag:s0] =	ssyncadd.s32 @!p0 s1  }
0x67: {  	[bflag:$0x3] =	sbarrier.arrive $0xFFFF  }
0x68: {  	_ =	shalt  }

// kernel: scatter_offload_async_start.1
scs
__scs_entry_jumppad:
0x0: {  	(pc) =	sbr.rel $0x88, $3  }
0x1: {  	(tag) =	ssettag $0x0;
	lr =	simm.s32 $0x1  }
0x2: {  	[smem:$0x3F89] =	sst lr;
	_ =	strace $0xD0000000  }
0x3: {  	_ = 	snop  }
0x4: {  	_ = 	snop  }
0x5: {  	_ = 	snop  }
0x6: {  	_ = 	snop  }
0x7: {  	_ = 	snop  }
__scs_overlays_trampoline_lowered:
0x8: {  	[smem:$0x3F98] =	sst s0  }
0x9: {  	[smem:$0x3F99] =	sst s1  }
0xa: {  	[smem:$0x3F9A] =	sst s2  }
0xb: {  	[smem:$0x3F9B] =	sst s3  }
0xc: {  	[smem:$0x3F9C] =	sst s4  }
0xd: {  	[smem:$0x3F9D] =	sst s5  }
0xe: {  	[smem:$0x3F9E] =	sst s6  }
0xf: {  	[smem:$0x3F9F] =	sst s7  }
0x10: {  	[smem:$0x3FA0] =	sst s8  }
0x11: {  	[smem:$0x3FA1] =	sst s9;
	s0 =	simm.s32 @!p0 $0x0  }
0x12: {  	s1 =	sld [smem:$0x3F87];
	s0 =	simm.s32 @p0 $0x1  }
0x13: {  	[smem:$0x3FA2] =	sst s0;
	s0 =	simm.s32 @!p1 $0x0  }
0x14: {  	s2 =	sld [smem:$0x3F86];
	s0 =	simm.s32 @p1 $0x1  }
0x15: {  	[smem:$0x3FA3] =	sst s0;
	s0 =	simm.s32 @!p2 $0x0  }
0x16: {  	s3 =	sld [smem:$0x3FDB];
	s0 =	simm.s32 @p2 $0x1  }
0x17: {  	s4 =	simm.s32 $0x1BF5;
	[smem:$0x3FA5] =	sst s0  }
0x18: {  	s0 =	sld [smem:$0x3F88];
	_ =	swait.ge [sflag:s4], $0x0  }
0x19: {  	s7 =	sld [smem:$0x3F89]  }
0x1a: {  	s8 =	sadd.s32 $0xFFFFE003, lr  }
0x1b: {  	s9 =	sadd.s32 $0xFFFFFEF7, lr;
	s5 =	simm.s32 $0xFFFFFFFF;
	p2 =	slt.u32 s8, $0xFFFFF086  }
0x1c: {  	p1 =	slt.u32 s9, $0xF7A;
	s5 =	simm.s32 @!p2 $0x0  }
0x1d: {  	s5 =	simm.s32 @p1 $0x1;
	p0 =	seq.s32 s7, s2  }
0x1e: {  	s7 =	smul.u32 @!p0 $0xF7A, s2;
	p2 =	seq.s32 @!p0 s5, $0x0  }
0x1f: {  	s9 =	smul.u32 $0xF7A, s1;
	s8 =	simm.s32 @!p0 $0x1BF5;
	p2 =	por !p2, p0  }
0x20: {  	[sflag:s8] =	ssyncset.s32 @!p0 $0xFFFFF086;
	s6 =	sadd.s32 @!p0 s3, s7;
	s7 =	simm.s32 @!p0 $0x108  }
0x21: {  	s3 =	sadd.s32 s3, s9;
	s6 =	sadd.s32 @!p0 $0x88, s6;
	s7 =	simm.s32 @p2 $0x1082  }
0x22: {  	[simem:s7], [sflag:s8] =	dma.local @!p0 [hbm:s6], $0xF7A  }
0x23: {  	s9 =	sor.u32 $0xD0000000, s2;
	s6 =	simm.s32 $0x108;
	_ =	swait.ge @!p0 [sflag:s8], $0x0  }
0x24: {  	s3 =	sadd.s32 $0x88, s3;
	s6 =	simm.s32 @!p1 $0x1082;
	[sflag:s4] =	ssyncset.s32 $0xFFFFF086  }
0x25: {  	[simem:s6], [sflag:s4] =	dma.local [hbm:s3], $0xF7A  }
0x26: {  	[smem:$0x3F89] =	sst s1;
	(tag) =	ssettag s2;
	_ =	strace s9  }
0x27: {  	s1 =	sld [smem:$0x3F99]  }
0x28: {  	s2 =	sld [smem:$0x3F9A]  }
0x29: {  	s4 =	sld [smem:$0x3F9C]  }
0x2a: {  	p0 =	seq.s32 s5, $0x0;
	s5 =	sld [smem:$0x3F9D]  }
0x2b: {  	s6 =	sld [smem:$0x3F9E]  }
0x2c: {  	s7 =	sld [smem:$0x3F9F]  }
0x2d: {  	s3 =	simm.s32 $0x108;
	s8 =	sld [smem:$0x3FA0]  }
0x2e: {  	s3 =	simm.s32 @!p0 $0x1082;
	s9 =	sld [smem:$0x3FA1]  }
0x2f: {  	lr =	sadd.s32 s0, s3;
	s0 =	sld [smem:$0x3F98]  }
0x30: {  	s3 =	sld [smem:$0x3F9B]  }
0x31: {  	[smem:$0x3FA4] =	sst s10  }
0x32: {  	s10 =	sld [smem:$0x3FA2];
	_ =	sdelay $0x3  }
0x33: {  	p0 =	seq.s32 s10, $0x1;
	s10 =	sld [smem:$0x3FA4];
	_ =	sdelay $0x3  }
0x34: {  	[smem:$0x3FA4] =	sst s10  }
0x35: {  	s10 =	sld [smem:$0x3FA3];
	_ =	sdelay $0x3  }
0x36: {  	p1 =	seq.s32 s10, $0x1;
	s10 =	sld [smem:$0x3FA4];
	_ =	sdelay $0x3  }
0x37: {  	[smem:$0x3FA4] =	sst s10  }
0x38: {  	s10 =	sld [smem:$0x3FA5]  }
0x39: {  	_ = 	snop;
	(pc) =	sbr.ind lr, $3  }
0x3a: {  	_ = 	snop  }
0x3b: {  	_ = 	snop  }
0x3c: {  	p2 =	seq.s32 s10, $0x1;
	s10 =	sld [smem:$0x3FA4]  }
0x3d: {  	_ =	shalt  }
0x3e: {  	_ =	shalt  }
0x3f: {  	_ =	shalt  }
0x40: {  	_ =	shalt  }
0x41: {  	_ =	shalt  }
0x42: {  	_ =	shalt  }
0x43: {  	_ =	shalt  }
0x44: {  	_ =	shalt  }
0x45: {  	_ =	shalt  }
0x46: {  	_ =	shalt  }
0x47: {  	_ =	shalt  }
0x48: {  	_ =	shalt  }
0x49: {  	_ =	shalt  }
0x4a: {  	_ =	shalt  }
0x4b: {  	_ =	shalt  }
0x4c: {  	_ =	shalt  }
0x4d: {  	_ =	shalt  }
0x4e: {  	_ =	shalt  }
0x4f: {  	_ =	shalt  }
0x50: {  	_ =	shalt  }
0x51: {  	_ =	shalt  }
0x52: {  	_ =	shalt  }
0x53: {  	_ =	shalt  }
0x54: {  	_ =	shalt  }
0x55: {  	_ =	shalt  }
0x56: {  	_ =	shalt  }
0x57: {  	_ =	shalt  }
0x58: {  	_ =	shalt  }
0x59: {  	_ =	shalt  }
0x5a: {  	_ =	shalt  }
0x5b: {  	_ =	shalt  }
0x5c: {  	_ =	shalt  }
0x5d: {  	_ =	shalt  }
0x5e: {  	_ =	shalt  }
0x5f: {  	_ =	shalt  }
0x60: {  	_ =	shalt  }
0x61: {  	_ =	shalt  }
0x62: {  	_ =	shalt  }
0x63: {  	_ =	shalt  }
0x64: {  	_ =	shalt  }
0x65: {  	_ =	shalt  }
0x66: {  	_ =	shalt  }
0x67: {  	_ =	shalt  }
0x68: {  	_ =	shalt  }
0x69: {  	_ =	shalt  }
0x6a: {  	_ =	shalt  }
0x6b: {  	_ =	shalt  }
0x6c: {  	_ =	shalt  }
0x6d: {  	_ =	shalt  }
0x6e: {  	_ =	shalt  }
0x6f: {  	_ =	shalt  }
0x70: {  	_ =	shalt  }
0x71: {  	_ =	shalt  }
0x72: {  	_ =	shalt  }
0x73: {  	_ =	shalt  }
0x74: {  	_ =	shalt  }
0x75: {  	_ =	shalt  }
0x76: {  	_ =	shalt  }
0x77: {  	_ =	shalt  }
0x78: {  	_ =	shalt  }
0x79: {  	_ =	shalt  }
0x7a: {  	_ =	shalt  }
0x7b: {  	_ =	shalt  }
0x7c: {  	_ =	shalt  }
0x7d: {  	_ =	shalt  }
0x7e: {  	_ =	shalt  }
0x7f: {  	_ =	shalt  }
0x80: {  	_ =	shalt  }
0x81: {  	_ =	shalt  }
0x82: {  	_ =	shalt  }
0x83: {  	_ =	shalt  }
0x84: {  	_ =	shalt  }
0x85: {  	_ =	shalt  }
0x86: {  	_ =	shalt  }
0x87: {  	_ =	shalt  }
.Lfunc_end0:
.L_simem_size_0:
called_computation.1_lowered:
.L_overlay_start_0:
0x88: {  	s2 =	sld [smem:$0x3FD9]  }
0x89: {  	s3 =	sld [smem:$0x3FFE];
	_ =	sdelay $0x1  }
0x8a: {  	s1 =	srdreg.scid  }
0x8b: {  	s0 =	sand.u32 $0x1, s1  }
0x8c: {  	s10 =	sshll.u32 s0, $0xA;
	s2 =	sadd.s32 s3, s2  }
0x8d: {  	s2 =	sadd.s32 s2, s10  }
0x8e: {  	[smem:$0x3FB0] =	sst s2  }
0x8f: {  	_ = 	snop  }
0x90: {  	s2 =	sld [smem:$0x3FD0];
	_ =	sdelay $0x2  }
0x91: {  	s4 =	simm.s32 $0xD;
	s11 =	simm.s32 $0x10  }
0x92: {  	[smem:s11], [sflag:s4] =	dma.local [hbm:s2], $0x1  }
0x93: {  	_ =	swait.eq [sflag:s4], $0x1  }
0x94: {  	[sflag:s4] =	ssyncset.done $0x0  }
0x95: {  	s12 =	sld [smem:$0x10];
	[sflag:s4] =	ssyncadd.s32 $0xFFFFFFFF  }
0x96: {  	s13 =	sld [smem:$0x11];
	(tm) =	ssettm $0x1  }
0x97: {  	s14 =	sld [smem:$0x3FFB];
	_ =	sdelay $0x3  }
0x98: {  	_ =	strace s14  }
0x99: {  	s2 =	sld [smem:$0x3FFC];
	_ =	sdelay $0x3  }
0x9a: {  	_ =	strace s2  }
0x9b: {  	s2 =	sld [smem:$0x3FFD];
	_ =	sdelay $0x3  }
0x9c: {  	_ =	strace s2  }
0x9d: {  	_ =	strace $0x8FFFFFFF  }
0x9e: {  	s15 =	sld [smem:$0x3FDB];
	_ =	sdelay $0x1  }
0x9f: {  	s5 =	simm.s32 $_scs_section_size  }
0xa0: {  	s6 =	simm.s32 $_size__tile_overlayer_lowered;
	s7 =	simm.s32 $_tile_overlayer_lowered  }
0xa1: {  	s19 =	simm.s32 $0x1BFF;
	s17 =	sshll.u32 s7, $0x1;
	s8 =	sadd.s32 s5, s15  }
0xa2: {  	s20 =	simm.s32 $0x0;
	s16 =	sshll.u32 s6, $0x1;
	s18 =	sadd.s32 s17, s8  }
0xa3: {  	[timem:s20], [sflag:s19] =	dma.local [hbm:s18], s16  }
0xa4: {  	_ =	swait.ge [sflag:s19], s16  }
0xa5: {  	s5 =	ssub.s32 $0x0, s16;
	[sflag:s19] =	ssyncset.done $0x0  }
0xa6: {  	[sflag:s19] =	ssyncadd.s32 s5;
	_ =	sdelay $0x1  }
0xa7: {  	s21 =	simm.s32 $0x1B8B  }
0xa8: {  	_ =	swait.ge [sflag:s21], $0x1  }
0xa9: {  	[sflag:s21] =	ssyncset.done $0x0  }
0xaa: {  	[sflag:s21] =	ssyncadd.s32 $0xFFFFFFFF  }
0xab: {  	s5 =	sld [smem:$0x0]  }
0xac: {  	s6 =	sand.u32 $0xFFFFFFFE, s1  }
0xad: {  	p0 =	sne.s32 s1, s6  }
0xae: {  	s6 =	sshll.u32 @p0 s6, $0xE  }
0xaf: {  	s7 =	sadd.s32 @p0 $0x11B8D, s6;
	s9 =	sshll.u32 @p0 s5, $0x11  }
0xb0: {  	s7 =	sor.u32 @p0 s9, s7  }
0xb1: {  	[sflag:s7] =	ssyncadd.remote.s32 @p0 $0x1;
	_ =	sdelay $0x1  }
0xb2: {  	s7 =	simm.s32 @p0 $0x1B8D  }
0xb3: {  	_ =	swait.eq @p0 [sflag:s7], $0x1  }
0xb4: {  	[sflag:s7] =	ssyncadd.s32 @p0 $0xFFFFFFFF  }
0xb5: {  	s9 =	sshll.u32 @!p0 s1, $0xE  }
0xb6: {  	s9 =	sor.u32 @!p0 $0x4000, s9;
	s7 =	simm.s32 @!p0 $0x1B8D  }
0xb7: {  	s11 =	sshll.u32 @!p0 s5, $0x11;
	s10 =	sadd.s32 @!p0 $0x11B8D, s9;
	_ =	swait.eq @!p0 [sflag:s7], $0x1  }
0xb8: {  	[sflag:s7] =	ssyncadd.s32 @!p0 $0xFFFFFFFF;
	s7 =	sor.u32 @!p0 s11, s10  }
0xb9: {  	s23 =	simm.s32 $0x1B8E;
	s22 =	sld [smem:$0x3FFE];
	[sflag:s7] =	ssyncadd.remote.s32 @!p0 $0x1  }
0xba: {  	s24 =	simm.s32 $execute0_lowered;
	[smem:$0x3FD2] =	sst s23  }
0xbb: {  	s10 =	sshll.u32 s24, $0x1;
	_ =	strace $0x80000064;
	[dreg:$0x1] =	wrdreg $0xFFFFFFFF  }
0xbc: {  	s25 =	simm.s32 $_size_execute0_lowered;
	s10 =	sadd.s32 s8, s10;
	[dreg:$0x0] =	wrdreg $0x0  }
0xbd: {  	s11 =	sshll.u32 s25, $0x1;
	[dreg:$0x2] =	wrdreg s10  }
0xbe: {  	[dreg:$0x3] =	wrdreg s11  }
0xbf: {  	[dreg:$0x4] =	wrdreg $0xC0  }
0xc0: {  	s26 =	simm.s32 $execute1_lowered;
	_ =	task [dreg:s20], $0x5FFFF  }
0xc1: {  	s10 =	sshll.u32 s26, $0x1;
	[dreg:$0x1] =	wrdreg $0xFFFFFFFF  }
0xc2: {  	s8 =	sadd.s32 s8, s10;
	[dreg:$0x0] =	wrdreg $0x60  }
0xc3: {  	[dreg:$0x2] =	wrdreg s8  }
0xc4: {  	[dreg:$0x3] =	wrdreg s22  }
0xc5: {  	[dreg:$0x4] =	wrdreg $0xB  }
0xc6: {  	_ =	task.clear_ibuf [dreg:s20], $0x5FFFF;
	_ =	strace $0x90000064  }
0xc7: {  	s28 =	simm.s32 $0xB;
	_ =	strace $0x80000066  }
0xc8: {  	_ =	swait.ge [sflag:s28], $0x1  }
0xc9: {  	[sflag:s28] =	ssyncadd.s32 $0xFFFFFFFF  }
0xca: {  	_ =	strace $0x90000066  }
0xcb: {  	s8 =	sld [smem:$0x0];
	_ =	sdelay $0x3  }
0xcc: {  	s6 =	sadd.s32 @p0 $0x11BF3, s6;
	s10 =	sshll.u32 @p0 s8, $0x11  }
0xcd: {  	s6 =	sor.u32 @p0 s10, s6  }
0xce: {  	[sflag:s6] =	ssyncadd.remote.s32 @p0 $0x1;
	_ =	sdelay $0x1  }
0xcf: {  	s6 =	simm.s32 @p0 $0x1BF3  }
0xd0: {  	_ =	swait.eq @p0 [sflag:s6], $0x1  }
0xd1: {  	[sflag:s6] =	ssyncadd.s32 @p0 $0xFFFFFFFF;
	_ =	sdelay $0x1  }
0xd2: {  	s6 =	simm.s32 @!p0 $0x1BF3  }
0xd3: {  	s9 =	sadd.s32 @!p0 $0x11BF3, s9;
	s8 =	sshll.u32 @!p0 s8, $0x11;
	_ =	swait.eq @!p0 [sflag:s6], $0x1  }
0xd4: {  	[sflag:s6] =	ssyncadd.s32 @!p0 $0xFFFFFFFF;
	s6 =	sor.u32 @!p0 s8, s9  }
0xd5: {  	[sflag:s6] =	ssyncadd.remote.s32 @!p0 $0x1  }
0xd6: {  	_ =	strace $0x80000067;
	[dreg:$0x1] =	wrdreg $0xFFFFFFFF  }
0xd7: {  	[dreg:$0x0] =	wrdreg $0x2030  }
0xd8: {  	[dreg:$0x2] =	wrdreg s22  }
0xd9: {  	[dreg:$0x3] =	wrdreg s13  }
0xda: {  	[dreg:$0x4] =	wrdreg s12  }
0xdb: {  	[dreg:$0x5] =	wrdreg s1  }
0xdc: {  	[dreg:$0x6] =	wrdreg s5  }
0xdd: {  	[dreg:$0x7] =	wrdreg $0xC  }
0xde: {  	_ =	task.clear_ibuf [dreg:s20], $0x8FFFF;
	_ =	strace $0x90000067  }
0xdf: {  	s29 =	simm.s32 $0xC;
	_ =	strace $0x80000069  }
0xe0: {  	_ =	swait.ge [sflag:s29], $0x1  }
0xe1: {  	[sflag:s29] =	ssyncadd.s32 $0xFFFFFFFF  }
0xe2: {  	_ =	strace $0x90000069  }
0xe3: {  	_ =	sfence  }
0xe4: {  	s30 =	sld [smem:$0x0];
	_ =	sdelay $0x2  }
0xe5: {  	s31 =	sshll.u32 s1, $0xD;
	s1 =	sshrl.u32 s1, $0x2  }
0xe6: {  	s4 =	sand.u32 $0x4000, s31;
	s1 =	sadd.s32 s1, s30  }
0xe7: {  	s0 =	sor.u32 s4, s0;
	s1 =	sshll.u32 s1, $0x11  }
0xe8: {  	s0 =	sor.u32 s1, s0  }
0xe9: {  	s0 =	sadd.s32 $0x8F2B, s0  }
0xea: {  	[sflag:s0] =	ssyncadd.remote.s32 $0x1  }
0xeb: {  	_ =	sfence.sel $0xFFFF  }
0xec: {  	[dreg:$0x0] =	wrdreg $0xFFFFFFFF;
	(pc) =	sbr.abs _section_cstart, $3  }
0xed: {  	[dreg:$0x1] =	wrdreg $0xFFFFFFFF  }
0xee: {  	_ =	task.clear_ibuf [dreg:s20], $0x2FFFF;
	_ =	strace $0x9FFFFFFF  }
0xef: {  	(tm) =	ssettm $0x7FFFFFFF  }
tec
execute0_lowered:
.L_overlay_start_1:
0x0: {  	(tag) =	ssettag $0x1  }
0x1: {  	s0 =	rddreg [dreg:$0x0]  }
0x2: {  	s1 =	rddreg [dreg:$0x1]  }
0x3: {  	s2 =	stileid.u32;
	[bflag:$0x3] =	sbarrier.arrive $0xFFFF;
	s3 =	simm.s32 $_size_execute1_lowered  }
0x4: {  	s26 =	srdreg.scid;
	p0 =	sne.s32 s2, $0x0;
	s5 =	sshll.u32 s3, $0x1  }
0x5: {  	s3 =	simm.s32 @!p0 $0x1C3F;
	s4 =	simm.s32 @!p0 $0x4060;
	[dreg:$0x3] =	wrdreg s5  }
0x6: {  	[timem:s4], [sflag:s3] =	dma.local @!p0 [hbm:s0], s5  }
0x7: {  	s0 =	sshll.u32 s26, $0x7  }
0x8: {  	s2 =	sshll.u32 s2, $0x8;
	s0 =	sand.u32 $0x80, s0  }
0x9: {  	s12 =	sor.u32 s2, s0  }
0xa: {  	s28 =	simm.s32 $0x1;
	s29 =	simm.s32 $0x2;
	s0 =	ssub.s32 $0xC300, s12  }
0xb: {  	s9 =	simm.s32 $0x0;
	s14 =	simm.s32 $0x0;
	s0 =	sshrl.u32 s0, $0xC  }
0xc: {  	s30 =	sadd.s32 $0x13FD000, s1;
	s1 =	sadd.s32 $0x17CDA00, s1;
	s0 =	smul.u32 $0x5, s0  }
.Ltmp0:
0xd: {  	_ =	strace $0x80000065;
	[dreg:$0x5] =	wrdreg s30;
	(pc) =	sbr.rel .LBB2_1-.Ltmp0, $4  }
0xe: {  	s7 =	simm.s32 $0x0;
	s11 =	simm.s32 $0x0;
	[dreg:$0x6] =	wrdreg s1  }
0xf: {  	s10 =	simm.s32 $0x0;
	[dreg:$0x4] =	wrdreg s12;
	s31 =	sadd.s32 $0x5, s0  }
0x10: {  	[sflag:s28] =	ssyncpa.u1 $0x0;
	s6 =	sadd.s32 $0x6, s0;
	[dreg:$0x7] =	wrdreg s31  }
0x11: {  	s13 =	simm.s32 $0x0;
	[sflag:s29] =	ssyncpa.u1 $0x0;
	[dreg:$0x8] =	wrdreg s6  }
.LBB2_12:
0x12: {  	s0 =	sshrl.u32 s11, $0x3;
	s7 =	rddreg [dreg:$0x9]  }
0x13: {  	s0 =	smul.u32 $0x1400, s0;
	s1 =	sshll.u32 s7, $0x3  }
0x14: {  	s2 =	sshll.u32 s11, $0x7;
	s1 =	sand.u32 $0xFFFFFC00, s1  }
0x15: {  	s23 =	sand.u32 $0x380, s2;
	s0 =	sadd.s32 s0, s1  }
0x16: {  	s0 =	sor.u32 s23, s0  }
0x17: {  	s24 =	sand.u32 $0x7F, s7;
	s25 =	smulhi.u32 $0xCCCCCCCD, s0  }
0x18: {  	s0 =	sor.u32 s24, s0  }
0x19: {  	s1 =	smulhi.u32 $0xCCCCCCCD, s0;
	s2 =	sshrl.u32 s25, $0x9  }
0x1a: {  	s3 =	smulhi.u32 $0xA7C5AD, s2  }
0x1b: {  	s1 =	sshrl.u32 s1, $0x9  }
0x1c: {  	s29 =	rddreg [dreg:$0x6];
	s1 =	smul.u32 $0x280, s1;
	s3 =	sshrl.u32 s3, $0x7  }
0x1d: {  	s31 =	rddreg [dreg:$0xc];
	s3 =	smul.u32 $0xC350, s3  }
0x1e: {  	s30 =	simm.s32 $0x1400;
	s4 =	rddreg [dreg:$0xd]  }
0x1f: {  	s6 =	rddreg [dreg:$0x8];
	s0 =	ssub.s32 s0, s1;
	s26 =	ssub.s32 s2, s3  }
0x20: {  	s28 =	sshrl.u32 s0, $0x3;
	s0 =	sand.u32 $0x7, s0;
	s1 =	smul.u32 $0x50, s26  }
0x21: {  	s9 =	rddreg [dreg:$0xa];
	s2 =	sadd.s32 s29, s28;
	s0 =	sshll.u32 s0, $0x12  }
0x22: {  	s14 =	rddreg [dreg:$0xb];
	s0 =	sor.u32 $0x400, s0;
	s1 =	sadd.s32 s1, s2  }
0x23: {  	[hbm4b:s1+s0] =	stream.strided.scatter [tilespmem:s4], [sflag:$0x2], s31, s30, s0, $0x38;
	[tilespmem:$0x10000] =	vst v63  }
.LBB2_13:
0x24: {  	p1 =	slt.u32 s13, $0x2  }
0x25: {  	s1 =	smov.u32 s14;
	s2 =	smov.u32 s9;
	p2 =	sgt.s32 @!p1 s14, $0xC2D0  }
0x26: {  	s0 =	sshra.s32 @!p1 s14, $0x1F;
	p3 =	sgt.s32 @!p1 s9, $0x200;
	s3 =	sshra.s32 @!p1 s9, $0x1F  }
0x27: {  	p2 =	por !p2, p1;
	s0 =	sand.u32 @!p1 s0, s14;
	p3 =	por !p3, p1  }
0x28: {  	s3 =	sand.u32 @!p1 s3, s9;
	s1 =	simm.s32 @p2 $0xC2D0;
	s2 =	simm.s32 @p3 $0x200  }
0x29: {  	s0 =	ssub.s32 @!p1 s1, s0;
	s1 =	ssub.s32 @!p1 s2, s3  }
0x2a: {  	s2 =	sadd.s32 @!p1 $0xFFFF3D30, s0;
	s3 =	sadd.s32 @!p1 $0xFFFFFE00, s1  }
0x2b: {  	s0 =	ssub.s32 @!p1 $0xC350, s0;
	p2 =	sgt.s32 @!p1 s2, $0x7F;
	p3 =	sgt.s32 @!p1 s3, $0x7F  }
0x2c: {  	s1 =	ssub.s32 @!p1 $0x280, s1;
	p2 =	por !p2, p1;
	p3 =	por !p3, p1  }
0x2d: {  	s0 =	simm.s32 @!p2 $0x0;
	s1 =	simm.s32 @!p3 $0x0  }
0x2e: {  	s0 =	smul.u32 @!p1 s0, s1  }
0x2f: {  	s4 =	smov.u32 s12;
	s2 =	simm.s32 @!p1 $0x2;
	s1 =	sadd.s32 $0x80, s10  }
0x30: {  	s3 =	sadd.s32 $0x1000, s12;
	p2 =	sgt.s32 s1, $0x203;
	s0 =	sand.u32 @!p1 $0x3FFFFFFF, s0  }
0x31: {  	s4 =	smov.u32 @p2 s3;
	_ =	swait.ge @!p1 [sflag:s2], s0  }
0x32: {  	s1 =	simm.s32 @p2 $0x0;
	p2 =	sgt.s32 s4, $0xC34F;
	s3 =	rddreg [dreg:$0x4]  }
0x33: {  	s4 =	smov.u32 @p2 s3;
	p2 =	sne.s32 s13, s6  }
.Ltmp1:
0x34: {  	_ = 	snop;
	(pc) =	sbr.rel @!p2 .LBB2_14-.Ltmp1, $4  }
0x35: {  	s9 =	smov.u32 s7  }
0x36: {  	s14 =	smov.u32 s11;
	s7 =	smov.u32 s10;
	s11 =	smov.u32 s12  }
0x37: {  	s0 =	ssub.s32 @!p1 $0x0, s0;
	s10 =	smov.u32 s1;
	[sflag:s2] =	ssyncset.done @!p1 $0x0  }
0x38: {  	s13 =	sadd.s32 $0x1, s13;
	[sflag:s2] =	ssyncadd.s32 @!p1 s0;
	s12 =	smov.u32 s4  }
.LBB2_1:
0x39: {  	s0 =	rddreg [dreg:$0x7]  }
0x3a: {  	s5 =	smov.u32 s12;
	p1 =	sge.u32 s13, s0  }
0x3b: {  	s16 =	smov.u32 s10;
	s2 =	rddreg [dreg:$0x5];
	s0 =	sshrl.u32 @!p1 s12, $0x3  }
0x3c: {  	s1 =	sshll.u32 @!p1 s10, $0x3;
	s3 =	sshll.u32 @!p1 s12, $0x7;
	s0 =	smul.u32 @!p1 $0x1400, s0  }
0x3d: {  	p2 =	sgt.s32 @!p1 s12, $0xC2D0;
	s8 =	sshra.s32 @!p1 s12, $0x1F;
	s1 =	sand.u32 @!p1 $0xFFFFFC00, s1  }
0x3e: {  	s17 =	sshra.s32 @!p1 s10, $0x1F;
	s0 =	sadd.s32 @!p1 s0, s1;
	s1 =	sand.u32 @!p1 $0x380, s3  }
0x3f: {  	p2 =	por !p2, p1;
	s3 =	sand.u32 @!p1 $0x7F, s10;
	s0 =	sor.u32 @!p1 s1, s0  }
0x40: {  	s5 =	simm.s32 @p2 $0xC2D0;
	p2 =	sgt.s32 @!p1 s10, $0x200;
	s1 =	sor.u32 @!p1 s3, s0  }
0x41: {  	s8 =	sand.u32 @!p1 s8, s12;
	p2 =	por !p2, p1;
	s3 =	smulhi.u32 @!p1 $0xCCCCCCCD, s1  }
0x42: {  	s17 =	sand.u32 @!p1 s17, s10;
	s16 =	simm.s32 @p2 $0x200;
	s0 =	smulhi.u32 @!p1 $0xCCCCCCCD, s0  }
0x43: {  	s5 =	ssub.s32 @!p1 s5, s8;
	s16 =	ssub.s32 @!p1 s16, s17;
	s3 =	sshrl.u32 @!p1 s3, $0x9  }
0x44: {  	s17 =	sadd.s32 @!p1 $0xFFFFFE00, s16;
	s0 =	sshrl.u32 @!p1 s0, $0x9;
	s3 =	smul.u32 @!p1 $0x280, s3  }
0x45: {  	s16 =	ssub.s32 @!p1 $0x280, s16;
	p3 =	sgt.s32 @!p1 s17, $0x7F;
	s8 =	smulhi.u32 @!p1 $0xA7C5AD, s0  }
0x46: {  	p3 =	por !p3, p1;
	s1 =	ssub.s32 @!p1 s1, s3;
	s3 =	sadd.s32 @!p1 $0xFFFF3D30, s5  }
0x47: {  	s5 =	ssub.s32 @!p1 $0xC350, s5;
	p2 =	sgt.s32 @!p1 s3, $0x7F;
	s3 =	sshrl.u32 @!p1 s8, $0x7  }
0x48: {  	s8 =	sxor.u32 @!p1 $0xFFFFFFFF, s13;
	s3 =	smul.u32 @!p1 $0xC350, s3;
	p2 =	por !p2, p1  }
0x49: {  	s16 =	simm.s32 @!p3 $0x0;
	s8 =	sshll.u32 @!p1 s8, $0xE;
	s5 =	simm.s32 @!p2 $0x0  }
0x4a: {  	s8 =	sand.u32 @!p1 $0x4000, s8;
	s0 =	ssub.s32 @!p1 s0, s3;
	s3 =	smul.u32 @!p1 s5, s16  }
0x4b: {  	s5 =	sshrl.u32 @!p1 s1, $0x3;
	s1 =	sand.u32 @!p1 $0x7, s1;
	s0 =	smul.u32 @!p1 $0x50, s0  }
0x4c: {  	s5 =	sadd.s32 @!p1 s2, s5;
	s1 =	sshll.u32 @!p1 s1, $0x12;
	s3 =	sand.u32 @!p1 $0x3FFFFFFF, s3  }
0x4d: {  	s1 =	sor.u32 @!p1 $0x400, s1;
	s0 =	sadd.s32 @!p1 s0, s5;
	s5 =	simm.s32 @!p1 $0x1400  }
0x4e: {  	[tilespmem:s8], [sflag:$0x1] =	stream.strided.gather @!p1 [hbm4b:s0+s1], s3, s5, s1, $0x38;
	[tilespmem:$0x10000] =	vst v63  }
0x4f: {  	p1 =	seq.s32 s13, $0x0  }
0x50: {  	p2 =	sge.u32 @!p1 s13, s6  }
0x51: {  	p1 =	por p1, p2  }
.Ltmp2:
0x52: {  	_ = 	snop;
	(pc) =	sbr.rel @p1 .LBB2_13-.Ltmp2, $1  }
0x53: {  	_ =	sdelay $0x3  }
0x54: {  	p1 =	sgt.s32 s11, $0xC2D0  }
0x55: {  	s0 =	smov.u32 s11;
	s1 =	sshra.s32 s11, $0x1F;
	s3 =	smov.u32 s7  }
0x56: {  	s5 =	sshra.s32 s7, $0x1F;
	s0 =	simm.s32 @!p1 $0xC2D0;
	p1 =	sgt.s32 s7, $0x200  }
0x57: {  	s1 =	sand.u32 s1, s11;
	s26 =	sand.u32 s5, s7;
	s3 =	simm.s32 @!p1 $0x200  }
0x58: {  	s0 =	ssub.s32 s0, s1;
	s1 =	ssub.s32 s3, s26  }
0x59: {  	s28 =	sadd.s32 $0xFFFF3D30, s0;
	s0 =	ssub.s32 $0xC350, s0;
	s3 =	sadd.s32 $0xFFFFFE00, s1  }
0x5a: {  	p1 =	sgt.s32 s28, $0x7F;
	s1 =	ssub.s32 $0x280, s1;
	p2 =	sgt.s32 s3, $0x7F  }
0x5b: {  	s0 =	simm.s32 @p1 $0x0;
	s1 =	simm.s32 @p2 $0x0  }
0x5c: {  	s0 =	smul.u32 s0, s1;
	s1 =	sadd.s32 $0x80, s11  }
0x5d: {  	p1 =	slt.s32 s1, $0xC350  }
0x5e: {  	s1 =	simm.s32 @!p1 $0xC350  }
0x5f: {  	[dreg:$0xb] =	wrdreg s14;
	s18 =	ssub.s32 s1, s11  }
0x60: {  	[dreg:$0xa] =	wrdreg s9;
	p1 =	slt.s32 s18, $0x1  }
.Ltmp3:
0x61: {  	[dreg:$0x9] =	wrdreg s7;
	s0 =	sand.u32 $0x3FFFFFFF, s0;
	(pc) =	sbr.rel @p1 .LBB2_12-.Ltmp3, $4  }
0x62: {  	s2 =	simm.s32 $0x1;
	s30 =	sshll.u32 s13, $0xE;
	[dreg:$0xc] =	wrdreg s0  }
0x63: {  	s29 =	ssub.s32 $0x0, s0;
	_ =	swait.ge [sflag:s2], s0;
	s0 =	sand.u32 $0x4000, s30  }
0x64: {  	[sflag:s2] =	ssyncset.done $0x0;
	s31 =	sor.u32 $0x8000, s0  }
0x65: {  	[sflag:s2] =	ssyncadd.s32 s29;
	[dreg:$0xd] =	wrdreg s31  }
0x66: {  	s2 =	rddreg [dreg:$0x9]  }
0x67: {  	s1 =	sadd.s32 $0x80, s2  }
0x68: {  	s31 =	rddreg [dreg:$0xd];
	p1 =	slt.s32 s1, $0x204  }
.Ltmp4:
0x69: {  	v0 =	vmov s0;
	v1 =	vmov s31;
	s1 =	simm.s32 @!p1 $0x204;
	(pc) =	sbr.rel .LBB2_4-.Ltmp4, $4  }
0x6a: {  	s1 =	ssub.s32 s1, s2  }
0x6b: {  	s22 =	simm.s32 $0x0;
	s23 =	simm.s32 $0x400;
	s1 =	sadd.s32 $0xF, s1  }
0x6c: {  	s19 =	sand.u32 $0xFFFFFFF0, s1;
	s3 =	sshll.u32 s1, $0x3;
	s20 =	sand.u32 $0xFFFFFF00, s1  }
0x6d: {  	p1 =	slt.s32 s1, $0x100;
	s21 =	sand.u32 $0xFFFFF800, s3;
	p2 =	sge.s32 s20, s19  }
.LBB2_11:
0x6e: {  	s22 =	sadd.s32 $0x1, s22  }
0x6f: {  	p3 =	sne.s32 s22, s18  }
.Ltmp5:
0x70: {  	_ = 	snop;
	(pc) =	sbr.rel @!p3 .LBB2_12-.Ltmp5, $2  }
0x71: {  	_ =	sdelay $0x2  }
0x72: {  	s23 =	sadd.s32 $0x80, s23  }
.LBB2_4:
.Ltmp6:
0x73: {  	(pc) =	sbr.rel @p1 .LBB2_8-.Ltmp6, $2  }
0x74: {  	_ =	sdelay $0x2  }
0x75: {  	s24 =	sshll.u32 s22, $0x7  }
0x76: {  	_ =	sdelay $0x1  }
0x77: {  	s25 =	sand.u32 $0x380, s24;
	s0 =	sadd.s32 $0xFFFFFC00, s23;
	s1 =	sand.u32 $0x3C00, s23  }
0x78: {  	s0 =	sand.u32 $0x3C00, s0;
	s5 =	sor.u32 s25, s1  }
0x79: {  	s0 =	sor.u32 s25, s0;
	v2 =	vld.idx.msk [tilespmem:v0+s5+$0x0 ss:$0x1], $0xffff  }
0x7a: {  	s28 =	sor.u32 $0x10, s5;
	v3 =	vld.idx.msk [tilespmem:v0+s0+$0x0 ss:$0x1], $0xffff  }
0x7b: {  	s26 =	sor.u32 $0x70, s0;
	v7 =	vld.idx.msk [tilespmem:v0+s28+$0x0 ss:$0x1], $0xffff  }
0x7c: {  	s8 =	sor.u32 $0x10, s0;
	v4 =	vld.idx.msk [tilespmem:v0+s26+$0x0 ss:$0x1], $0xffff  }
0x7d: {  	s29 =	sor.u32 $0x20, s0;
	v5 =	vld.idx.msk [tilespmem:v0+s8+$0x0 ss:$0x1], $0xffff  }
0x7e: {  	s30 =	sor.u32 $0x30, s0;
	v8 =	vld.idx.msk [tilespmem:v0+s29+$0x0 ss:$0x1], $0xffff  }
0x7f: {  	s31 =	sor.u32 $0x40, s0;
	v9 =	vld.idx.msk [tilespmem:v0+s30+$0x0 ss:$0x1], $0xffff;
	[tilespmem:v1+s5+$0x0 ss:$0x1] =	vst.idx.msk $0xffff, v2  }
0x80: {  	s4 =	sor.u32 $0x50, s0;
	v10 =	vld.idx.msk [tilespmem:v0+s31+$0x0 ss:$0x1], $0xffff;
	[tilespmem:v1+s0+$0x0 ss:$0x1] =	vst.idx.msk $0xffff, v3  }
0x81: {  	p3 =	sgt.s32 s20, $0x100;
	s3 =	sor.u32 $0x60, s0;
	v11 =	vld.idx.msk [tilespmem:v0+s4+$0x0 ss:$0x1], $0xffff;
	[tilespmem:v1+s26+$0x0 ss:$0x1] =	vst.idx.msk $0xffff, v4  }
.Ltmp7:
0x82: {  	s1 =	sor.u32 $0x30, s5;
	v6 =	vld.idx.msk [tilespmem:v0+s3+$0x0 ss:$0x1], $0xffff;
	[tilespmem:v1+s8+$0x0 ss:$0x1] =	vst.idx.msk $0xffff, v5;
	(pc) =	sbr.rel @!p3 .LBB2_7-.Ltmp7, $4  }
0x83: {  	v2 =	vld.idx.msk [tilespmem:v0+s1+$0x0 ss:$0x1], $0xffff;
	s26 =	sor.u32 $0x20, s5;
	[tilespmem:v1+s29+$0x0 ss:$0x1] =	vst.idx.msk $0xffff, v8  }
0x84: {  	s0 =	sor.u32 $0x50, s5;
	[tilespmem:v1+s30+$0x0 ss:$0x1] =	vst.idx.msk $0xffff, v9;
	v5 =	vld.idx.msk [tilespmem:v0+s26+$0x0 ss:$0x1], $0xffff  }
0x85: {  	s29 =	sor.u32 $0x40, s5;
	s8 =	simm.s32 $0x100;
	[tilespmem:v1+s31+$0x0 ss:$0x1] =	vst.idx.msk $0xffff, v10;
	v4 =	vld.idx.msk [tilespmem:v0+s0+$0x0 ss:$0x1], $0xffff  }
0x86: {  	s31 =	sor.u32 $0x60, s5;
	s30 =	sor.u32 $0x70, s5;
	[tilespmem:v1+s4+$0x0 ss:$0x1] =	vst.idx.msk $0xffff, v11;
	s5 =	sadd.s32 $0x800, s23;
	v3 =	vld.idx.msk [tilespmem:v0+s29+$0x0 ss:$0x1], $0xffff  }
.LBB2_6:
0x87: {  	s4 =	sadd.s32 $0xFFFFFC00, s5;
	s6 =	sand.u32 $0x3C00, s5;
	s8 =	sadd.s32 $0x100, s8;
	[tilespmem:v1+s3+$0x0 ss:$0x1] =	vst.idx.msk $0xffff, v6;
	v6 =	vld.idx.msk [tilespmem:v0+s31+$0x0 ss:$0x1], $0xffff  }
0x88: {  	s3 =	sand.u32 $0x3C00, s4;
	s4 =	sor.u32 s25, s6;
	p3 =	slt.s32 s8, s20;
	[tilespmem:v1+s28+$0x0 ss:$0x1] =	vst.idx.msk $0xffff, v7;
	v7 =	vld.idx.msk [tilespmem:v0+s30+$0x0 ss:$0x1], $0xffff  }
0x89: {  	s6 =	sor.u32 s25, s3;
	v8 =	vld.idx.msk [tilespmem:v0+s4+$0x0 ss:$0x1], $0xffff;
	s28 =	sor.u32 $0x10, s4;
	[tilespmem:v1+s26+$0x0 ss:$0x1] =	vst.idx.msk $0xffff, v5;
	s26 =	sor.u32 $0x20, s4  }
0x8a: {  	v5 =	vld.idx.msk [tilespmem:v0+s6+$0x0 ss:$0x1], $0xffff;
	s2 =	sor.u32 $0x10, s6;
	s7 =	sor.u32 $0x20, s6;
	s17 =	sor.u32 $0x70, s6;
	[tilespmem:v1+s1+$0x0 ss:$0x1] =	vst.idx.msk $0xffff, v2  }
0x8b: {  	s16 =	sor.u32 $0x30, s6;
	s14 =	sor.u32 $0x40, s6;
	s15 =	sor.u32 $0x50, s6;
	v2 =	vld.idx.msk [tilespmem:v0+s17+$0x0 ss:$0x1], $0xffff;
	[tilespmem:v1+s29+$0x0 ss:$0x1] =	vst.idx.msk $0xffff, v3  }
0x8c: {  	s3 =	sor.u32 $0x60, s6;
	s1 =	sor.u32 $0x30, s4;
	s29 =	sor.u32 $0x40, s4;
	v3 =	vld.idx.msk [tilespmem:v0+s2+$0x0 ss:$0x1], $0xffff;
	[tilespmem:v1+s0+$0x0 ss:$0x1] =	vst.idx.msk $0xffff, v4  }
0x8d: {  	s9 =	sor.u32 $0x70, s4;
	s0 =	sor.u32 $0x50, s4;
	v4 =	vld.idx.msk [tilespmem:v0+s7+$0x0 ss:$0x1], $0xffff;
	[tilespmem:v1+s31+$0x0 ss:$0x1] =	vst.idx.msk $0xffff, v6;
	s31 =	sor.u32 $0x60, s4  }
0x8e: {  	v9 =	vld.idx.msk [tilespmem:v0+s16+$0x0 ss:$0x1], $0xffff;
	[tilespmem:v1+s30+$0x0 ss:$0x1] =	vst.idx.msk $0xffff, v7;
	s30 =	smov.u32 s9  }
0x8f: {  	v10 =	vld.idx.msk [tilespmem:v0+s14+$0x0 ss:$0x1], $0xffff;
	[tilespmem:v1+s4+$0x0 ss:$0x1] =	vst.idx.msk $0xffff, v8  }
0x90: {  	[tilespmem:v1+s6+$0x0 ss:$0x1] =	vst.idx.msk $0xffff, v5;
	v8 =	vld.idx.msk [tilespmem:v0+s15+$0x0 ss:$0x1], $0xffff  }
0x91: {  	v6 =	vld.idx.msk [tilespmem:v0+s3+$0x0 ss:$0x1], $0xffff;
	[tilespmem:v1+s17+$0x0 ss:$0x1] =	vst.idx.msk $0xffff, v2  }
.Ltmp8:
0x92: {  	[tilespmem:v1+s2+$0x0 ss:$0x1] =	vst.idx.msk $0xffff, v3;
	v7 =	vld.idx.msk [tilespmem:v0+s28+$0x0 ss:$0x1], $0xffff;
	(pc) =	sbr.rel @p3 .LBB2_6-.Ltmp8, $4  }
0x93: {  	[tilespmem:v1+s7+$0x0 ss:$0x1] =	vst.idx.msk $0xffff, v4;
	v5 =	vld.idx.msk [tilespmem:v0+s26+$0x0 ss:$0x1], $0xffff  }
0x94: {  	[tilespmem:v1+s16+$0x0 ss:$0x1] =	vst.idx.msk $0xffff, v9;
	v2 =	vld.idx.msk [tilespmem:v0+s1+$0x0 ss:$0x1], $0xffff  }
0x95: {  	[tilespmem:v1+s14+$0x0 ss:$0x1] =	vst.idx.msk $0xffff, v10;
	v3 =	vld.idx.msk [tilespmem:v0+s29+$0x0 ss:$0x1], $0xffff  }
0x96: {  	s5 =	sadd.s32 $0x800, s5;
	[tilespmem:v1+s15+$0x0 ss:$0x1] =	vst.idx.msk $0xffff, v8;
	v4 =	vld.idx.msk [tilespmem:v0+s0+$0x0 ss:$0x1], $0xffff  }
.LBB2_7:
0x97: {  	_ =	sdelay $0x3  }
0x98: {  	[tilespmem:v1+s3+$0x0 ss:$0x1] =	vst.idx.msk $0xffff, v6  }
0x99: {  	v62 =	vld.idx.msk [tilespmem:v0+s31+$0x0 ss:$0x1], $0xffff;
	[tilespmem:v1+s28+$0x0 ss:$0x1] =	vst.idx.msk $0xffff, v7  }
0x9a: {  	v63 =	vld.idx.msk [tilespmem:v0+s30+$0x0 ss:$0x1], $0xffff;
	[tilespmem:v1+s26+$0x0 ss:$0x1] =	vst.idx.msk $0xffff, v5  }
0x9b: {  	[tilespmem:v1+s1+$0x0 ss:$0x1] =	vst.idx.msk $0xffff, v2  }
0x9c: {  	[tilespmem:v1+s29+$0x0 ss:$0x1] =	vst.idx.msk $0xffff, v3  }
0x9d: {  	[tilespmem:v1+s0+$0x0 ss:$0x1] =	vst.idx.msk $0xffff, v4  }
0x9e: {  	[tilespmem:v1+s31+$0x0 ss:$0x1] =	vst.idx.msk $0xffff, v62  }
0x9f: {  	[tilespmem:v1+s30+$0x0 ss:$0x1] =	vst.idx.msk $0xffff, v63  }
.LBB2_8:
.Ltmp9:
0xa0: {  	(pc) =	sbr.rel @p2 .LBB2_11-.Ltmp9, $1  }
0xa1: {  	_ =	sdelay $0x3  }
0xa2: {  	s0 =	sand.u32 $0x380, s24;
	s1 =	smov.u32 s21;
	s3 =	smov.u32 s20  }
.LBB2_10:
0xa3: {  	s2 =	sand.u32 $0x3C00, s1  }
0xa4: {  	s4 =	sand.u32 $0x70, s3;
	s2 =	sadd.s32 s24, s2  }
0xa5: {  	s4 =	sor.u32 s0, s4;
	s2 =	sand.u32 $0x3C00, s2  }
0xa6: {  	s3 =	sadd.s32 $0x10, s3;
	s2 =	sor.u32 s2, s4  }
0xa7: {  	p3 =	slt.s32 s3, s19;
	v2 =	vld.idx.msk [tilespmem:v0+s2+$0x0 ss:$0x1], $0xffff  }
.Ltmp10:
0xa8: {  	_ = 	snop;
	(pc) =	sbr.rel @p3 .LBB2_10-.Ltmp10, $2  }
0xa9: {  	_ =	sdelay $0x2  }
0xaa: {  	s1 =	sadd.s32 $0x80, s1;
	[tilespmem:v1+s2+$0x0 ss:$0x1] =	vst.idx.msk $0xffff, v2  }
.Ltmp11:
0xab: {  	_ = 	snop;
	(pc) =	sbr.rel .LBB2_11-.Ltmp11, $1  }
0xac: {  	_ =	sdelay $0x3  }
.LBB2_14:
0xad: {  	_ =	sfence.sel $0x180000  }
0xae: {  	s0 =	simm.s32 $0x1;
	[bflag:$0x0] =	sbarrier.arrive $0xFFFF  }
0xaf: {  	s31 =	simm.s32 $0x2;
	[sflag:s0] =	ssyncpa.u1 $0x1  }
0xb0: {  	[sflag:s31] =	ssyncpa.u1 $0x1  }
0xb1: {  	_ =	strace $0x90000065  }
0xb2: {  	[bflag:$0x2] =	sbarrier.arrive $0xFFFF  }
0xb3: {  	s0 =	rddreg [dreg:$0x2]  }
0xb4: {  	s0 =	sadd.s32 @!p0 $0x100000, s0  }
0xb5: {  	s1 =	rddreg [dreg:$0x3];
	[sflag:s0] =	ssyncadd.tile.s32 @!p0 $0x1;
	s0 =	simm.s32 @!p0 $0x3F  }
0xb6: {  	_ =	swait.ge @!p0 [sflag:s0], s1  }
0xb7: {  	s1 =	ssub.s32 @!p0 $0x0, s1;
	[sflag:s0] =	ssyncset.done @!p0 $0x0  }
0xb8: {  	[sflag:s0] =	ssyncadd.s32 @!p0 s1  }
0xb9: {  	[bflag:$0x3] =	sbarrier.arrive $0xFFFF  }
0xba: {  	_ =	shalt  }
.Lfunc_end2:
execute1_lowered:
.L_overlay_start_2:
0xbb: {  	(tag) =	ssettag $0x2  }
0xbc: {  	s7 =	rddreg [dreg:$0x0]  }
0xbd: {  	s5 =	rddreg [dreg:$0x1]  }
0xbe: {  	s6 =	rddreg [dreg:$0x2]  }
0xbf: {  	s2 =	rddreg [dreg:$0x3];
	_ =	strace $0x80000068;
	s0 =	simm.s32 $0x1  }
0xc0: {  	v0 =	vimm.s32 $0x0;
	[sflag:s0] =	ssyncpa.u1 $0x0  }
0xc1: {  	[tilespmem:$0x428] =	vst v0  }
0xc2: {  	[tilespmem:$0x438] =	vst v0  }
0xc3: {  	[tilespmem:$0x448] =	vst v0  }
0xc4: {  	[tilespmem:$0x458] =	vst v0  }
0xc5: {  	[tilespmem:$0x468] =	vst v0  }
0xc6: {  	[tilespmem:$0x478] =	vst v0  }
0xc7: {  	[tilespmem:$0x488] =	vst v0  }
0xc8: {  	[tilespmem:$0x498] =	vst v0  }
0xc9: {  	[tilespmem:$0x4A8] =	vst v0  }
0xca: {  	[tilespmem:$0x4B8] =	vst v0  }
0xcb: {  	[tilespmem:$0x4C8] =	vst v0  }
0xcc: {  	[tilespmem:$0x4D8] =	vst v0  }
0xcd: {  	[tilespmem:$0x4E8] =	vst v0  }
0xce: {  	[tilespmem:$0x4F8] =	vst v0  }
0xcf: {  	[tilespmem:$0x508] =	vst v0  }
0xd0: {  	[tilespmem:$0x518] =	vst v0  }
0xd1: {  	[tilespmem:$0x528] =	vst v0  }
0xd2: {  	[tilespmem:$0x538] =	vst v0  }
0xd3: {  	[tilespmem:$0x548] =	vst v0  }
0xd4: {  	[tilespmem:$0x558] =	vst v0  }
0xd5: {  	[tilespmem:$0x568] =	vst v0  }
0xd6: {  	[tilespmem:$0x578] =	vst v0  }
0xd7: {  	[tilespmem:$0x588] =	vst v0  }
0xd8: {  	[tilespmem:$0x598] =	vst v0  }
0xd9: {  	[tilespmem:$0x5A8] =	vst v0  }
0xda: {  	[tilespmem:$0x5B8] =	vst v0  }
0xdb: {  	[tilespmem:$0x5C8] =	vst v0  }
0xdc: {  	[tilespmem:$0x5D8] =	vst v0  }
0xdd: {  	[tilespmem:$0x5E8] =	vst v0  }
0xde: {  	[tilespmem:$0x5F8] =	vst v0  }
0xdf: {  	[tilespmem:$0x608] =	vst v0  }
0xe0: {  	[tilespmem:$0x618] =	vst v0  }
0xe1: {  	[tilespmem:$0x628] =	vst v0  }
0xe2: {  	[tilespmem:$0x638] =	vst v0  }
0xe3: {  	[tilespmem:$0x648] =	vst v0  }
0xe4: {  	[tilespmem:$0x658] =	vst v0  }
0xe5: {  	[tilespmem:$0x668] =	vst v0  }
0xe6: {  	[tilespmem:$0x678] =	vst v0  }
0xe7: {  	[tilespmem:$0x688] =	vst v0  }
0xe8: {  	[tilespmem:$0x698] =	vst v0  }
0xe9: {  	[tilespmem:$0x6A8] =	vst v0  }
0xea: {  	[tilespmem:$0x6B8] =	vst v0  }
0xeb: {  	[tilespmem:$0x6C8] =	vst v0  }
0xec: {  	[tilespmem:$0x6D8] =	vst v0  }
0xed: {  	[tilespmem:$0x6E8] =	vst v0  }
0xee: {  	[tilespmem:$0x6F8] =	vst v0  }
0xef: {  	[tilespmem:$0x708] =	vst v0  }
0xf0: {  	[tilespmem:$0x718] =	vst v0  }
0xf1: {  	[tilespmem:$0x728] =	vst v0  }
0xf2: {  	[tilespmem:$0x738] =	vst v0  }
0xf3: {  	[tilespmem:$0x748] =	vst v0  }
0xf4: {  	[tilespmem:$0x758] =	vst v0  }
0xf5: {  	[tilespmem:$0x768] =	vst v0  }
0xf6: {  	[tilespmem:$0x778] =	vst v0  }
0xf7: {  	[tilespmem:$0x788] =	vst v0  }
0xf8: {  	[tilespmem:$0x798] =	vst v0  }
0xf9: {  	[tilespmem:$0x7A8] =	vst v0  }
0xfa: {  	[tilespmem:$0x7B8] =	vst v0  }
0xfb: {  	[tilespmem:$0x7C8] =	vst v0  }
0xfc: {  	[tilespmem:$0x7D8] =	vst v0  }
0xfd: {  	[tilespmem:$0x7E8] =	vst v0  }
0xfe: {  	[tilespmem:$0x7F8] =	vst v0  }
0xff: {  	[tilespmem:$0x808] =	vst v0  }
0x100: {  	[tilespmem:$0x818] =	vst v0  }
0x101: {  	[tilespmem:$0x828] =	vst v0  }
0x102: {  	[tilespmem:$0x838] =	vst v0  }
0x103: {  	[tilespmem:$0x848] =	vst v0  }
0x104: {  	[tilespmem:$0x858] =	vst v0  }
0x105: {  	[tilespmem:$0x868] =	vst v0  }
0x106: {  	[tilespmem:$0x878] =	vst v0  }
0x107: {  	[tilespmem:$0x888] =	vst v0  }
0x108: {  	[tilespmem:$0x898] =	vst v0  }
0x109: {  	[tilespmem:$0x8A8] =	vst v0  }
0x10a: {  	[tilespmem:$0x8B8] =	vst v0  }
0x10b: {  	[tilespmem:$0x8C8] =	vst v0  }
0x10c: {  	[tilespmem:$0x8D8] =	vst v0  }
0x10d: {  	[tilespmem:$0x8E8] =	vst v0  }
0x10e: {  	[tilespmem:$0x8F8] =	vst v0  }
0x10f: {  	[tilespmem:$0x908] =	vst v0  }
0x110: {  	[tilespmem:$0x918] =	vst v0  }
0x111: {  	[tilespmem:$0x928] =	vst v0  }
0x112: {  	[tilespmem:$0x938] =	vst v0  }
0x113: {  	[tilespmem:$0x948] =	vst v0  }
0x114: {  	[tilespmem:$0x958] =	vst v0  }
0x115: {  	[tilespmem:$0x968] =	vst v0  }
0x116: {  	[tilespmem:$0x978] =	vst v0  }
0x117: {  	[tilespmem:$0x988] =	vst v0  }
0x118: {  	[tilespmem:$0x998] =	vst v0  }
0x119: {  	[tilespmem:$0x9A8] =	vst v0  }
0x11a: {  	[tilespmem:$0x9B8] =	vst v0  }
0x11b: {  	[tilespmem:$0x9C8] =	vst v0  }
0x11c: {  	[tilespmem:$0x9D8] =	vst v0  }
0x11d: {  	[tilespmem:$0x9E8] =	vst v0  }
0x11e: {  	[tilespmem:$0x9F8] =	vst v0  }
0x11f: {  	[tilespmem:$0xA08] =	vst v0  }
0x120: {  	[tilespmem:$0xA18] =	vst v0  }
0x121: {  	[tilespmem:$0xA28] =	vst v0  }
0x122: {  	[tilespmem:$0xA38] =	vst v0  }
0x123: {  	[tilespmem:$0xA48] =	vst v0  }
0x124: {  	[tilespmem:$0xA58] =	vst v0  }
0x125: {  	[tilespmem:$0xA68] =	vst v0  }
0x126: {  	[tilespmem:$0xA78] =	vst v0  }
0x127: {  	[tilespmem:$0xA88] =	vst v0  }
0x128: {  	[tilespmem:$0xA98] =	vst v0  }
0x129: {  	[tilespmem:$0xAA8] =	vst v0  }
0x12a: {  	[tilespmem:$0xAB8] =	vst v0  }
0x12b: {  	[tilespmem:$0xAC8] =	vst v0  }
0x12c: {  	[tilespmem:$0xAD8] =	vst v0  }
0x12d: {  	[tilespmem:$0xAE8] =	vst v0  }
0x12e: {  	[tilespmem:$0xAF8] =	vst v0  }
0x12f: {  	[tilespmem:$0xB08] =	vst v0  }
0x130: {  	[tilespmem:$0xB18] =	vst v0  }
0x131: {  	[tilespmem:$0xB28] =	vst v0  }
0x132: {  	[tilespmem:$0xB38] =	vst v0  }
0x133: {  	[tilespmem:$0xB48] =	vst v0  }
0x134: {  	[tilespmem:$0xB58] =	vst v0  }
0x135: {  	[tilespmem:$0xB68] =	vst v0  }
0x136: {  	[tilespmem:$0xB78] =	vst v0  }
0x137: {  	[tilespmem:$0xB88] =	vst v0  }
0x138: {  	[tilespmem:$0xB98] =	vst v0  }
0x139: {  	[tilespmem:$0xBA8] =	vst v0  }
0x13a: {  	[tilespmem:$0xBB8] =	vst v0  }
0x13b: {  	[tilespmem:$0xBC8] =	vst v0  }
0x13c: {  	[tilespmem:$0xBD8] =	vst v0  }
0x13d: {  	[tilespmem:$0xBE8] =	vst v0  }
0x13e: {  	[tilespmem:$0xBF8] =	vst v0  }
0x13f: {  	[tilespmem:$0xC08] =	vst v0  }
0x140: {  	[tilespmem:$0xC18] =	vst v0  }
0x141: {  	[tilespmem:$0xC28] =	vst v0  }
0x142: {  	[tilespmem:$0xC38] =	vst v0  }
0x143: {  	[tilespmem:$0xC48] =	vst v0  }
0x144: {  	[tilespmem:$0xC58] =	vst v0  }
0x145: {  	[tilespmem:$0xC68] =	vst v0  }
0x146: {  	[tilespmem:$0xC78] =	vst v0  }
0x147: {  	[tilespmem:$0xC88] =	vst v0  }
0x148: {  	[tilespmem:$0xC98] =	vst v0  }
0x149: {  	[tilespmem:$0xCA8] =	vst v0  }
0x14a: {  	[tilespmem:$0xCB8] =	vst v0  }
0x14b: {  	[tilespmem:$0xCC8] =	vst v0  }
0x14c: {  	[tilespmem:$0xCD8] =	vst v0  }
0x14d: {  	[tilespmem:$0xCE8] =	vst v0  }
0x14e: {  	[tilespmem:$0xCF8] =	vst v0  }
0x14f: {  	[tilespmem:$0xD08] =	vst v0  }
0x150: {  	[tilespmem:$0xD18] =	vst v0  }
0x151: {  	[tilespmem:$0xD28] =	vst v0  }
0x152: {  	[tilespmem:$0xD38] =	vst v0  }
0x153: {  	[tilespmem:$0xD48] =	vst v0  }
0x154: {  	[tilespmem:$0xD58] =	vst v0  }
0x155: {  	[tilespmem:$0xD68] =	vst v0  }
0x156: {  	[tilespmem:$0xD78] =	vst v0  }
0x157: {  	[tilespmem:$0xD88] =	vst v0  }
0x158: {  	[tilespmem:$0xD98] =	vst v0  }
0x159: {  	[tilespmem:$0xDA8] =	vst v0  }
0x15a: {  	[tilespmem:$0xDB8] =	vst v0  }
0x15b: {  	[tilespmem:$0xDC8] =	vst v0  }
0x15c: {  	[tilespmem:$0xDD8] =	vst v0  }
0x15d: {  	[tilespmem:$0xDE8] =	vst v0  }
0x15e: {  	[tilespmem:$0xDF8] =	vst v0  }
0x15f: {  	[tilespmem:$0xE08] =	vst v0  }
0x160: {  	[tilespmem:$0xE18] =	vst v0  }
0x161: {  	[tilespmem:$0xE28] =	vst v0  }
0x162: {  	[tilespmem:$0xE38] =	vst v0  }
0x163: {  	[tilespmem:$0xE48] =	vst v0  }
0x164: {  	[tilespmem:$0xE58] =	vst v0  }
0x165: {  	[tilespmem:$0xE68] =	vst v0  }
0x166: {  	[tilespmem:$0xE78] =	vst v0  }
0x167: {  	[tilespmem:$0xE88] =	vst v0  }
0x168: {  	[tilespmem:$0xE98] =	vst v0  }
0x169: {  	[tilespmem:$0xEA8] =	vst v0  }
0x16a: {  	[tilespmem:$0xEB8] =	vst v0  }
0x16b: {  	[tilespmem:$0xEC8] =	vst v0  }
0x16c: {  	[tilespmem:$0xED8] =	vst v0  }
0x16d: {  	[tilespmem:$0xEE8] =	vst v0  }
0x16e: {  	[tilespmem:$0xEF8] =	vst v0  }
0x16f: {  	[tilespmem:$0xF08] =	vst v0  }
0x170: {  	[tilespmem:$0xF18] =	vst v0  }
0x171: {  	[tilespmem:$0xF28] =	vst v0  }
0x172: {  	[tilespmem:$0xF38] =	vst v0  }
0x173: {  	[tilespmem:$0xF48] =	vst v0  }
0x174: {  	[tilespmem:$0xF58] =	vst v0  }
0x175: {  	[tilespmem:$0xF68] =	vst v0  }
0x176: {  	[tilespmem:$0xF78] =	vst v0  }
0x177: {  	[tilespmem:$0xF88] =	vst v0  }
0x178: {  	[tilespmem:$0xF98] =	vst v0  }
0x179: {  	[tilespmem:$0xFA8] =	vst v0  }
0x17a: {  	[tilespmem:$0xFB8] =	vst v0  }
0x17b: {  	[tilespmem:$0xFC8] =	vst v0  }
0x17c: {  	[tilespmem:$0xFD8] =	vst v0  }
0x17d: {  	[tilespmem:$0xFE8] =	vst v0  }
0x17e: {  	[tilespmem:$0xFF8] =	vst v0  }
0x17f: {  	[tilespmem:$0x1008] =	vst v0  }
0x180: {  	[tilespmem:$0x1018] =	vst v0  }
0x181: {  	[tilespmem:$0x1028] =	vst v0  }
0x182: {  	[tilespmem:$0x1038] =	vst v0  }
0x183: {  	[tilespmem:$0x1048] =	vst v0  }
0x184: {  	[tilespmem:$0x1058] =	vst v0  }
0x185: {  	[tilespmem:$0x1068] =	vst v0  }
0x186: {  	[tilespmem:$0x1078] =	vst v0  }
0x187: {  	[tilespmem:$0x1088] =	vst v0  }
0x188: {  	[tilespmem:$0x1098] =	vst v0  }
0x189: {  	[tilespmem:$0x10A8] =	vst v0  }
0x18a: {  	[tilespmem:$0x10B8] =	vst v0  }
0x18b: {  	[tilespmem:$0x10C8] =	vst v0  }
0x18c: {  	[tilespmem:$0x10D8] =	vst v0  }
0x18d: {  	[tilespmem:$0x10E8] =	vst v0  }
0x18e: {  	[tilespmem:$0x10F8] =	vst v0  }
0x18f: {  	[tilespmem:$0x1108] =	vst v0  }
0x190: {  	[tilespmem:$0x1118] =	vst v0  }
0x191: {  	[tilespmem:$0x1128] =	vst v0  }
0x192: {  	[tilespmem:$0x1138] =	vst v0  }
0x193: {  	[tilespmem:$0x1148] =	vst v0  }
0x194: {  	[tilespmem:$0x1158] =	vst v0  }
0x195: {  	[tilespmem:$0x1168] =	vst v0  }
0x196: {  	[tilespmem:$0x1178] =	vst v0  }
0x197: {  	[tilespmem:$0x1188] =	vst v0  }
0x198: {  	[tilespmem:$0x1198] =	vst v0  }
0x199: {  	[tilespmem:$0x11A8] =	vst v0  }
0x19a: {  	[tilespmem:$0x11B8] =	vst v0  }
0x19b: {  	[tilespmem:$0x11C8] =	vst v0  }
0x19c: {  	[tilespmem:$0x11D8] =	vst v0  }
0x19d: {  	[tilespmem:$0x11E8] =	vst v0  }
0x19e: {  	[tilespmem:$0x11F8] =	vst v0  }
0x19f: {  	[tilespmem:$0x1208] =	vst v0  }
0x1a0: {  	[tilespmem:$0x1218] =	vst v0  }
0x1a1: {  	[tilespmem:$0x1228] =	vst v0  }
0x1a2: {  	[tilespmem:$0x1238] =	vst v0  }
0x1a3: {  	[tilespmem:$0x1248] =	vst v0  }
0x1a4: {  	[tilespmem:$0x1258] =	vst v0  }
0x1a5: {  	[tilespmem:$0x1268] =	vst v0  }
0x1a6: {  	[tilespmem:$0x1278] =	vst v0  }
0x1a7: {  	[tilespmem:$0x1288] =	vst v0  }
0x1a8: {  	[tilespmem:$0x1298] =	vst v0  }
0x1a9: {  	[tilespmem:$0x12A8] =	vst v0  }
0x1aa: {  	[tilespmem:$0x12B8] =	vst v0  }
0x1ab: {  	[tilespmem:$0x12C8] =	vst v0  }
0x1ac: {  	[tilespmem:$0x12D8] =	vst v0  }
0x1ad: {  	[tilespmem:$0x12E8] =	vst v0  }
0x1ae: {  	[tilespmem:$0x12F8] =	vst v0  }
0x1af: {  	[tilespmem:$0x1308] =	vst v0  }
0x1b0: {  	[tilespmem:$0x1318] =	vst v0  }
0x1b1: {  	[tilespmem:$0x1328] =	vst v0  }
0x1b2: {  	[tilespmem:$0x1338] =	vst v0  }
0x1b3: {  	[tilespmem:$0x1348] =	vst v0  }
0x1b4: {  	[tilespmem:$0x1358] =	vst v0  }
0x1b5: {  	[tilespmem:$0x1368] =	vst v0  }
0x1b6: {  	[tilespmem:$0x1378] =	vst v0  }
0x1b7: {  	[tilespmem:$0x1388] =	vst v0  }
0x1b8: {  	[tilespmem:$0x1398] =	vst v0  }
0x1b9: {  	[tilespmem:$0x13A8] =	vst v0  }
0x1ba: {  	[tilespmem:$0x13B8] =	vst v0  }
0x1bb: {  	[tilespmem:$0x13C8] =	vst v0  }
0x1bc: {  	[tilespmem:$0x13D8] =	vst v0  }
0x1bd: {  	[tilespmem:$0x13E8] =	vst v0  }
0x1be: {  	[tilespmem:$0x13F8] =	vst v0  }
0x1bf: {  	[tilespmem:$0x1408] =	vst v0  }
0x1c0: {  	[tilespmem:$0x1418] =	vst v0  }
0x1c1: {  	[tilespmem:$0x1428] =	vst v0  }
0x1c2: {  	[tilespmem:$0x1438] =	vst v0  }
0x1c3: {  	[tilespmem:$0x1448] =	vst v0  }
0x1c4: {  	[tilespmem:$0x1458] =	vst v0  }
0x1c5: {  	[tilespmem:$0x1468] =	vst v0  }
0x1c6: {  	[tilespmem:$0x1478] =	vst v0  }
0x1c7: {  	[tilespmem:$0x1488] =	vst v0  }
0x1c8: {  	[tilespmem:$0x1498] =	vst v0  }
0x1c9: {  	[tilespmem:$0x14A8] =	vst v0  }
0x1ca: {  	[tilespmem:$0x14B8] =	vst v0  }
0x1cb: {  	[tilespmem:$0x14C8] =	vst v0  }
0x1cc: {  	[tilespmem:$0x14D8] =	vst v0  }
0x1cd: {  	[tilespmem:$0x14E8] =	vst v0  }
0x1ce: {  	[tilespmem:$0x14F8] =	vst v0  }
0x1cf: {  	[tilespmem:$0x1508] =	vst v0  }
0x1d0: {  	[tilespmem:$0x1518] =	vst v0  }
0x1d1: {  	[tilespmem:$0x1528] =	vst v0  }
0x1d2: {  	[tilespmem:$0x1538] =	vst v0  }
0x1d3: {  	[tilespmem:$0x1548] =	vst v0  }
0x1d4: {  	[tilespmem:$0x1558] =	vst v0  }
0x1d5: {  	[tilespmem:$0x1568] =	vst v0  }
0x1d6: {  	[tilespmem:$0x1578] =	vst v0  }
0x1d7: {  	[tilespmem:$0x1588] =	vst v0  }
0x1d8: {  	[tilespmem:$0x1598] =	vst v0  }
0x1d9: {  	[tilespmem:$0x15A8] =	vst v0  }
0x1da: {  	[tilespmem:$0x15B8] =	vst v0  }
0x1db: {  	[tilespmem:$0x15C8] =	vst v0  }
0x1dc: {  	[tilespmem:$0x15D8] =	vst v0  }
0x1dd: {  	[tilespmem:$0x15E8] =	vst v0  }
0x1de: {  	[tilespmem:$0x15F8] =	vst v0  }
0x1df: {  	[tilespmem:$0x1608] =	vst v0  }
0x1e0: {  	[tilespmem:$0x1618] =	vst v0  }
0x1e1: {  	[tilespmem:$0x1628] =	vst v0  }
0x1e2: {  	[tilespmem:$0x1638] =	vst v0  }
0x1e3: {  	[tilespmem:$0x1648] =	vst v0  }
0x1e4: {  	[tilespmem:$0x1658] =	vst v0  }
0x1e5: {  	[tilespmem:$0x1668] =	vst v0  }
0x1e6: {  	[tilespmem:$0x1678] =	vst v0  }
0x1e7: {  	[tilespmem:$0x1688] =	vst v0  }
0x1e8: {  	[tilespmem:$0x1698] =	vst v0  }
0x1e9: {  	[tilespmem:$0x16A8] =	vst v0  }
0x1ea: {  	[tilespmem:$0x16B8] =	vst v0  }
0x1eb: {  	[tilespmem:$0x16C8] =	vst v0  }
0x1ec: {  	[tilespmem:$0x16D8] =	vst v0  }
0x1ed: {  	[tilespmem:$0x16E8] =	vst v0  }
0x1ee: {  	[tilespmem:$0x16F8] =	vst v0  }
0x1ef: {  	[tilespmem:$0x1708] =	vst v0  }
0x1f0: {  	[tilespmem:$0x1718] =	vst v0  }
0x1f1: {  	[tilespmem:$0x1728] =	vst v0  }
0x1f2: {  	[tilespmem:$0x1738] =	vst v0  }
0x1f3: {  	[tilespmem:$0x1748] =	vst v0  }
0x1f4: {  	[tilespmem:$0x1758] =	vst v0  }
0x1f5: {  	[tilespmem:$0x1768] =	vst v0  }
0x1f6: {  	[tilespmem:$0x1778] =	vst v0  }
0x1f7: {  	[tilespmem:$0x1788] =	vst v0  }
0x1f8: {  	[tilespmem:$0x1798] =	vst v0  }
0x1f9: {  	[tilespmem:$0x17A8] =	vst v0  }
0x1fa: {  	[tilespmem:$0x17B8] =	vst v0  }
0x1fb: {  	[tilespmem:$0x17C8] =	vst v0  }
0x1fc: {  	[tilespmem:$0x17D8] =	vst v0  }
0x1fd: {  	[tilespmem:$0x17E8] =	vst v0  }
0x1fe: {  	[tilespmem:$0x17F8] =	vst v0  }
0x1ff: {  	[tilespmem:$0x1808] =	vst v0  }
0x200: {  	[tilespmem:$0x1818] =	vst v0  }
0x201: {  	[tilespmem:$0x1828] =	vst v0  }
0x202: {  	[tilespmem:$0x1838] =	vst v0  }
0x203: {  	[tilespmem:$0x1848] =	vst v0  }
0x204: {  	[tilespmem:$0x1858] =	vst v0  }
0x205: {  	[tilespmem:$0x1868] =	vst v0  }
0x206: {  	[tilespmem:$0x1878] =	vst v0  }
0x207: {  	[tilespmem:$0x1888] =	vst v0  }
0x208: {  	[tilespmem:$0x1898] =	vst v0  }
0x209: {  	[tilespmem:$0x18A8] =	vst v0  }
0x20a: {  	[tilespmem:$0x18B8] =	vst v0  }
0x20b: {  	[tilespmem:$0x18C8] =	vst v0  }
0x20c: {  	[tilespmem:$0x18D8] =	vst v0  }
0x20d: {  	[tilespmem:$0x18E8] =	vst v0  }
0x20e: {  	[tilespmem:$0x18F8] =	vst v0  }
0x20f: {  	[tilespmem:$0x1908] =	vst v0  }
0x210: {  	[tilespmem:$0x1918] =	vst v0  }
0x211: {  	[tilespmem:$0x1928] =	vst v0  }
0x212: {  	[tilespmem:$0x1938] =	vst v0  }
0x213: {  	[tilespmem:$0x1948] =	vst v0  }
0x214: {  	[tilespmem:$0x1958] =	vst v0  }
0x215: {  	[tilespmem:$0x1968] =	vst v0  }
0x216: {  	[tilespmem:$0x1978] =	vst v0  }
0x217: {  	[tilespmem:$0x1988] =	vst v0  }
0x218: {  	[tilespmem:$0x1998] =	vst v0  }
0x219: {  	[tilespmem:$0x19A8] =	vst v0  }
0x21a: {  	[tilespmem:$0x19B8] =	vst v0  }
0x21b: {  	[tilespmem:$0x19C8] =	vst v0  }
0x21c: {  	[tilespmem:$0x19D8] =	vst v0  }
0x21d: {  	[tilespmem:$0x19E8] =	vst v0  }
0x21e: {  	[tilespmem:$0x19F8] =	vst v0  }
0x21f: {  	[tilespmem:$0x2928] =	vst v0  }
0x220: {  	[tilespmem:$0x2918] =	vst v0  }
0x221: {  	[tilespmem:$0x2908] =	vst v0  }
0x222: {  	[tilespmem:$0x28F8] =	vst v0  }
0x223: {  	[tilespmem:$0x2968] =	vst v0  }
0x224: {  	[tilespmem:$0x2958] =	vst v0  }
0x225: {  	[tilespmem:$0x2948] =	vst v0  }
0x226: {  	[tilespmem:$0x2938] =	vst v0  }
0x227: {  	[tilespmem:$0x1A08] =	vst v0  }
0x228: {  	[tilespmem:$0x1A18] =	vst v0  }
0x229: {  	[tilespmem:$0x1A28] =	vst v0  }
0x22a: {  	[tilespmem:$0x1A38] =	vst v0  }
0x22b: {  	[tilespmem:$0x1A48] =	vst v0  }
0x22c: {  	[tilespmem:$0x1A58] =	vst v0  }
0x22d: {  	[tilespmem:$0x1A68] =	vst v0  }
0x22e: {  	[tilespmem:$0x1A78] =	vst v0  }
0x22f: {  	[tilespmem:$0x1A88] =	vst v0  }
0x230: {  	[tilespmem:$0x1A98] =	vst v0  }
0x231: {  	[tilespmem:$0x1AA8] =	vst v0  }
0x232: {  	[tilespmem:$0x1AB8] =	vst v0  }
0x233: {  	[tilespmem:$0x1AC8] =	vst v0  }
0x234: {  	[tilespmem:$0x1AD8] =	vst v0  }
0x235: {  	[tilespmem:$0x1AE8] =	vst v0  }
0x236: {  	[tilespmem:$0x1AF8] =	vst v0  }
0x237: {  	[tilespmem:$0x1B08] =	vst v0  }
0x238: {  	[tilespmem:$0x1B18] =	vst v0  }
0x239: {  	[tilespmem:$0x1B28] =	vst v0  }
0x23a: {  	[tilespmem:$0x1B38] =	vst v0  }
0x23b: {  	[tilespmem:$0x1B48] =	vst v0  }
0x23c: {  	[tilespmem:$0x1B58] =	vst v0  }
0x23d: {  	[tilespmem:$0x1B68] =	vst v0  }
0x23e: {  	[tilespmem:$0x1B78] =	vst v0  }
0x23f: {  	[tilespmem:$0x1B88] =	vst v0  }
0x240: {  	[tilespmem:$0x1B98] =	vst v0  }
0x241: {  	[tilespmem:$0x1BA8] =	vst v0  }
0x242: {  	[tilespmem:$0x1BB8] =	vst v0  }
0x243: {  	[tilespmem:$0x1BC8] =	vst v0  }
0x244: {  	[tilespmem:$0x1BD8] =	vst v0  }
0x245: {  	[tilespmem:$0x1BE8] =	vst v0  }
0x246: {  	[tilespmem:$0x1BF8] =	vst v0  }
0x247: {  	[tilespmem:$0x1C08] =	vst v0  }
0x248: {  	[tilespmem:$0x1C18] =	vst v0  }
0x249: {  	[tilespmem:$0x1C28] =	vst v0  }
0x24a: {  	[tilespmem:$0x1C38] =	vst v0  }
0x24b: {  	[tilespmem:$0x1C48] =	vst v0  }
0x24c: {  	[tilespmem:$0x1C58] =	vst v0  }
0x24d: {  	[tilespmem:$0x1C68] =	vst v0  }
0x24e: {  	[tilespmem:$0x1C78] =	vst v0  }
0x24f: {  	[tilespmem:$0x1C88] =	vst v0  }
0x250: {  	[tilespmem:$0x1C98] =	vst v0  }
0x251: {  	[tilespmem:$0x1CA8] =	vst v0  }
0x252: {  	[tilespmem:$0x1CB8] =	vst v0  }
0x253: {  	[tilespmem:$0x1CC8] =	vst v0  }
0x254: {  	[tilespmem:$0x1CD8] =	vst v0  }
0x255: {  	[tilespmem:$0x1CE8] =	vst v0  }
0x256: {  	[tilespmem:$0x1CF8] =	vst v0  }
0x257: {  	[tilespmem:$0x1D08] =	vst v0  }
0x258: {  	[tilespmem:$0x1D18] =	vst v0  }
0x259: {  	[tilespmem:$0x1D28] =	vst v0  }
0x25a: {  	[tilespmem:$0x1D38] =	vst v0  }
0x25b: {  	[tilespmem:$0x1D48] =	vst v0  }
0x25c: {  	[tilespmem:$0x1D58] =	vst v0  }
0x25d: {  	[tilespmem:$0x1D68] =	vst v0  }
0x25e: {  	[tilespmem:$0x1D78] =	vst v0  }
0x25f: {  	[tilespmem:$0x1D88] =	vst v0  }
0x260: {  	[tilespmem:$0x1D98] =	vst v0  }
0x261: {  	[tilespmem:$0x1DA8] =	vst v0  }
0x262: {  	[tilespmem:$0x1DB8] =	vst v0  }
0x263: {  	[tilespmem:$0x1DC8] =	vst v0  }
0x264: {  	[tilespmem:$0x1DD8] =	vst v0  }
0x265: {  	[tilespmem:$0x1DE8] =	vst v0  }
0x266: {  	[tilespmem:$0x1DF8] =	vst v0  }
0x267: {  	[tilespmem:$0x1E08] =	vst v0  }
0x268: {  	[tilespmem:$0x1E18] =	vst v0  }
0x269: {  	[tilespmem:$0x1E28] =	vst v0  }
0x26a: {  	[tilespmem:$0x1E38] =	vst v0  }
0x26b: {  	[tilespmem:$0x1E48] =	vst v0  }
0x26c: {  	[tilespmem:$0x1E58] =	vst v0  }
0x26d: {  	[tilespmem:$0x1E68] =	vst v0  }
0x26e: {  	[tilespmem:$0x1E78] =	vst v0  }
0x26f: {  	[tilespmem:$0x1E88] =	vst v0  }
0x270: {  	[tilespmem:$0x1E98] =	vst v0  }
0x271: {  	[tilespmem:$0x1EA8] =	vst v0  }
0x272: {  	[tilespmem:$0x1EB8] =	vst v0  }
0x273: {  	[tilespmem:$0x1EC8] =	vst v0  }
0x274: {  	[tilespmem:$0x1ED8] =	vst v0  }
0x275: {  	[tilespmem:$0x1EE8] =	vst v0  }
0x276: {  	[tilespmem:$0x1EF8] =	vst v0  }
0x277: {  	[tilespmem:$0x1F08] =	vst v0  }
0x278: {  	[tilespmem:$0x1F18] =	vst v0  }
0x279: {  	[tilespmem:$0x1F28] =	vst v0  }
0x27a: {  	[tilespmem:$0x1F38] =	vst v0  }
0x27b: {  	[tilespmem:$0x1F48] =	vst v0  }
0x27c: {  	[tilespmem:$0x1F58] =	vst v0  }
0x27d: {  	[tilespmem:$0x1F68] =	vst v0  }
0x27e: {  	[tilespmem:$0x1F78] =	vst v0  }
0x27f: {  	[tilespmem:$0x1F88] =	vst v0  }
0x280: {  	[tilespmem:$0x1F98] =	vst v0  }
0x281: {  	[tilespmem:$0x1FA8] =	vst v0  }
0x282: {  	[tilespmem:$0x1FB8] =	vst v0  }
0x283: {  	[tilespmem:$0x1FC8] =	vst v0  }
0x284: {  	[tilespmem:$0x1FD8] =	vst v0  }
0x285: {  	[tilespmem:$0x1FE8] =	vst v0  }
0x286: {  	[tilespmem:$0x1FF8] =	vst v0  }
0x287: {  	[tilespmem:$0x2008] =	vst v0  }
0x288: {  	[tilespmem:$0x2018] =	vst v0  }
0x289: {  	[tilespmem:$0x2028] =	vst v0  }
0x28a: {  	[tilespmem:$0x2038] =	vst v0  }
0x28b: {  	[tilespmem:$0x2048] =	vst v0  }
0x28c: {  	[tilespmem:$0x2058] =	vst v0  }
0x28d: {  	[tilespmem:$0x2068] =	vst v0  }
0x28e: {  	[tilespmem:$0x2078] =	vst v0  }
0x28f: {  	[tilespmem:$0x2088] =	vst v0  }
0x290: {  	[tilespmem:$0x2098] =	vst v0  }
0x291: {  	[tilespmem:$0x20A8] =	vst v0  }
0x292: {  	[tilespmem:$0x20B8] =	vst v0  }
0x293: {  	[tilespmem:$0x20C8] =	vst v0  }
0x294: {  	[tilespmem:$0x20D8] =	vst v0  }
0x295: {  	[tilespmem:$0x20E8] =	vst v0  }
0x296: {  	[tilespmem:$0x20F8] =	vst v0  }
0x297: {  	[tilespmem:$0x2108] =	vst v0  }
0x298: {  	[tilespmem:$0x2118] =	vst v0  }
0x299: {  	[tilespmem:$0x2128] =	vst v0  }
0x29a: {  	[tilespmem:$0x2138] =	vst v0  }
0x29b: {  	[tilespmem:$0x2148] =	vst v0  }
0x29c: {  	[tilespmem:$0x2158] =	vst v0  }
0x29d: {  	[tilespmem:$0x2168] =	vst v0  }
0x29e: {  	[tilespmem:$0x2178] =	vst v0  }
0x29f: {  	[tilespmem:$0x2188] =	vst v0  }
0x2a0: {  	[tilespmem:$0x2198] =	vst v0  }
0x2a1: {  	[tilespmem:$0x21A8] =	vst v0  }
0x2a2: {  	[tilespmem:$0x21B8] =	vst v0  }
0x2a3: {  	[tilespmem:$0x21C8] =	vst v0  }
0x2a4: {  	[tilespmem:$0x21D8] =	vst v0  }
0x2a5: {  	[tilespmem:$0x21E8] =	vst v0  }
0x2a6: {  	[tilespmem:$0x21F8] =	vst v0  }
0x2a7: {  	[tilespmem:$0x2208] =	vst v0  }
0x2a8: {  	[tilespmem:$0x2218] =	vst v0  }
0x2a9: {  	[tilespmem:$0x2228] =	vst v0  }
0x2aa: {  	[tilespmem:$0x2238] =	vst v0  }
0x2ab: {  	[tilespmem:$0x2248] =	vst v0  }
0x2ac: {  	[tilespmem:$0x2258] =	vst v0  }
0x2ad: {  	[tilespmem:$0x2268] =	vst v0  }
0x2ae: {  	[tilespmem:$0x2278] =	vst v0  }
0x2af: {  	[tilespmem:$0x2288] =	vst v0  }
0x2b0: {  	[tilespmem:$0x2298] =	vst v0  }
0x2b1: {  	[tilespmem:$0x22A8] =	vst v0  }
0x2b2: {  	[tilespmem:$0x22B8] =	vst v0  }
0x2b3: {  	[tilespmem:$0x22C8] =	vst v0  }
0x2b4: {  	[tilespmem:$0x22D8] =	vst v0  }
0x2b5: {  	[tilespmem:$0x22E8] =	vst v0  }
0x2b6: {  	[tilespmem:$0x22F8] =	vst v0  }
0x2b7: {  	[tilespmem:$0x2308] =	vst v0  }
0x2b8: {  	[tilespmem:$0x2318] =	vst v0  }
0x2b9: {  	[tilespmem:$0x2328] =	vst v0  }
0x2ba: {  	[tilespmem:$0x2338] =	vst v0  }
0x2bb: {  	[tilespmem:$0x2348] =	vst v0  }
0x2bc: {  	[tilespmem:$0x2358] =	vst v0  }
0x2bd: {  	[tilespmem:$0x2368] =	vst v0  }
0x2be: {  	[tilespmem:$0x2378] =	vst v0  }
0x2bf: {  	[tilespmem:$0x2388] =	vst v0  }
0x2c0: {  	[tilespmem:$0x2398] =	vst v0  }
0x2c1: {  	[tilespmem:$0x23A8] =	vst v0  }
0x2c2: {  	[tilespmem:$0x23B8] =	vst v0  }
0x2c3: {  	[tilespmem:$0x23C8] =	vst v0  }
0x2c4: {  	[tilespmem:$0x23D8] =	vst v0  }
0x2c5: {  	[tilespmem:$0x23E8] =	vst v0  }
0x2c6: {  	[tilespmem:$0x23F8] =	vst v0  }
0x2c7: {  	[tilespmem:$0x2408] =	vst v0  }
0x2c8: {  	[tilespmem:$0x2418] =	vst v0  }
0x2c9: {  	[tilespmem:$0x2428] =	vst v0  }
0x2ca: {  	[tilespmem:$0x2438] =	vst v0  }
0x2cb: {  	[tilespmem:$0x2448] =	vst v0  }
0x2cc: {  	[tilespmem:$0x2458] =	vst v0  }
0x2cd: {  	[tilespmem:$0x2468] =	vst v0  }
0x2ce: {  	[tilespmem:$0x2478] =	vst v0  }
0x2cf: {  	[tilespmem:$0x2488] =	vst v0  }
0x2d0: {  	[tilespmem:$0x2498] =	vst v0  }
0x2d1: {  	[tilespmem:$0x24A8] =	vst v0  }
0x2d2: {  	[tilespmem:$0x24B8] =	vst v0  }
0x2d3: {  	[tilespmem:$0x24C8] =	vst v0  }
0x2d4: {  	[tilespmem:$0x24D8] =	vst v0  }
0x2d5: {  	[tilespmem:$0x24E8] =	vst v0  }
0x2d6: {  	[tilespmem:$0x24F8] =	vst v0  }
0x2d7: {  	[tilespmem:$0x2508] =	vst v0  }
0x2d8: {  	[tilespmem:$0x2518] =	vst v0  }
0x2d9: {  	[tilespmem:$0x2528] =	vst v0  }
0x2da: {  	[tilespmem:$0x2538] =	vst v0  }
0x2db: {  	[tilespmem:$0x2548] =	vst v0  }
0x2dc: {  	[tilespmem:$0x2558] =	vst v0  }
0x2dd: {  	[tilespmem:$0x2568] =	vst v0  }
0x2de: {  	[tilespmem:$0x2578] =	vst v0  }
0x2df: {  	[tilespmem:$0x2588] =	vst v0  }
0x2e0: {  	[tilespmem:$0x2598] =	vst v0  }
0x2e1: {  	[tilespmem:$0x25A8] =	vst v0  }
0x2e2: {  	[tilespmem:$0x25B8] =	vst v0  }
0x2e3: {  	[tilespmem:$0x25C8] =	vst v0  }
0x2e4: {  	[tilespmem:$0x25D8] =	vst v0  }
0x2e5: {  	[tilespmem:$0x25E8] =	vst v0  }
0x2e6: {  	[tilespmem:$0x25F8] =	vst v0  }
0x2e7: {  	[tilespmem:$0x2608] =	vst v0  }
0x2e8: {  	[tilespmem:$0x2618] =	vst v0  }
0x2e9: {  	[tilespmem:$0x2628] =	vst v0  }
0x2ea: {  	[tilespmem:$0x2638] =	vst v0  }
0x2eb: {  	[tilespmem:$0x2648] =	vst v0  }
0x2ec: {  	[tilespmem:$0x2658] =	vst v0  }
0x2ed: {  	[tilespmem:$0x2668] =	vst v0  }
0x2ee: {  	[tilespmem:$0x2678] =	vst v0  }
0x2ef: {  	[tilespmem:$0x2688] =	vst v0  }
0x2f0: {  	[tilespmem:$0x2698] =	vst v0  }
0x2f1: {  	[tilespmem:$0x26A8] =	vst v0  }
0x2f2: {  	[tilespmem:$0x26B8] =	vst v0  }
0x2f3: {  	[tilespmem:$0x26C8] =	vst v0  }
0x2f4: {  	[tilespmem:$0x26D8] =	vst v0  }
0x2f5: {  	[tilespmem:$0x26E8] =	vst v0  }
0x2f6: {  	[tilespmem:$0x26F8] =	vst v0  }
0x2f7: {  	[tilespmem:$0x2708] =	vst v0  }
0x2f8: {  	[tilespmem:$0x2718] =	vst v0  }
0x2f9: {  	[tilespmem:$0x2728] =	vst v0  }
0x2fa: {  	[tilespmem:$0x2738] =	vst v0  }
0x2fb: {  	[tilespmem:$0x2748] =	vst v0  }
0x2fc: {  	[tilespmem:$0x2758] =	vst v0  }
0x2fd: {  	[tilespmem:$0x2768] =	vst v0  }
0x2fe: {  	[tilespmem:$0x2778] =	vst v0  }
0x2ff: {  	[tilespmem:$0x2788] =	vst v0  }
0x300: {  	[tilespmem:$0x2798] =	vst v0  }
0x301: {  	[tilespmem:$0x27A8] =	vst v0  }
0x302: {  	[tilespmem:$0x27B8] =	vst v0  }
0x303: {  	[tilespmem:$0x27C8] =	vst v0  }
0x304: {  	[tilespmem:$0x27D8] =	vst v0  }
0x305: {  	[tilespmem:$0x27E8] =	vst v0  }
0x306: {  	[tilespmem:$0x27F8] =	vst v0  }
0x307: {  	[tilespmem:$0x2808] =	vst v0  }
0x308: {  	[tilespmem:$0x2818] =	vst v0  }
0x309: {  	[tilespmem:$0x2828] =	vst v0  }
0x30a: {  	[tilespmem:$0x2838] =	vst v0  }
0x30b: {  	[tilespmem:$0x2848] =	vst v0  }
0x30c: {  	[tilespmem:$0x2858] =	vst v0  }
0x30d: {  	[tilespmem:$0x2868] =	vst v0  }
0x30e: {  	[tilespmem:$0x2878] =	vst v0  }
0x30f: {  	[tilespmem:$0x2888] =	vst v0  }
0x310: {  	[tilespmem:$0x2898] =	vst v0  }
0x311: {  	[tilespmem:$0x28A8] =	vst v0  }
0x312: {  	[tilespmem:$0x28B8] =	vst v0  }
0x313: {  	[tilespmem:$0x28C8] =	vst v0  }
0x314: {  	[tilespmem:$0x28D8] =	vst v0  }
0x315: {  	[tilespmem:$0x28E8] =	vst v0  }
0x316: {  	[tilespmem:$0x2978] =	vst v0  }
0x317: {  	[tilespmem:$0x2988] =	vst v0  }
0x318: {  	[tilespmem:$0x2998] =	vst v0  }
0x319: {  	[tilespmem:$0x29A8] =	vst v0  }
0x31a: {  	[tilespmem:$0x29B8] =	vst v0  }
0x31b: {  	[tilespmem:$0x29C8] =	vst v0  }
0x31c: {  	[tilespmem:$0x29D8] =	vst v0  }
0x31d: {  	[tilespmem:$0x29E8] =	vst v0  }
0x31e: {  	[tilespmem:$0x29F8] =	vst v0  }
0x31f: {  	[tilespmem:$0x2A08] =	vst v0  }
0x320: {  	[tilespmem:$0x2A18] =	vst v0  }
0x321: {  	[tilespmem:$0x2A28] =	vst v0  }
0x322: {  	[tilespmem:$0x2A38] =	vst v0  }
0x323: {  	[tilespmem:$0x2A48] =	vst v0  }
0x324: {  	[tilespmem:$0x2A58] =	vst v0  }
0x325: {  	[tilespmem:$0x2A68] =	vst v0  }
0x326: {  	[tilespmem:$0x2A78] =	vst v0  }
0x327: {  	[tilespmem:$0x2A88] =	vst v0  }
0x328: {  	[tilespmem:$0x2A98] =	vst v0  }
0x329: {  	[tilespmem:$0x2AA8] =	vst v0  }
0x32a: {  	[tilespmem:$0x2AB8] =	vst v0  }
0x32b: {  	[tilespmem:$0x2AC8] =	vst v0  }
0x32c: {  	[tilespmem:$0x2AD8] =	vst v0  }
0x32d: {  	[tilespmem:$0x2AE8] =	vst v0  }
0x32e: {  	[tilespmem:$0x2AF8] =	vst v0  }
0x32f: {  	[tilespmem:$0x2B08] =	vst v0  }
0x330: {  	[tilespmem:$0x2B18] =	vst v0  }
0x331: {  	[tilespmem:$0x2B28] =	vst v0  }
0x332: {  	[tilespmem:$0x2B38] =	vst v0  }
0x333: {  	[tilespmem:$0x2B48] =	vst v0  }
0x334: {  	[tilespmem:$0x2B58] =	vst v0  }
0x335: {  	[tilespmem:$0x2B68] =	vst v0  }
0x336: {  	[tilespmem:$0x2B78] =	vst v0  }
0x337: {  	[tilespmem:$0x2B88] =	vst v0  }
0x338: {  	[tilespmem:$0x2B98] =	vst v0  }
0x339: {  	[tilespmem:$0x2BA8] =	vst v0  }
0x33a: {  	[tilespmem:$0x2BB8] =	vst v0  }
0x33b: {  	[tilespmem:$0x2BC8] =	vst v0  }
0x33c: {  	[tilespmem:$0x2BD8] =	vst v0  }
0x33d: {  	[tilespmem:$0x2BE8] =	vst v0  }
0x33e: {  	[tilespmem:$0x2BF8] =	vst v0  }
0x33f: {  	[tilespmem:$0x2C08] =	vst v0  }
0x340: {  	[tilespmem:$0x2C18] =	vst v0  }
0x341: {  	[tilespmem:$0x2C28] =	vst v0  }
0x342: {  	[tilespmem:$0x2C38] =	vst v0  }
0x343: {  	[tilespmem:$0x2C48] =	vst v0  }
0x344: {  	[tilespmem:$0x2C58] =	vst v0  }
0x345: {  	[tilespmem:$0x2C68] =	vst v0  }
0x346: {  	[tilespmem:$0x2C78] =	vst v0  }
0x347: {  	[tilespmem:$0x2C88] =	vst v0  }
0x348: {  	[tilespmem:$0x2C98] =	vst v0  }
0x349: {  	[tilespmem:$0x2CA8] =	vst v0  }
0x34a: {  	[tilespmem:$0x2CB8] =	vst v0  }
0x34b: {  	[tilespmem:$0x2CC8] =	vst v0  }
0x34c: {  	[tilespmem:$0x2CD8] =	vst v0  }
0x34d: {  	[tilespmem:$0x2CE8] =	vst v0  }
0x34e: {  	[tilespmem:$0x2CF8] =	vst v0  }
0x34f: {  	[tilespmem:$0x2D08] =	vst v0  }
0x350: {  	[tilespmem:$0x2D18] =	vst v0  }
0x351: {  	[tilespmem:$0x2D28] =	vst v0  }
0x352: {  	[tilespmem:$0x2D38] =	vst v0  }
0x353: {  	[tilespmem:$0x2D48] =	vst v0  }
0x354: {  	[tilespmem:$0x2D58] =	vst v0  }
0x355: {  	[tilespmem:$0x2D68] =	vst v0  }
0x356: {  	[tilespmem:$0x2D78] =	vst v0  }
0x357: {  	[tilespmem:$0x2D88] =	vst v0  }
0x358: {  	[tilespmem:$0x2D98] =	vst v0  }
0x359: {  	[tilespmem:$0x2DA8] =	vst v0  }
0x35a: {  	[tilespmem:$0x2DB8] =	vst v0  }
0x35b: {  	[tilespmem:$0x2DC8] =	vst v0  }
0x35c: {  	[tilespmem:$0x2DD8] =	vst v0  }
0x35d: {  	[tilespmem:$0x2DE8] =	vst v0  }
0x35e: {  	[tilespmem:$0x2DF8] =	vst v0  }
0x35f: {  	[tilespmem:$0x2E08] =	vst v0  }
0x360: {  	[tilespmem:$0x2E18] =	vst v0  }
0x361: {  	[tilespmem:$0x2E28] =	vst v0  }
0x362: {  	[tilespmem:$0x2E38] =	vst v0  }
0x363: {  	[tilespmem:$0x2E48] =	vst v0  }
0x364: {  	[tilespmem:$0x2E58] =	vst v0  }
0x365: {  	[tilespmem:$0x2E68] =	vst v0  }
0x366: {  	[tilespmem:$0x2E78] =	vst v0  }
0x367: {  	[tilespmem:$0x2E88] =	vst v0  }
0x368: {  	[tilespmem:$0x2E98] =	vst v0  }
0x369: {  	[tilespmem:$0x2EA8] =	vst v0  }
0x36a: {  	[tilespmem:$0x2EB8] =	vst v0  }
0x36b: {  	[tilespmem:$0x2EC8] =	vst v0  }
0x36c: {  	[tilespmem:$0x2ED8] =	vst v0  }
0x36d: {  	[tilespmem:$0x2EE8] =	vst v0  }
0x36e: {  	[tilespmem:$0x2EF8] =	vst v0  }
0x36f: {  	[tilespmem:$0x2F08] =	vst v0  }
0x370: {  	[tilespmem:$0x2F18] =	vst v0  }
0x371: {  	[tilespmem:$0x2F28] =	vst v0  }
0x372: {  	[tilespmem:$0x2F38] =	vst v0  }
0x373: {  	[tilespmem:$0x2F48] =	vst v0  }
0x374: {  	[tilespmem:$0x2F58] =	vst v0  }
0x375: {  	[tilespmem:$0x2F68] =	vst v0  }
0x376: {  	[tilespmem:$0x2F78] =	vst v0  }
0x377: {  	[tilespmem:$0x2F88] =	vst v0  }
0x378: {  	[tilespmem:$0x2F98] =	vst v0  }
0x379: {  	[tilespmem:$0x2FA8] =	vst v0  }
0x37a: {  	[tilespmem:$0x2FB8] =	vst v0  }
0x37b: {  	[tilespmem:$0x2FC8] =	vst v0  }
0x37c: {  	[tilespmem:$0x2FD8] =	vst v0  }
0x37d: {  	[tilespmem:$0x2FE8] =	vst v0  }
0x37e: {  	[tilespmem:$0x2FF8] =	vst v0  }
0x37f: {  	[tilespmem:$0x3008] =	vst v0  }
0x380: {  	[tilespmem:$0x3018] =	vst v0  }
0x381: {  	[tilespmem:$0x3028] =	vst v0  }
0x382: {  	[tilespmem:$0x3038] =	vst v0  }
0x383: {  	[tilespmem:$0x3048] =	vst v0  }
0x384: {  	[tilespmem:$0x3058] =	vst v0  }
0x385: {  	[tilespmem:$0x3068] =	vst v0  }
0x386: {  	[tilespmem:$0x3078] =	vst v0  }
0x387: {  	[tilespmem:$0x3088] =	vst v0  }
0x388: {  	[tilespmem:$0x3098] =	vst v0  }
0x389: {  	[tilespmem:$0x30A8] =	vst v0  }
0x38a: {  	[tilespmem:$0x30B8] =	vst v0  }
0x38b: {  	[tilespmem:$0x30C8] =	vst v0  }
0x38c: {  	[tilespmem:$0x30D8] =	vst v0  }
0x38d: {  	[tilespmem:$0x30E8] =	vst v0  }
0x38e: {  	[tilespmem:$0x30F8] =	vst v0  }
0x38f: {  	[tilespmem:$0x3108] =	vst v0  }
0x390: {  	[tilespmem:$0x3118] =	vst v0  }
0x391: {  	[tilespmem:$0x3128] =	vst v0  }
0x392: {  	[tilespmem:$0x3138] =	vst v0  }
0x393: {  	[tilespmem:$0x3148] =	vst v0  }
0x394: {  	[tilespmem:$0x3158] =	vst v0  }
0x395: {  	[tilespmem:$0x3168] =	vst v0  }
0x396: {  	[tilespmem:$0x3178] =	vst v0  }
0x397: {  	[tilespmem:$0x3188] =	vst v0  }
0x398: {  	[tilespmem:$0x3198] =	vst v0  }
0x399: {  	[tilespmem:$0x31A8] =	vst v0  }
0x39a: {  	[tilespmem:$0x31B8] =	vst v0  }
0x39b: {  	[tilespmem:$0x31C8] =	vst v0  }
0x39c: {  	[tilespmem:$0x31D8] =	vst v0  }
0x39d: {  	[tilespmem:$0x31E8] =	vst v0  }
0x39e: {  	[tilespmem:$0x31F8] =	vst v0  }
0x39f: {  	[tilespmem:$0x3208] =	vst v0  }
0x3a0: {  	[tilespmem:$0x3218] =	vst v0  }
0x3a1: {  	[tilespmem:$0x3228] =	vst v0  }
0x3a2: {  	[tilespmem:$0x3238] =	vst v0  }
0x3a3: {  	[tilespmem:$0x3248] =	vst v0  }
0x3a4: {  	[tilespmem:$0x3258] =	vst v0  }
0x3a5: {  	[tilespmem:$0x3268] =	vst v0  }
0x3a6: {  	[tilespmem:$0x3278] =	vst v0  }
0x3a7: {  	[tilespmem:$0x3288] =	vst v0  }
0x3a8: {  	[tilespmem:$0x3298] =	vst v0  }
0x3a9: {  	[tilespmem:$0x32A8] =	vst v0  }
0x3aa: {  	[tilespmem:$0x32B8] =	vst v0  }
0x3ab: {  	[tilespmem:$0x32C8] =	vst v0  }
0x3ac: {  	[tilespmem:$0x32D8] =	vst v0  }
0x3ad: {  	[tilespmem:$0x32E8] =	vst v0  }
0x3ae: {  	[tilespmem:$0x32F8] =	vst v0  }
0x3af: {  	[tilespmem:$0x3308] =	vst v0  }
0x3b0: {  	[tilespmem:$0x3318] =	vst v0  }
0x3b1: {  	[tilespmem:$0x3328] =	vst v0  }
0x3b2: {  	[tilespmem:$0x3338] =	vst v0  }
0x3b3: {  	[tilespmem:$0x3348] =	vst v0  }
0x3b4: {  	[tilespmem:$0x3358] =	vst v0  }
0x3b5: {  	[tilespmem:$0x3368] =	vst v0  }
0x3b6: {  	[tilespmem:$0x3378] =	vst v0  }
0x3b7: {  	[tilespmem:$0x3388] =	vst v0  }
0x3b8: {  	[tilespmem:$0x3398] =	vst v0  }
0x3b9: {  	[tilespmem:$0x33A8] =	vst v0  }
0x3ba: {  	[tilespmem:$0x33B8] =	vst v0  }
0x3bb: {  	[tilespmem:$0x33C8] =	vst v0  }
0x3bc: {  	[tilespmem:$0x33D8] =	vst v0  }
0x3bd: {  	[tilespmem:$0x33E8] =	vst v0  }
0x3be: {  	[tilespmem:$0x33F8] =	vst v0  }
0x3bf: {  	[tilespmem:$0x3408] =	vst v0  }
0x3c0: {  	[tilespmem:$0x3418] =	vst v0  }
0x3c1: {  	[tilespmem:$0x3428] =	vst v0  }
0x3c2: {  	[tilespmem:$0x3438] =	vst v0  }
0x3c3: {  	[tilespmem:$0x3448] =	vst v0  }
0x3c4: {  	[tilespmem:$0x3458] =	vst v0  }
0x3c5: {  	[tilespmem:$0x3468] =	vst v0  }
0x3c6: {  	[tilespmem:$0x3478] =	vst v0  }
0x3c7: {  	[tilespmem:$0x3488] =	vst v0  }
0x3c8: {  	[tilespmem:$0x3498] =	vst v0  }
0x3c9: {  	[tilespmem:$0x34A8] =	vst v0  }
0x3ca: {  	[tilespmem:$0x34B8] =	vst v0  }
0x3cb: {  	[tilespmem:$0x34C8] =	vst v0  }
0x3cc: {  	[tilespmem:$0x34D8] =	vst v0  }
0x3cd: {  	[tilespmem:$0x34E8] =	vst v0  }
0x3ce: {  	[tilespmem:$0x34F8] =	vst v0  }
0x3cf: {  	[tilespmem:$0x3508] =	vst v0  }
0x3d0: {  	[tilespmem:$0x3518] =	vst v0  }
0x3d1: {  	[tilespmem:$0x3528] =	vst v0  }
0x3d2: {  	[tilespmem:$0x3538] =	vst v0  }
0x3d3: {  	[tilespmem:$0x3548] =	vst v0  }
0x3d4: {  	[tilespmem:$0x3558] =	vst v0  }
0x3d5: {  	[tilespmem:$0x3568] =	vst v0  }
0x3d6: {  	[tilespmem:$0x3578] =	vst v0  }
0x3d7: {  	[tilespmem:$0x3588] =	vst v0  }
0x3d8: {  	[tilespmem:$0x3598] =	vst v0  }
0x3d9: {  	[tilespmem:$0x35A8] =	vst v0  }
0x3da: {  	[tilespmem:$0x35B8] =	vst v0  }
0x3db: {  	[tilespmem:$0x35C8] =	vst v0  }
0x3dc: {  	[tilespmem:$0x35D8] =	vst v0  }
0x3dd: {  	[tilespmem:$0x35E8] =	vst v0  }
0x3de: {  	[tilespmem:$0x35F8] =	vst v0  }
0x3df: {  	[tilespmem:$0x3608] =	vst v0  }
0x3e0: {  	[tilespmem:$0x3618] =	vst v0  }
0x3e1: {  	[tilespmem:$0x3628] =	vst v0  }
0x3e2: {  	[tilespmem:$0x3638] =	vst v0  }
0x3e3: {  	[tilespmem:$0x3648] =	vst v0  }
0x3e4: {  	[tilespmem:$0x3658] =	vst v0  }
0x3e5: {  	[tilespmem:$0x3668] =	vst v0  }
0x3e6: {  	[tilespmem:$0x3678] =	vst v0  }
0x3e7: {  	[tilespmem:$0x3688] =	vst v0  }
0x3e8: {  	[tilespmem:$0x3698] =	vst v0  }
0x3e9: {  	[tilespmem:$0x36A8] =	vst v0  }
0x3ea: {  	[tilespmem:$0x36B8] =	vst v0  }
0x3eb: {  	[tilespmem:$0x36C8] =	vst v0  }
0x3ec: {  	[tilespmem:$0x36D8] =	vst v0  }
0x3ed: {  	[tilespmem:$0x36E8] =	vst v0  }
0x3ee: {  	[tilespmem:$0x36F8] =	vst v0  }
0x3ef: {  	[tilespmem:$0x3708] =	vst v0  }
0x3f0: {  	[tilespmem:$0x3718] =	vst v0  }
0x3f1: {  	[tilespmem:$0x3728] =	vst v0  }
0x3f2: {  	[tilespmem:$0x3738] =	vst v0  }
0x3f3: {  	[tilespmem:$0x3748] =	vst v0  }
0x3f4: {  	[tilespmem:$0x3758] =	vst v0  }
0x3f5: {  	[tilespmem:$0x3768] =	vst v0  }
0x3f6: {  	[tilespmem:$0x3778] =	vst v0  }
0x3f7: {  	[tilespmem:$0x3788] =	vst v0  }
0x3f8: {  	[tilespmem:$0x3798] =	vst v0  }
0x3f9: {  	[tilespmem:$0x37A8] =	vst v0  }
0x3fa: {  	[tilespmem:$0x37B8] =	vst v0  }
0x3fb: {  	[tilespmem:$0x37C8] =	vst v0  }
0x3fc: {  	[tilespmem:$0x37D8] =	vst v0  }
0x3fd: {  	[tilespmem:$0x37E8] =	vst v0  }
0x3fe: {  	[tilespmem:$0x37F8] =	vst v0  }
0x3ff: {  	[tilespmem:$0x3808] =	vst v0  }
0x400: {  	[tilespmem:$0x3818] =	vst v0  }
0x401: {  	[tilespmem:$0x3828] =	vst v0  }
0x402: {  	[tilespmem:$0x3838] =	vst v0  }
0x403: {  	[tilespmem:$0x3848] =	vst v0  }
0x404: {  	[tilespmem:$0x3858] =	vst v0  }
0x405: {  	[tilespmem:$0x3868] =	vst v0  }
0x406: {  	[tilespmem:$0x3878] =	vst v0  }
0x407: {  	[tilespmem:$0x3888] =	vst v0  }
0x408: {  	[tilespmem:$0x3898] =	vst v0  }
0x409: {  	[tilespmem:$0x38A8] =	vst v0  }
0x40a: {  	[tilespmem:$0x38B8] =	vst v0  }
0x40b: {  	[tilespmem:$0x38C8] =	vst v0  }
0x40c: {  	[tilespmem:$0x38D8] =	vst v0  }
0x40d: {  	[tilespmem:$0x38E8] =	vst v0  }
0x40e: {  	[tilespmem:$0x38F8] =	vst v0  }
0x40f: {  	[tilespmem:$0x3908] =	vst v0  }
0x410: {  	[tilespmem:$0x3918] =	vst v0  }
0x411: {  	[tilespmem:$0x3928] =	vst v0  }
0x412: {  	[tilespmem:$0x3938] =	vst v0  }
0x413: {  	[tilespmem:$0x3968] =	vst v0  }
0x414: {  	[tilespmem:$0x4828] =	vst v0  }
0x415: {  	[tilespmem:$0x4818] =	vst v0  }
0x416: {  	[tilespmem:$0x4808] =	vst v0  }
0x417: {  	[tilespmem:$0x47F8] =	vst v0  }
0x418: {  	[tilespmem:$0x47E8] =	vst v0  }
0x419: {  	[tilespmem:$0x47D8] =	vst v0  }
0x41a: {  	[tilespmem:$0x47C8] =	vst v0  }
0x41b: {  	[tilespmem:$0x47B8] =	vst v0  }
0x41c: {  	[tilespmem:$0x47A8] =	vst v0  }
0x41d: {  	[tilespmem:$0x4798] =	vst v0  }
0x41e: {  	[tilespmem:$0x4788] =	vst v0  }
0x41f: {  	[tilespmem:$0x4778] =	vst v0  }
0x420: {  	[tilespmem:$0x4768] =	vst v0  }
0x421: {  	[tilespmem:$0x4758] =	vst v0  }
0x422: {  	[tilespmem:$0x4748] =	vst v0  }
0x423: {  	[tilespmem:$0x4738] =	vst v0  }
0x424: {  	[tilespmem:$0x4728] =	vst v0  }
0x425: {  	[tilespmem:$0x4718] =	vst v0  }
0x426: {  	[tilespmem:$0x4708] =	vst v0  }
0x427: {  	[tilespmem:$0x46F8] =	vst v0  }
0x428: {  	[tilespmem:$0x46E8] =	vst v0  }
0x429: {  	[tilespmem:$0x46D8] =	vst v0  }
0x42a: {  	[tilespmem:$0x46C8] =	vst v0  }
0x42b: {  	[tilespmem:$0x46B8] =	vst v0  }
0x42c: {  	[tilespmem:$0x46A8] =	vst v0  }
0x42d: {  	[tilespmem:$0x4698] =	vst v0  }
0x42e: {  	[tilespmem:$0x4688] =	vst v0  }
0x42f: {  	[tilespmem:$0x4678] =	vst v0  }
0x430: {  	[tilespmem:$0x4668] =	vst v0  }
0x431: {  	[tilespmem:$0x4658] =	vst v0  }
0x432: {  	[tilespmem:$0x4648] =	vst v0  }
0x433: {  	[tilespmem:$0x4638] =	vst v0  }
0x434: {  	[tilespmem:$0x4628] =	vst v0  }
0x435: {  	[tilespmem:$0x4618] =	vst v0  }
0x436: {  	[tilespmem:$0x4608] =	vst v0  }
0x437: {  	[tilespmem:$0x45F8] =	vst v0  }
0x438: {  	[tilespmem:$0x45E8] =	vst v0  }
0x439: {  	[tilespmem:$0x45D8] =	vst v0  }
0x43a: {  	[tilespmem:$0x45C8] =	vst v0  }
0x43b: {  	[tilespmem:$0x45B8] =	vst v0  }
0x43c: {  	[tilespmem:$0x45A8] =	vst v0  }
0x43d: {  	[tilespmem:$0x4598] =	vst v0  }
0x43e: {  	[tilespmem:$0x4588] =	vst v0  }
0x43f: {  	[tilespmem:$0x4578] =	vst v0  }
0x440: {  	[tilespmem:$0x4568] =	vst v0  }
0x441: {  	[tilespmem:$0x4558] =	vst v0  }
0x442: {  	[tilespmem:$0x4548] =	vst v0  }
0x443: {  	[tilespmem:$0x4538] =	vst v0  }
0x444: {  	[tilespmem:$0x4528] =	vst v0  }
0x445: {  	[tilespmem:$0x4518] =	vst v0  }
0x446: {  	[tilespmem:$0x4508] =	vst v0  }
0x447: {  	[tilespmem:$0x44F8] =	vst v0  }
0x448: {  	[tilespmem:$0x44E8] =	vst v0  }
0x449: {  	[tilespmem:$0x44D8] =	vst v0  }
0x44a: {  	[tilespmem:$0x44C8] =	vst v0  }
0x44b: {  	[tilespmem:$0x44B8] =	vst v0  }
0x44c: {  	[tilespmem:$0x44A8] =	vst v0  }
0x44d: {  	[tilespmem:$0x4498] =	vst v0  }
0x44e: {  	[tilespmem:$0x4488] =	vst v0  }
0x44f: {  	[tilespmem:$0x4478] =	vst v0  }
0x450: {  	[tilespmem:$0x4468] =	vst v0  }
0x451: {  	[tilespmem:$0x4458] =	vst v0  }
0x452: {  	[tilespmem:$0x4448] =	vst v0  }
0x453: {  	[tilespmem:$0x4438] =	vst v0  }
0x454: {  	[tilespmem:$0x4428] =	vst v0  }
0x455: {  	[tilespmem:$0x4418] =	vst v0  }
0x456: {  	[tilespmem:$0x4408] =	vst v0  }
0x457: {  	[tilespmem:$0x43F8] =	vst v0  }
0x458: {  	[tilespmem:$0x43E8] =	vst v0  }
0x459: {  	[tilespmem:$0x43D8] =	vst v0  }
0x45a: {  	[tilespmem:$0x43C8] =	vst v0  }
0x45b: {  	[tilespmem:$0x43B8] =	vst v0  }
0x45c: {  	[tilespmem:$0x43A8] =	vst v0  }
0x45d: {  	[tilespmem:$0x4398] =	vst v0  }
0x45e: {  	[tilespmem:$0x4388] =	vst v0  }
0x45f: {  	[tilespmem:$0x4378] =	vst v0  }
0x460: {  	[tilespmem:$0x4368] =	vst v0  }
0x461: {  	[tilespmem:$0x4358] =	vst v0  }
0x462: {  	[tilespmem:$0x4348] =	vst v0  }
0x463: {  	[tilespmem:$0x4338] =	vst v0  }
0x464: {  	[tilespmem:$0x4328] =	vst v0  }
0x465: {  	[tilespmem:$0x4318] =	vst v0  }
0x466: {  	[tilespmem:$0x4308] =	vst v0  }
0x467: {  	[tilespmem:$0x42F8] =	vst v0  }
0x468: {  	[tilespmem:$0x42E8] =	vst v0  }
0x469: {  	[tilespmem:$0x42D8] =	vst v0  }
0x46a: {  	[tilespmem:$0x42C8] =	vst v0  }
0x46b: {  	[tilespmem:$0x42B8] =	vst v0  }
0x46c: {  	[tilespmem:$0x42A8] =	vst v0  }
0x46d: {  	[tilespmem:$0x4298] =	vst v0  }
0x46e: {  	[tilespmem:$0x4288] =	vst v0  }
0x46f: {  	[tilespmem:$0x4278] =	vst v0  }
0x470: {  	[tilespmem:$0x4268] =	vst v0  }
0x471: {  	[tilespmem:$0x4258] =	vst v0  }
0x472: {  	[tilespmem:$0x4248] =	vst v0  }
0x473: {  	[tilespmem:$0x4238] =	vst v0  }
0x474: {  	[tilespmem:$0x4228] =	vst v0  }
0x475: {  	[tilespmem:$0x4218] =	vst v0  }
0x476: {  	[tilespmem:$0x4208] =	vst v0  }
0x477: {  	[tilespmem:$0x41F8] =	vst v0  }
0x478: {  	[tilespmem:$0x41E8] =	vst v0  }
0x479: {  	[tilespmem:$0x41D8] =	vst v0  }
0x47a: {  	[tilespmem:$0x41C8] =	vst v0  }
0x47b: {  	[tilespmem:$0x41B8] =	vst v0  }
0x47c: {  	[tilespmem:$0x41A8] =	vst v0  }
0x47d: {  	[tilespmem:$0x4198] =	vst v0  }
0x47e: {  	[tilespmem:$0x4188] =	vst v0  }
0x47f: {  	[tilespmem:$0x4178] =	vst v0  }
0x480: {  	[tilespmem:$0x4168] =	vst v0  }
0x481: {  	[tilespmem:$0x4158] =	vst v0  }
0x482: {  	[tilespmem:$0x4148] =	vst v0  }
0x483: {  	[tilespmem:$0x4138] =	vst v0  }
0x484: {  	[tilespmem:$0x4128] =	vst v0  }
0x485: {  	[tilespmem:$0x4118] =	vst v0  }
0x486: {  	[tilespmem:$0x4108] =	vst v0  }
0x487: {  	[tilespmem:$0x40F8] =	vst v0  }
0x488: {  	[tilespmem:$0x40E8] =	vst v0  }
0x489: {  	[tilespmem:$0x40D8] =	vst v0  }
0x48a: {  	[tilespmem:$0x40C8] =	vst v0  }
0x48b: {  	[tilespmem:$0x40B8] =	vst v0  }
0x48c: {  	[tilespmem:$0x40A8] =	vst v0  }
0x48d: {  	[tilespmem:$0x4098] =	vst v0  }
0x48e: {  	[tilespmem:$0x4088] =	vst v0  }
0x48f: {  	[tilespmem:$0x4078] =	vst v0  }
0x490: {  	[tilespmem:$0x4068] =	vst v0  }
0x491: {  	[tilespmem:$0x4058] =	vst v0  }
0x492: {  	[tilespmem:$0x4048] =	vst v0  }
0x493: {  	[tilespmem:$0x4038] =	vst v0  }
0x494: {  	[tilespmem:$0x4028] =	vst v0  }
0x495: {  	[tilespmem:$0x4018] =	vst v0  }
0x496: {  	[tilespmem:$0x4008] =	vst v0  }
0x497: {  	[tilespmem:$0x3FF8] =	vst v0  }
0x498: {  	[tilespmem:$0x3FE8] =	vst v0  }
0x499: {  	[tilespmem:$0x3FD8] =	vst v0  }
0x49a: {  	[tilespmem:$0x3FC8] =	vst v0  }
0x49b: {  	[tilespmem:$0x3FB8] =	vst v0  }
0x49c: {  	[tilespmem:$0x3FA8] =	vst v0  }
0x49d: {  	[tilespmem:$0x3F98] =	vst v0  }
0x49e: {  	[tilespmem:$0x3F88] =	vst v0  }
0x49f: {  	[tilespmem:$0x3F78] =	vst v0  }
0x4a0: {  	[tilespmem:$0x3F68] =	vst v0  }
0x4a1: {  	[tilespmem:$0x3F58] =	vst v0  }
0x4a2: {  	[tilespmem:$0x3F48] =	vst v0  }
0x4a3: {  	[tilespmem:$0x3F38] =	vst v0  }
0x4a4: {  	[tilespmem:$0x3F28] =	vst v0  }
0x4a5: {  	[tilespmem:$0x3F18] =	vst v0  }
0x4a6: {  	[tilespmem:$0x3F08] =	vst v0  }
0x4a7: {  	[tilespmem:$0x3EF8] =	vst v0  }
0x4a8: {  	[tilespmem:$0x3EE8] =	vst v0  }
0x4a9: {  	[tilespmem:$0x3ED8] =	vst v0  }
0x4aa: {  	[tilespmem:$0x3EC8] =	vst v0  }
0x4ab: {  	[tilespmem:$0x3EB8] =	vst v0  }
0x4ac: {  	[tilespmem:$0x3EA8] =	vst v0  }
0x4ad: {  	[tilespmem:$0x3E98] =	vst v0  }
0x4ae: {  	[tilespmem:$0x3E88] =	vst v0  }
0x4af: {  	[tilespmem:$0x3E78] =	vst v0  }
0x4b0: {  	[tilespmem:$0x3E68] =	vst v0  }
0x4b1: {  	[tilespmem:$0x3E58] =	vst v0  }
0x4b2: {  	[tilespmem:$0x3E48] =	vst v0  }
0x4b3: {  	[tilespmem:$0x3E38] =	vst v0  }
0x4b4: {  	[tilespmem:$0x3E28] =	vst v0  }
0x4b5: {  	[tilespmem:$0x3E18] =	vst v0  }
0x4b6: {  	[tilespmem:$0x3E08] =	vst v0  }
0x4b7: {  	[tilespmem:$0x3DF8] =	vst v0  }
0x4b8: {  	[tilespmem:$0x3DE8] =	vst v0  }
0x4b9: {  	[tilespmem:$0x3DD8] =	vst v0  }
0x4ba: {  	[tilespmem:$0x3DC8] =	vst v0  }
0x4bb: {  	[tilespmem:$0x3DB8] =	vst v0  }
0x4bc: {  	[tilespmem:$0x3DA8] =	vst v0  }
0x4bd: {  	[tilespmem:$0x3D98] =	vst v0  }
0x4be: {  	[tilespmem:$0x3D88] =	vst v0  }
0x4bf: {  	[tilespmem:$0x3D78] =	vst v0  }
0x4c0: {  	[tilespmem:$0x3D68] =	vst v0  }
0x4c1: {  	[tilespmem:$0x3D58] =	vst v0  }
0x4c2: {  	[tilespmem:$0x3D48] =	vst v0  }
0x4c3: {  	[tilespmem:$0x3D38] =	vst v0  }
0x4c4: {  	[tilespmem:$0x3D28] =	vst v0  }
0x4c5: {  	[tilespmem:$0x3D18] =	vst v0  }
0x4c6: {  	[tilespmem:$0x3D08] =	vst v0  }
0x4c7: {  	[tilespmem:$0x3CF8] =	vst v0  }
0x4c8: {  	[tilespmem:$0x3CE8] =	vst v0  }
0x4c9: {  	[tilespmem:$0x3CD8] =	vst v0  }
0x4ca: {  	[tilespmem:$0x3CC8] =	vst v0  }
0x4cb: {  	[tilespmem:$0x3CB8] =	vst v0  }
0x4cc: {  	[tilespmem:$0x3CA8] =	vst v0  }
0x4cd: {  	[tilespmem:$0x3C98] =	vst v0  }
0x4ce: {  	[tilespmem:$0x3C88] =	vst v0  }
0x4cf: {  	[tilespmem:$0x3C78] =	vst v0  }
0x4d0: {  	[tilespmem:$0x3C68] =	vst v0  }
0x4d1: {  	[tilespmem:$0x3C58] =	vst v0  }
0x4d2: {  	[tilespmem:$0x3C48] =	vst v0  }
0x4d3: {  	[tilespmem:$0x3C38] =	vst v0  }
0x4d4: {  	[tilespmem:$0x3C28] =	vst v0  }
0x4d5: {  	[tilespmem:$0x3C18] =	vst v0  }
0x4d6: {  	[tilespmem:$0x3C08] =	vst v0  }
0x4d7: {  	[tilespmem:$0x3BF8] =	vst v0  }
0x4d8: {  	[tilespmem:$0x3BE8] =	vst v0  }
0x4d9: {  	[tilespmem:$0x3BD8] =	vst v0  }
0x4da: {  	[tilespmem:$0x3BC8] =	vst v0  }
0x4db: {  	[tilespmem:$0x3BB8] =	vst v0  }
0x4dc: {  	[tilespmem:$0x3BA8] =	vst v0  }
0x4dd: {  	[tilespmem:$0x3B98] =	vst v0  }
0x4de: {  	[tilespmem:$0x3B88] =	vst v0  }
0x4df: {  	[tilespmem:$0x3B78] =	vst v0  }
0x4e0: {  	[tilespmem:$0x3B68] =	vst v0  }
0x4e1: {  	[tilespmem:$0x3B58] =	vst v0  }
0x4e2: {  	[tilespmem:$0x3B48] =	vst v0  }
0x4e3: {  	[tilespmem:$0x3B38] =	vst v0  }
0x4e4: {  	[tilespmem:$0x3B28] =	vst v0  }
0x4e5: {  	[tilespmem:$0x3B18] =	vst v0  }
0x4e6: {  	[tilespmem:$0x3B08] =	vst v0  }
0x4e7: {  	[tilespmem:$0x3AF8] =	vst v0  }
0x4e8: {  	[tilespmem:$0x3AE8] =	vst v0  }
0x4e9: {  	[tilespmem:$0x3AD8] =	vst v0  }
0x4ea: {  	[tilespmem:$0x3AC8] =	vst v0  }
0x4eb: {  	[tilespmem:$0x3AB8] =	vst v0  }
0x4ec: {  	[tilespmem:$0x3AA8] =	vst v0  }
0x4ed: {  	[tilespmem:$0x3A98] =	vst v0  }
0x4ee: {  	[tilespmem:$0x3A88] =	vst v0  }
0x4ef: {  	[tilespmem:$0x3A78] =	vst v0  }
0x4f0: {  	[tilespmem:$0x3A68] =	vst v0  }
0x4f1: {  	[tilespmem:$0x3A58] =	vst v0  }
0x4f2: {  	[tilespmem:$0x3A48] =	vst v0  }
0x4f3: {  	[tilespmem:$0x3A38] =	vst v0  }
0x4f4: {  	[tilespmem:$0x3A28] =	vst v0  }
0x4f5: {  	[tilespmem:$0x3A18] =	vst v0  }
0x4f6: {  	[tilespmem:$0x3A08] =	vst v0  }
0x4f7: {  	[tilespmem:$0x39F8] =	vst v0  }
0x4f8: {  	[tilespmem:$0x39E8] =	vst v0  }
0x4f9: {  	[tilespmem:$0x39D8] =	vst v0  }
0x4fa: {  	[tilespmem:$0x39C8] =	vst v0  }
0x4fb: {  	s8 =	stileid.u32;
	s1 =	simm.s32 $0x2;
	s29 =	simm.s32 $0x9;
	[tilespmem:$0x39B8] =	vst v0  }
0x4fc: {  	s30 =	simm.s32 $0xA;
	s3 =	simm.s32 $0xB;
	s24 =	simm.s32 $0x0;
	[tilespmem:$0x39A8] =	vst v0  }
0x4fd: {  	p1 =	por $0x0, $0x0;
	s18 =	simm.s32 $0x80;
	s17 =	smul.u32 $0x24A0, s8;
	[tilespmem:$0x3998] =	vst v0  }
0x4fe: {  	s19 =	simm.s32 $0x400;
	s14 =	simm.s32 $0xC;
	s21 =	simm.s32 $0x0;
	[tilespmem:$0x3988] =	vst v0  }
0x4ff: {  	s23 =	simm.s32 $0x0;
	s4 =	sadd.s32 $0x17CDA00, s7;
	[tilespmem:$0x3978] =	vst v0;
	s28 =	smin.u32 s17, $0x22550  }
0x500: {  	s2 =	sand.u32 $0x1, s2;
	s8 =	smul.u32 $0x1080, s8;
	[tilespmem:$0x3958] =	vst v0;
	s12 =	sadd.s32 $0x24A0, s28  }
0x501: {  	s7 =	sadd.s32 $0x4657A00, s7;
	[tilespmem:$0x3948] =	vst v0;
	[sflag:s1] =	ssyncpa.u1 $0x0;
	v0 =	vimm.s32 $0xFFFFFFFF;
	s0 =	ssub.s32 s12, s17  }
0x502: {  	[dreg:$0x6] =	wrdreg s2;
	[tilespmem:$0x8C48] =	vst v0;
	[sflag:s29] =	ssyncpa.u1 $0x0;
	p0 =	sgt.s32 s0, $0x0  }
0x503: {  	s2 =	smul.u32 $0x493E, s2;
	[sflag:s30] =	ssyncpa.u1 $0x0;
	s0 =	simm.s32 @!p0 $0x0  }
.Ltmp12:
0x504: {  	[sflag:s3] =	ssyncpa.u1 $0x0;
	s31 =	sshrl.u32 s0, $0x4;
	(pc) =	sbr.rel .LBB3_1-.Ltmp12, $4  }
0x505: {  	s3 =	sadd.s32 s2, s6;
	s0 =	sshrl.u32 s0, $0x5;
	s1 =	sand.u32 $0x1, s31  }
0x506: {  	s16 =	sshrl.u32 s8, $0x2;
	[dreg:$0x7] =	wrdreg s3;
	s15 =	sadd.s32 s0, s1  }
0x507: {  	s22 =	smov.u32 s17;
	s10 =	sadd.s32 $0x1, s15;
	[dreg:$0x8] =	wrdreg s15  }
0x508: {  	v0 =	vlaneseq.u32;
	s20 =	sadd.s32 s2, s5;
	p0 =	por $0x1, $0x1;
	[dreg:$0x9] =	wrdreg s10  }
.LBB3_28:
0x509: {  	s3 =	rddreg [dreg:$0x7]  }
0x50a: {  	s1 =	sshrl.u32 s1, $0x2;
	s10 =	rddreg [dreg:$0x9];
	s14 =	simm.s32 $0xC  }
.LBB3_30:
0x50b: {  	_ =	swait.ge [sflag:s14], s1  }
0x50c: {  	s31 =	ssub.s32 $0x0, s1;
	v1 =	vmov s26;
	vm0 =	veq.s32 v0, $0x0;
	[sflag:s14] =	ssyncset.done $0x0  }
0x50d: {  	vm15 =	veq.s32 v0, $0x2;
	v1 =	vsel vm0, s0, v1;
	[sflag:s14] =	ssyncadd.s32 s31  }
0x50e: {  	v1 =	vsel vm15, s24, v1;
	[sflag:s14] =	ssyncpa.u1 $0x1  }
0x50f: {  	[tilespmem:$0x8C48] =	vst v1  }
.LBB3_31:
0x510: {  	s0 =	sadd.s32 $0x20, s22  }
0x511: {  	s1 =	smov.u32 s17;
	p2 =	slt.s32 s0, s12  }
0x512: {  	s1 =	smov.u32 @p2 s0;
	p2 =	sne.s32 s23, s10  }
.Ltmp13:
0x513: {  	_ = 	snop;
	(pc) =	sbr.rel @!p2 .LBB3_32-.Ltmp13, $4  }
0x514: {  	_ = 	snop  }
0x515: {  	s24 =	smov.u32 s21  }
0x516: {  	s31 =	sadd.s32 $0x1, s23;
	s21 =	smov.u32 s22;
	p0 =	por !p0, !p0  }
0x517: {  	p1 =	por !p1, !p1;
	s23 =	smov.u32 s31;
	s22 =	smov.u32 s1  }
.LBB3_1:
0x518: {  	p2 =	sge.u32 s23, s15  }
0x519: {  	s0 =	smov.u32 s22;
	p3 =	sgt.s32 @!p2 s22, $0x249D0  }
0x51a: {  	s1 =	sshra.s32 @!p2 s22, $0x1F;
	s2 =	smulhi.u32 @!p2 $0xAAAAAAAB, s23;
	p3 =	por !p3, p2  }
0x51b: {  	s1 =	sand.u32 @!p2 s1, s22;
	s0 =	simm.s32 @p3 $0x249D0  }
0x51c: {  	s0 =	ssub.s32 @!p2 s0, s1;
	s1 =	sshrl.u32 @!p2 s2, $0x1  }
0x51d: {  	s0 =	sadd.s32 @!p2 $0xFFFDB630, s0;
	s1 =	smul.u32 @!p2 $0x3, s1  }
0x51e: {  	s5 =	sand.u32 @!p2 $0x7, s22;
	s2 =	sshll.u32 @!p2 s0, $0x2;
	p3 =	sgt.s32 @!p2 s0, $0x1F  }
0x51f: {  	s0 =	ssub.s32 @!p2 $0x80, s2;
	s1 =	ssub.s32 @!p2 s23, s1;
	p3 =	por !p3, p2  }
0x520: {  	s2 =	sshrl.u32 @!p2 s22, $0x3;
	s0 =	sshrl.u32 @!p2 s0, $0x2;
	s1 =	sshll.u32 @!p2 s1, $0x5  }
0x521: {  	s2 =	sadd.s32 @!p2 s2, s3;
	s0 =	simm.s32 @!p3 $0x0;
	s1 =	sor.u32 @!p2 $0xCE88, s1  }
0x522: {  	[tilespmem:s1], [sflag:$0xA] =	stream.linear.gather @!p2 [hbm4b:s2+s5], s0, $0x38;
	[tilespmem:$0x16F28] =	vst v63  }
0x523: {  	s1 =	sadd.s32 $0xFFFFFFFF, s23  }
0x524: {  	p2 =	sge.u32 s1, s15  }
0x525: {  	p3 =	sgt.s32 @!p2 s21, $0x249D0  }
0x526: {  	s0 =	smov.u32 s21;
	s2 =	sshra.s32 @!p2 s21, $0x1F;
	p3 =	por !p3, p2  }
0x527: {  	s2 =	sand.u32 @!p2 s2, s21;
	s0 =	simm.s32 @p3 $0x249D0  }
0x528: {  	s0 =	ssub.s32 @!p2 s0, s2  }
0x529: {  	s0 =	sadd.s32 @!p2 $0xFFFDB630, s0  }
0x52a: {  	s2 =	sshll.u32 @!p2 s0, $0x2  }
0x52b: {  	p3 =	sgt.s32 @!p2 s0, $0x1F;
	s0 =	ssub.s32 @!p2 $0x80, s2  }
0x52c: {  	p3 =	por !p3, p2;
	s0 =	sshrl.u32 @!p2 s0, $0x2  }
0x52d: {  	s2 =	simm.s32 @!p2 $0xA;
	s0 =	simm.s32 @!p3 $0x0  }
0x52e: {  	_ =	swait.ge @!p2 [sflag:s2], s0  }
0x52f: {  	s5 =	sand.u32 @!p2 $0x1, s1;
	s6 =	ssub.s32 @!p2 $0x0, s0;
	[sflag:s2] =	ssyncset.done @!p2 $0x0  }
0x530: {  	s5 =	sshll.u32 @!p2 s5, $0x5;
	[sflag:s2] =	ssyncadd.s32 @!p2 s6;
	s2 =	sshrl.u32 @!p2 s21, $0x3  }
0x531: {  	s5 =	sadd.s32 @!p2 $0xCEE8, s5;
	s6 =	sand.u32 @!p2 $0x7, s21;
	s2 =	sadd.s32 @!p2 s2, s20  }
0x532: {  	[tilespmem:s5], [sflag:$0xB] =	stream.linear.gather @!p2 [hbm4b:s2+s6], s0, $0x38;
	[tilespmem:$0x16F28] =	vst v63  }
0x533: {  	s0 =	ssub.s32 @!p2 $0x249F0, s21  }
0x534: {  	p3 =	slt.s32 @!p2 s0, $0x1  }
0x535: {  	p3 =	por p2, p3  }
.Ltmp14:
0x536: {  	_ = 	snop;
	(pc) =	sbr.rel @p3 .LBB3_7-.Ltmp14, $1  }
0x537: {  	_ =	sdelay $0x3  }
0x538: {  	s2 =	smulhi.u32 $0xAAAAAAAB, s1;
	_ =	sdelay $0x1  }
0x539: {  	s2 =	sshrl.u32 s2, $0x1  }
0x53a: {  	s5 =	simm.s32 $0x1;
	s2 =	smul.u32 $0x3, s2  }
.Ltmp15:
0x53b: {  	s5 =	simm.s32 @!p0 $0x0;
	(pc) =	sbr.rel .LBB3_4-.Ltmp15, $4  }
0x53c: {  	s5 =	smul.u32 $0x14000, s5;
	s29 =	ssub.s32 s1, s2  }
0x53d: {  	p3 =	slt.s32 @!p2 s0, $0x20;
	s1 =	sshll.u32 s29, $0x5  }
0x53e: {  	p2 =	por !p3, p2;
	s30 =	sshrl.u32 s5, $0x2;
	s31 =	sor.u32 $0xCE88, s1  }
0x53f: {  	s0 =	simm.s32 @p2 $0x20;
	s2 =	simm.s32 $0x0;
	s1 =	sadd.s32 $0xCF28, s30;
	v1 =	vmov s31  }
.LBB3_3:
0x540: {  	p2 =	sge.s32 s2, s0  }
.Ltmp16:
0x541: {  	_ = 	snop;
	(pc) =	sbr.rel @p2 .LBB3_7-.Ltmp16, $2  }
0x542: {  	_ =	sdelay $0x2  }
0x543: {  	s1 =	sadd.s32 $0x2800, s1  }
.LBB3_4:
0x544: {  	p2 =	sle.s32 s0, s2  }
.Ltmp17:
0x545: {  	_ = 	snop;
	(pc) =	sbr.rel @p2 .LBB3_3-.Ltmp17, $2  }
0x546: {  	_ =	sdelay $0x2  }
0x547: {  	s8 =	smov.u32 s2;
	s2 =	sadd.s32 $0x10, s2  }
0x548: {  	s5 =	ssub.s32 s0, s8  }
0x549: {  	p2 =	slt.s32 s5, $0x10  }
0x54a: {  	s5 =	simm.s32 @!p2 $0x10  }
0x54b: {  	v2 =	vmov s5  }
0x54c: {  	vm0 =	vgt.s32 v2, v0;
	_ =	sdelay $0x5  }
0x54d: {  	v2 =	vld.idx.msk [tilespmem:v1+s8+$0x0 ss:$0x1], vm0;
	_ =	sdelay $0x2  }
0x54e: {  	s9 =	smov.u32 s0;
	p2 =	slt.s32 s2, s0  }
0x54f: {  	s11 =	smov.u32 s1;
	s13 =	simm.s32 $0x0;
	s9 =	smov.u32 @p2 s2  }
.LBB3_6:
0x550: {  	(v2sf) =	vpush v2, s13;
	_ =	sdelay $0xe  }
0x551: {  	s5 =	spop (v2sf)  }
0x552: {  	s13 =	sadd.s32 $0x1, s13;
	s6 =	sshrl.u32 s5, $0x3  }
0x553: {  	s31 =	sadd.s32 s13, s8;
	s5 =	sshll.u32 s5, $0x7;
	s6 =	smul.u32 $0x1400, s6  }
0x554: {  	p2 =	slt.s32 s31, s9;
	s5 =	sand.u32 $0x380, s5  }
.Ltmp18:
0x555: {  	s5 =	sor.u32 s5, s6;
	(pc) =	sbr.rel @p2 .LBB3_6-.Ltmp18, $4  }
0x556: {  	s5 =	sshrl.u32 s5, $0x3  }
0x557: {  	s5 =	sadd.s32 s7, s5  }
0x558: {  	[tilespmem:s11], [sflag:$0x9] =	stream.strided.gather [hbm4b:s5+s18], $0x280, s19, s18, $0x38;
	[tilespmem:$0x16F28] =	vst v63  }
0x559: {  	s11 =	sadd.s32 $0x280, s11  }
.Ltmp19:
0x55a: {  	_ = 	snop;
	(pc) =	sbr.rel .LBB3_3-.Ltmp19, $1  }
0x55b: {  	_ =	sdelay $0x3  }
.LBB3_7:
0x55c: {  	p2 =	slt.u32 s23, $0x2  }
.Ltmp20:
0x55d: {  	_ = 	snop;
	(pc) =	sbr.rel @p2 .LBB3_31-.Ltmp20, $1  }
0x55e: {  	_ =	sdelay $0x3  }
0x55f: {  	s0 =	ssub.s32 $0x249F0, s24;
	p2 =	sgt.s32 s24, $0x249D0  }
0x560: {  	s1 =	smov.u32 s24;
	s2 =	sshra.s32 s24, $0x1F;
	p3 =	slt.s32 s0, $0x20  }
0x561: {  	s1 =	simm.s32 @!p2 $0x249D0;
	s2 =	sand.u32 s2, s24;
	s0 =	simm.s32 @!p3 $0x20  }
0x562: {  	s1 =	ssub.s32 s1, s2;
	s0 =	smul.u32 $0xA00, s0  }
0x563: {  	s1 =	sadd.s32 $0xFFFDB630, s1  }
0x564: {  	s26 =	simm.s32 $0x9;
	s13 =	sshll.u32 s1, $0x2;
	s0 =	sshrl.u32 s0, $0x2  }
0x565: {  	p2 =	sgt.s32 s1, $0x1F;
	s25 =	ssub.s32 $0x80, s13;
	_ =	swait.ge [sflag:s26], s0  }
0x566: {  	s0 =	ssub.s32 $0x0, s0;
	s1 =	sshrl.u32 s25, $0x2;
	[sflag:s26] =	ssyncset.done $0x0  }
0x567: {  	s28 =	simm.s32 $0xB;
	s1 =	simm.s32 @p2 $0x0;
	[sflag:s26] =	ssyncadd.s32 s0  }
0x568: {  	_ =	swait.ge [sflag:s28], s1  }
0x569: {  	s29 =	ssub.s32 $0x0, s1;
	[sflag:s28] =	ssyncset.done $0x0  }
0x56a: {  	[sflag:s28] =	ssyncadd.s32 s29  }
0x56b: {  	v1 =	vld [tilespmem:$0x8C48];
	_ =	sdelay $0x4  }
0x56c: {  	(v2sf) =	vpush v1, $0x0  }
0x56d: {  	(v2sf) =	vpush v1, $0x1  }
0x56e: {  	(v2sf) =	vpush v1, $0x2;
	_ =	sdelay $0x3  }
0x56f: {  	s0 =	sadd.s32 $0x20, s24  }
0x570: {  	s5 =	ssub.s32 $0x493E0, s24;
	p2 =	slt.s32 s12, s0  }
0x571: {  	s0 =	smov.u32 @p2 s12;
	p2 =	sgt.s32 s5, $0x0  }
0x572: {  	s25 =	ssub.s32 s0, s24;
	s5 =	simm.s32 @!p2 $0x0  }
0x573: {  	p2 =	slt.s32 s5, s25  }
0x574: {  	s25 =	smov.u32 @p2 s5  }
0x575: {  	p2 =	slt.s32 s25, $0x1  }
.Ltmp21:
0x576: {  	_ = 	snop;
	(pc) =	sbr.rel @p2 .LBB3_12-.Ltmp21, $4  }
0x577: {  	s1 =	simm.s32 $0x1  }
0x578: {  	s1 =	simm.s32 @!p1 $0x0;
	s2 =	spop (v2sf)  }
0x579: {  	s30 =	sshll.u32 s1, $0x5;
	s8 =	spop (v2sf)  }
0x57a: {  	s31 =	sadd.s32 $0xCEE8, s30;
	s24 =	spop (v2sf)  }
0x57b: {  	s0 =	smin.u32 s25, $0x10  }
0x57c: {  	v1 =	vmov s0  }
0x57d: {  	vm1 =	vgt.u32 v1, v0;
	_ =	sdelay $0x1  }
0x57e: {  	p3 =	sgt.s32 s25, $0x10  }
.Ltmp22:
0x57f: {  	_ = 	snop;
	(pc) =	sbr.rel @!p3 .LBB3_11-.Ltmp22, $3  }
0x580: {  	_ =	sdelay $0x1  }
0x581: {  	v1 =	vld.msk [tilespmem:s31+$0x0 ss:$0x1], vm1  }
0x582: {  	s9 =	simm.s32 $0x10;
	s11 =	sadd.s32 $0xFFFFFFF0, s25;
	s0 =	smov.u32 s31;
	vm0 =	vmmov vm1  }
.LBB3_10:
0x583: {  	s5 =	smin.u32 s11, $0x10;
	s9 =	sadd.s32 $0x10, s9  }
0x584: {  	v2 =	vmov s5;
	p3 =	slt.s32 s9, s25  }
0x585: {  	vm1 =	vgt.u32 v2, v0  }
0x586: {  	v2 =	vshrl.u32 v1, $0x3  }
0x587: {  	v1 =	vshll.u32 v1, $0x4;
	v2 =	vmul.u32 $0x280, v2  }
0x588: {  	v1 =	vand.u32 $0x70, v1  }
.Ltmp23:
0x589: {  	v1 =	vor.u32 v1, v2;
	(pc) =	sbr.rel @p3 .LBB3_10-.Ltmp23, $3  }
0x58a: {  	[tilespmem:s0+$0x0] =	vst.msk vm0, v1;
	s0 =	sadd.s32 $0x10, s0;
	vm0 =	vmmov vm1  }
0x58b: {  	v1 =	vld.msk [tilespmem:s0+$0x0 ss:$0x1], vm1;
	_ =	sdelay $0x1  }
0x58c: {  	s11 =	sadd.s32 $0xFFFFFFF0, s11  }
.LBB3_11:
0x58d: {  	_ =	sdelay $0x2  }
0x58e: {  	v2 =	vshrl.u32 v1, $0x3  }
0x58f: {  	v1 =	vshll.u32 v1, $0x4;
	v2 =	vmul.u32 $0x280, v2  }
0x590: {  	v1 =	vand.u32 $0x70, v1  }
0x591: {  	v1 =	vor.u32 v1, v2  }
0x592: {  	[tilespmem:s0+$0x0] =	vst.msk vm0, v1  }
.LBB3_12:
0x593: {  	s0 =	sand.u32 $0x1, s23  }
0x594: {  	p3 =	sne.s32 s8, $0xFFFFFFFF;
	s9 =	sshll.u32 s0, $0x5  }
0x595: {  	v1 =	vld.msk @!p3 [tilespmem:s9+$0xCEE8], $0x1;
	_ =	sdelay $0x4  }
0x596: {  	(v2sf) =	vpush @!p3 v1, $0x0;
	_ =	sdelay $0xc  }
.Ltmp24:
0x597: {  	_ = 	snop;
	(pc) =	sbr.rel @p2 .LBB3_29-.Ltmp24, $4  }
0x598: {  	_ = 	snop  }
0x599: {  	s30 =	spop @!p3 (v2sf)  }
0x59a: {  	s24 =	simm.s32 @!p3 $0x0;
	s26 =	smov.u32 s30  }
0x59b: {  	[sflag:s14] =	ssyncpa.u1 $0x0;
	s30 =	smov.u32 @p3 s2;
	s26 =	smov.u32 @p3 s8  }
0x59c: {  	v1 =	vld.msk [tilespmem:s31+$0x0], $0x1;
	_ =	sdelay $0x4  }
0x59d: {  	(v2sf) =	vpush v1, $0x0;
	_ =	sdelay $0xd  }
0x59e: {  	s3 =	smov.u32 s17  }
0x59f: {  	s1 =	smul.u32 $0x14000, s1;
	s28 =	simm.s32 $0x0;
	s2 =	spop (v2sf)  }
0x5a0: {  	s6 =	smov.u32 s30;
	s8 =	ssub.s32 $0x0, s25;
	p2 =	seq.s32 s30, s2  }
0x5a1: {  	s1 =	sshrl.u32 s1, $0x2;
	p3 =	sgt.s32 @!p2 s30, $0x0;
	s5 =	smul.u32 @!p2 $0x840, s28  }
0x5a2: {  	s8 =	sadd.s32 $0x1, s8;
	s29 =	sadd.s32 $0xCF28, s1;
	p3 =	por !p3, p2  }
0x5a3: {  	s1 =	sadd.s32 $0xCEE8, s9;
	s6 =	simm.s32 @p3 $0x0;
	s5 =	sshra.s32 @!p2 s5, $0x2  }
0x5a4: {  	p3 =	seq.s32 s8, $0x0;
	s6 =	smin.u32 @!p2 s6, $0x3D06FF;
	s11 =	sadd.s32 @!p2 $0x4838, s5  }
0x5a5: {  	s9 =	sand.u32 @!p2 $0x3FFFF8, s6;
	s14 =	sadd.s32 @!p2 $0x80, s6;
	s17 =	sadd.s32 @!p2 $0x100, s6  }
0x5a6: {  	s10 =	sadd.s32 @!p2 s4, s9;
	s9 =	sand.u32 @!p2 $0x7, s6;
	s14 =	sand.u32 @!p2 $0x7FFFF8, s14  }
0x5a7: {  	[tilespmem:s11], [sflag:$0x2] =	stream.linear.gather @!p2 [hbm4b:s10+s9], $0x80, $0x38;
	[tilespmem:$0x16F28] =	vst v63  }
0x5a8: {  	s13 =	sadd.s32 @!p2 $0x48B8, s5;
	s10 =	sadd.s32 @!p2 s4, s14;
	s11 =	sand.u32 @!p2 $0x7FFFF8, s17  }
0x5a9: {  	[tilespmem:s13], [sflag:$0x2] =	stream.linear.gather @!p2 [hbm4b:s10+s9], $0x80, $0x38;
	[tilespmem:$0x16F28] =	vst v63  }
0x5aa: {  	s14 =	sadd.s32 @!p2 $0x180, s6;
	s10 =	sadd.s32 @!p2 s4, s11;
	s11 =	sadd.s32 @!p2 $0x4938, s5  }
0x5ab: {  	[tilespmem:s11], [sflag:$0x2] =	stream.linear.gather @!p2 [hbm4b:s10+s9], $0x80, $0x38;
	[tilespmem:$0x16F28] =	vst v63  }
.Ltmp25:
0x5ac: {  	s13 =	sand.u32 @!p2 $0x7FFFF8, s14;
	(pc) =	sbr.rel @p3 .LBB3_15-.Ltmp25, $4  }
0x5ad: {  	s15 =	smov.u32 s12;
	s10 =	sadd.s32 @!p2 s4, s13;
	s11 =	sadd.s32 @!p2 $0x49B8, s5  }
0x5ae: {  	[tilespmem:s11], [sflag:$0x2] =	stream.linear.gather @!p2 [hbm4b:s10+s9], $0x80, $0x38;
	[tilespmem:$0x16F28] =	vst v63  }
0x5af: {  	s12 =	smov.u32 s20;
	s6 =	sadd.s32 @!p2 $0x200, s6;
	s11 =	simm.s32 @!p2 $0x1  }
0x5b0: {  	s6 =	sand.u32 @!p2 $0x7FFFF8, s6;
	s13 =	sadd.s32 @!p2 $0x4A38, s5;
	s11 =	smov.u32 @p2 s28  }
.LBB3_14:
0x5b1: {  	s5 =	smov.u32 s11  }
0x5b2: {  	s8 =	sadd.s32 $0x1, s8;
	s6 =	sadd.s32 @!p2 s4, s6;
	s31 =	sadd.s32 $0x1, s31  }
0x5b3: {  	[tilespmem:s13], [sflag:$0x2] =	stream.linear.gather @!p2 [hbm4b:s6+s9], $0x4, $0x38;
	[tilespmem:$0x16F28] =	vst v63  }
0x5b4: {  	p3 =	seq.s32 s8, $0x0;
	s6 =	smov.u32 s2;
	v1 =	vld.msk [tilespmem:s31+$0x0], $0x1;
	_ =	sdelay $0x4  }
0x5b5: {  	(v2sf) =	vpush v1, $0x0;
	_ =	sdelay $0xe  }
0x5b6: {  	s2 =	spop (v2sf)  }
0x5b7: {  	p2 =	seq.s32 s6, s2  }
0x5b8: {  	p4 =	sgt.s32 @!p2 s6, $0x0;
	s9 =	smul.u32 @!p2 $0x840, s11;
	s11 =	sadd.s32 @!p2 $0x1, s11  }
0x5b9: {  	p4 =	por !p4, p2;
	s11 =	smov.u32 @p2 s5  }
0x5ba: {  	s6 =	simm.s32 @p4 $0x0;
	s5 =	sshra.s32 @!p2 s9, $0x2  }
0x5bb: {  	s6 =	smin.u32 @!p2 s6, $0x3D06FF;
	s10 =	sadd.s32 @!p2 $0x4838, s5;
	s13 =	sadd.s32 @!p2 $0x48B8, s5  }
0x5bc: {  	s9 =	sand.u32 @!p2 $0x3FFFF8, s6;
	s14 =	sadd.s32 @!p2 $0x80, s6;
	s17 =	sadd.s32 @!p2 $0x100, s6  }
0x5bd: {  	s20 =	sadd.s32 @!p2 s4, s9;
	s9 =	sand.u32 @!p2 $0x7, s6;
	s14 =	sand.u32 @!p2 $0x7FFFF8, s14  }
0x5be: {  	[tilespmem:s10], [sflag:$0x2] =	stream.linear.gather @!p2 [hbm4b:s20+s9], $0x80, $0x38;
	[tilespmem:$0x16F28] =	vst v63  }
0x5bf: {  	s10 =	sadd.s32 @!p2 s4, s14;
	s14 =	sand.u32 @!p2 $0x7FFFF8, s17;
	s17 =	sadd.s32 @!p2 $0x180, s6  }
0x5c0: {  	[tilespmem:s13], [sflag:$0x2] =	stream.linear.gather @!p2 [hbm4b:s10+s9], $0x80, $0x38;
	[tilespmem:$0x16F28] =	vst v63  }
0x5c1: {  	s10 =	sadd.s32 @!p2 s4, s14  }
.Ltmp26:
0x5c2: {  	s13 =	sadd.s32 @!p2 $0x4938, s5;
	s14 =	sand.u32 @!p2 $0x7FFFF8, s17;
	(pc) =	sbr.rel @!p3 .LBB3_14-.Ltmp26, $4  }
0x5c3: {  	[tilespmem:s13], [sflag:$0x2] =	stream.linear.gather @!p2 [hbm4b:s10+s9], $0x80, $0x38;
	[tilespmem:$0x16F28] =	vst v63  }
0x5c4: {  	s6 =	sadd.s32 @!p2 $0x200, s6;
	s10 =	sadd.s32 @!p2 s4, s14;
	s13 =	sadd.s32 @!p2 $0x49B8, s5  }
0x5c5: {  	[tilespmem:s13], [sflag:$0x2] =	stream.linear.gather @!p2 [hbm4b:s10+s9], $0x80, $0x38;
	[tilespmem:$0x16F28] =	vst v63  }
0x5c6: {  	s6 =	sand.u32 @!p2 $0x7FFFF8, s6;
	s13 =	sadd.s32 @!p2 $0x4A38, s5  }
.LBB3_15:
0x5c7: {  	s5 =	smul.u32 $0x810, s11  }
0x5c8: {  	s2 =	sadd.s32 @!p2 s4, s6;
	s20 =	simm.s32 $0x2;
	s0 =	smul.u32 $0x14000, s0  }
0x5c9: {  	[tilespmem:s13], [sflag:$0x2] =	stream.linear.gather @!p2 [hbm4b:s2+s9], $0x4, $0x38;
	[tilespmem:$0x16F28] =	vst v63  }
.Ltmp27:
0x5ca: {  	v1 =	vmov s1;
	s1 =	simm.s32 $0x0;
	s17 =	sshrl.u32 s5, $0x2;
	(pc) =	sbr.rel .LBB3_16-.Ltmp27, $4  }
0x5cb: {  	s0 =	sshrl.u32 s0, $0x2;
	_ =	swait.ge [sflag:s20], s17;
	s2 =	ssub.s32 $0x0, s17  }
0x5cc: {  	s31 =	sadd.s32 $0xCF28, s0;
	s17 =	smov.u32 s3;
	[sflag:s20] =	ssyncset.done $0x0  }
0x5cd: {  	s3 =	simm.s32 $0x1;
	[sflag:s20] =	ssyncadd.s32 s2;
	s2 =	simm.s32 $0x0  }
0x5ce: {  	s20 =	smov.u32 s12;
	s12 =	smov.u32 s15;
	s15 =	rddreg [dreg:$0x8]  }
.LBB3_26:
0x5cf: {  	[tilespmem:s11+$0x0] =	vst v2  }
0x5d0: {  	v2 =	vld.msk [tilespmem:s9+$0x200], $0xf;
	_ =	sdelay $0x4  }
0x5d1: {  	s28 =	sadd.s32 $0x1, s28;
	[tilespmem:s8+$0x628] =	vst.msk $0xf, v2  }
.LBB3_27:
0x5d2: {  	s2 =	sadd.s32 $0x1, s2  }
0x5d3: {  	p2 =	sne.s32 s2, s25  }
.Ltmp28:
0x5d4: {  	_ = 	snop;
	(pc) =	sbr.rel @!p2 .LBB3_28-.Ltmp28, $2  }
0x5d5: {  	_ =	sdelay $0x2  }
0x5d6: {  	s29 =	sadd.s32 $0x280, s29;
	s30 =	smov.u32 s0  }
.LBB3_16:
0x5d7: {  	_ =	sdelay $0x3  }
0x5d8: {  	v2 =	vld.idx.msk [tilespmem:v1+s2+$0x0 ss:$0x1], $0x1;
	_ =	sdelay $0x4  }
0x5d9: {  	(v2sf) =	vpush v2, $0x0;
	_ =	sdelay $0xe  }
0x5da: {  	s0 =	spop (v2sf)  }
0x5db: {  	p2 =	sne.s32 s30, s0  }
.Ltmp29:
0x5dc: {  	_ = 	snop;
	(pc) =	sbr.rel @p2 .LBB3_20-.Ltmp29, $3  }
0x5dd: {  	s5 =	smul.u32 $0xA00, s2  }
0x5de: {  	s6 =	smul.u32 $0x840, s24;
	_ =	sdelay $0x1  }
0x5df: {  	s9 =	sshra.s32 s5, $0x2;
	s8 =	sshra.s32 s6, $0x2  }
0x5e0: {  	s9 =	sadd.s32 s9, s31  }
0x5e1: {  	s11 =	sadd.s32 $0x428, s8;
	s13 =	simm.s32 $0x0;
	v2 =	vld [tilespmem:s29+$0x0];
	s5 =	smov.u32 s29  }
.LBB3_18:
0x5e2: {  	s13 =	sadd.s32 $0x10, s13  }
0x5e3: {  	p2 =	slt.u32 s13, $0x1F0  }
.Ltmp30:
0x5e4: {  	_ = 	snop;
	(pc) =	sbr.rel @p2 .LBB3_18-.Ltmp30, $3  }
0x5e5: {  	_ =	sdelay $0x1  }
0x5e6: {  	s5 =	sadd.s32 $0x10, s5;
	[tilespmem:s11+$0x0] =	vst.add.f32.msk $0xffff, v2;
	s11 =	sadd.s32 $0x10, s11  }
0x5e7: {  	v2 =	vld [tilespmem:s5+$0x0]  }
0x5e8: {  	_ =	sdelay $0x3  }
0x5e9: {  	[tilespmem:s11+$0x0] =	vst.add.f32.msk $0xffff, v2  }
0x5ea: {  	v2 =	vld.msk [tilespmem:s9+$0x200], $0xf  }
.Ltmp31:
0x5eb: {  	_ = 	snop;
	(pc) =	sbr.rel .LBB3_27-.Ltmp31, $2  }
0x5ec: {  	_ =	sdelay $0x2  }
0x5ed: {  	[tilespmem:s8+$0x628] =	vst.add.f32.msk $0xf, v2  }
.LBB3_20:
0x5ee: {  	p2 =	seq.s32 s30, s26  }
.Ltmp32:
0x5ef: {  	_ = 	snop;
	(pc) =	sbr.rel @!p2 .LBB3_21-.Ltmp32, $1  }
0x5f0: {  	_ =	sdelay $0x3  }
.Ltmp33:
0x5f1: {  	s5 =	sadd.s32 $0x428, s8;
	(pc) =	sbr.rel .LBB3_24-.Ltmp33, $4  }
0x5f2: {  	[spmem:s16] =	stream.linear.scatter [tilespmem:s5], [sflag:$0x1], $0x204, $0x38;
	[tilespmem:$0x16F28] =	vst v63  }
0x5f3: {  	_ =	swait.ge [sflag:s3], $0x204  }
0x5f4: {  	[sflag:s3] =	ssyncset.done $0x0  }
0x5f5: {  	[sflag:s3] =	ssyncadd.s32 $0xFFFFFDFC  }
.LBB3_21:
0x5f6: {  	s5 =	smul.u32 $0x840, s28;
	_ =	sdelay $0x1  }
0x5f7: {  	s13 =	sshra.s32 s5, $0x2  }
0x5f8: {  	s5 =	sadd.s32 $0x428, s8;
	s14 =	sadd.s32 $0x4838, s13  }
0x5f9: {  	s6 =	simm.s32 $0x0;
	s11 =	smov.u32 s5;
	v2 =	vld [tilespmem:s14+$0x0]  }
.LBB3_22:
0x5fa: {  	s6 =	sadd.s32 $0x10, s6  }
0x5fb: {  	p2 =	slt.u32 s6, $0x1F0  }
.Ltmp34:
0x5fc: {  	_ = 	snop;
	(pc) =	sbr.rel @p2 .LBB3_22-.Ltmp34, $3  }
0x5fd: {  	_ =	sdelay $0x1  }
0x5fe: {  	s14 =	sadd.s32 $0x10, s14;
	[tilespmem:s11+$0x0] =	vst.add.f32.msk $0xffff, v2;
	s11 =	sadd.s32 $0x10, s11  }
0x5ff: {  	v2 =	vld [tilespmem:s14+$0x0]  }
0x600: {  	_ =	sdelay $0x3  }
0x601: {  	[tilespmem:s11+$0x0] =	vst.add.f32.msk $0xffff, v2  }
0x602: {  	v2 =	vld.msk [tilespmem:s13+$0x4A38], $0xf;
	_ =	sdelay $0x2  }
0x603: {  	p2 =	sgt.u32 s30, $0x3D06FF  }
0x604: {  	s6 =	sand.u32 @!p2 $0x3FFFF8, s30  }
0x605: {  	s10 =	sand.u32 @!p2 $0x7, s30;
	s6 =	sadd.s32 @!p2 s4, s6;
	[tilespmem:s8+$0x628] =	vst.add.f32.msk $0xf, v2  }
0x606: {  	[hbm4b:s6+s10] =	stream.linear.scatter @!p2 [tilespmem:s5], [sflag:$0xC], $0x80, $0x38;
	[tilespmem:$0x16F28] =	vst v63  }
0x607: {  	s5 =	sadd.s32 @!p2 $0x80, s30  }
0x608: {  	s5 =	sand.u32 @!p2 $0x7FFFF8, s5  }
0x609: {  	s6 =	sadd.s32 @!p2 $0x4A8, s8;
	s5 =	sadd.s32 @!p2 s4, s5  }
0x60a: {  	[hbm4b:s5+s10] =	stream.linear.scatter @!p2 [tilespmem:s6], [sflag:$0xC], $0x80, $0x38;
	[tilespmem:$0x16F28] =	vst v63  }
0x60b: {  	s5 =	sadd.s32 @!p2 $0x100, s30  }
0x60c: {  	s5 =	sand.u32 @!p2 $0x7FFFF8, s5  }
0x60d: {  	s6 =	sadd.s32 @!p2 $0x528, s8;
	s5 =	sadd.s32 @!p2 s4, s5  }
0x60e: {  	[hbm4b:s5+s10] =	stream.linear.scatter @!p2 [tilespmem:s6], [sflag:$0xC], $0x80, $0x38;
	[tilespmem:$0x16F28] =	vst v63  }
0x60f: {  	s5 =	sadd.s32 @!p2 $0x180, s30  }
0x610: {  	s5 =	sand.u32 @!p2 $0x7FFFF8, s5  }
0x611: {  	s6 =	sadd.s32 @!p2 $0x5A8, s8;
	s5 =	sadd.s32 @!p2 s4, s5  }
0x612: {  	[hbm4b:s5+s10] =	stream.linear.scatter @!p2 [tilespmem:s6], [sflag:$0xC], $0x80, $0x38;
	[tilespmem:$0x16F28] =	vst v63  }
0x613: {  	s5 =	sadd.s32 @!p2 $0x200, s30;
	s6 =	sadd.s32 $0x628, s8;
	s8 =	simm.s32 $0x0  }
0x614: {  	s5 =	sand.u32 @!p2 $0x7FFFF8, s5;
	s8 =	simm.s32 @!p2 $0x810  }
0x615: {  	s5 =	sadd.s32 @!p2 s4, s5;
	s1 =	sadd.s32 s8, s1  }
0x616: {  	[hbm4b:s5+s10] =	stream.linear.scatter @!p2 [tilespmem:s6], [sflag:$0xC], $0x4, $0x38;
	[tilespmem:$0x16F28] =	vst v63  }
.LBB3_24:
0x617: {  	s5 =	sadd.s32 $0x1, s24  }
0x618: {  	s24 =	sand.u32 $0x1F, s5  }
0x619: {  	s5 =	smul.u32 $0x840, s24;
	_ =	sdelay $0x1  }
0x61a: {  	s9 =	sadd.s32 s9, s31;
	s8 =	sshrl.u32 s5, $0x2  }
0x61b: {  	s6 =	simm.s32 $0x0;
	v2 =	vld [tilespmem:s29+$0x0];
	s5 =	smov.u32 s29;
	s11 =	sadd.s32 $0x428, s8  }
.LBB3_25:
0x61c: {  	s6 =	sadd.s32 $0x10, s6  }
0x61d: {  	p2 =	slt.u32 s6, $0x1F0  }
.Ltmp35:
0x61e: {  	_ = 	snop;
	(pc) =	sbr.rel @p2 .LBB3_25-.Ltmp35, $3  }
0x61f: {  	_ =	sdelay $0x1  }
0x620: {  	[tilespmem:s11+$0x0] =	vst v2;
	s11 =	sadd.s32 $0x10, s11;
	s5 =	sadd.s32 $0x10, s5  }
0x621: {  	v2 =	vld [tilespmem:s5+$0x0]  }
.Ltmp36:
0x622: {  	_ = 	snop;
	(pc) =	sbr.rel .LBB3_26-.Ltmp36, $1  }
0x623: {  	_ =	sdelay $0x3  }
.LBB3_29:
.Ltmp37:
0x624: {  	(pc) =	sbr.rel .LBB3_30-.Ltmp37, $4  }
0x625: {  	_ = 	snop  }
0x626: {  	s0 =	simm.s32 $0x2  }
0x627: {  	_ =	swait.ge [sflag:s0], $0x0  }
0x628: {  	s1 =	simm.s32 $0x0;
	[sflag:s0] =	ssyncset.done $0x0;
	s0 =	smov.u32 s30  }
.LBB3_32:
0x629: {  	_ =	sfence.sel $0x180000  }
0x62a: {  	s0 =	simm.s32 $0x9;
	[bflag:$0x0] =	sbarrier.arrive $0xFFFF  }
0x62b: {  	s24 =	simm.s32 $0xA;
	[sflag:s0] =	ssyncpa.u1 $0x1  }
0x62c: {  	s25 =	simm.s32 $0xB;
	[sflag:s24] =	ssyncpa.u1 $0x1  }
0x62d: {  	s26 =	simm.s32 $0x2;
	[sflag:s25] =	ssyncpa.u1 $0x1  }
0x62e: {  	[sflag:s26] =	ssyncpa.u1 $0x1  }
0x62f: {  	v0 =	vld [tilespmem:$0x8C48];
	_ =	sdelay $0x4  }
0x630: {  	(v2sf) =	vpush v0, $0x0  }
0x631: {  	(v2sf) =	vpush v0, $0x1  }
0x632: {  	(v2sf) =	vpush v0, $0x2;
	_ =	sdelay $0xc  }
0x633: {  	s0 =	spop (v2sf)  }
0x634: {  	s1 =	spop (v2sf)  }
0x635: {  	s2 =	smov.u32 s0;
	p0 =	sne.s32 s0, s1;
	s3 =	spop (v2sf)  }
0x636: {  	s2 =	simm.s32 @!p0 $0xFFFFFFFF;
	p0 =	seq.s32 s3, $0xFFFFFFFF  }
0x637: {  	v2 =	vimm.s32 $0x1;
	v3 =	vlaneseq.u32;
	v1 =	vmov s2;
	p1 =	sne.s32 @!p0 s0, s1  }
0x638: {  	s17 =	stileid.u32;
	v0 =	vperm.xlane v0, v2;
	s0 =	simm.s32 @!p0 $0x1;
	v1 =	vperm.xlane v1, v3;
	p1 =	por !p1, p0  }
0x639: {  	vm0 =	vcmask $0x3F04;
	s2 =	sshll.u32 s17, $0x1;
	s1 =	smul.u32 @!p0 $0x840, s3;
	s0 =	simm.s32 @p1 $0x0  }
0x63a: {  	s6 =	simm.s32 $0x8C48;
	v0 =	vsel vm0, v1, v0;
	s0 =	sor.u32 @!p0 s0, s2  }
0x63b: {  	s5 =	sor.u32 $0x4200, s2;
	s1 =	sshra.s32 @!p0 s1, $0x2;
	[tilespmem:$0x8C48] =	vst v0;
	s0 =	smul.u32 @!p0 $0x840, s0  }
0x63c: {  	[spmem:s5] =	stream.linear.scatter [tilespmem:s6], [sflag:$0x1], $0x2, $0x38;
	[tilespmem:$0x16F28] =	vst v63  }
0x63d: {  	s1 =	sadd.s32 @!p0 $0x428, s1;
	s0 =	sshrl.u32 @!p0 s0, $0x2  }
0x63e: {  	[spmem:s0] =	stream.linear.scatter @!p0 [tilespmem:s1], [sflag:$0x1], $0x210, $0x38;
	[tilespmem:$0x16F28] =	vst v63  }
0x63f: {  	s0 =	simm.s32 @!p0 $0x212  }
0x640: {  	s28 =	simm.s32 $0x1;
	s0 =	simm.s32 @p0 $0x2  }
0x641: {  	_ =	swait.ge [sflag:s28], s0  }
0x642: {  	s0 =	ssub.s32 $0x0, s0;
	[sflag:s28] =	ssyncset.done $0x0  }
0x643: {  	p0 =	sne.s32 s17, $0x0;
	[sflag:s28] =	ssyncadd.s32 s0  }
.Ltmp38:
0x644: {  	_ =	sfence.stream.spmem;
	(pc) =	sbr.rel @p0 .LBB3_57-.Ltmp38, $4  }
0x645: {  	s29 =	simm.s32 $0x3;
	[bflag:$0x0] =	sbarrier.arrive $0xFFFF  }
0x646: {  	s30 =	simm.s32 $0x4;
	[sflag:s29] =	ssyncpa.u1 $0x1  }
0x647: {  	s31 =	simm.s32 $0x3C;
	[sflag:s30] =	ssyncpa.u1 $0x1  }
0x648: {  	s18 =	rddreg [dreg:$0x6];
	[sflag:s31] =	ssyncpa.u1 $0x1  }
0x649: {  	_ =	sfence.stream.spmem;
	s0 =	simm.s32 $0x5  }
0x64a: {  	s1 =	simm.s32 $0x4200;
	s2 =	simm.s32 $0x8C58;
	[sflag:s0] =	ssyncpa.u1 $0x0  }
0x64b: {  	[tilespmem:s2], [sflag:$0x5] =	stream.linear.gather [spmem:s1], $0x20, $0x38;
	[tilespmem:$0x16F28] =	vst v63  }
0x64c: {  	s26 =	simm.s32 $0x0;
	s28 =	simm.s32 $0x8C78  }
0x64d: {  	[tilespmem:s28], [sflag:$0x5] =	stream.linear.gather [spmem:s26], $0x4200, $0x38;
	[tilespmem:$0x16F28] =	vst v63  }
0x64e: {  	_ =	swait.ge [sflag:s0], $0x4220  }
0x64f: {  	[sflag:s0] =	ssyncset.done $0x0  }
0x650: {  	s29 =	simm.s32 $0x0;
	[sflag:s0] =	ssyncadd.s32 $0xFFFFBDE0  }
0x651: {  	v0 =	vld.msk [tilespmem:s29+$0x8C58], $0x1;
	_ =	sdelay $0x1  }
0x652: {  	s30 =	simm.s32 $0x1  }
0x653: {  	v1 =	vld.msk [tilespmem:s30+$0x8C58], $0x1;
	_ =	sdelay $0x1  }
0x654: {  	(v2sf) =	vpush v0, $0x0;
	_ =	sdelay $0x2  }
0x655: {  	(v2sf) =	vpush v1, $0x0;
	_ =	sdelay $0x2  }
0x656: {  	s31 =	simm.s32 $0x2  }
0x657: {  	v0 =	vld.msk [tilespmem:s31+$0x8C58], $0x1;
	_ =	sdelay $0x2  }
0x658: {  	s1 =	simm.s32 $0xFFFFFFFF;
	s2 =	simm.s32 $0xFFFFFFFF;
	s0 =	simm.s32 $0xC  }
.LBB3_34:
0x659: {  	s3 =	smov.u32 s2;
	s5 =	smov.u32 s1  }
0x65a: {  	s1 =	sshra.s32 s0, $0x2;
	p1 =	sne.s32 s0, $0x7C;
	s0 =	sadd.s32 $0x4, s0;
	(v2sf) =	vpush v0, $0x0  }
0x65b: {  	v0 =	vld.msk [tilespmem:s1+$0x8C58], $0x1  }
.Ltmp39:
0x65c: {  	(pc) =	sbr.rel @p1 .LBB3_34-.Ltmp39, $4  }
0x65d: {  	s2 =	spop (v2sf)  }
0x65e: {  	p2 =	sne.s32 s5, $0xFFFFFFFF;
	s1 =	smov.u32 s2  }
0x65f: {  	p3 =	seq.s32 s2, $0xFFFFFFFF;
	s1 =	smov.u32 @p2 s5  }
0x660: {  	s2 =	smov.u32 @p3 s3;
	s1 =	smov.u32 @p3 s5  }
0x661: {  	(v2sf) =	vpush v0, $0x0;
	_ =	sdelay $0x7  }
0x662: {  	s0 =	spop (v2sf)  }
0x663: {  	p1 =	sne.s32 s1, $0xFFFFFFFF;
	s7 =	simm.s32 $0x6;
	s10 =	simm.s32 $0x8C78  }
0x664: {  	s11 =	simm.s32 $0x8AB8;
	s12 =	simm.s32 $0x8B38;
	s3 =	smov.u32 s0  }
0x665: {  	s13 =	simm.s32 $0x8BB8;
	p2 =	seq.s32 s0, $0xFFFFFFFF;
	s3 =	smov.u32 @p1 s1  }
0x666: {  	s14 =	simm.s32 $0x8C38;
	s3 =	smov.u32 @p2 s1;
	s1 =	spop (v2sf)  }
0x667: {  	s0 =	smov.u32 @p2 s2;
	p1 =	sne.s32 s3, $0xFFFFFFFF;
	s8 =	smov.u32 s1  }
.Ltmp40:
0x668: {  	p2 =	seq.s32 s1, $0xFFFFFFFF;
	s8 =	smov.u32 @p1 s3;
	(pc) =	sbr.rel .LBB3_36-.Ltmp40, $4  }
0x669: {  	s15 =	simm.s32 $0x0;
	s8 =	smov.u32 @p2 s3;
	s5 =	spop (v2sf)  }
0x66a: {  	[sflag:s7] =	ssyncpa.u1 $0x0;
	p1 =	sne.s32 s8, $0xFFFFFFFF;
	s6 =	smov.u32 s5  }
0x66b: {  	s1 =	smov.u32 @p2 s0;
	p2 =	seq.s32 s5, $0xFFFFFFFF;
	s6 =	smov.u32 @p1 s8  }
0x66c: {  	s3 =	simm.s32 $0x0;
	s5 =	smov.u32 @p2 s1;
	s6 =	smov.u32 @p2 s8  }
.LBB3_51:
0x66d: {  	s15 =	sadd.s32 $0x1, s15  }
0x66e: {  	p1 =	sne.s32 s15, $0x20  }
.Ltmp41:
0x66f: {  	_ = 	snop;
	(pc) =	sbr.rel @!p1 .LBB3_52-.Ltmp41, $2  }
0x670: {  	_ =	sdelay $0x2  }
0x671: {  	s10 =	sadd.s32 $0x210, s10  }
.LBB3_36:
0x672: {  	v0 =	vld.msk [tilespmem:s15+$0x8C58], $0x1;
	_ =	sdelay $0x4  }
0x673: {  	(v2sf) =	vpush v0, $0x0;
	_ =	sdelay $0xe  }
0x674: {  	s0 =	spop (v2sf)  }
0x675: {  	p1 =	seq.s32 s0, $0xFFFFFFFF  }
.Ltmp42:
0x676: {  	_ = 	snop;
	(pc) =	sbr.rel @p1 .LBB3_51-.Ltmp42, $1  }
0x677: {  	_ =	sdelay $0x3  }
0x678: {  	p1 =	slt.s32 s3, $0x1  }
.Ltmp43:
0x679: {  	_ = 	snop;
	(pc) =	sbr.rel @p1 .LBB3_44-.Ltmp43, $1  }
0x67a: {  	_ =	sdelay $0x3  }
0x67b: {  	s1 =	simm.s32 $0x8C58;
	p1 =	por $0x0, $0x0  }
0x67c: {  	v1 =	vld.msk @!p1 [tilespmem:s1+$0x0], $0x1;
	_ =	sdelay $0x4  }
0x67d: {  	(v2sf) =	vpush @!p1 v1, $0x0;
	_ =	sdelay $0xd  }
0x67e: {  	p3 =	sne.s32 s3, $0x1  }
.Ltmp44:
0x67f: {  	s2 =	spop @!p1 (v2sf);
	(pc) =	sbr.rel @!p3 .LBB3_40-.Ltmp44, $4  }
0x680: {  	p2 =	seq.s32 @!p1 s0, s2  }
0x681: {  	s2 =	simm.s32 $0x0;
	p2 =	por !p2, p1  }
0x682: {  	s9 =	simm.s32 $0xFFFFFFFF;
	s2 =	simm.s32 @p2 $0xFFFFFFFF  }
0x683: {  	s8 =	simm.s32 $0x1;
	s2 =	smov.u32 @p1 s9  }
.LBB3_39:
0x684: {  	s9 =	smov.u32 s2;
	p1 =	sne.s32 s2, $0xFFFFFFFF  }
0x685: {  	s1 =	sadd.s32 $0x1, s1;
	s2 =	smov.u32 s8;
	s8 =	sadd.s32 $0x1, s8  }
0x686: {  	p2 =	sne.s32 s3, s8;
	v1 =	vld.msk @!p1 [tilespmem:s1+$0x0], $0x1;
	_ =	sdelay $0x4  }
0x687: {  	(v2sf) =	vpush @!p1 v1, $0x0;
	_ =	sdelay $0xe  }
.Ltmp45:
0x688: {  	s16 =	spop @!p1 (v2sf);
	(pc) =	sbr.rel @p2 .LBB3_39-.Ltmp45, $4  }
0x689: {  	p3 =	seq.s32 @!p1 s0, s16  }
0x68a: {  	p3 =	por !p3, p1  }
0x68b: {  	s2 =	simm.s32 @p3 $0xFFFFFFFF  }
0x68c: {  	s2 =	smov.u32 @p1 s9  }
.LBB3_40:
0x68d: {  	p1 =	seq.s32 s2, $0xFFFFFFFF  }
.Ltmp46:
0x68e: {  	_ = 	snop;
	(pc) =	sbr.rel @p1 .LBB3_44-.Ltmp46, $1  }
0x68f: {  	_ =	sdelay $0x3  }
0x690: {  	s0 =	smul.u32 $0x840, s2;
	_ =	sdelay $0x1  }
0x691: {  	s0 =	sshra.s32 s0, $0x2  }
0x692: {  	s1 =	simm.s32 $0x0;
	v0 =	vld [tilespmem:s10+$0x0];
	s2 =	smov.u32 s10;
	s0 =	sadd.s32 $0x8C78, s0  }
.LBB3_42:
0x693: {  	s1 =	sadd.s32 $0x10, s1  }
0x694: {  	p1 =	slt.u32 s1, $0x200  }
.Ltmp47:
0x695: {  	_ = 	snop;
	(pc) =	sbr.rel @p1 .LBB3_42-.Ltmp47, $3  }
0x696: {  	_ =	sdelay $0x1  }
0x697: {  	s2 =	sadd.s32 $0x10, s2;
	[tilespmem:s0+$0x0] =	vst.add.f32.msk $0xffff, v0;
	s0 =	sadd.s32 $0x10, s0  }
0x698: {  	v0 =	vld [tilespmem:s2+$0x0]  }
.Ltmp48:
0x699: {  	_ = 	snop;
	(pc) =	sbr.rel .LBB3_51-.Ltmp48, $2  }
0x69a: {  	_ =	sdelay $0x2  }
0x69b: {  	[tilespmem:s0+$0x0] =	vst.add.f32.msk $0xffff, v0  }
.LBB3_44:
0x69c: {  	p1 =	sgt.u32 s0, $0x3D06FF  }
0x69d: {  	p2 =	seq.s32 @!p1 s0, s6  }
0x69e: {  	p1 =	por p1, p2  }
0x69f: {  	p2 =	seq.s32 @!p1 s0, s5  }
0x6a0: {  	p1 =	por p1, p2  }
.Ltmp49:
0x6a1: {  	_ = 	snop;
	(pc) =	sbr.rel @p1 .LBB3_48-.Ltmp49, $1  }
0x6a2: {  	_ =	sdelay $0x3  }
0x6a3: {  	s1 =	sand.u32 $0x3FFFF8, s0;
	s8 =	sand.u32 $0x7, s0  }
0x6a4: {  	s28 =	sadd.s32 $0x80, s0;
	s2 =	sadd.s32 s4, s1;
	s1 =	simm.s32 $0x8A38  }
0x6a5: {  	[tilespmem:s1], [sflag:$0x6] =	stream.linear.gather [hbm4b:s2+s8], $0x80, $0x38;
	[tilespmem:$0x16F28] =	vst v63  }
0x6a6: {  	s2 =	sand.u32 $0x7FFFF8, s28  }
0x6a7: {  	s29 =	sadd.s32 $0x100, s0;
	s2 =	sadd.s32 s4, s2  }
0x6a8: {  	[tilespmem:s11], [sflag:$0x6] =	stream.linear.gather [hbm4b:s2+s8], $0x80, $0x38;
	[tilespmem:$0x16F28] =	vst v63  }
0x6a9: {  	s2 =	sand.u32 $0x7FFFF8, s29  }
0x6aa: {  	s30 =	sadd.s32 $0x180, s0;
	s2 =	sadd.s32 s4, s2  }
0x6ab: {  	[tilespmem:s12], [sflag:$0x6] =	stream.linear.gather [hbm4b:s2+s8], $0x80, $0x38;
	[tilespmem:$0x16F28] =	vst v63  }
0x6ac: {  	s31 =	sadd.s32 $0x200, s0;
	s2 =	sand.u32 $0x7FFFF8, s30  }
0x6ad: {  	s0 =	sand.u32 $0x7FFFF8, s31;
	s2 =	sadd.s32 s4, s2  }
0x6ae: {  	[tilespmem:s13], [sflag:$0x6] =	stream.linear.gather [hbm4b:s2+s8], $0x80, $0x38;
	[tilespmem:$0x16F28] =	vst v63  }
0x6af: {  	s0 =	sadd.s32 s4, s0  }
0x6b0: {  	[tilespmem:s14], [sflag:$0x6] =	stream.linear.gather [hbm4b:s0+s8], $0x4, $0x38;
	[tilespmem:$0x16F28] =	vst v63  }
0x6b1: {  	_ =	swait.ge [sflag:s7], $0x204  }
0x6b2: {  	[sflag:s7] =	ssyncset.done $0x0  }
0x6b3: {  	[sflag:s7] =	ssyncadd.s32 $0xFFFFFDFC  }
0x6b4: {  	s2 =	smov.u32 s10;
	s0 =	simm.s32 $0x0;
	v1 =	vld [tilespmem:s1+$0x0]  }
.LBB3_46:
0x6b5: {  	s0 =	sadd.s32 $0x10, s0  }
0x6b6: {  	p1 =	slt.u32 s0, $0x200  }
.Ltmp50:
0x6b7: {  	_ = 	snop;
	(pc) =	sbr.rel @p1 .LBB3_46-.Ltmp50, $3  }
0x6b8: {  	_ =	sdelay $0x1  }
0x6b9: {  	s1 =	sadd.s32 $0x10, s1;
	[tilespmem:s2+$0x0] =	vst.add.f32.msk $0xffff, v1;
	s2 =	sadd.s32 $0x10, s2  }
0x6ba: {  	v1 =	vld [tilespmem:s1+$0x0]  }
0x6bb: {  	_ =	sdelay $0x3  }
0x6bc: {  	[tilespmem:s2+$0x0] =	vst.add.f32.msk $0xffff, v1  }
.LBB3_48:
0x6bd: {  	s0 =	smul.u32 $0x840, s3;
	_ =	sdelay $0x1  }
0x6be: {  	[tilespmem:s3+$0x8C58] =	vst.msk $0x1, v0;
	s0 =	sshra.s32 s0, $0x2  }
0x6bf: {  	s1 =	simm.s32 $0x0;
	s2 =	smov.u32 s10;
	v0 =	vld [tilespmem:s10+$0x0];
	s0 =	sadd.s32 $0x8C78, s0  }
.LBB3_49:
0x6c0: {  	s1 =	sadd.s32 $0x10, s1  }
0x6c1: {  	p1 =	slt.u32 s1, $0x200  }
.Ltmp51:
0x6c2: {  	_ = 	snop;
	(pc) =	sbr.rel @p1 .LBB3_49-.Ltmp51, $3  }
0x6c3: {  	_ =	sdelay $0x1  }
0x6c4: {  	s2 =	sadd.s32 $0x10, s2;
	[tilespmem:s0+$0x0] =	vst v0;
	s0 =	sadd.s32 $0x10, s0  }
0x6c5: {  	v0 =	vld [tilespmem:s2+$0x0]  }
.Ltmp52:
0x6c6: {  	_ = 	snop;
	(pc) =	sbr.rel .LBB3_51-.Ltmp52, $2  }
0x6c7: {  	_ =	sdelay $0x2  }
0x6c8: {  	s3 =	sadd.s32 $0x1, s3;
	[tilespmem:s0+$0x0] =	vst v0  }
.LBB3_52:
0x6c9: {  	s0 =	simm.s32 $0x6;
	p1 =	seq.s32 s3, $0x0  }
0x6ca: {  	[sflag:s0] =	ssyncpa.u1 $0x1;
	v0 =	vimm.s32 @p1 $0xFFFFFFFF  }
0x6cb: {  	s0 =	sadd.s32 $0xFFFFFFFF, s3;
	[tilespmem:$0xCE78] =	vst @p1 v0  }
0x6cc: {  	v0 =	vld.msk @!p1 [tilespmem:s0+$0x8C58], $0x1;
	_ =	sdelay $0x1  }
0x6cd: {  	v1 =	vld.msk @!p1 [tilespmem:$0x8C58], $0x1;
	_ =	sdelay $0x2  }
0x6ce: {  	p2 =	seq.s32 @!p1 s0, $0x0;
	v0 =	vbroadcast @!p1 v0, $0x0  }
0x6cf: {  	vm0 =	vmmov @!p1 $0x1;
	p3 =	por !p2, p1  }
0x6d0: {  	p2 =	sne.s32 @!p1 s6, s5;
	v1 =	vnsel @!p1 vm0, $0xFFFFFFFF, v1;
	vm0 =	vcmask @!p1 $0x308;
	v0 =	vpsel !p3, $0xFFFFFFFF, v0  }
0x6d1: {  	p3 =	por !p2, p1;
	v0 =	vsel @!p1 vm0, v1, v0  }
0x6d2: {  	s1 =	simm.s32 @!p1 $0x8C78;
	s2 =	simm.s32 @!p1 $0x0;
	s5 =	smul.u32 @!p3 $0x840, s0;
	[tilespmem:$0xCE78] =	vst @!p1 v0  }
0x6d3: {  	[spmem:s2] =	stream.linear.scatter @!p1 [tilespmem:s1], [sflag:$0x1], $0x210, $0x38;
	[tilespmem:$0x16F28] =	vst v63  }
0x6d4: {  	s1 =	sshra.s32 @!p3 s5, $0x2  }
0x6d5: {  	s2 =	simm.s32 @!p3 $0x210;
	s1 =	sadd.s32 @!p3 $0x8C78, s1  }
0x6d6: {  	[spmem:s2] =	stream.linear.scatter @!p3 [tilespmem:s1], [sflag:$0x1], $0x210, $0x38;
	[tilespmem:$0x16F28] =	vst v63  }
0x6d7: {  	s1 =	simm.s32 @!p3 $0x1  }
0x6d8: {  	_ =	swait.ge @!p3 [sflag:s1], $0x420  }
0x6d9: {  	p1 =	por p2, p1;
	[sflag:s1] =	ssyncset.done @!p3 $0x0  }
0x6da: {  	[sflag:s1] =	ssyncadd.s32 @!p3 $0xFFFFFBE0;
	s1 =	simm.s32 @!p1 $0x1  }
0x6db: {  	_ =	swait.ge @!p1 [sflag:s1], $0x210  }
0x6dc: {  	s29 =	simm.s32 $0xCE78;
	[sflag:s1] =	ssyncset.done @!p1 $0x0  }
0x6dd: {  	s30 =	simm.s32 $0x4200;
	s31 =	simm.s32 $0x1;
	[sflag:s1] =	ssyncadd.s32 @!p1 $0xFFFFFDF0  }
0x6de: {  	[spmem:s30] =	stream.linear.scatter [tilespmem:s29], [sflag:$0x1], $0x10, $0x38;
	[tilespmem:$0x16F28] =	vst v63  }
0x6df: {  	_ =	swait.ge [sflag:s31], $0x10  }
0x6e0: {  	[sflag:s31] =	ssyncset.done $0x0  }
0x6e1: {  	p1 =	seq.s32 s18, $0x0;
	s9 =	rddreg [dreg:$0x3];
	[sflag:s31] =	ssyncadd.s32 $0xFFFFFFF0  }
0x6e2: {  	s2 =	sshll.u32 @p1 s9, $0xE;
	s8 =	rddreg [dreg:$0x4]  }
0x6e3: {  	s1 =	sadd.s32 @p1 $0x15C3C, s2;
	s2 =	sshll.u32 @p1 s8, $0x11  }
0x6e4: {  	_ =	sfence.stream.spmem;
	s1 =	sor.u32 @p1 s2, s1  }
0x6e5: {  	[sflag:s1] =	ssyncadd.remote.s32 @p1 $0x1;
	s1 =	simm.s32 @p1 $0x4  }
0x6e6: {  	s5 =	simm.s32 @!p1 $0x3C;
	s2 =	sand.u32 $0xFFFFFFFE, s9;
	_ =	swait.ge @p1 [sflag:s1], $0x86  }
0x6e7: {  	s6 =	simm.s32 @!p1 $0x0;
	s2 =	sadd.s32 @!p1 $0x4, s2;
	[sflag:s1] =	ssyncset.done @p1 $0x0  }
0x6e8: {  	s7 =	simm.s32 @!p1 $0x420;
	[sflag:s1] =	ssyncadd.s32 @p1 $0xFFFFFF7A;
	s1 =	sshll.u32 @!p1 s2, $0x1A  }
0x6e9: {  	s2 =	sshll.u32 @!p1 s2, $0xD;
	s1 =	sor.u32 @!p1 s1, s8;
	_ =	swait.eq @!p1 [sflag:s5], $0x1  }
0x6ea: {  	s2 =	sor.u32 @!p1 $0x1C04, s2;
	s5 =	simm.s32 @!p1 $0x1C03;
	s1 =	sor.u32 @!p1 $0x80004000, s1  }
0x6eb: {  	[spmem:s7], [sflag:s2] =	dma.general @!p1 [spmem:s6], [sflag:s5], length:$0x84, [dreg:$0x0], stride_count:$0x0, ici_dest:s1, dma_misc:DstOpCode:WRITE  }
0x6ec: {  	p2 =	slt.s32 s0, $0x2;
	s6 =	simm.s32 @!p1 $0x840;
	s7 =	simm.s32 @!p1 $0x842  }
0x6ed: {  	[spmem:s7], [sflag:s2] =	dma.general @!p1 [spmem:s6], [sflag:s5], length:$0x2, [dreg:$0x0], stride_count:$0x0, ici_dest:s1, dma_misc:DstOpCode:WRITE  }
.Ltmp53:
0x6ee: {  	s1 =	simm.s32 @!p1 $0x3;
	(pc) =	sbr.rel @p2 .LBB3_56-.Ltmp53, $4  }
0x6ef: {  	s2 =	sshll.u32 @!p1 s9, $0xE;
	_ =	swait.ge @!p1 [sflag:s1], $0x86  }
0x6f0: {  	s5 =	sshll.u32 @!p1 s8, $0x11;
	s2 =	sadd.s32 @!p1 $0x11C3C, s2;
	[sflag:s1] =	ssyncset.done @!p1 $0x0  }
0x6f1: {  	[sflag:s1] =	ssyncadd.s32 @!p1 $0xFFFFFF7A;
	s1 =	sor.u32 @!p1 s5, s2  }
0x6f2: {  	s0 =	simm.s32 $0x0;
	[sflag:s1] =	ssyncadd.remote.s32 @!p1 $0xFFFFFFFF  }
0x6f3: {  	s0 =	simm.s32 $0x8C59  }
0x6f4: {  	v0 =	vld.msk [tilespmem:s0+$0x0], $0x1;
	_ =	sdelay $0x4  }
0x6f5: {  	(v2sf) =	vpush v0, $0x0;
	_ =	sdelay $0xd  }
0x6f6: {  	s2 =	sadd.s32 $0xFFFFFFFE, s3  }
0x6f7: {  	s2 =	sadd.s32 $0xFFFFFFFF, s2;
	s5 =	spop (v2sf)  }
0x6f8: {  	s0 =	simm.s32 $0x8E88;
	p2 =	sne.s32 s2, $0x0;
	p1 =	sgt.u32 s5, $0x3D06FF  }
0x6f9: {  	s1 =	sand.u32 @!p1 $0x3FFFF8, s5;
	s3 =	sadd.s32 @!p1 $0x80, s5;
	s7 =	sadd.s32 @!p1 $0x100, s5  }
0x6fa: {  	s6 =	sand.u32 @!p1 $0x7, s5;
	s1 =	sadd.s32 @!p1 s4, s1;
	s3 =	sand.u32 @!p1 $0x7FFFF8, s3  }
0x6fb: {  	[hbm4b:s1+s6] =	stream.linear.scatter @!p1 [tilespmem:s0], [sflag:$0x5], $0x80, $0x38;
	[tilespmem:$0x16F28] =	vst v63  }
0x6fc: {  	s7 =	sand.u32 @!p1 $0x7FFFF8, s7;
	s1 =	simm.s32 @!p1 $0x8F08;
	s3 =	sadd.s32 @!p1 s4, s3  }
0x6fd: {  	[hbm4b:s3+s6] =	stream.linear.scatter @!p1 [tilespmem:s1], [sflag:$0x5], $0x80, $0x38;
	[tilespmem:$0x16F28] =	vst v63  }
0x6fe: {  	s1 =	simm.s32 @!p1 $0x8F88;
	s3 =	sadd.s32 @!p1 s4, s7;
	s7 =	sadd.s32 @!p1 $0x180, s5  }
0x6ff: {  	[hbm4b:s3+s6] =	stream.linear.scatter @!p1 [tilespmem:s1], [sflag:$0x5], $0x80, $0x38;
	[tilespmem:$0x16F28] =	vst v63  }
.Ltmp54:
0x700: {  	s3 =	sand.u32 @!p1 $0x7FFFF8, s7;
	(pc) =	sbr.rel @!p2 .LBB3_55-.Ltmp54, $4  }
0x701: {  	s8 =	sadd.s32 @!p1 $0x200, s5;
	s7 =	simm.s32 @!p1 $0x9008;
	s3 =	sadd.s32 @!p1 s4, s3  }
0x702: {  	[hbm4b:s3+s6] =	stream.linear.scatter @!p1 [tilespmem:s7], [sflag:$0x5], $0x80, $0x38;
	[tilespmem:$0x16F28] =	vst v63  }
0x703: {  	s8 =	sand.u32 @!p1 $0x7FFFF8, s8;
	s5 =	simm.s32 $0x9098;
	s7 =	simm.s32 $0x0  }
0x704: {  	s1 =	simm.s32 $0x0;
	s3 =	simm.s32 $0x8C5A;
	s7 =	simm.s32 @!p1 $0x810  }
.LBB3_54:
0x705: {  	s0 =	sadd.s32 @!p1 $0x200, s0;
	s8 =	sadd.s32 @!p1 s4, s8;
	s1 =	sadd.s32 s1, s7  }
0x706: {  	[hbm4b:s8+s6] =	stream.linear.scatter @!p1 [tilespmem:s0], [sflag:$0x5], $0x4, $0x38;
	[tilespmem:$0x16F28] =	vst v63  }
0x707: {  	s2 =	sadd.s32 $0xFFFFFFFF, s2;
	s0 =	smov.u32 s5;
	v0 =	vld.msk [tilespmem:s3+$0x0], $0x1  }
0x708: {  	p2 =	sne.s32 s2, $0x0;
	_ =	sdelay $0x3  }
0x709: {  	(v2sf) =	vpush v0, $0x0;
	_ =	sdelay $0xe  }
0x70a: {  	s7 =	spop (v2sf)  }
0x70b: {  	s5 =	sadd.s32 $0x210, s5;
	s3 =	sadd.s32 $0x1, s3;
	p1 =	sgt.u32 s7, $0x3D06FF  }
0x70c: {  	s6 =	sand.u32 @!p1 $0x3FFFF8, s7;
	s8 =	sadd.s32 @!p1 $0x80, s7;
	s9 =	sadd.s32 @!p1 $0x100, s7  }
0x70d: {  	s10 =	sadd.s32 @!p1 s4, s6;
	s6 =	sand.u32 @!p1 $0x7, s7;
	s8 =	sand.u32 @!p1 $0x7FFFF8, s8  }
0x70e: {  	[hbm4b:s10+s6] =	stream.linear.scatter @!p1 [tilespmem:s0], [sflag:$0x5], $0x80, $0x38;
	[tilespmem:$0x16F28] =	vst v63  }
0x70f: {  	s9 =	sand.u32 @!p1 $0x7FFFF8, s9;
	s10 =	sadd.s32 @!p1 $0x80, s0;
	s8 =	sadd.s32 @!p1 s4, s8  }
0x710: {  	[hbm4b:s8+s6] =	stream.linear.scatter @!p1 [tilespmem:s10], [sflag:$0x5], $0x80, $0x38;
	[tilespmem:$0x16F28] =	vst v63  }
0x711: {  	s9 =	sadd.s32 @!p1 s4, s9;
	s8 =	sadd.s32 @!p1 $0x100, s0;
	s10 =	sadd.s32 @!p1 $0x180, s7  }
0x712: {  	[hbm4b:s9+s6] =	stream.linear.scatter @!p1 [tilespmem:s8], [sflag:$0x5], $0x80, $0x38;
	[tilespmem:$0x16F28] =	vst v63  }
.Ltmp55:
0x713: {  	_ = 	snop;
	(pc) =	sbr.rel @p2 .LBB3_54-.Ltmp55, $4  }
0x714: {  	s9 =	sadd.s32 @!p1 $0x180, s0  }
0x715: {  	s8 =	sand.u32 @!p1 $0x7FFFF8, s10;
	s10 =	sadd.s32 @!p1 $0x200, s7;
	s7 =	simm.s32 $0x0  }
0x716: {  	s7 =	simm.s32 @!p1 $0x810;
	s11 =	sadd.s32 @!p1 s4, s8;
	s8 =	sand.u32 @!p1 $0x7FFFF8, s10  }
0x717: {  	[hbm4b:s11+s6] =	stream.linear.scatter @!p1 [tilespmem:s9], [sflag:$0x5], $0x80, $0x38;
	[tilespmem:$0x16F28] =	vst v63  }
.LBB3_55:
0x718: {  	s0 =	sadd.s32 @!p1 $0x200, s0;
	s2 =	sadd.s32 @!p1 s4, s8;
	s31 =	sadd.s32 s1, s7  }
0x719: {  	[hbm4b:s2+s6] =	stream.linear.scatter @!p1 [tilespmem:s0], [sflag:$0x5], $0x4, $0x38;
	[tilespmem:$0x16F28] =	vst v63  }
0x71a: {  	s0 =	sshrl.u32 s31, $0x2  }
.LBB3_56:
0x71b: {  	s1 =	simm.s32 $0x5  }
0x71c: {  	_ =	swait.ge [sflag:s1], s0  }
0x71d: {  	s31 =	ssub.s32 $0x0, s0;
	[sflag:s1] =	ssyncset.done $0x0  }
0x71e: {  	[sflag:s1] =	ssyncadd.s32 s31  }
0x71f: {  	[sflag:s1] =	ssyncpa.u1 $0x1  }
.LBB3_57:
0x720: {  	s0 =	sor.u32 s18, s17  }
0x721: {  	p1 =	sne.s32 s0, $0x0  }
.Ltmp56:
0x722: {  	_ = 	snop;
	(pc) =	sbr.rel @p1 .LBB3_80-.Ltmp56, $3  }
0x723: {  	_ =	sdelay $0x1  }
0x724: {  	[bflag:$0x0] =	sbarrier.arrive $0xFFFF  }
0x725: {  	_ =	sfence  }
0x726: {  	s0 =	simm.s32 $0x7  }
0x727: {  	s1 =	simm.s32 $0x4200;
	s2 =	simm.s32 $0x8C58;
	[sflag:s0] =	ssyncpa.u1 $0x0  }
0x728: {  	[tilespmem:s2], [sflag:$0x7] =	stream.linear.gather [spmem:s1], $0x20, $0x38;
	[tilespmem:$0x16F28] =	vst v63  }
0x729: {  	s1 =	simm.s32 $0x0;
	s2 =	simm.s32 $0x8C78  }
0x72a: {  	[tilespmem:s2], [sflag:$0x7] =	stream.linear.gather [spmem:s1], $0x4200, $0x38;
	[tilespmem:$0x16F28] =	vst v63  }
.Ltmp57:
0x72b: {  	_ = 	snop;
	(pc) =	sbr.rel .LBB3_59-.Ltmp57, $4  }
0x72c: {  	_ =	swait.ge [sflag:s0], $0x4220  }
0x72d: {  	s3 =	simm.s32 $0x8;
	s5 =	simm.s32 $0x8AB8;
	[sflag:s0] =	ssyncset.done $0x0  }
0x72e: {  	s6 =	simm.s32 $0x8B38;
	s7 =	simm.s32 $0x8BB8;
	[sflag:s0] =	ssyncadd.s32 $0xFFFFBDE0  }
0x72f: {  	s8 =	simm.s32 $0x8C38;
	s9 =	simm.s32 $0x0;
	[sflag:s3] =	ssyncpa.u1 $0x0  }
.LBB3_74:
0x730: {  	s9 =	sadd.s32 $0x1, s9  }
0x731: {  	p1 =	sne.s32 s9, $0x20  }
.Ltmp58:
0x732: {  	_ = 	snop;
	(pc) =	sbr.rel @!p1 .LBB3_75-.Ltmp58, $2  }
0x733: {  	_ =	sdelay $0x2  }
0x734: {  	s2 =	sadd.s32 $0x210, s2  }
.LBB3_59:
0x735: {  	v0 =	vld.msk [tilespmem:s9+$0x8C58], $0x1;
	_ =	sdelay $0x4  }
0x736: {  	(v2sf) =	vpush v0, $0x0;
	_ =	sdelay $0xe  }
0x737: {  	s0 =	spop (v2sf)  }
0x738: {  	p1 =	seq.s32 s0, $0xFFFFFFFF  }
.Ltmp59:
0x739: {  	_ = 	snop;
	(pc) =	sbr.rel @p1 .LBB3_74-.Ltmp59, $1  }
0x73a: {  	_ =	sdelay $0x3  }
0x73b: {  	p1 =	slt.s32 s1, $0x1  }
.Ltmp60:
0x73c: {  	_ = 	snop;
	(pc) =	sbr.rel @p1 .LBB3_67-.Ltmp60, $1  }
0x73d: {  	_ =	sdelay $0x3  }
0x73e: {  	s10 =	simm.s32 $0x8C58;
	p1 =	por $0x0, $0x0  }
0x73f: {  	v1 =	vld.msk @!p1 [tilespmem:s10+$0x0], $0x1;
	_ =	sdelay $0x4  }
0x740: {  	(v2sf) =	vpush @!p1 v1, $0x0;
	_ =	sdelay $0xd  }
0x741: {  	p3 =	sne.s32 s1, $0x1  }
.Ltmp61:
0x742: {  	s11 =	spop @!p1 (v2sf);
	(pc) =	sbr.rel @!p3 .LBB3_63-.Ltmp61, $4  }
0x743: {  	p2 =	seq.s32 @!p1 s0, s11  }
0x744: {  	s11 =	simm.s32 $0x0;
	p2 =	por !p2, p1  }
0x745: {  	s13 =	simm.s32 $0xFFFFFFFF;
	s11 =	simm.s32 @p2 $0xFFFFFFFF  }
0x746: {  	s12 =	simm.s32 $0x1;
	s11 =	smov.u32 @p1 s13  }
.LBB3_62:
0x747: {  	s13 =	smov.u32 s11;
	p1 =	sne.s32 s11, $0xFFFFFFFF  }
0x748: {  	s10 =	sadd.s32 $0x1, s10;
	s11 =	smov.u32 s12;
	s12 =	sadd.s32 $0x1, s12  }
0x749: {  	p2 =	sne.s32 s1, s12;
	v1 =	vld.msk @!p1 [tilespmem:s10+$0x0], $0x1;
	_ =	sdelay $0x4  }
0x74a: {  	(v2sf) =	vpush @!p1 v1, $0x0;
	_ =	sdelay $0xe  }
.Ltmp62:
0x74b: {  	s14 =	spop @!p1 (v2sf);
	(pc) =	sbr.rel @p2 .LBB3_62-.Ltmp62, $4  }
0x74c: {  	p3 =	seq.s32 @!p1 s0, s14  }
0x74d: {  	p3 =	por !p3, p1  }
0x74e: {  	s11 =	simm.s32 @p3 $0xFFFFFFFF  }
0x74f: {  	s11 =	smov.u32 @p1 s13  }
.LBB3_63:
0x750: {  	p1 =	seq.s32 s11, $0xFFFFFFFF  }
.Ltmp63:
0x751: {  	_ = 	snop;
	(pc) =	sbr.rel @p1 .LBB3_67-.Ltmp63, $1  }
0x752: {  	_ =	sdelay $0x3  }
0x753: {  	s0 =	smul.u32 $0x840, s11;
	_ =	sdelay $0x1  }
0x754: {  	s0 =	sshra.s32 s0, $0x2  }
0x755: {  	s10 =	simm.s32 $0x0;
	v0 =	vld [tilespmem:s2+$0x0];
	s11 =	smov.u32 s2;
	s0 =	sadd.s32 $0x8C78, s0  }
.LBB3_65:
0x756: {  	s10 =	sadd.s32 $0x10, s10  }
0x757: {  	p1 =	slt.u32 s10, $0x200  }
.Ltmp64:
0x758: {  	_ = 	snop;
	(pc) =	sbr.rel @p1 .LBB3_65-.Ltmp64, $3  }
0x759: {  	_ =	sdelay $0x1  }
0x75a: {  	s11 =	sadd.s32 $0x10, s11;
	[tilespmem:s0+$0x0] =	vst.add.f32.msk $0xffff, v0;
	s0 =	sadd.s32 $0x10, s0  }
0x75b: {  	v0 =	vld [tilespmem:s11+$0x0]  }
.Ltmp65:
0x75c: {  	_ = 	snop;
	(pc) =	sbr.rel .LBB3_74-.Ltmp65, $2  }
0x75d: {  	_ =	sdelay $0x2  }
0x75e: {  	[tilespmem:s0+$0x0] =	vst.add.f32.msk $0xffff, v0  }
.LBB3_67:
0x75f: {  	p1 =	sgt.u32 s0, $0x3D06FF  }
.Ltmp66:
0x760: {  	_ = 	snop;
	(pc) =	sbr.rel @p1 .LBB3_71-.Ltmp66, $1  }
0x761: {  	_ =	sdelay $0x3  }
0x762: {  	s10 =	sand.u32 $0x3FFFF8, s0;
	s12 =	sand.u32 $0x7, s0  }
0x763: {  	s28 =	sadd.s32 $0x80, s0;
	s11 =	sadd.s32 s4, s10;
	s10 =	simm.s32 $0x8A38  }
0x764: {  	[tilespmem:s10], [sflag:$0x8] =	stream.linear.gather [hbm4b:s11+s12], $0x80, $0x38;
	[tilespmem:$0x16F28] =	vst v63  }
0x765: {  	s11 =	sand.u32 $0x7FFFF8, s28  }
0x766: {  	s29 =	sadd.s32 $0x100, s0;
	s11 =	sadd.s32 s4, s11  }
0x767: {  	[tilespmem:s5], [sflag:$0x8] =	stream.linear.gather [hbm4b:s11+s12], $0x80, $0x38;
	[tilespmem:$0x16F28] =	vst v63  }
0x768: {  	s11 =	sand.u32 $0x7FFFF8, s29  }
0x769: {  	s30 =	sadd.s32 $0x180, s0;
	s11 =	sadd.s32 s4, s11  }
0x76a: {  	[tilespmem:s6], [sflag:$0x8] =	stream.linear.gather [hbm4b:s11+s12], $0x80, $0x38;
	[tilespmem:$0x16F28] =	vst v63  }
0x76b: {  	s31 =	sadd.s32 $0x200, s0;
	s11 =	sand.u32 $0x7FFFF8, s30  }
0x76c: {  	s0 =	sand.u32 $0x7FFFF8, s31;
	s11 =	sadd.s32 s4, s11  }
0x76d: {  	[tilespmem:s7], [sflag:$0x8] =	stream.linear.gather [hbm4b:s11+s12], $0x80, $0x38;
	[tilespmem:$0x16F28] =	vst v63  }
0x76e: {  	s0 =	sadd.s32 s4, s0  }
0x76f: {  	[tilespmem:s8], [sflag:$0x8] =	stream.linear.gather [hbm4b:s0+s12], $0x4, $0x38;
	[tilespmem:$0x16F28] =	vst v63  }
0x770: {  	_ =	swait.ge [sflag:s3], $0x204  }
0x771: {  	[sflag:s3] =	ssyncset.done $0x0  }
0x772: {  	[sflag:s3] =	ssyncadd.s32 $0xFFFFFDFC  }
0x773: {  	s11 =	smov.u32 s2;
	s0 =	simm.s32 $0x0;
	v1 =	vld [tilespmem:s10+$0x0]  }
.LBB3_69:
0x774: {  	s0 =	sadd.s32 $0x10, s0  }
0x775: {  	p1 =	slt.u32 s0, $0x200  }
.Ltmp67:
0x776: {  	_ = 	snop;
	(pc) =	sbr.rel @p1 .LBB3_69-.Ltmp67, $3  }
0x777: {  	_ =	sdelay $0x1  }
0x778: {  	s10 =	sadd.s32 $0x10, s10;
	[tilespmem:s11+$0x0] =	vst.add.f32.msk $0xffff, v1;
	s11 =	sadd.s32 $0x10, s11  }
0x779: {  	v1 =	vld [tilespmem:s10+$0x0]  }
0x77a: {  	_ =	sdelay $0x3  }
0x77b: {  	[tilespmem:s11+$0x0] =	vst.add.f32.msk $0xffff, v1  }
.LBB3_71:
0x77c: {  	s0 =	smul.u32 $0x840, s1;
	_ =	sdelay $0x1  }
0x77d: {  	[tilespmem:s1+$0x8C58] =	vst.msk $0x1, v0;
	s0 =	sshra.s32 s0, $0x2  }
0x77e: {  	s10 =	simm.s32 $0x0;
	s11 =	smov.u32 s2;
	v0 =	vld [tilespmem:s2+$0x0];
	s0 =	sadd.s32 $0x8C78, s0  }
.LBB3_72:
0x77f: {  	s10 =	sadd.s32 $0x10, s10  }
0x780: {  	p1 =	slt.u32 s10, $0x200  }
.Ltmp68:
0x781: {  	_ = 	snop;
	(pc) =	sbr.rel @p1 .LBB3_72-.Ltmp68, $3  }
0x782: {  	_ =	sdelay $0x1  }
0x783: {  	s11 =	sadd.s32 $0x10, s11;
	[tilespmem:s0+$0x0] =	vst v0;
	s0 =	sadd.s32 $0x10, s0  }
0x784: {  	v0 =	vld [tilespmem:s11+$0x0]  }
.Ltmp69:
0x785: {  	_ = 	snop;
	(pc) =	sbr.rel .LBB3_74-.Ltmp69, $2  }
0x786: {  	_ =	sdelay $0x2  }
0x787: {  	s1 =	sadd.s32 $0x1, s1;
	[tilespmem:s0+$0x0] =	vst v0  }
.LBB3_75:
0x788: {  	p1 =	slt.s32 s1, $0x1  }
.Ltmp70:
0x789: {  	_ = 	snop;
	(pc) =	sbr.rel @p1 .LBB3_79-.Ltmp70, $3  }
0x78a: {  	_ =	sdelay $0x1  }
0x78b: {  	s0 =	simm.s32 $0x8  }
0x78c: {  	[sflag:s0] =	ssyncpa.u1 $0x1;
	s0 =	simm.s32 $0x0  }
0x78d: {  	s2 =	simm.s32 $0x8C58  }
0x78e: {  	v0 =	vld.msk [tilespmem:s2+$0x0], $0x1;
	_ =	sdelay $0x4  }
0x78f: {  	(v2sf) =	vpush v0, $0x0;
	_ =	sdelay $0xe  }
0x790: {  	s1 =	sadd.s32 $0xFFFFFFFF, s1;
	s5 =	spop (v2sf)  }
0x791: {  	s2 =	simm.s32 $0x8C78;
	p2 =	sne.s32 s1, $0x0;
	p1 =	sgt.u32 s5, $0x3D06FF  }
0x792: {  	s3 =	sand.u32 @!p1 $0x3FFFF8, s5;
	s7 =	sadd.s32 @!p1 $0x80, s5;
	s8 =	sadd.s32 @!p1 $0x100, s5  }
0x793: {  	s6 =	sand.u32 @!p1 $0x7, s5;
	s3 =	sadd.s32 @!p1 s4, s3;
	s7 =	sand.u32 @!p1 $0x7FFFF8, s7  }
0x794: {  	[hbm4b:s3+s6] =	stream.linear.scatter @!p1 [tilespmem:s2], [sflag:$0x7], $0x80, $0x38;
	[tilespmem:$0x16F28] =	vst v63  }
0x795: {  	s8 =	sand.u32 @!p1 $0x7FFFF8, s8;
	s3 =	simm.s32 @!p1 $0x8CF8;
	s7 =	sadd.s32 @!p1 s4, s7  }
0x796: {  	[hbm4b:s7+s6] =	stream.linear.scatter @!p1 [tilespmem:s3], [sflag:$0x7], $0x80, $0x38;
	[tilespmem:$0x16F28] =	vst v63  }
0x797: {  	s3 =	simm.s32 @!p1 $0x8D78;
	s7 =	sadd.s32 @!p1 s4, s8;
	s8 =	sadd.s32 @!p1 $0x180, s5  }
0x798: {  	[hbm4b:s7+s6] =	stream.linear.scatter @!p1 [tilespmem:s3], [sflag:$0x7], $0x80, $0x38;
	[tilespmem:$0x16F28] =	vst v63  }
.Ltmp71:
0x799: {  	s3 =	sand.u32 @!p1 $0x7FFFF8, s8;
	(pc) =	sbr.rel @!p2 .LBB3_78-.Ltmp71, $4  }
0x79a: {  	s7 =	simm.s32 $0x0;
	s8 =	simm.s32 @!p1 $0x8DF8;
	s3 =	sadd.s32 @!p1 s4, s3  }
0x79b: {  	[hbm4b:s3+s6] =	stream.linear.scatter @!p1 [tilespmem:s8], [sflag:$0x7], $0x80, $0x38;
	[tilespmem:$0x16F28] =	vst v63  }
0x79c: {  	s7 =	simm.s32 @!p1 $0x810;
	s8 =	sadd.s32 @!p1 $0x200, s5  }
0x79d: {  	s3 =	simm.s32 $0x8C59;
	s5 =	simm.s32 $0x8E88;
	s8 =	sand.u32 @!p1 $0x7FFFF8, s8  }
.LBB3_77:
0x79e: {  	s2 =	sadd.s32 @!p1 $0x200, s2;
	s8 =	sadd.s32 @!p1 s4, s8;
	s0 =	sadd.s32 s0, s7  }
0x79f: {  	[hbm4b:s8+s6] =	stream.linear.scatter @!p1 [tilespmem:s2], [sflag:$0x7], $0x4, $0x38;
	[tilespmem:$0x16F28] =	vst v63  }
0x7a0: {  	s1 =	sadd.s32 $0xFFFFFFFF, s1;
	s2 =	smov.u32 s5;
	v0 =	vld.msk [tilespmem:s3+$0x0], $0x1  }
0x7a1: {  	p2 =	sne.s32 s1, $0x0;
	_ =	sdelay $0x3  }
0x7a2: {  	(v2sf) =	vpush v0, $0x0;
	_ =	sdelay $0xe  }
0x7a3: {  	s7 =	spop (v2sf)  }
0x7a4: {  	s5 =	sadd.s32 $0x210, s5;
	s3 =	sadd.s32 $0x1, s3;
	p1 =	sgt.u32 s7, $0x3D06FF  }
0x7a5: {  	s6 =	sand.u32 @!p1 $0x3FFFF8, s7;
	s8 =	sadd.s32 @!p1 $0x80, s7;
	s9 =	sadd.s32 @!p1 $0x100, s7  }
0x7a6: {  	s10 =	sadd.s32 @!p1 s4, s6;
	s6 =	sand.u32 @!p1 $0x7, s7;
	s8 =	sand.u32 @!p1 $0x7FFFF8, s8  }
0x7a7: {  	[hbm4b:s10+s6] =	stream.linear.scatter @!p1 [tilespmem:s2], [sflag:$0x7], $0x80, $0x38;
	[tilespmem:$0x16F28] =	vst v63  }
0x7a8: {  	s9 =	sand.u32 @!p1 $0x7FFFF8, s9;
	s10 =	sadd.s32 @!p1 $0x80, s2;
	s8 =	sadd.s32 @!p1 s4, s8  }
0x7a9: {  	[hbm4b:s8+s6] =	stream.linear.scatter @!p1 [tilespmem:s10], [sflag:$0x7], $0x80, $0x38;
	[tilespmem:$0x16F28] =	vst v63  }
0x7aa: {  	s9 =	sadd.s32 @!p1 s4, s9;
	s8 =	sadd.s32 @!p1 $0x100, s2;
	s10 =	sadd.s32 @!p1 $0x180, s7  }
0x7ab: {  	[hbm4b:s9+s6] =	stream.linear.scatter @!p1 [tilespmem:s8], [sflag:$0x7], $0x80, $0x38;
	[tilespmem:$0x16F28] =	vst v63  }
.Ltmp72:
0x7ac: {  	_ = 	snop;
	(pc) =	sbr.rel @p2 .LBB3_77-.Ltmp72, $4  }
0x7ad: {  	s9 =	sadd.s32 @!p1 $0x180, s2  }
0x7ae: {  	s8 =	sand.u32 @!p1 $0x7FFFF8, s10;
	s10 =	sadd.s32 @!p1 $0x200, s7;
	s7 =	simm.s32 $0x0  }
0x7af: {  	s7 =	simm.s32 @!p1 $0x810;
	s11 =	sadd.s32 @!p1 s4, s8;
	s8 =	sand.u32 @!p1 $0x7FFFF8, s10  }
0x7b0: {  	[hbm4b:s11+s6] =	stream.linear.scatter @!p1 [tilespmem:s9], [sflag:$0x7], $0x80, $0x38;
	[tilespmem:$0x16F28] =	vst v63  }
.LBB3_78:
0x7b1: {  	s1 =	sadd.s32 @!p1 $0x200, s2;
	s2 =	sadd.s32 @!p1 s4, s8;
	s0 =	sadd.s32 s0, s7  }
0x7b2: {  	[hbm4b:s2+s6] =	stream.linear.scatter @!p1 [tilespmem:s1], [sflag:$0x7], $0x4, $0x38;
	[tilespmem:$0x16F28] =	vst v63  }
0x7b3: {  	s0 =	sshrl.u32 s0, $0x2  }
.LBB3_79:
0x7b4: {  	s1 =	simm.s32 $0x7  }
0x7b5: {  	_ =	swait.ge [sflag:s1], s0  }
0x7b6: {  	s31 =	ssub.s32 $0x0, s0;
	[sflag:s1] =	ssyncset.done $0x0  }
0x7b7: {  	[sflag:s1] =	ssyncadd.s32 s31  }
0x7b8: {  	[sflag:s1] =	ssyncpa.u1 $0x1  }
.LBB3_80:
0x7b9: {  	_ =	sfence;
	s0 =	simm.s32 $0x1  }
0x7ba: {  	[sflag:s0] =	ssyncpa.u1 $0x1  }
0x7bb: {  	_ =	strace $0x90000068  }
0x7bc: {  	[bflag:$0x2] =	sbarrier.arrive $0xFFFF  }
0x7bd: {  	s0 =	rddreg [dreg:$0x5]  }
0x7be: {  	s0 =	sadd.s32 @!p0 $0x100000, s0  }
0x7bf: {  	[sflag:s0] =	ssyncadd.tile.s32 @!p0 $0x1;
	_ =	shalt  }
.Lfunc_end3:
_tile_overlayer_lowered:
.L_overlay_start_3:
0x7c0: {  	(tag) =	ssettag $0x3  }
0x7c1: {  	s0 =	rddreg [dreg:$0x0];
	s2 =	stileid.u32  }
0x7c2: {  	s1 =	rddreg [dreg:$0x1];
	p0 =	sne.s32 s2, $0x0  }
0x7c3: {  	s3 =	rddreg [dreg:$0x2];
	[bflag:$0x3] =	sbarrier.arrive $0xFFFF;
	s2 =	simm.s32 @!p0 $0x1C01  }
0x7c4: {  	[timem:s3], [sflag:s2] =	dma.local @!p0 [hbm:s0], s1  }
0x7c5: {  	s0 =	simm.s32 @!p0 $0x1  }
0x7c6: {  	_ =	swait.ge @!p0 [sflag:s0], s1  }
0x7c7: {  	s1 =	ssub.s32 @!p0 $0x0, s1;
	[sflag:s0] =	ssyncset.done @!p0 $0x0  }
0x7c8: {  	[sflag:s0] =	ssyncadd.s32 @!p0 s1  }
0x7c9: {  	[bflag:$0x3] =	sbarrier.arrive $0xFFFF  }
0x7ca: {  	_ =	shalt  }

// kernel: scatter_offload_async_start
scs
__scs_entry_jumppad:
0x0: {  	(pc) =	sbr.rel $0x88, $3  }
0x1: {  	(tag) =	ssettag $0x0;
	lr =	simm.s32 $0x1  }
0x2: {  	[smem:$0x3F89] =	sst lr;
	_ =	strace $0xD0000000  }
0x3: {  	_ = 	snop  }
0x4: {  	_ = 	snop  }
0x5: {  	_ = 	snop  }
0x6: {  	_ = 	snop  }
0x7: {  	_ = 	snop  }
__scs_overlays_trampoline_lowered:
0x8: {  	[smem:$0x3F98] =	sst s0  }
0x9: {  	[smem:$0x3F99] =	sst s1  }
0xa: {  	[smem:$0x3F9A] =	sst s2  }
0xb: {  	[smem:$0x3F9B] =	sst s3  }
0xc: {  	[smem:$0x3F9C] =	sst s4  }
0xd: {  	[smem:$0x3F9D] =	sst s5  }
0xe: {  	[smem:$0x3F9E] =	sst s6  }
0xf: {  	[smem:$0x3F9F] =	sst s7  }
0x10: {  	[smem:$0x3FA0] =	sst s8  }
0x11: {  	[smem:$0x3FA1] =	sst s9;
	s0 =	simm.s32 @!p0 $0x0  }
0x12: {  	s1 =	sld [smem:$0x3F87];
	s0 =	simm.s32 @p0 $0x1  }
0x13: {  	[smem:$0x3FA2] =	sst s0;
	s0 =	simm.s32 @!p1 $0x0  }
0x14: {  	s2 =	sld [smem:$0x3F86];
	s0 =	simm.s32 @p1 $0x1  }
0x15: {  	[smem:$0x3FA3] =	sst s0;
	s0 =	simm.s32 @!p2 $0x0  }
0x16: {  	s3 =	sld [smem:$0x3FDB];
	s0 =	simm.s32 @p2 $0x1  }
0x17: {  	s4 =	simm.s32 $0x1BF5;
	[smem:$0x3FA5] =	sst s0  }
0x18: {  	s0 =	sld [smem:$0x3F88];
	_ =	swait.ge [sflag:s4], $0x0  }
0x19: {  	s7 =	sld [smem:$0x3F89]  }
0x1a: {  	s8 =	sadd.s32 $0xFFFFE003, lr  }
0x1b: {  	s9 =	sadd.s32 $0xFFFFFEF7, lr;
	s5 =	simm.s32 $0xFFFFFFFF;
	p2 =	slt.u32 s8, $0xFFFFF086  }
0x1c: {  	p1 =	slt.u32 s9, $0xF7A;
	s5 =	simm.s32 @!p2 $0x0  }
0x1d: {  	s5 =	simm.s32 @p1 $0x1;
	p0 =	seq.s32 s7, s2  }
0x1e: {  	s7 =	smul.u32 @!p0 $0xF7A, s2;
	p2 =	seq.s32 @!p0 s5, $0x0  }
0x1f: {  	s9 =	smul.u32 $0xF7A, s1;
	s8 =	simm.s32 @!p0 $0x1BF5;
	p2 =	por !p2, p0  }
0x20: {  	[sflag:s8] =	ssyncset.s32 @!p0 $0xFFFFF086;
	s6 =	sadd.s32 @!p0 s3, s7;
	s7 =	simm.s32 @!p0 $0x108  }
0x21: {  	s3 =	sadd.s32 s3, s9;
	s6 =	sadd.s32 @!p0 $0x88, s6;
	s7 =	simm.s32 @p2 $0x1082  }
0x22: {  	[simem:s7], [sflag:s8] =	dma.local @!p0 [hbm:s6], $0xF7A  }
0x23: {  	s9 =	sor.u32 $0xD0000000, s2;
	s6 =	simm.s32 $0x108;
	_ =	swait.ge @!p0 [sflag:s8], $0x0  }
0x24: {  	s3 =	sadd.s32 $0x88, s3;
	s6 =	simm.s32 @!p1 $0x1082;
	[sflag:s4] =	ssyncset.s32 $0xFFFFF086  }
0x25: {  	[simem:s6], [sflag:s4] =	dma.local [hbm:s3], $0xF7A  }
0x26: {  	[smem:$0x3F89] =	sst s1;
	(tag) =	ssettag s2;
	_ =	strace s9  }
0x27: {  	s1 =	sld [smem:$0x3F99]  }
0x28: {  	s2 =	sld [smem:$0x3F9A]  }
0x29: {  	s4 =	sld [smem:$0x3F9C]  }
0x2a: {  	p0 =	seq.s32 s5, $0x0;
	s5 =	sld [smem:$0x3F9D]  }
0x2b: {  	s6 =	sld [smem:$0x3F9E]  }
0x2c: {  	s7 =	sld [smem:$0x3F9F]  }
0x2d: {  	s3 =	simm.s32 $0x108;
	s8 =	sld [smem:$0x3FA0]  }
0x2e: {  	s3 =	simm.s32 @!p0 $0x1082;
	s9 =	sld [smem:$0x3FA1]  }
0x2f: {  	lr =	sadd.s32 s0, s3;
	s0 =	sld [smem:$0x3F98]  }
0x30: {  	s3 =	sld [smem:$0x3F9B]  }
0x31: {  	[smem:$0x3FA4] =	sst s10  }
0x32: {  	s10 =	sld [smem:$0x3FA2];
	_ =	sdelay $0x3  }
0x33: {  	p0 =	seq.s32 s10, $0x1;
	s10 =	sld [smem:$0x3FA4];
	_ =	sdelay $0x3  }
0x34: {  	[smem:$0x3FA4] =	sst s10  }
0x35: {  	s10 =	sld [smem:$0x3FA3];
	_ =	sdelay $0x3  }
0x36: {  	p1 =	seq.s32 s10, $0x1;
	s10 =	sld [smem:$0x3FA4];
	_ =	sdelay $0x3  }
0x37: {  	[smem:$0x3FA4] =	sst s10  }
0x38: {  	s10 =	sld [smem:$0x3FA5]  }
0x39: {  	_ = 	snop;
	(pc) =	sbr.ind lr, $3  }
0x3a: {  	_ = 	snop  }
0x3b: {  	_ = 	snop  }
0x3c: {  	p2 =	seq.s32 s10, $0x1;
	s10 =	sld [smem:$0x3FA4]  }
0x3d: {  	_ =	shalt  }
0x3e: {  	_ =	shalt  }
0x3f: {  	_ =	shalt  }
0x40: {  	_ =	shalt  }
0x41: {  	_ =	shalt  }
0x42: {  	_ =	shalt  }
0x43: {  	_ =	shalt  }
0x44: {  	_ =	shalt  }
0x45: {  	_ =	shalt  }
0x46: {  	_ =	shalt  }
0x47: {  	_ =	shalt  }
0x48: {  	_ =	shalt  }
0x49: {  	_ =	shalt  }
0x4a: {  	_ =	shalt  }
0x4b: {  	_ =	shalt  }
0x4c: {  	_ =	shalt  }
0x4d: {  	_ =	shalt  }
0x4e: {  	_ =	shalt  }
0x4f: {  	_ =	shalt  }
0x50: {  	_ =	shalt  }
0x51: {  	_ =	shalt  }
0x52: {  	_ =	shalt  }
0x53: {  	_ =	shalt  }
0x54: {  	_ =	shalt  }
0x55: {  	_ =	shalt  }
0x56: {  	_ =	shalt  }
0x57: {  	_ =	shalt  }
0x58: {  	_ =	shalt  }
0x59: {  	_ =	shalt  }
0x5a: {  	_ =	shalt  }
0x5b: {  	_ =	shalt  }
0x5c: {  	_ =	shalt  }
0x5d: {  	_ =	shalt  }
0x5e: {  	_ =	shalt  }
0x5f: {  	_ =	shalt  }
0x60: {  	_ =	shalt  }
0x61: {  	_ =	shalt  }
0x62: {  	_ =	shalt  }
0x63: {  	_ =	shalt  }
0x64: {  	_ =	shalt  }
0x65: {  	_ =	shalt  }
0x66: {  	_ =	shalt  }
0x67: {  	_ =	shalt  }
0x68: {  	_ =	shalt  }
0x69: {  	_ =	shalt  }
0x6a: {  	_ =	shalt  }
0x6b: {  	_ =	shalt  }
0x6c: {  	_ =	shalt  }
0x6d: {  	_ =	shalt  }
0x6e: {  	_ =	shalt  }
0x6f: {  	_ =	shalt  }
0x70: {  	_ =	shalt  }
0x71: {  	_ =	shalt  }
0x72: {  	_ =	shalt  }
0x73: {  	_ =	shalt  }
0x74: {  	_ =	shalt  }
0x75: {  	_ =	shalt  }
0x76: {  	_ =	shalt  }
0x77: {  	_ =	shalt  }
0x78: {  	_ =	shalt  }
0x79: {  	_ =	shalt  }
0x7a: {  	_ =	shalt  }
0x7b: {  	_ =	shalt  }
0x7c: {  	_ =	shalt  }
0x7d: {  	_ =	shalt  }
0x7e: {  	_ =	shalt  }
0x7f: {  	_ =	shalt  }
0x80: {  	_ =	shalt  }
0x81: {  	_ =	shalt  }
0x82: {  	_ =	shalt  }
0x83: {  	_ =	shalt  }
0x84: {  	_ =	shalt  }
0x85: {  	_ =	shalt  }
0x86: {  	_ =	shalt  }
0x87: {  	_ =	shalt  }
.Lfunc_end0:
.L_simem_size_0:
called_computation_lowered:
.L_overlay_start_0:
0x88: {  	s2 =	sld [smem:$0x3FD9]  }
0x89: {  	s3 =	sld [smem:$0x3FFE];
	_ =	sdelay $0x1  }
0x8a: {  	s1 =	srdreg.scid  }
0x8b: {  	s0 =	sand.u32 $0x1, s1  }
0x8c: {  	s12 =	sshll.u32 s0, $0xA;
	s2 =	sadd.s32 s3, s2  }
0x8d: {  	s2 =	sadd.s32 s2, s12  }
0x8e: {  	[smem:$0x3FB0] =	sst s2  }
0x8f: {  	_ = 	snop  }
0x90: {  	(tm) =	ssettm $0x1  }
0x91: {  	s13 =	sld [smem:$0x3FFB];
	_ =	sdelay $0x3  }
0x92: {  	_ =	strace s13  }
0x93: {  	s2 =	sld [smem:$0x3FFC];
	_ =	sdelay $0x3  }
0x94: {  	_ =	strace s2  }
0x95: {  	s2 =	sld [smem:$0x3FFD];
	_ =	sdelay $0x3  }
0x96: {  	_ =	strace s2  }
0x97: {  	_ =	strace $0x8FFFFFFF  }
0x98: {  	s14 =	sld [smem:$0x3FDB];
	_ =	sdelay $0x1  }
0x99: {  	s15 =	simm.s32 $_scs_section_size  }
0x9a: {  	s4 =	simm.s32 $_size__tile_overlayer_lowered;
	s5 =	simm.s32 $_tile_overlayer_lowered  }
0x9b: {  	s19 =	simm.s32 $0x1BFF;
	s17 =	sshll.u32 s5, $0x1;
	s6 =	sadd.s32 s15, s14  }
0x9c: {  	s20 =	simm.s32 $0x0;
	s16 =	sshll.u32 s4, $0x1;
	s18 =	sadd.s32 s17, s6  }
0x9d: {  	[timem:s20], [sflag:s19] =	dma.local [hbm:s18], s16  }
0x9e: {  	_ =	swait.ge [sflag:s19], s16  }
0x9f: {  	s3 =	ssub.s32 $0x0, s16;
	[sflag:s19] =	ssyncset.done $0x0  }
0xa0: {  	[sflag:s19] =	ssyncadd.s32 s3;
	_ =	sdelay $0x1  }
0xa1: {  	s21 =	simm.s32 $0x1B8B  }
0xa2: {  	_ =	swait.ge [sflag:s21], $0x1  }
0xa3: {  	[sflag:s21] =	ssyncset.done $0x0  }
0xa4: {  	[sflag:s21] =	ssyncadd.s32 $0xFFFFFFFF  }
0xa5: {  	s3 =	sld [smem:$0x0]  }
0xa6: {  	s4 =	sand.u32 $0xFFFFFFFE, s1  }
0xa7: {  	p0 =	sne.s32 s1, s4  }
0xa8: {  	s4 =	sshll.u32 @p0 s4, $0xE  }
0xa9: {  	s5 =	sadd.s32 @p0 $0x11B8D, s4;
	s7 =	sshll.u32 @p0 s3, $0x11  }
0xaa: {  	s5 =	sor.u32 @p0 s7, s5  }
0xab: {  	[sflag:s5] =	ssyncadd.remote.s32 @p0 $0x1;
	_ =	sdelay $0x1  }
0xac: {  	s5 =	simm.s32 @p0 $0x1B8D  }
0xad: {  	_ =	swait.eq @p0 [sflag:s5], $0x1  }
0xae: {  	[sflag:s5] =	ssyncadd.s32 @p0 $0xFFFFFFFF  }
0xaf: {  	s7 =	sshll.u32 @!p0 s1, $0xE  }
0xb0: {  	s7 =	sor.u32 @!p0 $0x4000, s7;
	s5 =	simm.s32 @!p0 $0x1B8D  }
0xb1: {  	s9 =	sshll.u32 @!p0 s3, $0x11;
	s8 =	sadd.s32 @!p0 $0x11B8D, s7;
	_ =	swait.eq @!p0 [sflag:s5], $0x1  }
0xb2: {  	[sflag:s5] =	ssyncadd.s32 @!p0 $0xFFFFFFFF;
	s5 =	sor.u32 @!p0 s9, s8  }
0xb3: {  	s23 =	simm.s32 $0x1B8E;
	s22 =	sld [smem:$0x3FFE];
	[sflag:s5] =	ssyncadd.remote.s32 @!p0 $0x1  }
0xb4: {  	s24 =	simm.s32 $execute0_lowered;
	[smem:$0x3FD2] =	sst s23  }
0xb5: {  	s8 =	sshll.u32 s24, $0x1;
	_ =	strace $0x8000005E;
	[dreg:$0x1] =	wrdreg $0xFFFFFFFF  }
0xb6: {  	s25 =	simm.s32 $_size_execute0_lowered;
	s8 =	sadd.s32 s6, s8;
	[dreg:$0x0] =	wrdreg $0x0  }
0xb7: {  	s9 =	sshll.u32 s25, $0x1;
	[dreg:$0x2] =	wrdreg s8  }
0xb8: {  	[dreg:$0x3] =	wrdreg s9  }
0xb9: {  	[dreg:$0x4] =	wrdreg $0xC0  }
0xba: {  	s26 =	simm.s32 $execute1_lowered;
	_ =	task [dreg:s20], $0x5FFFF  }
0xbb: {  	s8 =	sshll.u32 s26, $0x1;
	[dreg:$0x1] =	wrdreg $0xFFFFFFFF  }
0xbc: {  	s6 =	sadd.s32 s6, s8;
	[dreg:$0x0] =	wrdreg $0x60  }
0xbd: {  	[dreg:$0x2] =	wrdreg s6  }
0xbe: {  	[dreg:$0x3] =	wrdreg s22  }
0xbf: {  	[dreg:$0x4] =	wrdreg $0x9  }
0xc0: {  	_ =	task.clear_ibuf [dreg:s20], $0x5FFFF;
	_ =	strace $0x9000005E  }
0xc1: {  	s28 =	simm.s32 $0x9;
	_ =	strace $0x80000060  }
0xc2: {  	_ =	swait.ge [sflag:s28], $0x1  }
0xc3: {  	[sflag:s28] =	ssyncadd.s32 $0xFFFFFFFF  }
0xc4: {  	_ =	strace $0x90000060  }
0xc5: {  	s6 =	sld [smem:$0x0];
	_ =	sdelay $0x3  }
0xc6: {  	s4 =	sadd.s32 @p0 $0x11BF3, s4;
	s8 =	sshll.u32 @p0 s6, $0x11  }
0xc7: {  	s4 =	sor.u32 @p0 s8, s4  }
0xc8: {  	[sflag:s4] =	ssyncadd.remote.s32 @p0 $0x1;
	_ =	sdelay $0x1  }
0xc9: {  	s4 =	simm.s32 @p0 $0x1BF3  }
0xca: {  	_ =	swait.eq @p0 [sflag:s4], $0x1  }
0xcb: {  	[sflag:s4] =	ssyncadd.s32 @p0 $0xFFFFFFFF;
	_ =	sdelay $0x1  }
0xcc: {  	s4 =	simm.s32 @!p0 $0x1BF3  }
0xcd: {  	s7 =	sadd.s32 @!p0 $0x11BF3, s7;
	s6 =	sshll.u32 @!p0 s6, $0x11;
	_ =	swait.eq @!p0 [sflag:s4], $0x1  }
0xce: {  	[sflag:s4] =	ssyncadd.s32 @!p0 $0xFFFFFFFF;
	s4 =	sor.u32 @!p0 s6, s7  }
0xcf: {  	[sflag:s4] =	ssyncadd.remote.s32 @!p0 $0x1  }
0xd0: {  	_ =	strace $0x80000061;
	[dreg:$0x1] =	wrdreg $0xFFFFFFFF  }
0xd1: {  	[dreg:$0x0] =	wrdreg $0x2030  }
0xd2: {  	[dreg:$0x2] =	wrdreg s22  }
0xd3: {  	[dreg:$0x3] =	wrdreg s1  }
0xd4: {  	[dreg:$0x4] =	wrdreg s3  }
0xd5: {  	[dreg:$0x5] =	wrdreg $0xA  }
0xd6: {  	_ =	task.clear_ibuf [dreg:s20], $0x6FFFF;
	_ =	strace $0x90000061  }
0xd7: {  	s29 =	simm.s32 $0xA;
	_ =	strace $0x80000063  }
0xd8: {  	_ =	swait.ge [sflag:s29], $0x1  }
0xd9: {  	[sflag:s29] =	ssyncadd.s32 $0xFFFFFFFF  }
0xda: {  	_ =	strace $0x90000063  }
0xdb: {  	_ =	sfence  }
0xdc: {  	s30 =	sld [smem:$0x0];
	_ =	sdelay $0x2  }
0xdd: {  	s31 =	sshll.u32 s1, $0xD;
	s1 =	sshrl.u32 s1, $0x2  }
0xde: {  	s4 =	sand.u32 $0x4000, s31;
	s1 =	sadd.s32 s1, s30  }
0xdf: {  	s0 =	sor.u32 s4, s0;
	s1 =	sshll.u32 s1, $0x11  }
0xe0: {  	s0 =	sor.u32 s1, s0  }
0xe1: {  	s0 =	sadd.s32 $0x8F2B, s0  }
0xe2: {  	[sflag:s0] =	ssyncadd.remote.s32 $0x1  }
0xe3: {  	_ =	sfence.sel $0xFFFF  }
0xe4: {  	[dreg:$0x0] =	wrdreg $0xFFFFFFFF;
	(pc) =	sbr.abs _section_cstart, $3  }
0xe5: {  	[dreg:$0x1] =	wrdreg $0xFFFFFFFF  }
0xe6: {  	_ =	task.clear_ibuf [dreg:s20], $0x2FFFF;
	_ =	strace $0x9FFFFFFF  }
0xe7: {  	(tm) =	ssettm $0x7FFFFFFF  }
tec
execute0_lowered:
.L_overlay_start_1:
0x0: {  	(tag) =	ssettag $0x1  }
0x1: {  	s0 =	rddreg [dreg:$0x0]  }
0x2: {  	s1 =	rddreg [dreg:$0x1]  }
0x3: {  	s2 =	stileid.u32;
	[bflag:$0x3] =	sbarrier.arrive $0xFFFF;
	s3 =	simm.s32 $_size_execute1_lowered  }
0x4: {  	s26 =	srdreg.scid;
	p0 =	sne.s32 s2, $0x0;
	s5 =	sshll.u32 s3, $0x1  }
0x5: {  	s3 =	simm.s32 @!p0 $0x1C3F;
	s4 =	simm.s32 @!p0 $0x4060;
	[dreg:$0x3] =	wrdreg s5  }
0x6: {  	[timem:s4], [sflag:s3] =	dma.local @!p0 [hbm:s0], s5  }
0x7: {  	s0 =	sshll.u32 s26, $0x7  }
0x8: {  	s2 =	sshll.u32 s2, $0x8;
	s0 =	sand.u32 $0x80, s0  }
0x9: {  	s12 =	sor.u32 s2, s0  }
0xa: {  	s28 =	simm.s32 $0x1;
	s29 =	simm.s32 $0x2;
	s0 =	ssub.s32 $0xC300, s12  }
0xb: {  	s9 =	simm.s32 $0x0;
	s14 =	simm.s32 $0x0;
	s0 =	sshrl.u32 s0, $0xC  }
0xc: {  	s30 =	sadd.s32 $0x13FD000, s1;
	s1 =	sadd.s32 $0xDC6C00, s1;
	s0 =	smul.u32 $0x5, s0  }
.Ltmp0:
0xd: {  	_ =	strace $0x8000005F;
	[dreg:$0x5] =	wrdreg s30;
	(pc) =	sbr.rel .LBB2_1-.Ltmp0, $4  }
0xe: {  	s7 =	simm.s32 $0x0;
	s11 =	simm.s32 $0x0;
	[dreg:$0x6] =	wrdreg s1  }
0xf: {  	s10 =	simm.s32 $0x0;
	[dreg:$0x4] =	wrdreg s12;
	s31 =	sadd.s32 $0x5, s0  }
0x10: {  	[sflag:s28] =	ssyncpa.u1 $0x0;
	s6 =	sadd.s32 $0x6, s0;
	[dreg:$0x7] =	wrdreg s31  }
0x11: {  	s13 =	simm.s32 $0x0;
	[sflag:s29] =	ssyncpa.u1 $0x0;
	[dreg:$0x8] =	wrdreg s6  }
.LBB2_12:
0x12: {  	s0 =	sshrl.u32 s11, $0x3;
	s7 =	rddreg [dreg:$0x9]  }
0x13: {  	s0 =	smul.u32 $0x1400, s0;
	s1 =	sshll.u32 s7, $0x3  }
0x14: {  	s2 =	sshll.u32 s11, $0x7;
	s1 =	sand.u32 $0xFFFFFC00, s1  }
0x15: {  	s23 =	sand.u32 $0x380, s2;
	s0 =	sadd.s32 s0, s1  }
0x16: {  	s0 =	sor.u32 s23, s0  }
0x17: {  	s24 =	sand.u32 $0x7F, s7;
	s25 =	smulhi.u32 $0xCCCCCCCD, s0  }
0x18: {  	s0 =	sor.u32 s24, s0  }
0x19: {  	s1 =	smulhi.u32 $0xCCCCCCCD, s0;
	s2 =	sshrl.u32 s25, $0x9  }
0x1a: {  	s3 =	smulhi.u32 $0xA7C5AD, s2  }
0x1b: {  	s1 =	sshrl.u32 s1, $0x9  }
0x1c: {  	s29 =	rddreg [dreg:$0x6];
	s1 =	smul.u32 $0x280, s1;
	s3 =	sshrl.u32 s3, $0x7  }
0x1d: {  	s31 =	rddreg [dreg:$0xc];
	s3 =	smul.u32 $0xC350, s3  }
0x1e: {  	s30 =	simm.s32 $0x1400;
	s4 =	rddreg [dreg:$0xd]  }
0x1f: {  	s6 =	rddreg [dreg:$0x8];
	s0 =	ssub.s32 s0, s1;
	s26 =	ssub.s32 s2, s3  }
0x20: {  	s28 =	sshrl.u32 s0, $0x3;
	s0 =	sand.u32 $0x7, s0;
	s1 =	smul.u32 $0x50, s26  }
0x21: {  	s9 =	rddreg [dreg:$0xa];
	s2 =	sadd.s32 s29, s28;
	s0 =	sshll.u32 s0, $0x12  }
0x22: {  	s14 =	rddreg [dreg:$0xb];
	s0 =	sor.u32 $0x400, s0;
	s1 =	sadd.s32 s1, s2  }
0x23: {  	[hbm4b:s1+s0] =	stream.strided.scatter [tilespmem:s4], [sflag:$0x2], s31, s30, s0, $0x38;
	[tilespmem:$0x10000] =	vst v63  }
.LBB2_13:
0x24: {  	p1 =	slt.u32 s13, $0x2  }
0x25: {  	s1 =	smov.u32 s14;
	s2 =	smov.u32 s9;
	p2 =	sgt.s32 @!p1 s14, $0xC2D0  }
0x26: {  	s0 =	sshra.s32 @!p1 s14, $0x1F;
	p3 =	sgt.s32 @!p1 s9, $0x200;
	s3 =	sshra.s32 @!p1 s9, $0x1F  }
0x27: {  	p2 =	por !p2, p1;
	s0 =	sand.u32 @!p1 s0, s14;
	p3 =	por !p3, p1  }
0x28: {  	s3 =	sand.u32 @!p1 s3, s9;
	s1 =	simm.s32 @p2 $0xC2D0;
	s2 =	simm.s32 @p3 $0x200  }
0x29: {  	s0 =	ssub.s32 @!p1 s1, s0;
	s1 =	ssub.s32 @!p1 s2, s3  }
0x2a: {  	s2 =	sadd.s32 @!p1 $0xFFFF3D30, s0;
	s3 =	sadd.s32 @!p1 $0xFFFFFE00, s1  }
0x2b: {  	s0 =	ssub.s32 @!p1 $0xC350, s0;
	p2 =	sgt.s32 @!p1 s2, $0x7F;
	p3 =	sgt.s32 @!p1 s3, $0x7F  }
0x2c: {  	s1 =	ssub.s32 @!p1 $0x280, s1;
	p2 =	por !p2, p1;
	p3 =	por !p3, p1  }
0x2d: {  	s0 =	simm.s32 @!p2 $0x0;
	s1 =	simm.s32 @!p3 $0x0  }
0x2e: {  	s0 =	smul.u32 @!p1 s0, s1  }
0x2f: {  	s4 =	smov.u32 s12;
	s2 =	simm.s32 @!p1 $0x2;
	s1 =	sadd.s32 $0x80, s10  }
0x30: {  	s3 =	sadd.s32 $0x1000, s12;
	p2 =	sgt.s32 s1, $0x203;
	s0 =	sand.u32 @!p1 $0x3FFFFFFF, s0  }
0x31: {  	s4 =	smov.u32 @p2 s3;
	_ =	swait.ge @!p1 [sflag:s2], s0  }
0x32: {  	s1 =	simm.s32 @p2 $0x0;
	p2 =	sgt.s32 s4, $0xC34F;
	s3 =	rddreg [dreg:$0x4]  }
0x33: {  	s4 =	smov.u32 @p2 s3;
	p2 =	sne.s32 s13, s6  }
.Ltmp1:
0x34: {  	_ = 	snop;
	(pc) =	sbr.rel @!p2 .LBB2_14-.Ltmp1, $4  }
0x35: {  	s9 =	smov.u32 s7  }
0x36: {  	s14 =	smov.u32 s11;
	s7 =	smov.u32 s10;
	s11 =	smov.u32 s12  }
0x37: {  	s0 =	ssub.s32 @!p1 $0x0, s0;
	s10 =	smov.u32 s1;
	[sflag:s2] =	ssyncset.done @!p1 $0x0  }
0x38: {  	s13 =	sadd.s32 $0x1, s13;
	[sflag:s2] =	ssyncadd.s32 @!p1 s0;
	s12 =	smov.u32 s4  }
.LBB2_1:
0x39: {  	s0 =	rddreg [dreg:$0x7]  }
0x3a: {  	s5 =	smov.u32 s12;
	p1 =	sge.u32 s13, s0  }
0x3b: {  	s16 =	smov.u32 s10;
	s2 =	rddreg [dreg:$0x5];
	s0 =	sshrl.u32 @!p1 s12, $0x3  }
0x3c: {  	s1 =	sshll.u32 @!p1 s10, $0x3;
	s3 =	sshll.u32 @!p1 s12, $0x7;
	s0 =	smul.u32 @!p1 $0x1400, s0  }
0x3d: {  	p2 =	sgt.s32 @!p1 s12, $0xC2D0;
	s8 =	sshra.s32 @!p1 s12, $0x1F;
	s1 =	sand.u32 @!p1 $0xFFFFFC00, s1  }
0x3e: {  	s17 =	sshra.s32 @!p1 s10, $0x1F;
	s0 =	sadd.s32 @!p1 s0, s1;
	s1 =	sand.u32 @!p1 $0x380, s3  }
0x3f: {  	p2 =	por !p2, p1;
	s3 =	sand.u32 @!p1 $0x7F, s10;
	s0 =	sor.u32 @!p1 s1, s0  }
0x40: {  	s5 =	simm.s32 @p2 $0xC2D0;
	p2 =	sgt.s32 @!p1 s10, $0x200;
	s1 =	sor.u32 @!p1 s3, s0  }
0x41: {  	s8 =	sand.u32 @!p1 s8, s12;
	p2 =	por !p2, p1;
	s3 =	smulhi.u32 @!p1 $0xCCCCCCCD, s1  }
0x42: {  	s17 =	sand.u32 @!p1 s17, s10;
	s16 =	simm.s32 @p2 $0x200;
	s0 =	smulhi.u32 @!p1 $0xCCCCCCCD, s0  }
0x43: {  	s5 =	ssub.s32 @!p1 s5, s8;
	s16 =	ssub.s32 @!p1 s16, s17;
	s3 =	sshrl.u32 @!p1 s3, $0x9  }
0x44: {  	s17 =	sadd.s32 @!p1 $0xFFFFFE00, s16;
	s0 =	sshrl.u32 @!p1 s0, $0x9;
	s3 =	smul.u32 @!p1 $0x280, s3  }
0x45: {  	s16 =	ssub.s32 @!p1 $0x280, s16;
	p3 =	sgt.s32 @!p1 s17, $0x7F;
	s8 =	smulhi.u32 @!p1 $0xA7C5AD, s0  }
0x46: {  	p3 =	por !p3, p1;
	s1 =	ssub.s32 @!p1 s1, s3;
	s3 =	sadd.s32 @!p1 $0xFFFF3D30, s5  }
0x47: {  	s5 =	ssub.s32 @!p1 $0xC350, s5;
	p2 =	sgt.s32 @!p1 s3, $0x7F;
	s3 =	sshrl.u32 @!p1 s8, $0x7  }
0x48: {  	s8 =	sxor.u32 @!p1 $0xFFFFFFFF, s13;
	s3 =	smul.u32 @!p1 $0xC350, s3;
	p2 =	por !p2, p1  }
0x49: {  	s16 =	simm.s32 @!p3 $0x0;
	s8 =	sshll.u32 @!p1 s8, $0xE;
	s5 =	simm.s32 @!p2 $0x0  }
0x4a: {  	s8 =	sand.u32 @!p1 $0x4000, s8;
	s0 =	ssub.s32 @!p1 s0, s3;
	s3 =	smul.u32 @!p1 s5, s16  }
0x4b: {  	s5 =	sshrl.u32 @!p1 s1, $0x3;
	s1 =	sand.u32 @!p1 $0x7, s1;
	s0 =	smul.u32 @!p1 $0x50, s0  }
0x4c: {  	s5 =	sadd.s32 @!p1 s2, s5;
	s1 =	sshll.u32 @!p1 s1, $0x12;
	s3 =	sand.u32 @!p1 $0x3FFFFFFF, s3  }
0x4d: {  	s1 =	sor.u32 @!p1 $0x400, s1;
	s0 =	sadd.s32 @!p1 s0, s5;
	s5 =	simm.s32 @!p1 $0x1400  }
0x4e: {  	[tilespmem:s8], [sflag:$0x1] =	stream.strided.gather @!p1 [hbm4b:s0+s1], s3, s5, s1, $0x38;
	[tilespmem:$0x10000] =	vst v63  }
0x4f: {  	p1 =	seq.s32 s13, $0x0  }
0x50: {  	p2 =	sge.u32 @!p1 s13, s6  }
0x51: {  	p1 =	por p1, p2  }
.Ltmp2:
0x52: {  	_ = 	snop;
	(pc) =	sbr.rel @p1 .LBB2_13-.Ltmp2, $1  }
0x53: {  	_ =	sdelay $0x3  }
0x54: {  	p1 =	sgt.s32 s11, $0xC2D0  }
0x55: {  	s0 =	smov.u32 s11;
	s1 =	sshra.s32 s11, $0x1F;
	s3 =	smov.u32 s7  }
0x56: {  	s5 =	sshra.s32 s7, $0x1F;
	s0 =	simm.s32 @!p1 $0xC2D0;
	p1 =	sgt.s32 s7, $0x200  }
0x57: {  	s1 =	sand.u32 s1, s11;
	s26 =	sand.u32 s5, s7;
	s3 =	simm.s32 @!p1 $0x200  }
0x58: {  	s0 =	ssub.s32 s0, s1;
	s1 =	ssub.s32 s3, s26  }
0x59: {  	s28 =	sadd.s32 $0xFFFF3D30, s0;
	s0 =	ssub.s32 $0xC350, s0;
	s3 =	sadd.s32 $0xFFFFFE00, s1  }
0x5a: {  	p1 =	sgt.s32 s28, $0x7F;
	s1 =	ssub.s32 $0x280, s1;
	p2 =	sgt.s32 s3, $0x7F  }
0x5b: {  	s0 =	simm.s32 @p1 $0x0;
	s1 =	simm.s32 @p2 $0x0  }
0x5c: {  	s0 =	smul.u32 s0, s1;
	s1 =	sadd.s32 $0x80, s11  }
0x5d: {  	p1 =	slt.s32 s1, $0xC350  }
0x5e: {  	s1 =	simm.s32 @!p1 $0xC350  }
0x5f: {  	[dreg:$0xb] =	wrdreg s14;
	s18 =	ssub.s32 s1, s11  }
0x60: {  	[dreg:$0xa] =	wrdreg s9;
	p1 =	slt.s32 s18, $0x1  }
.Ltmp3:
0x61: {  	[dreg:$0x9] =	wrdreg s7;
	s0 =	sand.u32 $0x3FFFFFFF, s0;
	(pc) =	sbr.rel @p1 .LBB2_12-.Ltmp3, $4  }
0x62: {  	s2 =	simm.s32 $0x1;
	s30 =	sshll.u32 s13, $0xE;
	[dreg:$0xc] =	wrdreg s0  }
0x63: {  	s29 =	ssub.s32 $0x0, s0;
	_ =	swait.ge [sflag:s2], s0;
	s0 =	sand.u32 $0x4000, s30  }
0x64: {  	[sflag:s2] =	ssyncset.done $0x0;
	s31 =	sor.u32 $0x8000, s0  }
0x65: {  	[sflag:s2] =	ssyncadd.s32 s29;
	[dreg:$0xd] =	wrdreg s31  }
0x66: {  	s2 =	rddreg [dreg:$0x9]  }
0x67: {  	s1 =	sadd.s32 $0x80, s2  }
0x68: {  	s31 =	rddreg [dreg:$0xd];
	p1 =	slt.s32 s1, $0x204  }
.Ltmp4:
0x69: {  	v0 =	vmov s0;
	v1 =	vmov s31;
	s1 =	simm.s32 @!p1 $0x204;
	(pc) =	sbr.rel .LBB2_4-.Ltmp4, $4  }
0x6a: {  	s1 =	ssub.s32 s1, s2  }
0x6b: {  	s22 =	simm.s32 $0x0;
	s23 =	simm.s32 $0x400;
	s1 =	sadd.s32 $0xF, s1  }
0x6c: {  	s19 =	sand.u32 $0xFFFFFFF0, s1;
	s3 =	sshll.u32 s1, $0x3;
	s20 =	sand.u32 $0xFFFFFF00, s1  }
0x6d: {  	p1 =	slt.s32 s1, $0x100;
	s21 =	sand.u32 $0xFFFFF800, s3;
	p2 =	sge.s32 s20, s19  }
.LBB2_11:
0x6e: {  	s22 =	sadd.s32 $0x1, s22  }
0x6f: {  	p3 =	sne.s32 s22, s18  }
.Ltmp5:
0x70: {  	_ = 	snop;
	(pc) =	sbr.rel @!p3 .LBB2_12-.Ltmp5, $2  }
0x71: {  	_ =	sdelay $0x2  }
0x72: {  	s23 =	sadd.s32 $0x80, s23  }
.LBB2_4:
.Ltmp6:
0x73: {  	(pc) =	sbr.rel @p1 .LBB2_8-.Ltmp6, $2  }
0x74: {  	_ =	sdelay $0x2  }
0x75: {  	s24 =	sshll.u32 s22, $0x7  }
0x76: {  	_ =	sdelay $0x1  }
0x77: {  	s25 =	sand.u32 $0x380, s24;
	s0 =	sadd.s32 $0xFFFFFC00, s23;
	s1 =	sand.u32 $0x3C00, s23  }
0x78: {  	s0 =	sand.u32 $0x3C00, s0;
	s5 =	sor.u32 s25, s1  }
0x79: {  	s0 =	sor.u32 s25, s0;
	v2 =	vld.idx.msk [tilespmem:v0+s5+$0x0 ss:$0x1], $0xffff  }
0x7a: {  	s28 =	sor.u32 $0x10, s5;
	v3 =	vld.idx.msk [tilespmem:v0+s0+$0x0 ss:$0x1], $0xffff  }
0x7b: {  	s26 =	sor.u32 $0x70, s0;
	v7 =	vld.idx.msk [tilespmem:v0+s28+$0x0 ss:$0x1], $0xffff  }
0x7c: {  	s8 =	sor.u32 $0x10, s0;
	v4 =	vld.idx.msk [tilespmem:v0+s26+$0x0 ss:$0x1], $0xffff  }
0x7d: {  	s29 =	sor.u32 $0x20, s0;
	v5 =	vld.idx.msk [tilespmem:v0+s8+$0x0 ss:$0x1], $0xffff  }
0x7e: {  	s30 =	sor.u32 $0x30, s0;
	v8 =	vld.idx.msk [tilespmem:v0+s29+$0x0 ss:$0x1], $0xffff  }
0x7f: {  	s31 =	sor.u32 $0x40, s0;
	v9 =	vld.idx.msk [tilespmem:v0+s30+$0x0 ss:$0x1], $0xffff;
	[tilespmem:v1+s5+$0x0 ss:$0x1] =	vst.idx.msk $0xffff, v2  }
0x80: {  	s4 =	sor.u32 $0x50, s0;
	v10 =	vld.idx.msk [tilespmem:v0+s31+$0x0 ss:$0x1], $0xffff;
	[tilespmem:v1+s0+$0x0 ss:$0x1] =	vst.idx.msk $0xffff, v3  }
0x81: {  	p3 =	sgt.s32 s20, $0x100;
	s3 =	sor.u32 $0x60, s0;
	v11 =	vld.idx.msk [tilespmem:v0+s4+$0x0 ss:$0x1], $0xffff;
	[tilespmem:v1+s26+$0x0 ss:$0x1] =	vst.idx.msk $0xffff, v4  }
.Ltmp7:
0x82: {  	s1 =	sor.u32 $0x30, s5;
	v6 =	vld.idx.msk [tilespmem:v0+s3+$0x0 ss:$0x1], $0xffff;
	[tilespmem:v1+s8+$0x0 ss:$0x1] =	vst.idx.msk $0xffff, v5;
	(pc) =	sbr.rel @!p3 .LBB2_7-.Ltmp7, $4  }
0x83: {  	v2 =	vld.idx.msk [tilespmem:v0+s1+$0x0 ss:$0x1], $0xffff;
	s26 =	sor.u32 $0x20, s5;
	[tilespmem:v1+s29+$0x0 ss:$0x1] =	vst.idx.msk $0xffff, v8  }
0x84: {  	s0 =	sor.u32 $0x50, s5;
	[tilespmem:v1+s30+$0x0 ss:$0x1] =	vst.idx.msk $0xffff, v9;
	v5 =	vld.idx.msk [tilespmem:v0+s26+$0x0 ss:$0x1], $0xffff  }
0x85: {  	s29 =	sor.u32 $0x40, s5;
	s8 =	simm.s32 $0x100;
	[tilespmem:v1+s31+$0x0 ss:$0x1] =	vst.idx.msk $0xffff, v10;
	v4 =	vld.idx.msk [tilespmem:v0+s0+$0x0 ss:$0x1], $0xffff  }
0x86: {  	s31 =	sor.u32 $0x60, s5;
	s30 =	sor.u32 $0x70, s5;
	[tilespmem:v1+s4+$0x0 ss:$0x1] =	vst.idx.msk $0xffff, v11;
	s5 =	sadd.s32 $0x800, s23;
	v3 =	vld.idx.msk [tilespmem:v0+s29+$0x0 ss:$0x1], $0xffff  }
.LBB2_6:
0x87: {  	s4 =	sadd.s32 $0xFFFFFC00, s5;
	s6 =	sand.u32 $0x3C00, s5;
	s8 =	sadd.s32 $0x100, s8;
	[tilespmem:v1+s3+$0x0 ss:$0x1] =	vst.idx.msk $0xffff, v6;
	v6 =	vld.idx.msk [tilespmem:v0+s31+$0x0 ss:$0x1], $0xffff  }
0x88: {  	s3 =	sand.u32 $0x3C00, s4;
	s4 =	sor.u32 s25, s6;
	p3 =	slt.s32 s8, s20;
	[tilespmem:v1+s28+$0x0 ss:$0x1] =	vst.idx.msk $0xffff, v7;
	v7 =	vld.idx.msk [tilespmem:v0+s30+$0x0 ss:$0x1], $0xffff  }
0x89: {  	s6 =	sor.u32 s25, s3;
	v8 =	vld.idx.msk [tilespmem:v0+s4+$0x0 ss:$0x1], $0xffff;
	s28 =	sor.u32 $0x10, s4;
	[tilespmem:v1+s26+$0x0 ss:$0x1] =	vst.idx.msk $0xffff, v5;
	s26 =	sor.u32 $0x20, s4  }
0x8a: {  	v5 =	vld.idx.msk [tilespmem:v0+s6+$0x0 ss:$0x1], $0xffff;
	s2 =	sor.u32 $0x10, s6;
	s7 =	sor.u32 $0x20, s6;
	s17 =	sor.u32 $0x70, s6;
	[tilespmem:v1+s1+$0x0 ss:$0x1] =	vst.idx.msk $0xffff, v2  }
0x8b: {  	s16 =	sor.u32 $0x30, s6;
	s14 =	sor.u32 $0x40, s6;
	s15 =	sor.u32 $0x50, s6;
	v2 =	vld.idx.msk [tilespmem:v0+s17+$0x0 ss:$0x1], $0xffff;
	[tilespmem:v1+s29+$0x0 ss:$0x1] =	vst.idx.msk $0xffff, v3  }
0x8c: {  	s3 =	sor.u32 $0x60, s6;
	s1 =	sor.u32 $0x30, s4;
	s29 =	sor.u32 $0x40, s4;
	v3 =	vld.idx.msk [tilespmem:v0+s2+$0x0 ss:$0x1], $0xffff;
	[tilespmem:v1+s0+$0x0 ss:$0x1] =	vst.idx.msk $0xffff, v4  }
0x8d: {  	s9 =	sor.u32 $0x70, s4;
	s0 =	sor.u32 $0x50, s4;
	v4 =	vld.idx.msk [tilespmem:v0+s7+$0x0 ss:$0x1], $0xffff;
	[tilespmem:v1+s31+$0x0 ss:$0x1] =	vst.idx.msk $0xffff, v6;
	s31 =	sor.u32 $0x60, s4  }
0x8e: {  	v9 =	vld.idx.msk [tilespmem:v0+s16+$0x0 ss:$0x1], $0xffff;
	[tilespmem:v1+s30+$0x0 ss:$0x1] =	vst.idx.msk $0xffff, v7;
	s30 =	smov.u32 s9  }
0x8f: {  	v10 =	vld.idx.msk [tilespmem:v0+s14+$0x0 ss:$0x1], $0xffff;
	[tilespmem:v1+s4+$0x0 ss:$0x1] =	vst.idx.msk $0xffff, v8  }
0x90: {  	[tilespmem:v1+s6+$0x0 ss:$0x1] =	vst.idx.msk $0xffff, v5;
	v8 =	vld.idx.msk [tilespmem:v0+s15+$0x0 ss:$0x1], $0xffff  }
0x91: {  	v6 =	vld.idx.msk [tilespmem:v0+s3+$0x0 ss:$0x1], $0xffff;
	[tilespmem:v1+s17+$0x0 ss:$0x1] =	vst.idx.msk $0xffff, v2  }
.Ltmp8:
0x92: {  	[tilespmem:v1+s2+$0x0 ss:$0x1] =	vst.idx.msk $0xffff, v3;
	v7 =	vld.idx.msk [tilespmem:v0+s28+$0x0 ss:$0x1], $0xffff;
	(pc) =	sbr.rel @p3 .LBB2_6-.Ltmp8, $4  }
0x93: {  	[tilespmem:v1+s7+$0x0 ss:$0x1] =	vst.idx.msk $0xffff, v4;
	v5 =	vld.idx.msk [tilespmem:v0+s26+$0x0 ss:$0x1], $0xffff  }
0x94: {  	[tilespmem:v1+s16+$0x0 ss:$0x1] =	vst.idx.msk $0xffff, v9;
	v2 =	vld.idx.msk [tilespmem:v0+s1+$0x0 ss:$0x1], $0xffff  }
0x95: {  	[tilespmem:v1+s14+$0x0 ss:$0x1] =	vst.idx.msk $0xffff, v10;
	v3 =	vld.idx.msk [tilespmem:v0+s29+$0x0 ss:$0x1], $0xffff  }
0x96: {  	s5 =	sadd.s32 $0x800, s5;
	[tilespmem:v1+s15+$0x0 ss:$0x1] =	vst.idx.msk $0xffff, v8;
	v4 =	vld.idx.msk [tilespmem:v0+s0+$0x0 ss:$0x1], $0xffff  }
.LBB2_7:
0x97: {  	_ =	sdelay $0x3  }
0x98: {  	[tilespmem:v1+s3+$0x0 ss:$0x1] =	vst.idx.msk $0xffff, v6  }
0x99: {  	v62 =	vld.idx.msk [tilespmem:v0+s31+$0x0 ss:$0x1], $0xffff;
	[tilespmem:v1+s28+$0x0 ss:$0x1] =	vst.idx.msk $0xffff, v7  }
0x9a: {  	v63 =	vld.idx.msk [tilespmem:v0+s30+$0x0 ss:$0x1], $0xffff;
	[tilespmem:v1+s26+$0x0 ss:$0x1] =	vst.idx.msk $0xffff, v5  }
0x9b: {  	[tilespmem:v1+s1+$0x0 ss:$0x1] =	vst.idx.msk $0xffff, v2  }
0x9c: {  	[tilespmem:v1+s29+$0x0 ss:$0x1] =	vst.idx.msk $0xffff, v3  }
0x9d: {  	[tilespmem:v1+s0+$0x0 ss:$0x1] =	vst.idx.msk $0xffff, v4  }
0x9e: {  	[tilespmem:v1+s31+$0x0 ss:$0x1] =	vst.idx.msk $0xffff, v62  }
0x9f: {  	[tilespmem:v1+s30+$0x0 ss:$0x1] =	vst.idx.msk $0xffff, v63  }
.LBB2_8:
.Ltmp9:
0xa0: {  	(pc) =	sbr.rel @p2 .LBB2_11-.Ltmp9, $1  }
0xa1: {  	_ =	sdelay $0x3  }
0xa2: {  	s0 =	sand.u32 $0x380, s24;
	s1 =	smov.u32 s21;
	s3 =	smov.u32 s20  }
.LBB2_10:
0xa3: {  	s2 =	sand.u32 $0x3C00, s1  }
0xa4: {  	s4 =	sand.u32 $0x70, s3;
	s2 =	sadd.s32 s24, s2  }
0xa5: {  	s4 =	sor.u32 s0, s4;
	s2 =	sand.u32 $0x3C00, s2  }
0xa6: {  	s3 =	sadd.s32 $0x10, s3;
	s2 =	sor.u32 s2, s4  }
0xa7: {  	p3 =	slt.s32 s3, s19;
	v2 =	vld.idx.msk [tilespmem:v0+s2+$0x0 ss:$0x1], $0xffff  }
.Ltmp10:
0xa8: {  	_ = 	snop;
	(pc) =	sbr.rel @p3 .LBB2_10-.Ltmp10, $2  }
0xa9: {  	_ =	sdelay $0x2  }
0xaa: {  	s1 =	sadd.s32 $0x80, s1;
	[tilespmem:v1+s2+$0x0 ss:$0x1] =	vst.idx.msk $0xffff, v2  }
.Ltmp11:
0xab: {  	_ = 	snop;
	(pc) =	sbr.rel .LBB2_11-.Ltmp11, $1  }
0xac: {  	_ =	sdelay $0x3  }
.LBB2_14:
0xad: {  	_ =	sfence.sel $0x180000  }
0xae: {  	s0 =	simm.s32 $0x1;
	[bflag:$0x0] =	sbarrier.arrive $0xFFFF  }
0xaf: {  	s31 =	simm.s32 $0x2;
	[sflag:s0] =	ssyncpa.u1 $0x1  }
0xb0: {  	[sflag:s31] =	ssyncpa.u1 $0x1  }
0xb1: {  	_ =	strace $0x9000005F  }
0xb2: {  	[bflag:$0x2] =	sbarrier.arrive $0xFFFF  }
0xb3: {  	s0 =	rddreg [dreg:$0x2]  }
0xb4: {  	s0 =	sadd.s32 @!p0 $0x100000, s0  }
0xb5: {  	s1 =	rddreg [dreg:$0x3];
	[sflag:s0] =	ssyncadd.tile.s32 @!p0 $0x1;
	s0 =	simm.s32 @!p0 $0x3F  }
0xb6: {  	_ =	swait.ge @!p0 [sflag:s0], s1  }
0xb7: {  	s1 =	ssub.s32 @!p0 $0x0, s1;
	[sflag:s0] =	ssyncset.done @!p0 $0x0  }
0xb8: {  	[sflag:s0] =	ssyncadd.s32 @!p0 s1  }
0xb9: {  	[bflag:$0x3] =	sbarrier.arrive $0xFFFF  }
0xba: {  	_ =	shalt  }
.Lfunc_end2:
execute1_lowered:
.L_overlay_start_2:
0xbb: {  	(tag) =	ssettag $0x2  }
0xbc: {  	s5 =	rddreg [dreg:$0x0]  }
0xbd: {  	s0 =	rddreg [dreg:$0x1];
	_ =	strace $0x80000062;
	s1 =	simm.s32 $0x1  }
0xbe: {  	v0 =	vimm.s32 $0x0;
	[sflag:s1] =	ssyncpa.u1 $0x0  }
0xbf: {  	[tilespmem:$0x428] =	vst v0  }
0xc0: {  	[tilespmem:$0x438] =	vst v0  }
0xc1: {  	[tilespmem:$0x448] =	vst v0  }
0xc2: {  	[tilespmem:$0x458] =	vst v0  }
0xc3: {  	[tilespmem:$0x468] =	vst v0  }
0xc4: {  	[tilespmem:$0x478] =	vst v0  }
0xc5: {  	[tilespmem:$0x488] =	vst v0  }
0xc6: {  	[tilespmem:$0x498] =	vst v0  }
0xc7: {  	[tilespmem:$0x4A8] =	vst v0  }
0xc8: {  	[tilespmem:$0x4B8] =	vst v0  }
0xc9: {  	[tilespmem:$0x4C8] =	vst v0  }
0xca: {  	[tilespmem:$0x4D8] =	vst v0  }
0xcb: {  	[tilespmem:$0x4E8] =	vst v0  }
0xcc: {  	[tilespmem:$0x4F8] =	vst v0  }
0xcd: {  	[tilespmem:$0x508] =	vst v0  }
0xce: {  	[tilespmem:$0x518] =	vst v0  }
0xcf: {  	[tilespmem:$0x528] =	vst v0  }
0xd0: {  	[tilespmem:$0x538] =	vst v0  }
0xd1: {  	[tilespmem:$0x548] =	vst v0  }
0xd2: {  	[tilespmem:$0x558] =	vst v0  }
0xd3: {  	[tilespmem:$0x568] =	vst v0  }
0xd4: {  	[tilespmem:$0x578] =	vst v0  }
0xd5: {  	[tilespmem:$0x588] =	vst v0  }
0xd6: {  	[tilespmem:$0x598] =	vst v0  }
0xd7: {  	[tilespmem:$0x5A8] =	vst v0  }
0xd8: {  	[tilespmem:$0x5B8] =	vst v0  }
0xd9: {  	[tilespmem:$0x5C8] =	vst v0  }
0xda: {  	[tilespmem:$0x5D8] =	vst v0  }
0xdb: {  	[tilespmem:$0x5E8] =	vst v0  }
0xdc: {  	[tilespmem:$0x5F8] =	vst v0  }
0xdd: {  	[tilespmem:$0x608] =	vst v0  }
0xde: {  	[tilespmem:$0x618] =	vst v0  }
0xdf: {  	[tilespmem:$0x628] =	vst v0  }
0xe0: {  	[tilespmem:$0x638] =	vst v0  }
0xe1: {  	[tilespmem:$0x648] =	vst v0  }
0xe2: {  	[tilespmem:$0x658] =	vst v0  }
0xe3: {  	[tilespmem:$0x668] =	vst v0  }
0xe4: {  	[tilespmem:$0x678] =	vst v0  }
0xe5: {  	[tilespmem:$0x688] =	vst v0  }
0xe6: {  	[tilespmem:$0x698] =	vst v0  }
0xe7: {  	[tilespmem:$0x6A8] =	vst v0  }
0xe8: {  	[tilespmem:$0x6B8] =	vst v0  }
0xe9: {  	[tilespmem:$0x6C8] =	vst v0  }
0xea: {  	[tilespmem:$0x6D8] =	vst v0  }
0xeb: {  	[tilespmem:$0x6E8] =	vst v0  }
0xec: {  	[tilespmem:$0x6F8] =	vst v0  }
0xed: {  	[tilespmem:$0x708] =	vst v0  }
0xee: {  	[tilespmem:$0x718] =	vst v0  }
0xef: {  	[tilespmem:$0x728] =	vst v0  }
0xf0: {  	[tilespmem:$0x738] =	vst v0  }
0xf1: {  	[tilespmem:$0x748] =	vst v0  }
0xf2: {  	[tilespmem:$0x758] =	vst v0  }
0xf3: {  	[tilespmem:$0x768] =	vst v0  }
0xf4: {  	[tilespmem:$0x778] =	vst v0  }
0xf5: {  	[tilespmem:$0x788] =	vst v0  }
0xf6: {  	[tilespmem:$0x798] =	vst v0  }
0xf7: {  	[tilespmem:$0x7A8] =	vst v0  }
0xf8: {  	[tilespmem:$0x7B8] =	vst v0  }
0xf9: {  	[tilespmem:$0x7C8] =	vst v0  }
0xfa: {  	[tilespmem:$0x7D8] =	vst v0  }
0xfb: {  	[tilespmem:$0x7E8] =	vst v0  }
0xfc: {  	[tilespmem:$0x7F8] =	vst v0  }
0xfd: {  	[tilespmem:$0x808] =	vst v0  }
0xfe: {  	[tilespmem:$0x818] =	vst v0  }
0xff: {  	[tilespmem:$0x828] =	vst v0  }
0x100: {  	[tilespmem:$0x838] =	vst v0  }
0x101: {  	[tilespmem:$0x848] =	vst v0  }
0x102: {  	[tilespmem:$0x858] =	vst v0  }
0x103: {  	[tilespmem:$0x868] =	vst v0  }
0x104: {  	[tilespmem:$0x878] =	vst v0  }
0x105: {  	[tilespmem:$0x888] =	vst v0  }
0x106: {  	[tilespmem:$0x898] =	vst v0  }
0x107: {  	[tilespmem:$0x8A8] =	vst v0  }
0x108: {  	[tilespmem:$0x8B8] =	vst v0  }
0x109: {  	[tilespmem:$0x8C8] =	vst v0  }
0x10a: {  	[tilespmem:$0x8D8] =	vst v0  }
0x10b: {  	[tilespmem:$0x8E8] =	vst v0  }
0x10c: {  	[tilespmem:$0x8F8] =	vst v0  }
0x10d: {  	[tilespmem:$0x908] =	vst v0  }
0x10e: {  	[tilespmem:$0x918] =	vst v0  }
0x10f: {  	[tilespmem:$0x928] =	vst v0  }
0x110: {  	[tilespmem:$0x938] =	vst v0  }
0x111: {  	[tilespmem:$0x948] =	vst v0  }
0x112: {  	[tilespmem:$0x958] =	vst v0  }
0x113: {  	[tilespmem:$0x968] =	vst v0  }
0x114: {  	[tilespmem:$0x978] =	vst v0  }
0x115: {  	[tilespmem:$0x988] =	vst v0  }
0x116: {  	[tilespmem:$0x998] =	vst v0  }
0x117: {  	[tilespmem:$0x9A8] =	vst v0  }
0x118: {  	[tilespmem:$0x9B8] =	vst v0  }
0x119: {  	[tilespmem:$0x9C8] =	vst v0  }
0x11a: {  	[tilespmem:$0x9D8] =	vst v0  }
0x11b: {  	[tilespmem:$0x9E8] =	vst v0  }
0x11c: {  	[tilespmem:$0x9F8] =	vst v0  }
0x11d: {  	[tilespmem:$0xA08] =	vst v0  }
0x11e: {  	[tilespmem:$0xA18] =	vst v0  }
0x11f: {  	[tilespmem:$0xA28] =	vst v0  }
0x120: {  	[tilespmem:$0xA38] =	vst v0  }
0x121: {  	[tilespmem:$0xA48] =	vst v0  }
0x122: {  	[tilespmem:$0xA58] =	vst v0  }
0x123: {  	[tilespmem:$0xA68] =	vst v0  }
0x124: {  	[tilespmem:$0xA78] =	vst v0  }
0x125: {  	[tilespmem:$0xA88] =	vst v0  }
0x126: {  	[tilespmem:$0xA98] =	vst v0  }
0x127: {  	[tilespmem:$0xAA8] =	vst v0  }
0x128: {  	[tilespmem:$0xAB8] =	vst v0  }
0x129: {  	[tilespmem:$0xAC8] =	vst v0  }
0x12a: {  	[tilespmem:$0xAD8] =	vst v0  }
0x12b: {  	[tilespmem:$0xAE8] =	vst v0  }
0x12c: {  	[tilespmem:$0xAF8] =	vst v0  }
0x12d: {  	[tilespmem:$0xB08] =	vst v0  }
0x12e: {  	[tilespmem:$0xB18] =	vst v0  }
0x12f: {  	[tilespmem:$0xB28] =	vst v0  }
0x130: {  	[tilespmem:$0xB38] =	vst v0  }
0x131: {  	[tilespmem:$0xB48] =	vst v0  }
0x132: {  	[tilespmem:$0xB58] =	vst v0  }
0x133: {  	[tilespmem:$0xB68] =	vst v0  }
0x134: {  	[tilespmem:$0xB78] =	vst v0  }
0x135: {  	[tilespmem:$0xB88] =	vst v0  }
0x136: {  	[tilespmem:$0xB98] =	vst v0  }
0x137: {  	[tilespmem:$0xBA8] =	vst v0  }
0x138: {  	[tilespmem:$0xBB8] =	vst v0  }
0x139: {  	[tilespmem:$0xBC8] =	vst v0  }
0x13a: {  	[tilespmem:$0xBD8] =	vst v0  }
0x13b: {  	[tilespmem:$0xBE8] =	vst v0  }
0x13c: {  	[tilespmem:$0xBF8] =	vst v0  }
0x13d: {  	[tilespmem:$0xC08] =	vst v0  }
0x13e: {  	[tilespmem:$0xC18] =	vst v0  }
0x13f: {  	[tilespmem:$0xC28] =	vst v0  }
0x140: {  	[tilespmem:$0xC38] =	vst v0  }
0x141: {  	[tilespmem:$0xC48] =	vst v0  }
0x142: {  	[tilespmem:$0xC58] =	vst v0  }
0x143: {  	[tilespmem:$0xC68] =	vst v0  }
0x144: {  	[tilespmem:$0xC78] =	vst v0  }
0x145: {  	[tilespmem:$0xC88] =	vst v0  }
0x146: {  	[tilespmem:$0xC98] =	vst v0  }
0x147: {  	[tilespmem:$0xCA8] =	vst v0  }
0x148: {  	[tilespmem:$0xCB8] =	vst v0  }
0x149: {  	[tilespmem:$0xCC8] =	vst v0  }
0x14a: {  	[tilespmem:$0xCD8] =	vst v0  }
0x14b: {  	[tilespmem:$0xCE8] =	vst v0  }
0x14c: {  	[tilespmem:$0xCF8] =	vst v0  }
0x14d: {  	[tilespmem:$0xD08] =	vst v0  }
0x14e: {  	[tilespmem:$0xD18] =	vst v0  }
0x14f: {  	[tilespmem:$0xD28] =	vst v0  }
0x150: {  	[tilespmem:$0xD38] =	vst v0  }
0x151: {  	[tilespmem:$0xD48] =	vst v0  }
0x152: {  	[tilespmem:$0xD58] =	vst v0  }
0x153: {  	[tilespmem:$0xD68] =	vst v0  }
0x154: {  	[tilespmem:$0xD78] =	vst v0  }
0x155: {  	[tilespmem:$0xD88] =	vst v0  }
0x156: {  	[tilespmem:$0xD98] =	vst v0  }
0x157: {  	[tilespmem:$0xDA8] =	vst v0  }
0x158: {  	[tilespmem:$0xDB8] =	vst v0  }
0x159: {  	[tilespmem:$0xDC8] =	vst v0  }
0x15a: {  	[tilespmem:$0xDD8] =	vst v0  }
0x15b: {  	[tilespmem:$0xDE8] =	vst v0  }
0x15c: {  	[tilespmem:$0xDF8] =	vst v0  }
0x15d: {  	[tilespmem:$0xE08] =	vst v0  }
0x15e: {  	[tilespmem:$0xE18] =	vst v0  }
0x15f: {  	[tilespmem:$0xE28] =	vst v0  }
0x160: {  	[tilespmem:$0xE38] =	vst v0  }
0x161: {  	[tilespmem:$0xE48] =	vst v0  }
0x162: {  	[tilespmem:$0xE58] =	vst v0  }
0x163: {  	[tilespmem:$0xE68] =	vst v0  }
0x164: {  	[tilespmem:$0xE78] =	vst v0  }
0x165: {  	[tilespmem:$0xE88] =	vst v0  }
0x166: {  	[tilespmem:$0xE98] =	vst v0  }
0x167: {  	[tilespmem:$0xEA8] =	vst v0  }
0x168: {  	[tilespmem:$0xEB8] =	vst v0  }
0x169: {  	[tilespmem:$0xEC8] =	vst v0  }
0x16a: {  	[tilespmem:$0xED8] =	vst v0  }
0x16b: {  	[tilespmem:$0xEE8] =	vst v0  }
0x16c: {  	[tilespmem:$0xEF8] =	vst v0  }
0x16d: {  	[tilespmem:$0xF08] =	vst v0  }
0x16e: {  	[tilespmem:$0xF18] =	vst v0  }
0x16f: {  	[tilespmem:$0xF28] =	vst v0  }
0x170: {  	[tilespmem:$0xF38] =	vst v0  }
0x171: {  	[tilespmem:$0xF48] =	vst v0  }
0x172: {  	[tilespmem:$0xF58] =	vst v0  }
0x173: {  	[tilespmem:$0xF68] =	vst v0  }
0x174: {  	[tilespmem:$0xF78] =	vst v0  }
0x175: {  	[tilespmem:$0xF88] =	vst v0  }
0x176: {  	[tilespmem:$0xF98] =	vst v0  }
0x177: {  	[tilespmem:$0xFA8] =	vst v0  }
0x178: {  	[tilespmem:$0xFB8] =	vst v0  }
0x179: {  	[tilespmem:$0xFC8] =	vst v0  }
0x17a: {  	[tilespmem:$0xFD8] =	vst v0  }
0x17b: {  	[tilespmem:$0xFE8] =	vst v0  }
0x17c: {  	[tilespmem:$0xFF8] =	vst v0  }
0x17d: {  	[tilespmem:$0x1008] =	vst v0  }
0x17e: {  	[tilespmem:$0x1018] =	vst v0  }
0x17f: {  	[tilespmem:$0x1028] =	vst v0  }
0x180: {  	[tilespmem:$0x1038] =	vst v0  }
0x181: {  	[tilespmem:$0x1048] =	vst v0  }
0x182: {  	[tilespmem:$0x1058] =	vst v0  }
0x183: {  	[tilespmem:$0x1068] =	vst v0  }
0x184: {  	[tilespmem:$0x1078] =	vst v0  }
0x185: {  	[tilespmem:$0x1088] =	vst v0  }
0x186: {  	[tilespmem:$0x1098] =	vst v0  }
0x187: {  	[tilespmem:$0x10A8] =	vst v0  }
0x188: {  	[tilespmem:$0x10B8] =	vst v0  }
0x189: {  	[tilespmem:$0x10C8] =	vst v0  }
0x18a: {  	[tilespmem:$0x10D8] =	vst v0  }
0x18b: {  	[tilespmem:$0x10E8] =	vst v0  }
0x18c: {  	[tilespmem:$0x10F8] =	vst v0  }
0x18d: {  	[tilespmem:$0x1108] =	vst v0  }
0x18e: {  	[tilespmem:$0x1118] =	vst v0  }
0x18f: {  	[tilespmem:$0x1128] =	vst v0  }
0x190: {  	[tilespmem:$0x1138] =	vst v0  }
0x191: {  	[tilespmem:$0x1148] =	vst v0  }
0x192: {  	[tilespmem:$0x1158] =	vst v0  }
0x193: {  	[tilespmem:$0x1168] =	vst v0  }
0x194: {  	[tilespmem:$0x1178] =	vst v0  }
0x195: {  	[tilespmem:$0x1188] =	vst v0  }
0x196: {  	[tilespmem:$0x1198] =	vst v0  }
0x197: {  	[tilespmem:$0x11A8] =	vst v0  }
0x198: {  	[tilespmem:$0x11B8] =	vst v0  }
0x199: {  	[tilespmem:$0x11C8] =	vst v0  }
0x19a: {  	[tilespmem:$0x11D8] =	vst v0  }
0x19b: {  	[tilespmem:$0x11E8] =	vst v0  }
0x19c: {  	[tilespmem:$0x11F8] =	vst v0  }
0x19d: {  	[tilespmem:$0x1208] =	vst v0  }
0x19e: {  	[tilespmem:$0x1218] =	vst v0  }
0x19f: {  	[tilespmem:$0x1228] =	vst v0  }
0x1a0: {  	[tilespmem:$0x1238] =	vst v0  }
0x1a1: {  	[tilespmem:$0x1248] =	vst v0  }
0x1a2: {  	[tilespmem:$0x1258] =	vst v0  }
0x1a3: {  	[tilespmem:$0x1268] =	vst v0  }
0x1a4: {  	[tilespmem:$0x1278] =	vst v0  }
0x1a5: {  	[tilespmem:$0x1288] =	vst v0  }
0x1a6: {  	[tilespmem:$0x1298] =	vst v0  }
0x1a7: {  	[tilespmem:$0x12A8] =	vst v0  }
0x1a8: {  	[tilespmem:$0x12B8] =	vst v0  }
0x1a9: {  	[tilespmem:$0x12C8] =	vst v0  }
0x1aa: {  	[tilespmem:$0x12D8] =	vst v0  }
0x1ab: {  	[tilespmem:$0x12E8] =	vst v0  }
0x1ac: {  	[tilespmem:$0x12F8] =	vst v0  }
0x1ad: {  	[tilespmem:$0x1308] =	vst v0  }
0x1ae: {  	[tilespmem:$0x1318] =	vst v0  }
0x1af: {  	[tilespmem:$0x1328] =	vst v0  }
0x1b0: {  	[tilespmem:$0x1338] =	vst v0  }
0x1b1: {  	[tilespmem:$0x1348] =	vst v0  }
0x1b2: {  	[tilespmem:$0x1358] =	vst v0  }
0x1b3: {  	[tilespmem:$0x1368] =	vst v0  }
0x1b4: {  	[tilespmem:$0x1378] =	vst v0  }
0x1b5: {  	[tilespmem:$0x1388] =	vst v0  }
0x1b6: {  	[tilespmem:$0x1398] =	vst v0  }
0x1b7: {  	[tilespmem:$0x13A8] =	vst v0  }
0x1b8: {  	[tilespmem:$0x13B8] =	vst v0  }
0x1b9: {  	[tilespmem:$0x13C8] =	vst v0  }
0x1ba: {  	[tilespmem:$0x13D8] =	vst v0  }
0x1bb: {  	[tilespmem:$0x13E8] =	vst v0  }
0x1bc: {  	[tilespmem:$0x13F8] =	vst v0  }
0x1bd: {  	[tilespmem:$0x1408] =	vst v0  }
0x1be: {  	[tilespmem:$0x1418] =	vst v0  }
0x1bf: {  	[tilespmem:$0x1428] =	vst v0  }
0x1c0: {  	[tilespmem:$0x1438] =	vst v0  }
0x1c1: {  	[tilespmem:$0x1448] =	vst v0  }
0x1c2: {  	[tilespmem:$0x1458] =	vst v0  }
0x1c3: {  	[tilespmem:$0x1468] =	vst v0  }
0x1c4: {  	[tilespmem:$0x1478] =	vst v0  }
0x1c5: {  	[tilespmem:$0x1488] =	vst v0  }
0x1c6: {  	[tilespmem:$0x1498] =	vst v0  }
0x1c7: {  	[tilespmem:$0x14A8] =	vst v0  }
0x1c8: {  	[tilespmem:$0x14B8] =	vst v0  }
0x1c9: {  	[tilespmem:$0x14C8] =	vst v0  }
0x1ca: {  	[tilespmem:$0x14D8] =	vst v0  }
0x1cb: {  	[tilespmem:$0x14E8] =	vst v0  }
0x1cc: {  	[tilespmem:$0x14F8] =	vst v0  }
0x1cd: {  	[tilespmem:$0x1508] =	vst v0  }
0x1ce: {  	[tilespmem:$0x1518] =	vst v0  }
0x1cf: {  	[tilespmem:$0x1528] =	vst v0  }
0x1d0: {  	[tilespmem:$0x1538] =	vst v0  }
0x1d1: {  	[tilespmem:$0x1548] =	vst v0  }
0x1d2: {  	[tilespmem:$0x1558] =	vst v0  }
0x1d3: {  	[tilespmem:$0x1568] =	vst v0  }
0x1d4: {  	[tilespmem:$0x1578] =	vst v0  }
0x1d5: {  	[tilespmem:$0x1588] =	vst v0  }
0x1d6: {  	[tilespmem:$0x1598] =	vst v0  }
0x1d7: {  	[tilespmem:$0x15A8] =	vst v0  }
0x1d8: {  	[tilespmem:$0x15B8] =	vst v0  }
0x1d9: {  	[tilespmem:$0x15C8] =	vst v0  }
0x1da: {  	[tilespmem:$0x15D8] =	vst v0  }
0x1db: {  	[tilespmem:$0x15E8] =	vst v0  }
0x1dc: {  	[tilespmem:$0x15F8] =	vst v0  }
0x1dd: {  	[tilespmem:$0x1608] =	vst v0  }
0x1de: {  	[tilespmem:$0x1618] =	vst v0  }
0x1df: {  	[tilespmem:$0x1628] =	vst v0  }
0x1e0: {  	[tilespmem:$0x1638] =	vst v0  }
0x1e1: {  	[tilespmem:$0x1648] =	vst v0  }
0x1e2: {  	[tilespmem:$0x1658] =	vst v0  }
0x1e3: {  	[tilespmem:$0x1668] =	vst v0  }
0x1e4: {  	[tilespmem:$0x1678] =	vst v0  }
0x1e5: {  	[tilespmem:$0x1688] =	vst v0  }
0x1e6: {  	[tilespmem:$0x1698] =	vst v0  }
0x1e7: {  	[tilespmem:$0x16A8] =	vst v0  }
0x1e8: {  	[tilespmem:$0x16B8] =	vst v0  }
0x1e9: {  	[tilespmem:$0x16C8] =	vst v0  }
0x1ea: {  	[tilespmem:$0x16D8] =	vst v0  }
0x1eb: {  	[tilespmem:$0x16E8] =	vst v0  }
0x1ec: {  	[tilespmem:$0x16F8] =	vst v0  }
0x1ed: {  	[tilespmem:$0x1708] =	vst v0  }
0x1ee: {  	[tilespmem:$0x1718] =	vst v0  }
0x1ef: {  	[tilespmem:$0x1728] =	vst v0  }
0x1f0: {  	[tilespmem:$0x1738] =	vst v0  }
0x1f1: {  	[tilespmem:$0x1748] =	vst v0  }
0x1f2: {  	[tilespmem:$0x1758] =	vst v0  }
0x1f3: {  	[tilespmem:$0x1768] =	vst v0  }
0x1f4: {  	[tilespmem:$0x1778] =	vst v0  }
0x1f5: {  	[tilespmem:$0x1788] =	vst v0  }
0x1f6: {  	[tilespmem:$0x1798] =	vst v0  }
0x1f7: {  	[tilespmem:$0x17A8] =	vst v0  }
0x1f8: {  	[tilespmem:$0x17B8] =	vst v0  }
0x1f9: {  	[tilespmem:$0x17C8] =	vst v0  }
0x1fa: {  	[tilespmem:$0x17D8] =	vst v0  }
0x1fb: {  	[tilespmem:$0x17E8] =	vst v0  }
0x1fc: {  	[tilespmem:$0x17F8] =	vst v0  }
0x1fd: {  	[tilespmem:$0x1808] =	vst v0  }
0x1fe: {  	[tilespmem:$0x1818] =	vst v0  }
0x1ff: {  	[tilespmem:$0x1828] =	vst v0  }
0x200: {  	[tilespmem:$0x1838] =	vst v0  }
0x201: {  	[tilespmem:$0x1848] =	vst v0  }
0x202: {  	[tilespmem:$0x1858] =	vst v0  }
0x203: {  	[tilespmem:$0x1868] =	vst v0  }
0x204: {  	[tilespmem:$0x1878] =	vst v0  }
0x205: {  	[tilespmem:$0x1888] =	vst v0  }
0x206: {  	[tilespmem:$0x1898] =	vst v0  }
0x207: {  	[tilespmem:$0x18A8] =	vst v0  }
0x208: {  	[tilespmem:$0x18B8] =	vst v0  }
0x209: {  	[tilespmem:$0x18C8] =	vst v0  }
0x20a: {  	[tilespmem:$0x18D8] =	vst v0  }
0x20b: {  	[tilespmem:$0x18E8] =	vst v0  }
0x20c: {  	[tilespmem:$0x18F8] =	vst v0  }
0x20d: {  	[tilespmem:$0x1908] =	vst v0  }
0x20e: {  	[tilespmem:$0x1918] =	vst v0  }
0x20f: {  	[tilespmem:$0x1928] =	vst v0  }
0x210: {  	[tilespmem:$0x1938] =	vst v0  }
0x211: {  	[tilespmem:$0x1948] =	vst v0  }
0x212: {  	[tilespmem:$0x1958] =	vst v0  }
0x213: {  	[tilespmem:$0x1968] =	vst v0  }
0x214: {  	[tilespmem:$0x1978] =	vst v0  }
0x215: {  	[tilespmem:$0x1988] =	vst v0  }
0x216: {  	[tilespmem:$0x1998] =	vst v0  }
0x217: {  	[tilespmem:$0x19A8] =	vst v0  }
0x218: {  	[tilespmem:$0x19B8] =	vst v0  }
0x219: {  	[tilespmem:$0x19C8] =	vst v0  }
0x21a: {  	[tilespmem:$0x19D8] =	vst v0  }
0x21b: {  	[tilespmem:$0x19E8] =	vst v0  }
0x21c: {  	[tilespmem:$0x19F8] =	vst v0  }
0x21d: {  	[tilespmem:$0x2928] =	vst v0  }
0x21e: {  	[tilespmem:$0x2918] =	vst v0  }
0x21f: {  	[tilespmem:$0x2908] =	vst v0  }
0x220: {  	[tilespmem:$0x28F8] =	vst v0  }
0x221: {  	[tilespmem:$0x2968] =	vst v0  }
0x222: {  	[tilespmem:$0x2958] =	vst v0  }
0x223: {  	[tilespmem:$0x2948] =	vst v0  }
0x224: {  	[tilespmem:$0x2938] =	vst v0  }
0x225: {  	[tilespmem:$0x1A08] =	vst v0  }
0x226: {  	[tilespmem:$0x1A18] =	vst v0  }
0x227: {  	[tilespmem:$0x1A28] =	vst v0  }
0x228: {  	[tilespmem:$0x1A38] =	vst v0  }
0x229: {  	[tilespmem:$0x1A48] =	vst v0  }
0x22a: {  	[tilespmem:$0x1A58] =	vst v0  }
0x22b: {  	[tilespmem:$0x1A68] =	vst v0  }
0x22c: {  	[tilespmem:$0x1A78] =	vst v0  }
0x22d: {  	[tilespmem:$0x1A88] =	vst v0  }
0x22e: {  	[tilespmem:$0x1A98] =	vst v0  }
0x22f: {  	[tilespmem:$0x1AA8] =	vst v0  }
0x230: {  	[tilespmem:$0x1AB8] =	vst v0  }
0x231: {  	[tilespmem:$0x1AC8] =	vst v0  }
0x232: {  	[tilespmem:$0x1AD8] =	vst v0  }
0x233: {  	[tilespmem:$0x1AE8] =	vst v0  }
0x234: {  	[tilespmem:$0x1AF8] =	vst v0  }
0x235: {  	[tilespmem:$0x1B08] =	vst v0  }
0x236: {  	[tilespmem:$0x1B18] =	vst v0  }
0x237: {  	[tilespmem:$0x1B28] =	vst v0  }
0x238: {  	[tilespmem:$0x1B38] =	vst v0  }
0x239: {  	[tilespmem:$0x1B48] =	vst v0  }
0x23a: {  	[tilespmem:$0x1B58] =	vst v0  }
0x23b: {  	[tilespmem:$0x1B68] =	vst v0  }
0x23c: {  	[tilespmem:$0x1B78] =	vst v0  }
0x23d: {  	[tilespmem:$0x1B88] =	vst v0  }
0x23e: {  	[tilespmem:$0x1B98] =	vst v0  }
0x23f: {  	[tilespmem:$0x1BA8] =	vst v0  }
0x240: {  	[tilespmem:$0x1BB8] =	vst v0  }
0x241: {  	[tilespmem:$0x1BC8] =	vst v0  }
0x242: {  	[tilespmem:$0x1BD8] =	vst v0  }
0x243: {  	[tilespmem:$0x1BE8] =	vst v0  }
0x244: {  	[tilespmem:$0x1BF8] =	vst v0  }
0x245: {  	[tilespmem:$0x1C08] =	vst v0  }
0x246: {  	[tilespmem:$0x1C18] =	vst v0  }
0x247: {  	[tilespmem:$0x1C28] =	vst v0  }
0x248: {  	[tilespmem:$0x1C38] =	vst v0  }
0x249: {  	[tilespmem:$0x1C48] =	vst v0  }
0x24a: {  	[tilespmem:$0x1C58] =	vst v0  }
0x24b: {  	[tilespmem:$0x1C68] =	vst v0  }
0x24c: {  	[tilespmem:$0x1C78] =	vst v0  }
0x24d: {  	[tilespmem:$0x1C88] =	vst v0  }
0x24e: {  	[tilespmem:$0x1C98] =	vst v0  }
0x24f: {  	[tilespmem:$0x1CA8] =	vst v0  }
0x250: {  	[tilespmem:$0x1CB8] =	vst v0  }
0x251: {  	[tilespmem:$0x1CC8] =	vst v0  }
0x252: {  	[tilespmem:$0x1CD8] =	vst v0  }
0x253: {  	[tilespmem:$0x1CE8] =	vst v0  }
0x254: {  	[tilespmem:$0x1CF8] =	vst v0  }
0x255: {  	[tilespmem:$0x1D08] =	vst v0  }
0x256: {  	[tilespmem:$0x1D18] =	vst v0  }
0x257: {  	[tilespmem:$0x1D28] =	vst v0  }
0x258: {  	[tilespmem:$0x1D38] =	vst v0  }
0x259: {  	[tilespmem:$0x1D48] =	vst v0  }
0x25a: {  	[tilespmem:$0x1D58] =	vst v0  }
0x25b: {  	[tilespmem:$0x1D68] =	vst v0  }
0x25c: {  	[tilespmem:$0x1D78] =	vst v0  }
0x25d: {  	[tilespmem:$0x1D88] =	vst v0  }
0x25e: {  	[tilespmem:$0x1D98] =	vst v0  }
0x25f: {  	[tilespmem:$0x1DA8] =	vst v0  }
0x260: {  	[tilespmem:$0x1DB8] =	vst v0  }
0x261: {  	[tilespmem:$0x1DC8] =	vst v0  }
0x262: {  	[tilespmem:$0x1DD8] =	vst v0  }
0x263: {  	[tilespmem:$0x1DE8] =	vst v0  }
0x264: {  	[tilespmem:$0x1DF8] =	vst v0  }
0x265: {  	[tilespmem:$0x1E08] =	vst v0  }
0x266: {  	[tilespmem:$0x1E18] =	vst v0  }
0x267: {  	[tilespmem:$0x1E28] =	vst v0  }
0x268: {  	[tilespmem:$0x1E38] =	vst v0  }
0x269: {  	[tilespmem:$0x1E48] =	vst v0  }
0x26a: {  	[tilespmem:$0x1E58] =	vst v0  }
0x26b: {  	[tilespmem:$0x1E68] =	vst v0  }
0x26c: {  	[tilespmem:$0x1E78] =	vst v0  }
0x26d: {  	[tilespmem:$0x1E88] =	vst v0  }
0x26e: {  	[tilespmem:$0x1E98] =	vst v0  }
0x26f: {  	[tilespmem:$0x1EA8] =	vst v0  }
0x270: {  	[tilespmem:$0x1EB8] =	vst v0  }
0x271: {  	[tilespmem:$0x1EC8] =	vst v0  }
0x272: {  	[tilespmem:$0x1ED8] =	vst v0  }
0x273: {  	[tilespmem:$0x1EE8] =	vst v0  }
0x274: {  	[tilespmem:$0x1EF8] =	vst v0  }
0x275: {  	[tilespmem:$0x1F08] =	vst v0  }
0x276: {  	[tilespmem:$0x1F18] =	vst v0  }
0x277: {  	[tilespmem:$0x1F28] =	vst v0  }
0x278: {  	[tilespmem:$0x1F38] =	vst v0  }
0x279: {  	[tilespmem:$0x1F48] =	vst v0  }
0x27a: {  	[tilespmem:$0x1F58] =	vst v0  }
0x27b: {  	[tilespmem:$0x1F68] =	vst v0  }
0x27c: {  	[tilespmem:$0x1F78] =	vst v0  }
0x27d: {  	[tilespmem:$0x1F88] =	vst v0  }
0x27e: {  	[tilespmem:$0x1F98] =	vst v0  }
0x27f: {  	[tilespmem:$0x1FA8] =	vst v0  }
0x280: {  	[tilespmem:$0x1FB8] =	vst v0  }
0x281: {  	[tilespmem:$0x1FC8] =	vst v0  }
0x282: {  	[tilespmem:$0x1FD8] =	vst v0  }
0x283: {  	[tilespmem:$0x1FE8] =	vst v0  }
0x284: {  	[tilespmem:$0x1FF8] =	vst v0  }
0x285: {  	[tilespmem:$0x2008] =	vst v0  }
0x286: {  	[tilespmem:$0x2018] =	vst v0  }
0x287: {  	[tilespmem:$0x2028] =	vst v0  }
0x288: {  	[tilespmem:$0x2038] =	vst v0  }
0x289: {  	[tilespmem:$0x2048] =	vst v0  }
0x28a: {  	[tilespmem:$0x2058] =	vst v0  }
0x28b: {  	[tilespmem:$0x2068] =	vst v0  }
0x28c: {  	[tilespmem:$0x2078] =	vst v0  }
0x28d: {  	[tilespmem:$0x2088] =	vst v0  }
0x28e: {  	[tilespmem:$0x2098] =	vst v0  }
0x28f: {  	[tilespmem:$0x20A8] =	vst v0  }
0x290: {  	[tilespmem:$0x20B8] =	vst v0  }
0x291: {  	[tilespmem:$0x20C8] =	vst v0  }
0x292: {  	[tilespmem:$0x20D8] =	vst v0  }
0x293: {  	[tilespmem:$0x20E8] =	vst v0  }
0x294: {  	[tilespmem:$0x20F8] =	vst v0  }
0x295: {  	[tilespmem:$0x2108] =	vst v0  }
0x296: {  	[tilespmem:$0x2118] =	vst v0  }
0x297: {  	[tilespmem:$0x2128] =	vst v0  }
0x298: {  	[tilespmem:$0x2138] =	vst v0  }
0x299: {  	[tilespmem:$0x2148] =	vst v0  }
0x29a: {  	[tilespmem:$0x2158] =	vst v0  }
0x29b: {  	[tilespmem:$0x2168] =	vst v0  }
0x29c: {  	[tilespmem:$0x2178] =	vst v0  }
0x29d: {  	[tilespmem:$0x2188] =	vst v0  }
0x29e: {  	[tilespmem:$0x2198] =	vst v0  }
0x29f: {  	[tilespmem:$0x21A8] =	vst v0  }
0x2a0: {  	[tilespmem:$0x21B8] =	vst v0  }
0x2a1: {  	[tilespmem:$0x21C8] =	vst v0  }
0x2a2: {  	[tilespmem:$0x21D8] =	vst v0  }
0x2a3: {  	[tilespmem:$0x21E8] =	vst v0  }
0x2a4: {  	[tilespmem:$0x21F8] =	vst v0  }
0x2a5: {  	[tilespmem:$0x2208] =	vst v0  }
0x2a6: {  	[tilespmem:$0x2218] =	vst v0  }
0x2a7: {  	[tilespmem:$0x2228] =	vst v0  }
0x2a8: {  	[tilespmem:$0x2238] =	vst v0  }
0x2a9: {  	[tilespmem:$0x2248] =	vst v0  }
0x2aa: {  	[tilespmem:$0x2258] =	vst v0  }
0x2ab: {  	[tilespmem:$0x2268] =	vst v0  }
0x2ac: {  	[tilespmem:$0x2278] =	vst v0  }
0x2ad: {  	[tilespmem:$0x2288] =	vst v0  }
0x2ae: {  	[tilespmem:$0x2298] =	vst v0  }
0x2af: {  	[tilespmem:$0x22A8] =	vst v0  }
0x2b0: {  	[tilespmem:$0x22B8] =	vst v0  }
0x2b1: {  	[tilespmem:$0x22C8] =	vst v0  }
0x2b2: {  	[tilespmem:$0x22D8] =	vst v0  }
0x2b3: {  	[tilespmem:$0x22E8] =	vst v0  }
0x2b4: {  	[tilespmem:$0x22F8] =	vst v0  }
0x2b5: {  	[tilespmem:$0x2308] =	vst v0  }
0x2b6: {  	[tilespmem:$0x2318] =	vst v0  }
0x2b7: {  	[tilespmem:$0x2328] =	vst v0  }
0x2b8: {  	[tilespmem:$0x2338] =	vst v0  }
0x2b9: {  	[tilespmem:$0x2348] =	vst v0  }
0x2ba: {  	[tilespmem:$0x2358] =	vst v0  }
0x2bb: {  	[tilespmem:$0x2368] =	vst v0  }
0x2bc: {  	[tilespmem:$0x2378] =	vst v0  }
0x2bd: {  	[tilespmem:$0x2388] =	vst v0  }
0x2be: {  	[tilespmem:$0x2398] =	vst v0  }
0x2bf: {  	[tilespmem:$0x23A8] =	vst v0  }
0x2c0: {  	[tilespmem:$0x23B8] =	vst v0  }
0x2c1: {  	[tilespmem:$0x23C8] =	vst v0  }
0x2c2: {  	[tilespmem:$0x23D8] =	vst v0  }
0x2c3: {  	[tilespmem:$0x23E8] =	vst v0  }
0x2c4: {  	[tilespmem:$0x23F8] =	vst v0  }
0x2c5: {  	[tilespmem:$0x2408] =	vst v0  }
0x2c6: {  	[tilespmem:$0x2418] =	vst v0  }
0x2c7: {  	[tilespmem:$0x2428] =	vst v0  }
0x2c8: {  	[tilespmem:$0x2438] =	vst v0  }
0x2c9: {  	[tilespmem:$0x2448] =	vst v0  }
0x2ca: {  	[tilespmem:$0x2458] =	vst v0  }
0x2cb: {  	[tilespmem:$0x2468] =	vst v0  }
0x2cc: {  	[tilespmem:$0x2478] =	vst v0  }
0x2cd: {  	[tilespmem:$0x2488] =	vst v0  }
0x2ce: {  	[tilespmem:$0x2498] =	vst v0  }
0x2cf: {  	[tilespmem:$0x24A8] =	vst v0  }
0x2d0: {  	[tilespmem:$0x24B8] =	vst v0  }
0x2d1: {  	[tilespmem:$0x24C8] =	vst v0  }
0x2d2: {  	[tilespmem:$0x24D8] =	vst v0  }
0x2d3: {  	[tilespmem:$0x24E8] =	vst v0  }
0x2d4: {  	[tilespmem:$0x24F8] =	vst v0  }
0x2d5: {  	[tilespmem:$0x2508] =	vst v0  }
0x2d6: {  	[tilespmem:$0x2518] =	vst v0  }
0x2d7: {  	[tilespmem:$0x2528] =	vst v0  }
0x2d8: {  	[tilespmem:$0x2538] =	vst v0  }
0x2d9: {  	[tilespmem:$0x2548] =	vst v0  }
0x2da: {  	[tilespmem:$0x2558] =	vst v0  }
0x2db: {  	[tilespmem:$0x2568] =	vst v0  }
0x2dc: {  	[tilespmem:$0x2578] =	vst v0  }
0x2dd: {  	[tilespmem:$0x2588] =	vst v0  }
0x2de: {  	[tilespmem:$0x2598] =	vst v0  }
0x2df: {  	[tilespmem:$0x25A8] =	vst v0  }
0x2e0: {  	[tilespmem:$0x25B8] =	vst v0  }
0x2e1: {  	[tilespmem:$0x25C8] =	vst v0  }
0x2e2: {  	[tilespmem:$0x25D8] =	vst v0  }
0x2e3: {  	[tilespmem:$0x25E8] =	vst v0  }
0x2e4: {  	[tilespmem:$0x25F8] =	vst v0  }
0x2e5: {  	[tilespmem:$0x2608] =	vst v0  }
0x2e6: {  	[tilespmem:$0x2618] =	vst v0  }
0x2e7: {  	[tilespmem:$0x2628] =	vst v0  }
0x2e8: {  	[tilespmem:$0x2638] =	vst v0  }
0x2e9: {  	[tilespmem:$0x2648] =	vst v0  }
0x2ea: {  	[tilespmem:$0x2658] =	vst v0  }
0x2eb: {  	[tilespmem:$0x2668] =	vst v0  }
0x2ec: {  	[tilespmem:$0x2678] =	vst v0  }
0x2ed: {  	[tilespmem:$0x2688] =	vst v0  }
0x2ee: {  	[tilespmem:$0x2698] =	vst v0  }
0x2ef: {  	[tilespmem:$0x26A8] =	vst v0  }
0x2f0: {  	[tilespmem:$0x26B8] =	vst v0  }
0x2f1: {  	[tilespmem:$0x26C8] =	vst v0  }
0x2f2: {  	[tilespmem:$0x26D8] =	vst v0  }
0x2f3: {  	[tilespmem:$0x26E8] =	vst v0  }
0x2f4: {  	[tilespmem:$0x26F8] =	vst v0  }
0x2f5: {  	[tilespmem:$0x2708] =	vst v0  }
0x2f6: {  	[tilespmem:$0x2718] =	vst v0  }
0x2f7: {  	[tilespmem:$0x2728] =	vst v0  }
0x2f8: {  	[tilespmem:$0x2738] =	vst v0  }
0x2f9: {  	[tilespmem:$0x2748] =	vst v0  }
0x2fa: {  	[tilespmem:$0x2758] =	vst v0  }
0x2fb: {  	[tilespmem:$0x2768] =	vst v0  }
0x2fc: {  	[tilespmem:$0x2778] =	vst v0  }
0x2fd: {  	[tilespmem:$0x2788] =	vst v0  }
0x2fe: {  	[tilespmem:$0x2798] =	vst v0  }
0x2ff: {  	[tilespmem:$0x27A8] =	vst v0  }
0x300: {  	[tilespmem:$0x27B8] =	vst v0  }
0x301: {  	[tilespmem:$0x27C8] =	vst v0  }
0x302: {  	[tilespmem:$0x27D8] =	vst v0  }
0x303: {  	[tilespmem:$0x27E8] =	vst v0  }
0x304: {  	[tilespmem:$0x27F8] =	vst v0  }
0x305: {  	[tilespmem:$0x2808] =	vst v0  }
0x306: {  	[tilespmem:$0x2818] =	vst v0  }
0x307: {  	[tilespmem:$0x2828] =	vst v0  }
0x308: {  	[tilespmem:$0x2838] =	vst v0  }
0x309: {  	[tilespmem:$0x2848] =	vst v0  }
0x30a: {  	[tilespmem:$0x2858] =	vst v0  }
0x30b: {  	[tilespmem:$0x2868] =	vst v0  }
0x30c: {  	[tilespmem:$0x2878] =	vst v0  }
0x30d: {  	[tilespmem:$0x2888] =	vst v0  }
0x30e: {  	[tilespmem:$0x2898] =	vst v0  }
0x30f: {  	[tilespmem:$0x28A8] =	vst v0  }
0x310: {  	[tilespmem:$0x28B8] =	vst v0  }
0x311: {  	[tilespmem:$0x28C8] =	vst v0  }
0x312: {  	[tilespmem:$0x28D8] =	vst v0  }
0x313: {  	[tilespmem:$0x28E8] =	vst v0  }
0x314: {  	[tilespmem:$0x2978] =	vst v0  }
0x315: {  	[tilespmem:$0x2988] =	vst v0  }
0x316: {  	[tilespmem:$0x2998] =	vst v0  }
0x317: {  	[tilespmem:$0x29A8] =	vst v0  }
0x318: {  	[tilespmem:$0x29B8] =	vst v0  }
0x319: {  	[tilespmem:$0x29C8] =	vst v0  }
0x31a: {  	[tilespmem:$0x29D8] =	vst v0  }
0x31b: {  	[tilespmem:$0x29E8] =	vst v0  }
0x31c: {  	[tilespmem:$0x29F8] =	vst v0  }
0x31d: {  	[tilespmem:$0x2A08] =	vst v0  }
0x31e: {  	[tilespmem:$0x2A18] =	vst v0  }
0x31f: {  	[tilespmem:$0x2A28] =	vst v0  }
0x320: {  	[tilespmem:$0x2A38] =	vst v0  }
0x321: {  	[tilespmem:$0x2A48] =	vst v0  }
0x322: {  	[tilespmem:$0x2A58] =	vst v0  }
0x323: {  	[tilespmem:$0x2A68] =	vst v0  }
0x324: {  	[tilespmem:$0x2A78] =	vst v0  }
0x325: {  	[tilespmem:$0x2A88] =	vst v0  }
0x326: {  	[tilespmem:$0x2A98] =	vst v0  }
0x327: {  	[tilespmem:$0x2AA8] =	vst v0  }
0x328: {  	[tilespmem:$0x2AB8] =	vst v0  }
0x329: {  	[tilespmem:$0x2AC8] =	vst v0  }
0x32a: {  	[tilespmem:$0x2AD8] =	vst v0  }
0x32b: {  	[tilespmem:$0x2AE8] =	vst v0  }
0x32c: {  	[tilespmem:$0x2AF8] =	vst v0  }
0x32d: {  	[tilespmem:$0x2B08] =	vst v0  }
0x32e: {  	[tilespmem:$0x2B18] =	vst v0  }
0x32f: {  	[tilespmem:$0x2B28] =	vst v0  }
0x330: {  	[tilespmem:$0x2B38] =	vst v0  }
0x331: {  	[tilespmem:$0x2B48] =	vst v0  }
0x332: {  	[tilespmem:$0x2B58] =	vst v0  }
0x333: {  	[tilespmem:$0x2B68] =	vst v0  }
0x334: {  	[tilespmem:$0x2B78] =	vst v0  }
0x335: {  	[tilespmem:$0x2B88] =	vst v0  }
0x336: {  	[tilespmem:$0x2B98] =	vst v0  }
0x337: {  	[tilespmem:$0x2BA8] =	vst v0  }
0x338: {  	[tilespmem:$0x2BB8] =	vst v0  }
0x339: {  	[tilespmem:$0x2BC8] =	vst v0  }
0x33a: {  	[tilespmem:$0x2BD8] =	vst v0  }
0x33b: {  	[tilespmem:$0x2BE8] =	vst v0  }
0x33c: {  	[tilespmem:$0x2BF8] =	vst v0  }
0x33d: {  	[tilespmem:$0x2C08] =	vst v0  }
0x33e: {  	[tilespmem:$0x2C18] =	vst v0  }
0x33f: {  	[tilespmem:$0x2C28] =	vst v0  }
0x340: {  	[tilespmem:$0x2C38] =	vst v0  }
0x341: {  	[tilespmem:$0x2C48] =	vst v0  }
0x342: {  	[tilespmem:$0x2C58] =	vst v0  }
0x343: {  	[tilespmem:$0x2C68] =	vst v0  }
0x344: {  	[tilespmem:$0x2C78] =	vst v0  }
0x345: {  	[tilespmem:$0x2C88] =	vst v0  }
0x346: {  	[tilespmem:$0x2C98] =	vst v0  }
0x347: {  	[tilespmem:$0x2CA8] =	vst v0  }
0x348: {  	[tilespmem:$0x2CB8] =	vst v0  }
0x349: {  	[tilespmem:$0x2CC8] =	vst v0  }
0x34a: {  	[tilespmem:$0x2CD8] =	vst v0  }
0x34b: {  	[tilespmem:$0x2CE8] =	vst v0  }
0x34c: {  	[tilespmem:$0x2CF8] =	vst v0  }
0x34d: {  	[tilespmem:$0x2D08] =	vst v0  }
0x34e: {  	[tilespmem:$0x2D18] =	vst v0  }
0x34f: {  	[tilespmem:$0x2D28] =	vst v0  }
0x350: {  	[tilespmem:$0x2D38] =	vst v0  }
0x351: {  	[tilespmem:$0x2D48] =	vst v0  }
0x352: {  	[tilespmem:$0x2D58] =	vst v0  }
0x353: {  	[tilespmem:$0x2D68] =	vst v0  }
0x354: {  	[tilespmem:$0x2D78] =	vst v0  }
0x355: {  	[tilespmem:$0x2D88] =	vst v0  }
0x356: {  	[tilespmem:$0x2D98] =	vst v0  }
0x357: {  	[tilespmem:$0x2DA8] =	vst v0  }
0x358: {  	[tilespmem:$0x2DB8] =	vst v0  }
0x359: {  	[tilespmem:$0x2DC8] =	vst v0  }
0x35a: {  	[tilespmem:$0x2DD8] =	vst v0  }
0x35b: {  	[tilespmem:$0x2DE8] =	vst v0  }
0x35c: {  	[tilespmem:$0x2DF8] =	vst v0  }
0x35d: {  	[tilespmem:$0x2E08] =	vst v0  }
0x35e: {  	[tilespmem:$0x2E18] =	vst v0  }
0x35f: {  	[tilespmem:$0x2E28] =	vst v0  }
0x360: {  	[tilespmem:$0x2E38] =	vst v0  }
0x361: {  	[tilespmem:$0x2E48] =	vst v0  }
0x362: {  	[tilespmem:$0x2E58] =	vst v0  }
0x363: {  	[tilespmem:$0x2E68] =	vst v0  }
0x364: {  	[tilespmem:$0x2E78] =	vst v0  }
0x365: {  	[tilespmem:$0x2E88] =	vst v0  }
0x366: {  	[tilespmem:$0x2E98] =	vst v0  }
0x367: {  	[tilespmem:$0x2EA8] =	vst v0  }
0x368: {  	[tilespmem:$0x2EB8] =	vst v0  }
0x369: {  	[tilespmem:$0x2EC8] =	vst v0  }
0x36a: {  	[tilespmem:$0x2ED8] =	vst v0  }
0x36b: {  	[tilespmem:$0x2EE8] =	vst v0  }
0x36c: {  	[tilespmem:$0x2EF8] =	vst v0  }
0x36d: {  	[tilespmem:$0x2F08] =	vst v0  }
0x36e: {  	[tilespmem:$0x2F18] =	vst v0  }
0x36f: {  	[tilespmem:$0x2F28] =	vst v0  }
0x370: {  	[tilespmem:$0x2F38] =	vst v0  }
0x371: {  	[tilespmem:$0x2F48] =	vst v0  }
0x372: {  	[tilespmem:$0x2F58] =	vst v0  }
0x373: {  	[tilespmem:$0x2F68] =	vst v0  }
0x374: {  	[tilespmem:$0x2F78] =	vst v0  }
0x375: {  	[tilespmem:$0x2F88] =	vst v0  }
0x376: {  	[tilespmem:$0x2F98] =	vst v0  }
0x377: {  	[tilespmem:$0x2FA8] =	vst v0  }
0x378: {  	[tilespmem:$0x2FB8] =	vst v0  }
0x379: {  	[tilespmem:$0x2FC8] =	vst v0  }
0x37a: {  	[tilespmem:$0x2FD8] =	vst v0  }
0x37b: {  	[tilespmem:$0x2FE8] =	vst v0  }
0x37c: {  	[tilespmem:$0x2FF8] =	vst v0  }
0x37d: {  	[tilespmem:$0x3008] =	vst v0  }
0x37e: {  	[tilespmem:$0x3018] =	vst v0  }
0x37f: {  	[tilespmem:$0x3028] =	vst v0  }
0x380: {  	[tilespmem:$0x3038] =	vst v0  }
0x381: {  	[tilespmem:$0x3048] =	vst v0  }
0x382: {  	[tilespmem:$0x3058] =	vst v0  }
0x383: {  	[tilespmem:$0x3068] =	vst v0  }
0x384: {  	[tilespmem:$0x3078] =	vst v0  }
0x385: {  	[tilespmem:$0x3088] =	vst v0  }
0x386: {  	[tilespmem:$0x3098] =	vst v0  }
0x387: {  	[tilespmem:$0x30A8] =	vst v0  }
0x388: {  	[tilespmem:$0x30B8] =	vst v0  }
0x389: {  	[tilespmem:$0x30C8] =	vst v0  }
0x38a: {  	[tilespmem:$0x30D8] =	vst v0  }
0x38b: {  	[tilespmem:$0x30E8] =	vst v0  }
0x38c: {  	[tilespmem:$0x30F8] =	vst v0  }
0x38d: {  	[tilespmem:$0x3108] =	vst v0  }
0x38e: {  	[tilespmem:$0x3118] =	vst v0  }
0x38f: {  	[tilespmem:$0x3128] =	vst v0  }
0x390: {  	[tilespmem:$0x3138] =	vst v0  }
0x391: {  	[tilespmem:$0x3148] =	vst v0  }
0x392: {  	[tilespmem:$0x3158] =	vst v0  }
0x393: {  	[tilespmem:$0x3168] =	vst v0  }
0x394: {  	[tilespmem:$0x3178] =	vst v0  }
0x395: {  	[tilespmem:$0x3188] =	vst v0  }
0x396: {  	[tilespmem:$0x3198] =	vst v0  }
0x397: {  	[tilespmem:$0x31A8] =	vst v0  }
0x398: {  	[tilespmem:$0x31B8] =	vst v0  }
0x399: {  	[tilespmem:$0x31C8] =	vst v0  }
0x39a: {  	[tilespmem:$0x31D8] =	vst v0  }
0x39b: {  	[tilespmem:$0x31E8] =	vst v0  }
0x39c: {  	[tilespmem:$0x31F8] =	vst v0  }
0x39d: {  	[tilespmem:$0x3208] =	vst v0  }
0x39e: {  	[tilespmem:$0x3218] =	vst v0  }
0x39f: {  	[tilespmem:$0x3228] =	vst v0  }
0x3a0: {  	[tilespmem:$0x3238] =	vst v0  }
0x3a1: {  	[tilespmem:$0x3248] =	vst v0  }
0x3a2: {  	[tilespmem:$0x3258] =	vst v0  }
0x3a3: {  	[tilespmem:$0x3268] =	vst v0  }
0x3a4: {  	[tilespmem:$0x3278] =	vst v0  }
0x3a5: {  	[tilespmem:$0x3288] =	vst v0  }
0x3a6: {  	[tilespmem:$0x3298] =	vst v0  }
0x3a7: {  	[tilespmem:$0x32A8] =	vst v0  }
0x3a8: {  	[tilespmem:$0x32B8] =	vst v0  }
0x3a9: {  	[tilespmem:$0x32C8] =	vst v0  }
0x3aa: {  	[tilespmem:$0x32D8] =	vst v0  }
0x3ab: {  	[tilespmem:$0x32E8] =	vst v0  }
0x3ac: {  	[tilespmem:$0x32F8] =	vst v0  }
0x3ad: {  	[tilespmem:$0x3308] =	vst v0  }
0x3ae: {  	[tilespmem:$0x3318] =	vst v0  }
0x3af: {  	[tilespmem:$0x3328] =	vst v0  }
0x3b0: {  	[tilespmem:$0x3338] =	vst v0  }
0x3b1: {  	[tilespmem:$0x3348] =	vst v0  }
0x3b2: {  	[tilespmem:$0x3358] =	vst v0  }
0x3b3: {  	[tilespmem:$0x3368] =	vst v0  }
0x3b4: {  	[tilespmem:$0x3378] =	vst v0  }
0x3b5: {  	[tilespmem:$0x3388] =	vst v0  }
0x3b6: {  	[tilespmem:$0x3398] =	vst v0  }
0x3b7: {  	[tilespmem:$0x33A8] =	vst v0  }
0x3b8: {  	[tilespmem:$0x33B8] =	vst v0  }
0x3b9: {  	[tilespmem:$0x33C8] =	vst v0  }
0x3ba: {  	[tilespmem:$0x33D8] =	vst v0  }
0x3bb: {  	[tilespmem:$0x33E8] =	vst v0  }
0x3bc: {  	[tilespmem:$0x33F8] =	vst v0  }
0x3bd: {  	[tilespmem:$0x3408] =	vst v0  }
0x3be: {  	[tilespmem:$0x3418] =	vst v0  }
0x3bf: {  	[tilespmem:$0x3428] =	vst v0  }
0x3c0: {  	[tilespmem:$0x3438] =	vst v0  }
0x3c1: {  	[tilespmem:$0x3448] =	vst v0  }
0x3c2: {  	[tilespmem:$0x3458] =	vst v0  }
0x3c3: {  	[tilespmem:$0x3468] =	vst v0  }
0x3c4: {  	[tilespmem:$0x3478] =	vst v0  }
0x3c5: {  	[tilespmem:$0x3488] =	vst v0  }
0x3c6: {  	[tilespmem:$0x3498] =	vst v0  }
0x3c7: {  	[tilespmem:$0x34A8] =	vst v0  }
0x3c8: {  	[tilespmem:$0x34B8] =	vst v0  }
0x3c9: {  	[tilespmem:$0x34C8] =	vst v0  }
0x3ca: {  	[tilespmem:$0x34D8] =	vst v0  }
0x3cb: {  	[tilespmem:$0x34E8] =	vst v0  }
0x3cc: {  	[tilespmem:$0x34F8] =	vst v0  }
0x3cd: {  	[tilespmem:$0x3508] =	vst v0  }
0x3ce: {  	[tilespmem:$0x3518] =	vst v0  }
0x3cf: {  	[tilespmem:$0x3528] =	vst v0  }
0x3d0: {  	[tilespmem:$0x3538] =	vst v0  }
0x3d1: {  	[tilespmem:$0x3548] =	vst v0  }
0x3d2: {  	[tilespmem:$0x3558] =	vst v0  }
0x3d3: {  	[tilespmem:$0x3568] =	vst v0  }
0x3d4: {  	[tilespmem:$0x3578] =	vst v0  }
0x3d5: {  	[tilespmem:$0x3588] =	vst v0  }
0x3d6: {  	[tilespmem:$0x3598] =	vst v0  }
0x3d7: {  	[tilespmem:$0x35A8] =	vst v0  }
0x3d8: {  	[tilespmem:$0x35B8] =	vst v0  }
0x3d9: {  	[tilespmem:$0x35C8] =	vst v0  }
0x3da: {  	[tilespmem:$0x35D8] =	vst v0  }
0x3db: {  	[tilespmem:$0x35E8] =	vst v0  }
0x3dc: {  	[tilespmem:$0x35F8] =	vst v0  }
0x3dd: {  	[tilespmem:$0x3608] =	vst v0  }
0x3de: {  	[tilespmem:$0x3618] =	vst v0  }
0x3df: {  	[tilespmem:$0x3628] =	vst v0  }
0x3e0: {  	[tilespmem:$0x3638] =	vst v0  }
0x3e1: {  	[tilespmem:$0x3648] =	vst v0  }
0x3e2: {  	[tilespmem:$0x3658] =	vst v0  }
0x3e3: {  	[tilespmem:$0x3668] =	vst v0  }
0x3e4: {  	[tilespmem:$0x3678] =	vst v0  }
0x3e5: {  	[tilespmem:$0x3688] =	vst v0  }
0x3e6: {  	[tilespmem:$0x3698] =	vst v0  }
0x3e7: {  	[tilespmem:$0x36A8] =	vst v0  }
0x3e8: {  	[tilespmem:$0x36B8] =	vst v0  }
0x3e9: {  	[tilespmem:$0x36C8] =	vst v0  }
0x3ea: {  	[tilespmem:$0x36D8] =	vst v0  }
0x3eb: {  	[tilespmem:$0x36E8] =	vst v0  }
0x3ec: {  	[tilespmem:$0x36F8] =	vst v0  }
0x3ed: {  	[tilespmem:$0x3708] =	vst v0  }
0x3ee: {  	[tilespmem:$0x3718] =	vst v0  }
0x3ef: {  	[tilespmem:$0x3728] =	vst v0  }
0x3f0: {  	[tilespmem:$0x3738] =	vst v0  }
0x3f1: {  	[tilespmem:$0x3748] =	vst v0  }
0x3f2: {  	[tilespmem:$0x3758] =	vst v0  }
0x3f3: {  	[tilespmem:$0x3768] =	vst v0  }
0x3f4: {  	[tilespmem:$0x3778] =	vst v0  }
0x3f5: {  	[tilespmem:$0x3788] =	vst v0  }
0x3f6: {  	[tilespmem:$0x3798] =	vst v0  }
0x3f7: {  	[tilespmem:$0x37A8] =	vst v0  }
0x3f8: {  	[tilespmem:$0x37B8] =	vst v0  }
0x3f9: {  	[tilespmem:$0x37C8] =	vst v0  }
0x3fa: {  	[tilespmem:$0x37D8] =	vst v0  }
0x3fb: {  	[tilespmem:$0x37E8] =	vst v0  }
0x3fc: {  	[tilespmem:$0x37F8] =	vst v0  }
0x3fd: {  	[tilespmem:$0x3808] =	vst v0  }
0x3fe: {  	[tilespmem:$0x3818] =	vst v0  }
0x3ff: {  	[tilespmem:$0x3828] =	vst v0  }
0x400: {  	[tilespmem:$0x3838] =	vst v0  }
0x401: {  	[tilespmem:$0x3848] =	vst v0  }
0x402: {  	[tilespmem:$0x3858] =	vst v0  }
0x403: {  	[tilespmem:$0x3868] =	vst v0  }
0x404: {  	[tilespmem:$0x3878] =	vst v0  }
0x405: {  	[tilespmem:$0x3888] =	vst v0  }
0x406: {  	[tilespmem:$0x3898] =	vst v0  }
0x407: {  	[tilespmem:$0x38A8] =	vst v0  }
0x408: {  	[tilespmem:$0x38B8] =	vst v0  }
0x409: {  	[tilespmem:$0x38C8] =	vst v0  }
0x40a: {  	[tilespmem:$0x38D8] =	vst v0  }
0x40b: {  	[tilespmem:$0x38E8] =	vst v0  }
0x40c: {  	[tilespmem:$0x38F8] =	vst v0  }
0x40d: {  	[tilespmem:$0x3908] =	vst v0  }
0x40e: {  	[tilespmem:$0x3918] =	vst v0  }
0x40f: {  	[tilespmem:$0x3928] =	vst v0  }
0x410: {  	[tilespmem:$0x3958] =	vst v0  }
0x411: {  	[tilespmem:$0x3988] =	vst v0  }
0x412: {  	[tilespmem:$0x3978] =	vst v0  }
0x413: {  	[tilespmem:$0x4828] =	vst v0  }
0x414: {  	[tilespmem:$0x4818] =	vst v0  }
0x415: {  	[tilespmem:$0x4808] =	vst v0  }
0x416: {  	[tilespmem:$0x47F8] =	vst v0  }
0x417: {  	[tilespmem:$0x47E8] =	vst v0  }
0x418: {  	[tilespmem:$0x47D8] =	vst v0  }
0x419: {  	[tilespmem:$0x47C8] =	vst v0  }
0x41a: {  	[tilespmem:$0x47B8] =	vst v0  }
0x41b: {  	[tilespmem:$0x47A8] =	vst v0  }
0x41c: {  	[tilespmem:$0x4798] =	vst v0  }
0x41d: {  	[tilespmem:$0x4788] =	vst v0  }
0x41e: {  	[tilespmem:$0x4778] =	vst v0  }
0x41f: {  	[tilespmem:$0x4768] =	vst v0  }
0x420: {  	[tilespmem:$0x4758] =	vst v0  }
0x421: {  	[tilespmem:$0x4748] =	vst v0  }
0x422: {  	[tilespmem:$0x4738] =	vst v0  }
0x423: {  	[tilespmem:$0x4728] =	vst v0  }
0x424: {  	[tilespmem:$0x4718] =	vst v0  }
0x425: {  	[tilespmem:$0x4708] =	vst v0  }
0x426: {  	[tilespmem:$0x46F8] =	vst v0  }
0x427: {  	[tilespmem:$0x46E8] =	vst v0  }
0x428: {  	[tilespmem:$0x46D8] =	vst v0  }
0x429: {  	[tilespmem:$0x46C8] =	vst v0  }
0x42a: {  	[tilespmem:$0x46B8] =	vst v0  }
0x42b: {  	[tilespmem:$0x46A8] =	vst v0  }
0x42c: {  	[tilespmem:$0x4698] =	vst v0  }
0x42d: {  	[tilespmem:$0x4688] =	vst v0  }
0x42e: {  	[tilespmem:$0x4678] =	vst v0  }
0x42f: {  	[tilespmem:$0x4668] =	vst v0  }
0x430: {  	[tilespmem:$0x4658] =	vst v0  }
0x431: {  	[tilespmem:$0x4648] =	vst v0  }
0x432: {  	[tilespmem:$0x4638] =	vst v0  }
0x433: {  	[tilespmem:$0x4628] =	vst v0  }
0x434: {  	[tilespmem:$0x4618] =	vst v0  }
0x435: {  	[tilespmem:$0x4608] =	vst v0  }
0x436: {  	[tilespmem:$0x45F8] =	vst v0  }
0x437: {  	[tilespmem:$0x45E8] =	vst v0  }
0x438: {  	[tilespmem:$0x45D8] =	vst v0  }
0x439: {  	[tilespmem:$0x45C8] =	vst v0  }
0x43a: {  	[tilespmem:$0x45B8] =	vst v0  }
0x43b: {  	[tilespmem:$0x45A8] =	vst v0  }
0x43c: {  	[tilespmem:$0x4598] =	vst v0  }
0x43d: {  	[tilespmem:$0x4588] =	vst v0  }
0x43e: {  	[tilespmem:$0x4578] =	vst v0  }
0x43f: {  	[tilespmem:$0x4568] =	vst v0  }
0x440: {  	[tilespmem:$0x4558] =	vst v0  }
0x441: {  	[tilespmem:$0x4548] =	vst v0  }
0x442: {  	[tilespmem:$0x4538] =	vst v0  }
0x443: {  	[tilespmem:$0x4528] =	vst v0  }
0x444: {  	[tilespmem:$0x4518] =	vst v0  }
0x445: {  	[tilespmem:$0x4508] =	vst v0  }
0x446: {  	[tilespmem:$0x44F8] =	vst v0  }
0x447: {  	[tilespmem:$0x44E8] =	vst v0  }
0x448: {  	[tilespmem:$0x44D8] =	vst v0  }
0x449: {  	[tilespmem:$0x44C8] =	vst v0  }
0x44a: {  	[tilespmem:$0x44B8] =	vst v0  }
0x44b: {  	[tilespmem:$0x44A8] =	vst v0  }
0x44c: {  	[tilespmem:$0x4498] =	vst v0  }
0x44d: {  	[tilespmem:$0x4488] =	vst v0  }
0x44e: {  	[tilespmem:$0x4478] =	vst v0  }
0x44f: {  	[tilespmem:$0x4468] =	vst v0  }
0x450: {  	[tilespmem:$0x4458] =	vst v0  }
0x451: {  	[tilespmem:$0x4448] =	vst v0  }
0x452: {  	[tilespmem:$0x4438] =	vst v0  }
0x453: {  	[tilespmem:$0x4428] =	vst v0  }
0x454: {  	[tilespmem:$0x4418] =	vst v0  }
0x455: {  	[tilespmem:$0x4408] =	vst v0  }
0x456: {  	[tilespmem:$0x43F8] =	vst v0  }
0x457: {  	[tilespmem:$0x43E8] =	vst v0  }
0x458: {  	[tilespmem:$0x43D8] =	vst v0  }
0x459: {  	[tilespmem:$0x43C8] =	vst v0  }
0x45a: {  	[tilespmem:$0x43B8] =	vst v0  }
0x45b: {  	[tilespmem:$0x43A8] =	vst v0  }
0x45c: {  	[tilespmem:$0x4398] =	vst v0  }
0x45d: {  	[tilespmem:$0x4388] =	vst v0  }
0x45e: {  	[tilespmem:$0x4378] =	vst v0  }
0x45f: {  	[tilespmem:$0x4368] =	vst v0  }
0x460: {  	[tilespmem:$0x4358] =	vst v0  }
0x461: {  	[tilespmem:$0x4348] =	vst v0  }
0x462: {  	[tilespmem:$0x4338] =	vst v0  }
0x463: {  	[tilespmem:$0x4328] =	vst v0  }
0x464: {  	[tilespmem:$0x4318] =	vst v0  }
0x465: {  	[tilespmem:$0x4308] =	vst v0  }
0x466: {  	[tilespmem:$0x42F8] =	vst v0  }
0x467: {  	[tilespmem:$0x42E8] =	vst v0  }
0x468: {  	[tilespmem:$0x42D8] =	vst v0  }
0x469: {  	[tilespmem:$0x42C8] =	vst v0  }
0x46a: {  	[tilespmem:$0x42B8] =	vst v0  }
0x46b: {  	[tilespmem:$0x42A8] =	vst v0  }
0x46c: {  	[tilespmem:$0x4298] =	vst v0  }
0x46d: {  	[tilespmem:$0x4288] =	vst v0  }
0x46e: {  	[tilespmem:$0x4278] =	vst v0  }
0x46f: {  	[tilespmem:$0x4268] =	vst v0  }
0x470: {  	[tilespmem:$0x4258] =	vst v0  }
0x471: {  	[tilespmem:$0x4248] =	vst v0  }
0x472: {  	[tilespmem:$0x4238] =	vst v0  }
0x473: {  	[tilespmem:$0x4228] =	vst v0  }
0x474: {  	[tilespmem:$0x4218] =	vst v0  }
0x475: {  	[tilespmem:$0x4208] =	vst v0  }
0x476: {  	[tilespmem:$0x41F8] =	vst v0  }
0x477: {  	[tilespmem:$0x41E8] =	vst v0  }
0x478: {  	[tilespmem:$0x41D8] =	vst v0  }
0x479: {  	[tilespmem:$0x41C8] =	vst v0  }
0x47a: {  	[tilespmem:$0x41B8] =	vst v0  }
0x47b: {  	[tilespmem:$0x41A8] =	vst v0  }
0x47c: {  	[tilespmem:$0x4198] =	vst v0  }
0x47d: {  	[tilespmem:$0x4188] =	vst v0  }
0x47e: {  	[tilespmem:$0x4178] =	vst v0  }
0x47f: {  	[tilespmem:$0x4168] =	vst v0  }
0x480: {  	[tilespmem:$0x4158] =	vst v0  }
0x481: {  	[tilespmem:$0x4148] =	vst v0  }
0x482: {  	[tilespmem:$0x4138] =	vst v0  }
0x483: {  	[tilespmem:$0x4128] =	vst v0  }
0x484: {  	[tilespmem:$0x4118] =	vst v0  }
0x485: {  	[tilespmem:$0x4108] =	vst v0  }
0x486: {  	[tilespmem:$0x40F8] =	vst v0  }
0x487: {  	[tilespmem:$0x40E8] =	vst v0  }
0x488: {  	[tilespmem:$0x40D8] =	vst v0  }
0x489: {  	[tilespmem:$0x40C8] =	vst v0  }
0x48a: {  	[tilespmem:$0x40B8] =	vst v0  }
0x48b: {  	[tilespmem:$0x40A8] =	vst v0  }
0x48c: {  	[tilespmem:$0x4098] =	vst v0  }
0x48d: {  	[tilespmem:$0x4088] =	vst v0  }
0x48e: {  	[tilespmem:$0x4078] =	vst v0  }
0x48f: {  	[tilespmem:$0x4068] =	vst v0  }
0x490: {  	[tilespmem:$0x4058] =	vst v0  }
0x491: {  	[tilespmem:$0x4048] =	vst v0  }
0x492: {  	[tilespmem:$0x4038] =	vst v0  }
0x493: {  	[tilespmem:$0x4028] =	vst v0  }
0x494: {  	[tilespmem:$0x4018] =	vst v0  }
0x495: {  	[tilespmem:$0x4008] =	vst v0  }
0x496: {  	[tilespmem:$0x3FF8] =	vst v0  }
0x497: {  	[tilespmem:$0x3FE8] =	vst v0  }
0x498: {  	[tilespmem:$0x3FD8] =	vst v0  }
0x499: {  	[tilespmem:$0x3FC8] =	vst v0  }
0x49a: {  	[tilespmem:$0x3FB8] =	vst v0  }
0x49b: {  	[tilespmem:$0x3FA8] =	vst v0  }
0x49c: {  	[tilespmem:$0x3F98] =	vst v0  }
0x49d: {  	[tilespmem:$0x3F88] =	vst v0  }
0x49e: {  	[tilespmem:$0x3F78] =	vst v0  }
0x49f: {  	[tilespmem:$0x3F68] =	vst v0  }
0x4a0: {  	[tilespmem:$0x3F58] =	vst v0  }
0x4a1: {  	[tilespmem:$0x3F48] =	vst v0  }
0x4a2: {  	[tilespmem:$0x3F38] =	vst v0  }
0x4a3: {  	[tilespmem:$0x3F28] =	vst v0  }
0x4a4: {  	[tilespmem:$0x3F18] =	vst v0  }
0x4a5: {  	[tilespmem:$0x3F08] =	vst v0  }
0x4a6: {  	[tilespmem:$0x3EF8] =	vst v0  }
0x4a7: {  	[tilespmem:$0x3EE8] =	vst v0  }
0x4a8: {  	[tilespmem:$0x3ED8] =	vst v0  }
0x4a9: {  	[tilespmem:$0x3EC8] =	vst v0  }
0x4aa: {  	[tilespmem:$0x3EB8] =	vst v0  }
0x4ab: {  	[tilespmem:$0x3EA8] =	vst v0  }
0x4ac: {  	[tilespmem:$0x3E98] =	vst v0  }
0x4ad: {  	[tilespmem:$0x3E88] =	vst v0  }
0x4ae: {  	[tilespmem:$0x3E78] =	vst v0  }
0x4af: {  	[tilespmem:$0x3E68] =	vst v0  }
0x4b0: {  	[tilespmem:$0x3E58] =	vst v0  }
0x4b1: {  	[tilespmem:$0x3E48] =	vst v0  }
0x4b2: {  	[tilespmem:$0x3E38] =	vst v0  }
0x4b3: {  	[tilespmem:$0x3E28] =	vst v0  }
0x4b4: {  	[tilespmem:$0x3E18] =	vst v0  }
0x4b5: {  	[tilespmem:$0x3E08] =	vst v0  }
0x4b6: {  	[tilespmem:$0x3DF8] =	vst v0  }
0x4b7: {  	[tilespmem:$0x3DE8] =	vst v0  }
0x4b8: {  	[tilespmem:$0x3DD8] =	vst v0  }
0x4b9: {  	[tilespmem:$0x3DC8] =	vst v0  }
0x4ba: {  	[tilespmem:$0x3DB8] =	vst v0  }
0x4bb: {  	[tilespmem:$0x3DA8] =	vst v0  }
0x4bc: {  	[tilespmem:$0x3D98] =	vst v0  }
0x4bd: {  	[tilespmem:$0x3D88] =	vst v0  }
0x4be: {  	[tilespmem:$0x3D78] =	vst v0  }
0x4bf: {  	[tilespmem:$0x3D68] =	vst v0  }
0x4c0: {  	[tilespmem:$0x3D58] =	vst v0  }
0x4c1: {  	[tilespmem:$0x3D48] =	vst v0  }
0x4c2: {  	[tilespmem:$0x3D38] =	vst v0  }
0x4c3: {  	[tilespmem:$0x3D28] =	vst v0  }
0x4c4: {  	[tilespmem:$0x3D18] =	vst v0  }
0x4c5: {  	[tilespmem:$0x3D08] =	vst v0  }
0x4c6: {  	[tilespmem:$0x3CF8] =	vst v0  }
0x4c7: {  	[tilespmem:$0x3CE8] =	vst v0  }
0x4c8: {  	[tilespmem:$0x3CD8] =	vst v0  }
0x4c9: {  	[tilespmem:$0x3CC8] =	vst v0  }
0x4ca: {  	[tilespmem:$0x3CB8] =	vst v0  }
0x4cb: {  	[tilespmem:$0x3CA8] =	vst v0  }
0x4cc: {  	[tilespmem:$0x3C98] =	vst v0  }
0x4cd: {  	[tilespmem:$0x3C88] =	vst v0  }
0x4ce: {  	[tilespmem:$0x3C78] =	vst v0  }
0x4cf: {  	[tilespmem:$0x3C68] =	vst v0  }
0x4d0: {  	[tilespmem:$0x3C58] =	vst v0  }
0x4d1: {  	[tilespmem:$0x3C48] =	vst v0  }
0x4d2: {  	[tilespmem:$0x3C38] =	vst v0  }
0x4d3: {  	[tilespmem:$0x3C28] =	vst v0  }
0x4d4: {  	[tilespmem:$0x3C18] =	vst v0  }
0x4d5: {  	[tilespmem:$0x3C08] =	vst v0  }
0x4d6: {  	[tilespmem:$0x3BF8] =	vst v0  }
0x4d7: {  	[tilespmem:$0x3BE8] =	vst v0  }
0x4d8: {  	[tilespmem:$0x3BD8] =	vst v0  }
0x4d9: {  	[tilespmem:$0x3BC8] =	vst v0  }
0x4da: {  	[tilespmem:$0x3BB8] =	vst v0  }
0x4db: {  	[tilespmem:$0x3BA8] =	vst v0  }
0x4dc: {  	[tilespmem:$0x3B98] =	vst v0  }
0x4dd: {  	[tilespmem:$0x3B88] =	vst v0  }
0x4de: {  	[tilespmem:$0x3B78] =	vst v0  }
0x4df: {  	[tilespmem:$0x3B68] =	vst v0  }
0x4e0: {  	[tilespmem:$0x3B58] =	vst v0  }
0x4e1: {  	[tilespmem:$0x3B48] =	vst v0  }
0x4e2: {  	[tilespmem:$0x3B38] =	vst v0  }
0x4e3: {  	[tilespmem:$0x3B28] =	vst v0  }
0x4e4: {  	[tilespmem:$0x3B18] =	vst v0  }
0x4e5: {  	[tilespmem:$0x3B08] =	vst v0  }
0x4e6: {  	[tilespmem:$0x3AF8] =	vst v0  }
0x4e7: {  	[tilespmem:$0x3AE8] =	vst v0  }
0x4e8: {  	[tilespmem:$0x3AD8] =	vst v0  }
0x4e9: {  	[tilespmem:$0x3AC8] =	vst v0  }
0x4ea: {  	[tilespmem:$0x3AB8] =	vst v0  }
0x4eb: {  	[tilespmem:$0x3AA8] =	vst v0  }
0x4ec: {  	[tilespmem:$0x3A98] =	vst v0  }
0x4ed: {  	[tilespmem:$0x3A88] =	vst v0  }
0x4ee: {  	[tilespmem:$0x3A78] =	vst v0  }
0x4ef: {  	[tilespmem:$0x3A68] =	vst v0  }
0x4f0: {  	[tilespmem:$0x3A58] =	vst v0  }
0x4f1: {  	[tilespmem:$0x3A48] =	vst v0  }
0x4f2: {  	[tilespmem:$0x3A38] =	vst v0  }
0x4f3: {  	[tilespmem:$0x3A28] =	vst v0  }
0x4f4: {  	[tilespmem:$0x3A18] =	vst v0  }
0x4f5: {  	[tilespmem:$0x3A08] =	vst v0  }
0x4f6: {  	[tilespmem:$0x39F8] =	vst v0  }
0x4f7: {  	[tilespmem:$0x39E8] =	vst v0  }
0x4f8: {  	s6 =	stileid.u32;
	[tilespmem:$0x39D8] =	vst v0  }
0x4f9: {  	s2 =	simm.s32 $0x2;
	s29 =	simm.s32 $0x9;
	s30 =	simm.s32 $0xA;
	[tilespmem:$0x39C8] =	vst v0  }
0x4fa: {  	s3 =	simm.s32 $0xB;
	s24 =	simm.s32 $0x0;
	p1 =	por $0x0, $0x0;
	[tilespmem:$0x39B8] =	vst v0  }
0x4fb: {  	s18 =	simm.s32 $0x80;
	s19 =	simm.s32 $0x400;
	s17 =	smul.u32 $0x24A0, s6;
	[tilespmem:$0x39A8] =	vst v0  }
0x4fc: {  	s15 =	simm.s32 $0xC;
	s21 =	simm.s32 $0x0;
	s23 =	simm.s32 $0x0;
	[tilespmem:$0x3998] =	vst v0  }
0x4fd: {  	s26 =	sand.u32 $0x1, s0;
	s4 =	sadd.s32 $0xDC6C00, s5;
	s28 =	smin.u32 s17, $0x22550;
	[tilespmem:$0x3968] =	vst v0  }
0x4fe: {  	s6 =	smul.u32 $0x1080, s6;
	s10 =	sadd.s32 $0x24A0, s28;
	[tilespmem:$0x3948] =	vst v0;
	[dreg:$0x4] =	wrdreg s26  }
0x4ff: {  	s1 =	smul.u32 $0x493E, s26;
	[tilespmem:$0x3938] =	vst v0;
	[sflag:s2] =	ssyncpa.u1 $0x0;
	v0 =	vimm.s32 $0xFFFFFFFF;
	s0 =	ssub.s32 s10, s17  }
0x500: {  	[tilespmem:$0x8C48] =	vst v0;
	[sflag:s29] =	ssyncpa.u1 $0x0;
	s16 =	sshrl.u32 s6, $0x2;
	p0 =	sgt.s32 s0, $0x0  }
0x501: {  	s1 =	sadd.s32 s1, s5;
	[sflag:s30] =	ssyncpa.u1 $0x0;
	s0 =	simm.s32 @!p0 $0x0  }
.Ltmp12:
0x502: {  	[sflag:s3] =	ssyncpa.u1 $0x0;
	s31 =	sshrl.u32 s0, $0x4;
	(pc) =	sbr.rel .LBB3_1-.Ltmp12, $4  }
0x503: {  	s3 =	sadd.s32 $0x13F3C00, s1;
	s0 =	sshrl.u32 s0, $0x5;
	s2 =	sand.u32 $0x1, s31  }
0x504: {  	s22 =	smov.u32 s17;
	[dreg:$0x5] =	wrdreg s3;
	s13 =	sadd.s32 s0, s2  }
0x505: {  	s5 =	sadd.s32 $0x2F74400, s5;
	s8 =	sadd.s32 $0x1, s13;
	[dreg:$0x6] =	wrdreg s13  }
0x506: {  	v0 =	vlaneseq.u32;
	s20 =	sadd.s32 $0x1E00, s1;
	p0 =	por $0x1, $0x1;
	[dreg:$0x7] =	wrdreg s8  }
.LBB3_28:
0x507: {  	s3 =	rddreg [dreg:$0x5]  }
0x508: {  	s1 =	sshrl.u32 s1, $0x2;
	s8 =	rddreg [dreg:$0x7];
	s15 =	simm.s32 $0xC  }
.LBB3_30:
0x509: {  	_ =	swait.ge [sflag:s15], s1  }
0x50a: {  	s31 =	ssub.s32 $0x0, s1;
	v1 =	vmov s26;
	vm0 =	veq.s32 v0, $0x0;
	[sflag:s15] =	ssyncset.done $0x0  }
0x50b: {  	vm15 =	veq.s32 v0, $0x2;
	v1 =	vsel vm0, s0, v1;
	[sflag:s15] =	ssyncadd.s32 s31  }
0x50c: {  	v1 =	vsel vm15, s24, v1;
	[sflag:s15] =	ssyncpa.u1 $0x1  }
0x50d: {  	[tilespmem:$0x8C48] =	vst v1  }
.LBB3_31:
0x50e: {  	s0 =	sadd.s32 $0x20, s22  }
0x50f: {  	s1 =	smov.u32 s17;
	p2 =	slt.s32 s0, s10  }
0x510: {  	s1 =	smov.u32 @p2 s0;
	p2 =	sne.s32 s23, s8  }
.Ltmp13:
0x511: {  	_ = 	snop;
	(pc) =	sbr.rel @!p2 .LBB3_32-.Ltmp13, $4  }
0x512: {  	_ = 	snop  }
0x513: {  	s24 =	smov.u32 s21  }
0x514: {  	s31 =	sadd.s32 $0x1, s23;
	s21 =	smov.u32 s22;
	p0 =	por !p0, !p0  }
0x515: {  	p1 =	por !p1, !p1;
	s23 =	smov.u32 s31;
	s22 =	smov.u32 s1  }
.LBB3_1:
0x516: {  	p2 =	sge.u32 s23, s13  }
0x517: {  	s0 =	smov.u32 s22;
	p3 =	sgt.s32 @!p2 s22, $0x249D0  }
0x518: {  	s1 =	sshra.s32 @!p2 s22, $0x1F;
	s2 =	smulhi.u32 @!p2 $0xAAAAAAAB, s23;
	p3 =	por !p3, p2  }
0x519: {  	s1 =	sand.u32 @!p2 s1, s22;
	s0 =	simm.s32 @p3 $0x249D0  }
0x51a: {  	s0 =	ssub.s32 @!p2 s0, s1;
	s1 =	sshrl.u32 @!p2 s2, $0x1  }
0x51b: {  	s0 =	sadd.s32 @!p2 $0xFFFDB630, s0;
	s1 =	smul.u32 @!p2 $0x3, s1  }
0x51c: {  	s6 =	sand.u32 @!p2 $0x7, s22;
	s2 =	sshll.u32 @!p2 s0, $0x2;
	p3 =	sgt.s32 @!p2 s0, $0x1F  }
0x51d: {  	s0 =	ssub.s32 @!p2 $0x80, s2;
	s1 =	ssub.s32 @!p2 s23, s1;
	p3 =	por !p3, p2  }
0x51e: {  	s2 =	sshrl.u32 @!p2 s22, $0x3;
	s0 =	sshrl.u32 @!p2 s0, $0x2;
	s1 =	sshll.u32 @!p2 s1, $0x5  }
0x51f: {  	s2 =	sadd.s32 @!p2 s2, s3;
	s0 =	simm.s32 @!p3 $0x0;
	s1 =	sor.u32 @!p2 $0xCE88, s1  }
0x520: {  	[tilespmem:s1], [sflag:$0xA] =	stream.linear.gather @!p2 [hbm4b:s2+s6], s0, $0x38;
	[tilespmem:$0x16F28] =	vst v63  }
0x521: {  	s1 =	sadd.s32 $0xFFFFFFFF, s23  }
0x522: {  	p2 =	sge.u32 s1, s13  }
0x523: {  	p3 =	sgt.s32 @!p2 s21, $0x249D0  }
0x524: {  	s0 =	smov.u32 s21;
	s2 =	sshra.s32 @!p2 s21, $0x1F;
	p3 =	por !p3, p2  }
0x525: {  	s2 =	sand.u32 @!p2 s2, s21;
	s0 =	simm.s32 @p3 $0x249D0  }
0x526: {  	s0 =	ssub.s32 @!p2 s0, s2  }
0x527: {  	s0 =	sadd.s32 @!p2 $0xFFFDB630, s0  }
0x528: {  	s2 =	sshll.u32 @!p2 s0, $0x2  }
0x529: {  	p3 =	sgt.s32 @!p2 s0, $0x1F;
	s0 =	ssub.s32 @!p2 $0x80, s2  }
0x52a: {  	p3 =	por !p3, p2;
	s0 =	sshrl.u32 @!p2 s0, $0x2  }
0x52b: {  	s2 =	simm.s32 @!p2 $0xA;
	s0 =	simm.s32 @!p3 $0x0  }
0x52c: {  	_ =	swait.ge @!p2 [sflag:s2], s0  }
0x52d: {  	s6 =	sand.u32 @!p2 $0x1, s1;
	s7 =	ssub.s32 @!p2 $0x0, s0;
	[sflag:s2] =	ssyncset.done @!p2 $0x0  }
0x52e: {  	s6 =	sshll.u32 @!p2 s6, $0x5;
	[sflag:s2] =	ssyncadd.s32 @!p2 s7;
	s2 =	sshrl.u32 @!p2 s21, $0x3  }
0x52f: {  	s6 =	sadd.s32 @!p2 $0xCEE8, s6;
	s7 =	sand.u32 @!p2 $0x7, s21;
	s2 =	sadd.s32 @!p2 s2, s20  }
0x530: {  	[tilespmem:s6], [sflag:$0xB] =	stream.linear.gather @!p2 [hbm4b:s2+s7], s0, $0x38;
	[tilespmem:$0x16F28] =	vst v63  }
0x531: {  	s0 =	ssub.s32 @!p2 $0x249F0, s21  }
0x532: {  	p3 =	slt.s32 @!p2 s0, $0x1  }
0x533: {  	p3 =	por p2, p3  }
.Ltmp14:
0x534: {  	_ = 	snop;
	(pc) =	sbr.rel @p3 .LBB3_7-.Ltmp14, $1  }
0x535: {  	_ =	sdelay $0x3  }
0x536: {  	s2 =	smulhi.u32 $0xAAAAAAAB, s1;
	_ =	sdelay $0x1  }
0x537: {  	s2 =	sshrl.u32 s2, $0x1  }
0x538: {  	s6 =	simm.s32 $0x1;
	s2 =	smul.u32 $0x3, s2  }
.Ltmp15:
0x539: {  	s6 =	simm.s32 @!p0 $0x0;
	(pc) =	sbr.rel .LBB3_4-.Ltmp15, $4  }
0x53a: {  	s6 =	smul.u32 $0x14000, s6;
	s29 =	ssub.s32 s1, s2  }
0x53b: {  	p3 =	slt.s32 @!p2 s0, $0x20;
	s1 =	sshll.u32 s29, $0x5  }
0x53c: {  	p2 =	por !p3, p2;
	s30 =	sshrl.u32 s6, $0x2;
	s31 =	sor.u32 $0xCE88, s1  }
0x53d: {  	s0 =	simm.s32 @p2 $0x20;
	s2 =	simm.s32 $0x0;
	s1 =	sadd.s32 $0xCF28, s30;
	v1 =	vmov s31  }
.LBB3_3:
0x53e: {  	p2 =	sge.s32 s2, s0  }
.Ltmp16:
0x53f: {  	_ = 	snop;
	(pc) =	sbr.rel @p2 .LBB3_7-.Ltmp16, $2  }
0x540: {  	_ =	sdelay $0x2  }
0x541: {  	s1 =	sadd.s32 $0x2800, s1  }
.LBB3_4:
0x542: {  	p2 =	sle.s32 s0, s2  }
.Ltmp17:
0x543: {  	_ = 	snop;
	(pc) =	sbr.rel @p2 .LBB3_3-.Ltmp17, $2  }
0x544: {  	_ =	sdelay $0x2  }
0x545: {  	s6 =	smov.u32 s2;
	s2 =	sadd.s32 $0x10, s2  }
0x546: {  	s7 =	ssub.s32 s0, s6  }
0x547: {  	p2 =	slt.s32 s7, $0x10  }
0x548: {  	s7 =	simm.s32 @!p2 $0x10  }
0x549: {  	v2 =	vmov s7  }
0x54a: {  	vm0 =	vgt.s32 v2, v0;
	_ =	sdelay $0x5  }
0x54b: {  	v2 =	vld.idx.msk [tilespmem:v1+s6+$0x0 ss:$0x1], vm0;
	_ =	sdelay $0x2  }
0x54c: {  	p2 =	slt.s32 s2, s0;
	s7 =	smov.u32 s0  }
0x54d: {  	s9 =	smov.u32 s1;
	s11 =	simm.s32 $0x0;
	s7 =	smov.u32 @p2 s2  }
.LBB3_6:
0x54e: {  	(v2sf) =	vpush v2, s11;
	_ =	sdelay $0xe  }
0x54f: {  	s12 =	spop (v2sf)  }
0x550: {  	s11 =	sadd.s32 $0x1, s11;
	s14 =	sshrl.u32 s12, $0x3  }
0x551: {  	s31 =	sadd.s32 s11, s6;
	s12 =	sshll.u32 s12, $0x7;
	s14 =	smul.u32 $0x1400, s14  }
0x552: {  	p2 =	slt.s32 s31, s7;
	s12 =	sand.u32 $0x380, s12  }
.Ltmp18:
0x553: {  	s12 =	sor.u32 s12, s14;
	(pc) =	sbr.rel @p2 .LBB3_6-.Ltmp18, $4  }
0x554: {  	s12 =	sshrl.u32 s12, $0x3  }
0x555: {  	s12 =	sadd.s32 s5, s12  }
0x556: {  	[tilespmem:s9], [sflag:$0x9] =	stream.strided.gather [hbm4b:s12+s18], $0x280, s19, s18, $0x38;
	[tilespmem:$0x16F28] =	vst v63  }
0x557: {  	s9 =	sadd.s32 $0x280, s9  }
.Ltmp19:
0x558: {  	_ = 	snop;
	(pc) =	sbr.rel .LBB3_3-.Ltmp19, $1  }
0x559: {  	_ =	sdelay $0x3  }
.LBB3_7:
0x55a: {  	p2 =	slt.u32 s23, $0x2  }
.Ltmp20:
0x55b: {  	_ = 	snop;
	(pc) =	sbr.rel @p2 .LBB3_31-.Ltmp20, $1  }
0x55c: {  	_ =	sdelay $0x3  }
0x55d: {  	s0 =	ssub.s32 $0x249F0, s24;
	p2 =	sgt.s32 s24, $0x249D0  }
0x55e: {  	s1 =	smov.u32 s24;
	s2 =	sshra.s32 s24, $0x1F;
	p3 =	slt.s32 s0, $0x20  }
0x55f: {  	s1 =	simm.s32 @!p2 $0x249D0;
	s2 =	sand.u32 s2, s24;
	s0 =	simm.s32 @!p3 $0x20  }
0x560: {  	s1 =	ssub.s32 s1, s2;
	s0 =	smul.u32 $0xA00, s0  }
0x561: {  	s1 =	sadd.s32 $0xFFFDB630, s1  }
0x562: {  	s26 =	simm.s32 $0x9;
	s14 =	sshll.u32 s1, $0x2;
	s0 =	sshrl.u32 s0, $0x2  }
0x563: {  	p2 =	sgt.s32 s1, $0x1F;
	s25 =	ssub.s32 $0x80, s14;
	_ =	swait.ge [sflag:s26], s0  }
0x564: {  	s0 =	ssub.s32 $0x0, s0;
	s1 =	sshrl.u32 s25, $0x2;
	[sflag:s26] =	ssyncset.done $0x0  }
0x565: {  	s28 =	simm.s32 $0xB;
	s1 =	simm.s32 @p2 $0x0;
	[sflag:s26] =	ssyncadd.s32 s0  }
0x566: {  	_ =	swait.ge [sflag:s28], s1  }
0x567: {  	s29 =	ssub.s32 $0x0, s1;
	[sflag:s28] =	ssyncset.done $0x0  }
0x568: {  	[sflag:s28] =	ssyncadd.s32 s29  }
0x569: {  	v1 =	vld [tilespmem:$0x8C48];
	_ =	sdelay $0x4  }
0x56a: {  	(v2sf) =	vpush v1, $0x0  }
0x56b: {  	(v2sf) =	vpush v1, $0x1  }
0x56c: {  	(v2sf) =	vpush v1, $0x2;
	_ =	sdelay $0x3  }
0x56d: {  	s0 =	sadd.s32 $0x20, s24  }
0x56e: {  	s6 =	ssub.s32 $0x493E0, s24;
	p2 =	slt.s32 s10, s0  }
0x56f: {  	s0 =	smov.u32 @p2 s10;
	p2 =	sgt.s32 s6, $0x0  }
0x570: {  	s25 =	ssub.s32 s0, s24;
	s6 =	simm.s32 @!p2 $0x0  }
0x571: {  	p2 =	slt.s32 s6, s25  }
0x572: {  	s25 =	smov.u32 @p2 s6  }
0x573: {  	p2 =	slt.s32 s25, $0x1  }
.Ltmp21:
0x574: {  	_ = 	snop;
	(pc) =	sbr.rel @p2 .LBB3_12-.Ltmp21, $4  }
0x575: {  	s1 =	simm.s32 $0x1  }
0x576: {  	s1 =	simm.s32 @!p1 $0x0;
	s2 =	spop (v2sf)  }
0x577: {  	s30 =	sshll.u32 s1, $0x5;
	s6 =	spop (v2sf)  }
0x578: {  	s31 =	sadd.s32 $0xCEE8, s30;
	s24 =	spop (v2sf)  }
0x579: {  	s0 =	smin.u32 s25, $0x10  }
0x57a: {  	v1 =	vmov s0  }
0x57b: {  	vm1 =	vgt.u32 v1, v0;
	_ =	sdelay $0x1  }
0x57c: {  	p3 =	sgt.s32 s25, $0x10  }
.Ltmp22:
0x57d: {  	_ = 	snop;
	(pc) =	sbr.rel @!p3 .LBB3_11-.Ltmp22, $3  }
0x57e: {  	_ =	sdelay $0x1  }
0x57f: {  	v1 =	vld.msk [tilespmem:s31+$0x0 ss:$0x1], vm1  }
0x580: {  	s7 =	simm.s32 $0x10;
	s9 =	sadd.s32 $0xFFFFFFF0, s25;
	s0 =	smov.u32 s31;
	vm0 =	vmmov vm1  }
.LBB3_10:
0x581: {  	s11 =	smin.u32 s9, $0x10;
	s7 =	sadd.s32 $0x10, s7  }
0x582: {  	v2 =	vmov s11;
	p3 =	slt.s32 s7, s25  }
0x583: {  	vm1 =	vgt.u32 v2, v0  }
0x584: {  	v2 =	vshrl.u32 v1, $0x3  }
0x585: {  	v1 =	vshll.u32 v1, $0x4;
	v2 =	vmul.u32 $0x280, v2  }
0x586: {  	v1 =	vand.u32 $0x70, v1  }
.Ltmp23:
0x587: {  	v1 =	vor.u32 v1, v2;
	(pc) =	sbr.rel @p3 .LBB3_10-.Ltmp23, $3  }
0x588: {  	[tilespmem:s0+$0x0] =	vst.msk vm0, v1;
	s0 =	sadd.s32 $0x10, s0;
	vm0 =	vmmov vm1  }
0x589: {  	v1 =	vld.msk [tilespmem:s0+$0x0 ss:$0x1], vm1;
	_ =	sdelay $0x1  }
0x58a: {  	s9 =	sadd.s32 $0xFFFFFFF0, s9  }
.LBB3_11:
0x58b: {  	_ =	sdelay $0x2  }
0x58c: {  	v2 =	vshrl.u32 v1, $0x3  }
0x58d: {  	v1 =	vshll.u32 v1, $0x4;
	v2 =	vmul.u32 $0x280, v2  }
0x58e: {  	v1 =	vand.u32 $0x70, v1  }
0x58f: {  	v1 =	vor.u32 v1, v2  }
0x590: {  	[tilespmem:s0+$0x0] =	vst.msk vm0, v1  }
.LBB3_12:
0x591: {  	s0 =	sand.u32 $0x1, s23  }
0x592: {  	p3 =	sne.s32 s6, $0xFFFFFFFF;
	s7 =	sshll.u32 s0, $0x5  }
0x593: {  	v1 =	vld.msk @!p3 [tilespmem:s7+$0xCEE8], $0x1;
	_ =	sdelay $0x4  }
0x594: {  	(v2sf) =	vpush @!p3 v1, $0x0;
	_ =	sdelay $0xc  }
.Ltmp24:
0x595: {  	_ = 	snop;
	(pc) =	sbr.rel @p2 .LBB3_29-.Ltmp24, $4  }
0x596: {  	_ = 	snop  }
0x597: {  	s30 =	spop @!p3 (v2sf)  }
0x598: {  	s24 =	simm.s32 @!p3 $0x0;
	s26 =	smov.u32 s30  }
0x599: {  	[sflag:s15] =	ssyncpa.u1 $0x0;
	s30 =	smov.u32 @p3 s2;
	s26 =	smov.u32 @p3 s6  }
0x59a: {  	v1 =	vld.msk [tilespmem:s31+$0x0], $0x1;
	_ =	sdelay $0x4  }
0x59b: {  	(v2sf) =	vpush v1, $0x0;
	_ =	sdelay $0xd  }
0x59c: {  	s1 =	smul.u32 $0x14000, s1  }
0x59d: {  	s2 =	spop (v2sf)  }
0x59e: {  	s28 =	simm.s32 $0x0;
	s1 =	sshrl.u32 s1, $0x2;
	p2 =	seq.s32 s30, s2  }
0x59f: {  	s29 =	sadd.s32 $0xCF28, s1;
	p3 =	sgt.s32 @!p2 s30, $0x0;
	s6 =	smul.u32 @!p2 $0x840, s28  }
0x5a0: {  	s1 =	sadd.s32 $0xCEE8, s7;
	s7 =	smov.u32 s30;
	p3 =	por !p3, p2  }
0x5a1: {  	s7 =	simm.s32 @p3 $0x0;
	s11 =	sshra.s32 @!p2 s6, $0x2  }
0x5a2: {  	s3 =	smov.u32 s17;
	s12 =	smin.u32 @!p2 s7, $0x3D06FF;
	s6 =	sadd.s32 @!p2 $0x4838, s11  }
0x5a3: {  	s7 =	sand.u32 @!p2 $0x3FFFF8, s12;
	s15 =	sadd.s32 @!p2 $0x80, s12;
	s17 =	sadd.s32 @!p2 $0x100, s12  }
0x5a4: {  	s8 =	sadd.s32 @!p2 s4, s7;
	s7 =	sand.u32 @!p2 $0x7, s12;
	s15 =	sand.u32 @!p2 $0x7FFFF8, s15  }
0x5a5: {  	[tilespmem:s6], [sflag:$0x2] =	stream.linear.gather @!p2 [hbm4b:s8+s7], $0x80, $0x38;
	[tilespmem:$0x16F28] =	vst v63  }
0x5a6: {  	s14 =	sadd.s32 @!p2 $0x48B8, s11;
	s6 =	sadd.s32 @!p2 s4, s15;
	s8 =	sand.u32 @!p2 $0x7FFFF8, s17  }
0x5a7: {  	[tilespmem:s14], [sflag:$0x2] =	stream.linear.gather @!p2 [hbm4b:s6+s7], $0x80, $0x38;
	[tilespmem:$0x16F28] =	vst v63  }
0x5a8: {  	s9 =	ssub.s32 $0x0, s25;
	s6 =	sadd.s32 @!p2 s4, s8;
	s8 =	sadd.s32 @!p2 $0x4938, s11  }
0x5a9: {  	[tilespmem:s8], [sflag:$0x2] =	stream.linear.gather @!p2 [hbm4b:s6+s7], $0x80, $0x38;
	[tilespmem:$0x16F28] =	vst v63  }
0x5aa: {  	s6 =	sadd.s32 $0x1, s9  }
0x5ab: {  	s15 =	sadd.s32 @!p2 $0x180, s12;
	p3 =	seq.s32 s6, $0x0  }
.Ltmp25:
0x5ac: {  	s14 =	sand.u32 @!p2 $0x7FFFF8, s15;
	(pc) =	sbr.rel @p3 .LBB3_15-.Ltmp25, $4  }
0x5ad: {  	s13 =	smov.u32 s10;
	s8 =	sadd.s32 @!p2 s4, s14;
	s9 =	sadd.s32 @!p2 $0x49B8, s11  }
0x5ae: {  	[tilespmem:s9], [sflag:$0x2] =	stream.linear.gather @!p2 [hbm4b:s8+s7], $0x80, $0x38;
	[tilespmem:$0x16F28] =	vst v63  }
0x5af: {  	s10 =	smov.u32 s20;
	s9 =	simm.s32 @!p2 $0x1;
	s8 =	sadd.s32 @!p2 $0x200, s12  }
0x5b0: {  	s11 =	sadd.s32 @!p2 $0x4A38, s11;
	s9 =	smov.u32 @p2 s28;
	s12 =	sand.u32 @!p2 $0x7FFFF8, s8  }
.LBB3_14:
0x5b1: {  	s8 =	smov.u32 s9  }
0x5b2: {  	s6 =	sadd.s32 $0x1, s6;
	s9 =	sadd.s32 @!p2 s4, s12;
	s31 =	sadd.s32 $0x1, s31  }
0x5b3: {  	[tilespmem:s11], [sflag:$0x2] =	stream.linear.gather @!p2 [hbm4b:s9+s7], $0x4, $0x38;
	[tilespmem:$0x16F28] =	vst v63  }
0x5b4: {  	p3 =	seq.s32 s6, $0x0;
	s7 =	smov.u32 s2;
	v1 =	vld.msk [tilespmem:s31+$0x0], $0x1;
	_ =	sdelay $0x4  }
0x5b5: {  	(v2sf) =	vpush v1, $0x0;
	_ =	sdelay $0xe  }
0x5b6: {  	s2 =	spop (v2sf)  }
0x5b7: {  	p2 =	seq.s32 s7, s2  }
0x5b8: {  	p4 =	sgt.s32 @!p2 s7, $0x0;
	s11 =	smul.u32 @!p2 $0x840, s8;
	s9 =	sadd.s32 @!p2 $0x1, s8  }
0x5b9: {  	p4 =	por !p4, p2;
	s9 =	smov.u32 @p2 s8  }
0x5ba: {  	s7 =	simm.s32 @p4 $0x0;
	s8 =	sshra.s32 @!p2 s11, $0x2  }
0x5bb: {  	s11 =	smin.u32 @!p2 s7, $0x3D06FF;
	s12 =	sadd.s32 @!p2 $0x4838, s8;
	s14 =	sadd.s32 @!p2 $0x48B8, s8  }
0x5bc: {  	s7 =	sand.u32 @!p2 $0x3FFFF8, s11;
	s15 =	sadd.s32 @!p2 $0x80, s11;
	s17 =	sadd.s32 @!p2 $0x100, s11  }
0x5bd: {  	s20 =	sadd.s32 @!p2 s4, s7;
	s7 =	sand.u32 @!p2 $0x7, s11;
	s15 =	sand.u32 @!p2 $0x7FFFF8, s15  }
0x5be: {  	[tilespmem:s12], [sflag:$0x2] =	stream.linear.gather @!p2 [hbm4b:s20+s7], $0x80, $0x38;
	[tilespmem:$0x16F28] =	vst v63  }
0x5bf: {  	s12 =	sadd.s32 @!p2 s4, s15;
	s15 =	sand.u32 @!p2 $0x7FFFF8, s17;
	s17 =	sadd.s32 @!p2 $0x180, s11  }
0x5c0: {  	[tilespmem:s14], [sflag:$0x2] =	stream.linear.gather @!p2 [hbm4b:s12+s7], $0x80, $0x38;
	[tilespmem:$0x16F28] =	vst v63  }
0x5c1: {  	s12 =	sadd.s32 @!p2 s4, s15  }
.Ltmp26:
0x5c2: {  	s14 =	sadd.s32 @!p2 $0x4938, s8;
	s15 =	sand.u32 @!p2 $0x7FFFF8, s17;
	(pc) =	sbr.rel @!p3 .LBB3_14-.Ltmp26, $4  }
0x5c3: {  	[tilespmem:s14], [sflag:$0x2] =	stream.linear.gather @!p2 [hbm4b:s12+s7], $0x80, $0x38;
	[tilespmem:$0x16F28] =	vst v63  }
0x5c4: {  	s11 =	sadd.s32 @!p2 $0x200, s11;
	s12 =	sadd.s32 @!p2 s4, s15;
	s14 =	sadd.s32 @!p2 $0x49B8, s8  }
0x5c5: {  	[tilespmem:s14], [sflag:$0x2] =	stream.linear.gather @!p2 [hbm4b:s12+s7], $0x80, $0x38;
	[tilespmem:$0x16F28] =	vst v63  }
0x5c6: {  	s12 =	sand.u32 @!p2 $0x7FFFF8, s11;
	s11 =	sadd.s32 @!p2 $0x4A38, s8  }
.LBB3_15:
0x5c7: {  	s6 =	smul.u32 $0x810, s9  }
0x5c8: {  	s2 =	sadd.s32 @!p2 s4, s12;
	s20 =	simm.s32 $0x2;
	s0 =	smul.u32 $0x14000, s0  }
0x5c9: {  	[tilespmem:s11], [sflag:$0x2] =	stream.linear.gather @!p2 [hbm4b:s2+s7], $0x4, $0x38;
	[tilespmem:$0x16F28] =	vst v63  }
.Ltmp27:
0x5ca: {  	v1 =	vmov s1;
	s1 =	simm.s32 $0x0;
	s17 =	sshrl.u32 s6, $0x2;
	(pc) =	sbr.rel .LBB3_16-.Ltmp27, $4  }
0x5cb: {  	s0 =	sshrl.u32 s0, $0x2;
	_ =	swait.ge [sflag:s20], s17;
	s2 =	ssub.s32 $0x0, s17  }
0x5cc: {  	s31 =	sadd.s32 $0xCF28, s0;
	s17 =	smov.u32 s3;
	[sflag:s20] =	ssyncset.done $0x0  }
0x5cd: {  	s3 =	simm.s32 $0x1;
	[sflag:s20] =	ssyncadd.s32 s2;
	s2 =	simm.s32 $0x0  }
0x5ce: {  	s20 =	smov.u32 s10;
	s10 =	smov.u32 s13;
	s13 =	rddreg [dreg:$0x6]  }
.LBB3_26:
0x5cf: {  	[tilespmem:s9+$0x0] =	vst v2  }
0x5d0: {  	v2 =	vld.msk [tilespmem:s7+$0x200], $0xf;
	_ =	sdelay $0x4  }
0x5d1: {  	s28 =	sadd.s32 $0x1, s28;
	[tilespmem:s6+$0x628] =	vst.msk $0xf, v2  }
.LBB3_27:
0x5d2: {  	s2 =	sadd.s32 $0x1, s2  }
0x5d3: {  	p2 =	sne.s32 s2, s25  }
.Ltmp28:
0x5d4: {  	_ = 	snop;
	(pc) =	sbr.rel @!p2 .LBB3_28-.Ltmp28, $2  }
0x5d5: {  	_ =	sdelay $0x2  }
0x5d6: {  	s29 =	sadd.s32 $0x280, s29;
	s30 =	smov.u32 s0  }
.LBB3_16:
0x5d7: {  	_ =	sdelay $0x3  }
0x5d8: {  	v2 =	vld.idx.msk [tilespmem:v1+s2+$0x0 ss:$0x1], $0x1;
	_ =	sdelay $0x4  }
0x5d9: {  	(v2sf) =	vpush v2, $0x0;
	_ =	sdelay $0xe  }
0x5da: {  	s0 =	spop (v2sf)  }
0x5db: {  	p2 =	sne.s32 s30, s0  }
.Ltmp29:
0x5dc: {  	_ = 	snop;
	(pc) =	sbr.rel @p2 .LBB3_20-.Ltmp29, $3  }
0x5dd: {  	s6 =	smul.u32 $0xA00, s2  }
0x5de: {  	s8 =	smul.u32 $0x840, s24;
	_ =	sdelay $0x1  }
0x5df: {  	s7 =	sshra.s32 s6, $0x2;
	s6 =	sshra.s32 s8, $0x2  }
0x5e0: {  	s7 =	sadd.s32 s7, s31  }
0x5e1: {  	s9 =	sadd.s32 $0x428, s6;
	s11 =	simm.s32 $0x0;
	v2 =	vld [tilespmem:s29+$0x0];
	s12 =	smov.u32 s29  }
.LBB3_18:
0x5e2: {  	s11 =	sadd.s32 $0x10, s11  }
0x5e3: {  	p2 =	slt.u32 s11, $0x1F0  }
.Ltmp30:
0x5e4: {  	_ = 	snop;
	(pc) =	sbr.rel @p2 .LBB3_18-.Ltmp30, $3  }
0x5e5: {  	_ =	sdelay $0x1  }
0x5e6: {  	s12 =	sadd.s32 $0x10, s12;
	[tilespmem:s9+$0x0] =	vst.add.f32.msk $0xffff, v2;
	s9 =	sadd.s32 $0x10, s9  }
0x5e7: {  	v2 =	vld [tilespmem:s12+$0x0]  }
0x5e8: {  	_ =	sdelay $0x3  }
0x5e9: {  	[tilespmem:s9+$0x0] =	vst.add.f32.msk $0xffff, v2  }
0x5ea: {  	v2 =	vld.msk [tilespmem:s7+$0x200], $0xf  }
.Ltmp31:
0x5eb: {  	_ = 	snop;
	(pc) =	sbr.rel .LBB3_27-.Ltmp31, $2  }
0x5ec: {  	_ =	sdelay $0x2  }
0x5ed: {  	[tilespmem:s6+$0x628] =	vst.add.f32.msk $0xf, v2  }
.LBB3_20:
0x5ee: {  	p2 =	seq.s32 s30, s26  }
.Ltmp32:
0x5ef: {  	_ = 	snop;
	(pc) =	sbr.rel @!p2 .LBB3_21-.Ltmp32, $1  }
0x5f0: {  	_ =	sdelay $0x3  }
.Ltmp33:
0x5f1: {  	s6 =	sadd.s32 $0x428, s6;
	(pc) =	sbr.rel .LBB3_24-.Ltmp33, $4  }
0x5f2: {  	[spmem:s16] =	stream.linear.scatter [tilespmem:s6], [sflag:$0x1], $0x204, $0x38;
	[tilespmem:$0x16F28] =	vst v63  }
0x5f3: {  	_ =	swait.ge [sflag:s3], $0x204  }
0x5f4: {  	[sflag:s3] =	ssyncset.done $0x0  }
0x5f5: {  	[sflag:s3] =	ssyncadd.s32 $0xFFFFFDFC  }
.LBB3_21:
0x5f6: {  	s8 =	smul.u32 $0x840, s28;
	_ =	sdelay $0x1  }
0x5f7: {  	s11 =	sshra.s32 s8, $0x2  }
0x5f8: {  	s15 =	sadd.s32 $0x428, s6;
	s12 =	sadd.s32 $0x4838, s11  }
0x5f9: {  	s14 =	simm.s32 $0x0;
	s9 =	smov.u32 s15;
	v2 =	vld [tilespmem:s12+$0x0]  }
.LBB3_22:
0x5fa: {  	s14 =	sadd.s32 $0x10, s14  }
0x5fb: {  	p2 =	slt.u32 s14, $0x1F0  }
.Ltmp34:
0x5fc: {  	_ = 	snop;
	(pc) =	sbr.rel @p2 .LBB3_22-.Ltmp34, $3  }
0x5fd: {  	_ =	sdelay $0x1  }
0x5fe: {  	s12 =	sadd.s32 $0x10, s12;
	[tilespmem:s9+$0x0] =	vst.add.f32.msk $0xffff, v2;
	s9 =	sadd.s32 $0x10, s9  }
0x5ff: {  	v2 =	vld [tilespmem:s12+$0x0]  }
0x600: {  	_ =	sdelay $0x3  }
0x601: {  	[tilespmem:s9+$0x0] =	vst.add.f32.msk $0xffff, v2  }
0x602: {  	v2 =	vld.msk [tilespmem:s11+$0x4A38], $0xf;
	_ =	sdelay $0x2  }
0x603: {  	p2 =	sgt.u32 s30, $0x3D06FF  }
0x604: {  	s8 =	sand.u32 @!p2 $0x3FFFF8, s30  }
0x605: {  	s8 =	sadd.s32 @!p2 s4, s8;
	s9 =	sand.u32 @!p2 $0x7, s30;
	[tilespmem:s6+$0x628] =	vst.add.f32.msk $0xf, v2  }
0x606: {  	[hbm4b:s8+s9] =	stream.linear.scatter @!p2 [tilespmem:s15], [sflag:$0xC], $0x80, $0x38;
	[tilespmem:$0x16F28] =	vst v63  }
0x607: {  	s8 =	sadd.s32 @!p2 $0x80, s30  }
0x608: {  	s8 =	sand.u32 @!p2 $0x7FFFF8, s8  }
0x609: {  	s11 =	sadd.s32 @!p2 $0x4A8, s6;
	s8 =	sadd.s32 @!p2 s4, s8  }
0x60a: {  	[hbm4b:s8+s9] =	stream.linear.scatter @!p2 [tilespmem:s11], [sflag:$0xC], $0x80, $0x38;
	[tilespmem:$0x16F28] =	vst v63  }
0x60b: {  	s8 =	sadd.s32 @!p2 $0x100, s30  }
0x60c: {  	s8 =	sand.u32 @!p2 $0x7FFFF8, s8  }
0x60d: {  	s11 =	sadd.s32 @!p2 $0x528, s6;
	s8 =	sadd.s32 @!p2 s4, s8  }
0x60e: {  	[hbm4b:s8+s9] =	stream.linear.scatter @!p2 [tilespmem:s11], [sflag:$0xC], $0x80, $0x38;
	[tilespmem:$0x16F28] =	vst v63  }
0x60f: {  	s8 =	sadd.s32 @!p2 $0x180, s30  }
0x610: {  	s8 =	sand.u32 @!p2 $0x7FFFF8, s8  }
0x611: {  	s11 =	sadd.s32 @!p2 $0x5A8, s6;
	s8 =	sadd.s32 @!p2 s4, s8  }
0x612: {  	[hbm4b:s8+s9] =	stream.linear.scatter @!p2 [tilespmem:s11], [sflag:$0xC], $0x80, $0x38;
	[tilespmem:$0x16F28] =	vst v63  }
0x613: {  	s8 =	sadd.s32 @!p2 $0x200, s30;
	s11 =	simm.s32 $0x0  }
0x614: {  	s8 =	sand.u32 @!p2 $0x7FFFF8, s8;
	s11 =	simm.s32 @!p2 $0x810  }
0x615: {  	s6 =	sadd.s32 $0x628, s6;
	s8 =	sadd.s32 @!p2 s4, s8;
	s1 =	sadd.s32 s11, s1  }
0x616: {  	[hbm4b:s8+s9] =	stream.linear.scatter @!p2 [tilespmem:s6], [sflag:$0xC], $0x4, $0x38;
	[tilespmem:$0x16F28] =	vst v63  }
.LBB3_24:
0x617: {  	s6 =	sadd.s32 $0x1, s24  }
0x618: {  	s24 =	sand.u32 $0x1F, s6  }
0x619: {  	s6 =	smul.u32 $0x840, s24;
	_ =	sdelay $0x1  }
0x61a: {  	s7 =	sadd.s32 s7, s31;
	s6 =	sshrl.u32 s6, $0x2  }
0x61b: {  	s11 =	simm.s32 $0x0;
	v2 =	vld [tilespmem:s29+$0x0];
	s12 =	smov.u32 s29;
	s9 =	sadd.s32 $0x428, s6  }
.LBB3_25:
0x61c: {  	s11 =	sadd.s32 $0x10, s11  }
0x61d: {  	p2 =	slt.u32 s11, $0x1F0  }
.Ltmp35:
0x61e: {  	_ = 	snop;
	(pc) =	sbr.rel @p2 .LBB3_25-.Ltmp35, $3  }
0x61f: {  	_ =	sdelay $0x1  }
0x620: {  	[tilespmem:s9+$0x0] =	vst v2;
	s9 =	sadd.s32 $0x10, s9;
	s12 =	sadd.s32 $0x10, s12  }
0x621: {  	v2 =	vld [tilespmem:s12+$0x0]  }
.Ltmp36:
0x622: {  	_ = 	snop;
	(pc) =	sbr.rel .LBB3_26-.Ltmp36, $1  }
0x623: {  	_ =	sdelay $0x3  }
.LBB3_29:
.Ltmp37:
0x624: {  	(pc) =	sbr.rel .LBB3_30-.Ltmp37, $4  }
0x625: {  	_ = 	snop  }
0x626: {  	s0 =	simm.s32 $0x2  }
0x627: {  	_ =	swait.ge [sflag:s0], $0x0  }
0x628: {  	s1 =	simm.s32 $0x0;
	[sflag:s0] =	ssyncset.done $0x0;
	s0 =	smov.u32 s30  }
.LBB3_32:
0x629: {  	_ =	sfence.sel $0x180000  }
0x62a: {  	s0 =	simm.s32 $0x9;
	[bflag:$0x0] =	sbarrier.arrive $0xFFFF  }
0x62b: {  	s24 =	simm.s32 $0xA;
	[sflag:s0] =	ssyncpa.u1 $0x1  }
0x62c: {  	s25 =	simm.s32 $0xB;
	[sflag:s24] =	ssyncpa.u1 $0x1  }
0x62d: {  	s26 =	simm.s32 $0x2;
	[sflag:s25] =	ssyncpa.u1 $0x1  }
0x62e: {  	[sflag:s26] =	ssyncpa.u1 $0x1  }
0x62f: {  	v0 =	vld [tilespmem:$0x8C48];
	_ =	sdelay $0x4  }
0x630: {  	(v2sf) =	vpush v0, $0x0  }
0x631: {  	(v2sf) =	vpush v0, $0x1  }
0x632: {  	(v2sf) =	vpush v0, $0x2;
	_ =	sdelay $0xc  }
0x633: {  	s0 =	spop (v2sf)  }
0x634: {  	s1 =	spop (v2sf)  }
0x635: {  	s2 =	smov.u32 s0;
	p0 =	sne.s32 s0, s1;
	s3 =	spop (v2sf)  }
0x636: {  	s2 =	simm.s32 @!p0 $0xFFFFFFFF;
	p0 =	seq.s32 s3, $0xFFFFFFFF  }
0x637: {  	v2 =	vimm.s32 $0x1;
	v3 =	vlaneseq.u32;
	v1 =	vmov s2;
	p1 =	sne.s32 @!p0 s0, s1  }
0x638: {  	s17 =	stileid.u32;
	v0 =	vperm.xlane v0, v2;
	s0 =	simm.s32 @!p0 $0x1;
	v1 =	vperm.xlane v1, v3;
	p1 =	por !p1, p0  }
0x639: {  	vm0 =	vcmask $0x3F04;
	s2 =	sshll.u32 s17, $0x1;
	s1 =	smul.u32 @!p0 $0x840, s3;
	s0 =	simm.s32 @p1 $0x0  }
0x63a: {  	s6 =	simm.s32 $0x8C48;
	v0 =	vsel vm0, v1, v0;
	s0 =	sor.u32 @!p0 s0, s2  }
0x63b: {  	s5 =	sor.u32 $0x4200, s2;
	s1 =	sshra.s32 @!p0 s1, $0x2;
	[tilespmem:$0x8C48] =	vst v0;
	s0 =	smul.u32 @!p0 $0x840, s0  }
0x63c: {  	[spmem:s5] =	stream.linear.scatter [tilespmem:s6], [sflag:$0x1], $0x2, $0x38;
	[tilespmem:$0x16F28] =	vst v63  }
0x63d: {  	s1 =	sadd.s32 @!p0 $0x428, s1;
	s0 =	sshrl.u32 @!p0 s0, $0x2  }
0x63e: {  	[spmem:s0] =	stream.linear.scatter @!p0 [tilespmem:s1], [sflag:$0x1], $0x210, $0x38;
	[tilespmem:$0x16F28] =	vst v63  }
0x63f: {  	s0 =	simm.s32 @!p0 $0x212  }
0x640: {  	s28 =	simm.s32 $0x1;
	s0 =	simm.s32 @p0 $0x2  }
0x641: {  	_ =	swait.ge [sflag:s28], s0  }
0x642: {  	s0 =	ssub.s32 $0x0, s0;
	[sflag:s28] =	ssyncset.done $0x0  }
0x643: {  	p0 =	sne.s32 s17, $0x0;
	[sflag:s28] =	ssyncadd.s32 s0  }
.Ltmp38:
0x644: {  	_ =	sfence.stream.spmem;
	(pc) =	sbr.rel @p0 .LBB3_57-.Ltmp38, $4  }
0x645: {  	s29 =	simm.s32 $0x3;
	[bflag:$0x0] =	sbarrier.arrive $0xFFFF  }
0x646: {  	s30 =	simm.s32 $0x4;
	[sflag:s29] =	ssyncpa.u1 $0x1  }
0x647: {  	s31 =	simm.s32 $0x3C;
	[sflag:s30] =	ssyncpa.u1 $0x1  }
0x648: {  	s18 =	rddreg [dreg:$0x4];
	[sflag:s31] =	ssyncpa.u1 $0x1  }
0x649: {  	_ =	sfence.stream.spmem;
	s0 =	simm.s32 $0x5  }
0x64a: {  	s1 =	simm.s32 $0x4200;
	s2 =	simm.s32 $0x8C58;
	[sflag:s0] =	ssyncpa.u1 $0x0  }
0x64b: {  	[tilespmem:s2], [sflag:$0x5] =	stream.linear.gather [spmem:s1], $0x20, $0x38;
	[tilespmem:$0x16F28] =	vst v63  }
0x64c: {  	s26 =	simm.s32 $0x0;
	s28 =	simm.s32 $0x8C78  }
0x64d: {  	[tilespmem:s28], [sflag:$0x5] =	stream.linear.gather [spmem:s26], $0x4200, $0x38;
	[tilespmem:$0x16F28] =	vst v63  }
0x64e: {  	_ =	swait.ge [sflag:s0], $0x4220  }
0x64f: {  	[sflag:s0] =	ssyncset.done $0x0  }
0x650: {  	s29 =	simm.s32 $0x0;
	[sflag:s0] =	ssyncadd.s32 $0xFFFFBDE0  }
0x651: {  	v0 =	vld.msk [tilespmem:s29+$0x8C58], $0x1;
	_ =	sdelay $0x1  }
0x652: {  	s30 =	simm.s32 $0x1  }
0x653: {  	v1 =	vld.msk [tilespmem:s30+$0x8C58], $0x1;
	_ =	sdelay $0x1  }
0x654: {  	(v2sf) =	vpush v0, $0x0;
	_ =	sdelay $0x2  }
0x655: {  	(v2sf) =	vpush v1, $0x0;
	_ =	sdelay $0x2  }
0x656: {  	s31 =	simm.s32 $0x2  }
0x657: {  	v0 =	vld.msk [tilespmem:s31+$0x8C58], $0x1;
	_ =	sdelay $0x2  }
0x658: {  	s1 =	simm.s32 $0xFFFFFFFF;
	s2 =	simm.s32 $0xFFFFFFFF;
	s0 =	simm.s32 $0xC  }
.LBB3_34:
0x659: {  	s3 =	smov.u32 s2;
	s5 =	smov.u32 s1  }
0x65a: {  	s1 =	sshra.s32 s0, $0x2;
	p1 =	sne.s32 s0, $0x7C;
	s0 =	sadd.s32 $0x4, s0;
	(v2sf) =	vpush v0, $0x0  }
0x65b: {  	v0 =	vld.msk [tilespmem:s1+$0x8C58], $0x1  }
.Ltmp39:
0x65c: {  	(pc) =	sbr.rel @p1 .LBB3_34-.Ltmp39, $4  }
0x65d: {  	s2 =	spop (v2sf)  }
0x65e: {  	p2 =	sne.s32 s5, $0xFFFFFFFF;
	s1 =	smov.u32 s2  }
0x65f: {  	p3 =	seq.s32 s2, $0xFFFFFFFF;
	s1 =	smov.u32 @p2 s5  }
0x660: {  	s2 =	smov.u32 @p3 s3;
	s1 =	smov.u32 @p3 s5  }
0x661: {  	(v2sf) =	vpush v0, $0x0;
	_ =	sdelay $0x7  }
0x662: {  	s0 =	spop (v2sf)  }
0x663: {  	p1 =	sne.s32 s1, $0xFFFFFFFF;
	s9 =	simm.s32 $0x6;
	s10 =	simm.s32 $0x8C78  }
0x664: {  	s11 =	simm.s32 $0x8AB8;
	s12 =	simm.s32 $0x8B38;
	s3 =	smov.u32 s0  }
0x665: {  	s13 =	simm.s32 $0x8BB8;
	p2 =	seq.s32 s0, $0xFFFFFFFF;
	s3 =	smov.u32 @p1 s1  }
0x666: {  	s14 =	simm.s32 $0x8C38;
	s3 =	smov.u32 @p2 s1;
	s1 =	spop (v2sf)  }
0x667: {  	s0 =	smov.u32 @p2 s2;
	p1 =	sne.s32 s3, $0xFFFFFFFF;
	s6 =	smov.u32 s1  }
.Ltmp40:
0x668: {  	p2 =	seq.s32 s1, $0xFFFFFFFF;
	s6 =	smov.u32 @p1 s3;
	(pc) =	sbr.rel .LBB3_36-.Ltmp40, $4  }
0x669: {  	s15 =	simm.s32 $0x0;
	s6 =	smov.u32 @p2 s3;
	s5 =	spop (v2sf)  }
0x66a: {  	[sflag:s9] =	ssyncpa.u1 $0x0;
	p1 =	sne.s32 s6, $0xFFFFFFFF;
	s8 =	smov.u32 s5  }
0x66b: {  	s1 =	smov.u32 @p2 s0;
	p2 =	seq.s32 s5, $0xFFFFFFFF;
	s8 =	smov.u32 @p1 s6  }
0x66c: {  	s3 =	simm.s32 $0x0;
	s5 =	smov.u32 @p2 s1;
	s8 =	smov.u32 @p2 s6  }
.LBB3_51:
0x66d: {  	s15 =	sadd.s32 $0x1, s15  }
0x66e: {  	p1 =	sne.s32 s15, $0x20  }
.Ltmp41:
0x66f: {  	_ = 	snop;
	(pc) =	sbr.rel @!p1 .LBB3_52-.Ltmp41, $2  }
0x670: {  	_ =	sdelay $0x2  }
0x671: {  	s10 =	sadd.s32 $0x210, s10  }
.LBB3_36:
0x672: {  	v0 =	vld.msk [tilespmem:s15+$0x8C58], $0x1;
	_ =	sdelay $0x4  }
0x673: {  	(v2sf) =	vpush v0, $0x0;
	_ =	sdelay $0xe  }
0x674: {  	s0 =	spop (v2sf)  }
0x675: {  	p1 =	seq.s32 s0, $0xFFFFFFFF  }
.Ltmp42:
0x676: {  	_ = 	snop;
	(pc) =	sbr.rel @p1 .LBB3_51-.Ltmp42, $1  }
0x677: {  	_ =	sdelay $0x3  }
0x678: {  	p1 =	slt.s32 s3, $0x1  }
.Ltmp43:
0x679: {  	_ = 	snop;
	(pc) =	sbr.rel @p1 .LBB3_44-.Ltmp43, $1  }
0x67a: {  	_ =	sdelay $0x3  }
0x67b: {  	s1 =	simm.s32 $0x8C58;
	p1 =	por $0x0, $0x0  }
0x67c: {  	v1 =	vld.msk @!p1 [tilespmem:s1+$0x0], $0x1;
	_ =	sdelay $0x4  }
0x67d: {  	(v2sf) =	vpush @!p1 v1, $0x0;
	_ =	sdelay $0xd  }
0x67e: {  	p3 =	sne.s32 s3, $0x1  }
.Ltmp44:
0x67f: {  	s2 =	spop @!p1 (v2sf);
	(pc) =	sbr.rel @!p3 .LBB3_40-.Ltmp44, $4  }
0x680: {  	p2 =	seq.s32 @!p1 s0, s2  }
0x681: {  	s2 =	simm.s32 $0x0;
	p2 =	por !p2, p1  }
0x682: {  	s7 =	simm.s32 $0xFFFFFFFF;
	s2 =	simm.s32 @p2 $0xFFFFFFFF  }
0x683: {  	s6 =	simm.s32 $0x1;
	s2 =	smov.u32 @p1 s7  }
.LBB3_39:
0x684: {  	s7 =	smov.u32 s2;
	p1 =	sne.s32 s2, $0xFFFFFFFF  }
0x685: {  	s1 =	sadd.s32 $0x1, s1;
	s2 =	smov.u32 s6;
	s6 =	sadd.s32 $0x1, s6  }
0x686: {  	p2 =	sne.s32 s3, s6;
	v1 =	vld.msk @!p1 [tilespmem:s1+$0x0], $0x1;
	_ =	sdelay $0x4  }
0x687: {  	(v2sf) =	vpush @!p1 v1, $0x0;
	_ =	sdelay $0xe  }
.Ltmp45:
0x688: {  	s16 =	spop @!p1 (v2sf);
	(pc) =	sbr.rel @p2 .LBB3_39-.Ltmp45, $4  }
0x689: {  	p3 =	seq.s32 @!p1 s0, s16  }
0x68a: {  	p3 =	por !p3, p1  }
0x68b: {  	s2 =	simm.s32 @p3 $0xFFFFFFFF  }
0x68c: {  	s2 =	smov.u32 @p1 s7  }
.LBB3_40:
0x68d: {  	p1 =	seq.s32 s2, $0xFFFFFFFF  }
.Ltmp46:
0x68e: {  	_ = 	snop;
	(pc) =	sbr.rel @p1 .LBB3_44-.Ltmp46, $1  }
0x68f: {  	_ =	sdelay $0x3  }
0x690: {  	s0 =	smul.u32 $0x840, s2;
	_ =	sdelay $0x1  }
0x691: {  	s0 =	sshra.s32 s0, $0x2  }
0x692: {  	s1 =	simm.s32 $0x0;
	v0 =	vld [tilespmem:s10+$0x0];
	s2 =	smov.u32 s10;
	s0 =	sadd.s32 $0x8C78, s0  }
.LBB3_42:
0x693: {  	s1 =	sadd.s32 $0x10, s1  }
0x694: {  	p1 =	slt.u32 s1, $0x200  }
.Ltmp47:
0x695: {  	_ = 	snop;
	(pc) =	sbr.rel @p1 .LBB3_42-.Ltmp47, $3  }
0x696: {  	_ =	sdelay $0x1  }
0x697: {  	s2 =	sadd.s32 $0x10, s2;
	[tilespmem:s0+$0x0] =	vst.add.f32.msk $0xffff, v0;
	s0 =	sadd.s32 $0x10, s0  }
0x698: {  	v0 =	vld [tilespmem:s2+$0x0]  }
.Ltmp48:
0x699: {  	_ = 	snop;
	(pc) =	sbr.rel .LBB3_51-.Ltmp48, $2  }
0x69a: {  	_ =	sdelay $0x2  }
0x69b: {  	[tilespmem:s0+$0x0] =	vst.add.f32.msk $0xffff, v0  }
.LBB3_44:
0x69c: {  	p1 =	sgt.u32 s0, $0x3D06FF  }
0x69d: {  	p2 =	seq.s32 @!p1 s0, s8  }
0x69e: {  	p1 =	por p1, p2  }
0x69f: {  	p2 =	seq.s32 @!p1 s0, s5  }
0x6a0: {  	p1 =	por p1, p2  }
.Ltmp49:
0x6a1: {  	_ = 	snop;
	(pc) =	sbr.rel @p1 .LBB3_48-.Ltmp49, $1  }
0x6a2: {  	_ =	sdelay $0x3  }
0x6a3: {  	s1 =	sand.u32 $0x3FFFF8, s0;
	s6 =	sand.u32 $0x7, s0  }
0x6a4: {  	s28 =	sadd.s32 $0x80, s0;
	s2 =	sadd.s32 s4, s1;
	s1 =	simm.s32 $0x8A38  }
0x6a5: {  	[tilespmem:s1], [sflag:$0x6] =	stream.linear.gather [hbm4b:s2+s6], $0x80, $0x38;
	[tilespmem:$0x16F28] =	vst v63  }
0x6a6: {  	s2 =	sand.u32 $0x7FFFF8, s28  }
0x6a7: {  	s29 =	sadd.s32 $0x100, s0;
	s2 =	sadd.s32 s4, s2  }
0x6a8: {  	[tilespmem:s11], [sflag:$0x6] =	stream.linear.gather [hbm4b:s2+s6], $0x80, $0x38;
	[tilespmem:$0x16F28] =	vst v63  }
0x6a9: {  	s2 =	sand.u32 $0x7FFFF8, s29  }
0x6aa: {  	s30 =	sadd.s32 $0x180, s0;
	s2 =	sadd.s32 s4, s2  }
0x6ab: {  	[tilespmem:s12], [sflag:$0x6] =	stream.linear.gather [hbm4b:s2+s6], $0x80, $0x38;
	[tilespmem:$0x16F28] =	vst v63  }
0x6ac: {  	s31 =	sadd.s32 $0x200, s0;
	s2 =	sand.u32 $0x7FFFF8, s30  }
0x6ad: {  	s0 =	sand.u32 $0x7FFFF8, s31;
	s2 =	sadd.s32 s4, s2  }
0x6ae: {  	[tilespmem:s13], [sflag:$0x6] =	stream.linear.gather [hbm4b:s2+s6], $0x80, $0x38;
	[tilespmem:$0x16F28] =	vst v63  }
0x6af: {  	s0 =	sadd.s32 s4, s0  }
0x6b0: {  	[tilespmem:s14], [sflag:$0x6] =	stream.linear.gather [hbm4b:s0+s6], $0x4, $0x38;
	[tilespmem:$0x16F28] =	vst v63  }
0x6b1: {  	_ =	swait.ge [sflag:s9], $0x204  }
0x6b2: {  	[sflag:s9] =	ssyncset.done $0x0  }
0x6b3: {  	[sflag:s9] =	ssyncadd.s32 $0xFFFFFDFC  }
0x6b4: {  	s2 =	smov.u32 s10;
	s0 =	simm.s32 $0x0;
	v1 =	vld [tilespmem:s1+$0x0]  }
.LBB3_46:
0x6b5: {  	s0 =	sadd.s32 $0x10, s0  }
0x6b6: {  	p1 =	slt.u32 s0, $0x200  }
.Ltmp50:
0x6b7: {  	_ = 	snop;
	(pc) =	sbr.rel @p1 .LBB3_46-.Ltmp50, $3  }
0x6b8: {  	_ =	sdelay $0x1  }
0x6b9: {  	s1 =	sadd.s32 $0x10, s1;
	[tilespmem:s2+$0x0] =	vst.add.f32.msk $0xffff, v1;
	s2 =	sadd.s32 $0x10, s2  }
0x6ba: {  	v1 =	vld [tilespmem:s1+$0x0]  }
0x6bb: {  	_ =	sdelay $0x3  }
0x6bc: {  	[tilespmem:s2+$0x0] =	vst.add.f32.msk $0xffff, v1  }
.LBB3_48:
0x6bd: {  	s0 =	smul.u32 $0x840, s3;
	_ =	sdelay $0x1  }
0x6be: {  	[tilespmem:s3+$0x8C58] =	vst.msk $0x1, v0;
	s0 =	sshra.s32 s0, $0x2  }
0x6bf: {  	s1 =	simm.s32 $0x0;
	s2 =	smov.u32 s10;
	v0 =	vld [tilespmem:s10+$0x0];
	s0 =	sadd.s32 $0x8C78, s0  }
.LBB3_49:
0x6c0: {  	s1 =	sadd.s32 $0x10, s1  }
0x6c1: {  	p1 =	slt.u32 s1, $0x200  }
.Ltmp51:
0x6c2: {  	_ = 	snop;
	(pc) =	sbr.rel @p1 .LBB3_49-.Ltmp51, $3  }
0x6c3: {  	_ =	sdelay $0x1  }
0x6c4: {  	s2 =	sadd.s32 $0x10, s2;
	[tilespmem:s0+$0x0] =	vst v0;
	s0 =	sadd.s32 $0x10, s0  }
0x6c5: {  	v0 =	vld [tilespmem:s2+$0x0]  }
.Ltmp52:
0x6c6: {  	_ = 	snop;
	(pc) =	sbr.rel .LBB3_51-.Ltmp52, $2  }
0x6c7: {  	_ =	sdelay $0x2  }
0x6c8: {  	s3 =	sadd.s32 $0x1, s3;
	[tilespmem:s0+$0x0] =	vst v0  }
.LBB3_52:
0x6c9: {  	s0 =	simm.s32 $0x6;
	p1 =	seq.s32 s3, $0x0  }
0x6ca: {  	[sflag:s0] =	ssyncpa.u1 $0x1;
	v0 =	vimm.s32 @p1 $0xFFFFFFFF  }
0x6cb: {  	s0 =	sadd.s32 $0xFFFFFFFF, s3;
	[tilespmem:$0xCE78] =	vst @p1 v0  }
0x6cc: {  	v0 =	vld.msk @!p1 [tilespmem:s0+$0x8C58], $0x1;
	_ =	sdelay $0x1  }
0x6cd: {  	v1 =	vld.msk @!p1 [tilespmem:$0x8C58], $0x1;
	_ =	sdelay $0x2  }
0x6ce: {  	p2 =	seq.s32 @!p1 s0, $0x0;
	v0 =	vbroadcast @!p1 v0, $0x0  }
0x6cf: {  	vm0 =	vmmov @!p1 $0x1;
	p3 =	por !p2, p1  }
0x6d0: {  	p2 =	sne.s32 @!p1 s8, s5;
	v1 =	vnsel @!p1 vm0, $0xFFFFFFFF, v1;
	vm0 =	vcmask @!p1 $0x308;
	v0 =	vpsel !p3, $0xFFFFFFFF, v0  }
0x6d1: {  	p3 =	por !p2, p1;
	v0 =	vsel @!p1 vm0, v1, v0  }
0x6d2: {  	s1 =	simm.s32 @!p1 $0x8C78;
	s2 =	simm.s32 @!p1 $0x0;
	s5 =	smul.u32 @!p3 $0x840, s0;
	[tilespmem:$0xCE78] =	vst @!p1 v0  }
0x6d3: {  	[spmem:s2] =	stream.linear.scatter @!p1 [tilespmem:s1], [sflag:$0x1], $0x210, $0x38;
	[tilespmem:$0x16F28] =	vst v63  }
0x6d4: {  	s1 =	sshra.s32 @!p3 s5, $0x2  }
0x6d5: {  	s2 =	simm.s32 @!p3 $0x210;
	s1 =	sadd.s32 @!p3 $0x8C78, s1  }
0x6d6: {  	[spmem:s2] =	stream.linear.scatter @!p3 [tilespmem:s1], [sflag:$0x1], $0x210, $0x38;
	[tilespmem:$0x16F28] =	vst v63  }
0x6d7: {  	s1 =	simm.s32 @!p3 $0x1  }
0x6d8: {  	_ =	swait.ge @!p3 [sflag:s1], $0x420  }
0x6d9: {  	p1 =	por p2, p1;
	[sflag:s1] =	ssyncset.done @!p3 $0x0  }
0x6da: {  	[sflag:s1] =	ssyncadd.s32 @!p3 $0xFFFFFBE0;
	s1 =	simm.s32 @!p1 $0x1  }
0x6db: {  	_ =	swait.ge @!p1 [sflag:s1], $0x210  }
0x6dc: {  	s29 =	simm.s32 $0xCE78;
	[sflag:s1] =	ssyncset.done @!p1 $0x0  }
0x6dd: {  	s30 =	simm.s32 $0x4200;
	s31 =	simm.s32 $0x1;
	[sflag:s1] =	ssyncadd.s32 @!p1 $0xFFFFFDF0  }
0x6de: {  	[spmem:s30] =	stream.linear.scatter [tilespmem:s29], [sflag:$0x1], $0x10, $0x38;
	[tilespmem:$0x16F28] =	vst v63  }
0x6df: {  	_ =	swait.ge [sflag:s31], $0x10  }
0x6e0: {  	[sflag:s31] =	ssyncset.done $0x0  }
0x6e1: {  	p1 =	seq.s32 s18, $0x0;
	s9 =	rddreg [dreg:$0x1];
	[sflag:s31] =	ssyncadd.s32 $0xFFFFFFF0  }
0x6e2: {  	s2 =	sshll.u32 @p1 s9, $0xE;
	s8 =	rddreg [dreg:$0x2]  }
0x6e3: {  	s1 =	sadd.s32 @p1 $0x15C3C, s2;
	s2 =	sshll.u32 @p1 s8, $0x11  }
0x6e4: {  	_ =	sfence.stream.spmem;
	s1 =	sor.u32 @p1 s2, s1  }
0x6e5: {  	[sflag:s1] =	ssyncadd.remote.s32 @p1 $0x1;
	s1 =	simm.s32 @p1 $0x4  }
0x6e6: {  	s5 =	simm.s32 @!p1 $0x3C;
	s2 =	sand.u32 $0xFFFFFFFE, s9;
	_ =	swait.ge @p1 [sflag:s1], $0x86  }
0x6e7: {  	s6 =	simm.s32 @!p1 $0x0;
	s2 =	sadd.s32 @!p1 $0x4, s2;
	[sflag:s1] =	ssyncset.done @p1 $0x0  }
0x6e8: {  	s7 =	simm.s32 @!p1 $0x420;
	[sflag:s1] =	ssyncadd.s32 @p1 $0xFFFFFF7A;
	s1 =	sshll.u32 @!p1 s2, $0x1A  }
0x6e9: {  	s2 =	sshll.u32 @!p1 s2, $0xD;
	s1 =	sor.u32 @!p1 s1, s8;
	_ =	swait.eq @!p1 [sflag:s5], $0x1  }
0x6ea: {  	s2 =	sor.u32 @!p1 $0x1C04, s2;
	s5 =	simm.s32 @!p1 $0x1C03;
	s1 =	sor.u32 @!p1 $0x80004000, s1  }
0x6eb: {  	[spmem:s7], [sflag:s2] =	dma.general @!p1 [spmem:s6], [sflag:s5], length:$0x84, [dreg:$0x0], stride_count:$0x0, ici_dest:s1, dma_misc:DstOpCode:WRITE  }
0x6ec: {  	p2 =	slt.s32 s0, $0x2;
	s6 =	simm.s32 @!p1 $0x840;
	s7 =	simm.s32 @!p1 $0x842  }
0x6ed: {  	[spmem:s7], [sflag:s2] =	dma.general @!p1 [spmem:s6], [sflag:s5], length:$0x2, [dreg:$0x0], stride_count:$0x0, ici_dest:s1, dma_misc:DstOpCode:WRITE  }
.Ltmp53:
0x6ee: {  	s1 =	simm.s32 @!p1 $0x3;
	(pc) =	sbr.rel @p2 .LBB3_56-.Ltmp53, $4  }
0x6ef: {  	s2 =	sshll.u32 @!p1 s9, $0xE;
	_ =	swait.ge @!p1 [sflag:s1], $0x86  }
0x6f0: {  	s5 =	sshll.u32 @!p1 s8, $0x11;
	s2 =	sadd.s32 @!p1 $0x11C3C, s2;
	[sflag:s1] =	ssyncset.done @!p1 $0x0  }
0x6f1: {  	[sflag:s1] =	ssyncadd.s32 @!p1 $0xFFFFFF7A;
	s1 =	sor.u32 @!p1 s5, s2  }
0x6f2: {  	s0 =	simm.s32 $0x0;
	[sflag:s1] =	ssyncadd.remote.s32 @!p1 $0xFFFFFFFF  }
0x6f3: {  	s0 =	simm.s32 $0x8C59  }
0x6f4: {  	v0 =	vld.msk [tilespmem:s0+$0x0], $0x1;
	_ =	sdelay $0x4  }
0x6f5: {  	(v2sf) =	vpush v0, $0x0;
	_ =	sdelay $0xd  }
0x6f6: {  	s2 =	sadd.s32 $0xFFFFFFFE, s3  }
0x6f7: {  	s2 =	sadd.s32 $0xFFFFFFFF, s2;
	s5 =	spop (v2sf)  }
0x6f8: {  	s0 =	simm.s32 $0x8E88;
	p2 =	sne.s32 s2, $0x0;
	p1 =	sgt.u32 s5, $0x3D06FF  }
0x6f9: {  	s1 =	sand.u32 @!p1 $0x3FFFF8, s5;
	s3 =	sadd.s32 @!p1 $0x80, s5;
	s7 =	sadd.s32 @!p1 $0x100, s5  }
0x6fa: {  	s6 =	sand.u32 @!p1 $0x7, s5;
	s1 =	sadd.s32 @!p1 s4, s1;
	s3 =	sand.u32 @!p1 $0x7FFFF8, s3  }
0x6fb: {  	[hbm4b:s1+s6] =	stream.linear.scatter @!p1 [tilespmem:s0], [sflag:$0x5], $0x80, $0x38;
	[tilespmem:$0x16F28] =	vst v63  }
0x6fc: {  	s7 =	sand.u32 @!p1 $0x7FFFF8, s7;
	s1 =	simm.s32 @!p1 $0x8F08;
	s3 =	sadd.s32 @!p1 s4, s3  }
0x6fd: {  	[hbm4b:s3+s6] =	stream.linear.scatter @!p1 [tilespmem:s1], [sflag:$0x5], $0x80, $0x38;
	[tilespmem:$0x16F28] =	vst v63  }
0x6fe: {  	s1 =	simm.s32 @!p1 $0x8F88;
	s3 =	sadd.s32 @!p1 s4, s7;
	s7 =	sadd.s32 @!p1 $0x180, s5  }
0x6ff: {  	[hbm4b:s3+s6] =	stream.linear.scatter @!p1 [tilespmem:s1], [sflag:$0x5], $0x80, $0x38;
	[tilespmem:$0x16F28] =	vst v63  }
.Ltmp54:
0x700: {  	s3 =	sand.u32 @!p1 $0x7FFFF8, s7;
	(pc) =	sbr.rel @!p2 .LBB3_55-.Ltmp54, $4  }
0x701: {  	s8 =	sadd.s32 @!p1 $0x200, s5;
	s7 =	simm.s32 @!p1 $0x9008;
	s3 =	sadd.s32 @!p1 s4, s3  }
0x702: {  	[hbm4b:s3+s6] =	stream.linear.scatter @!p1 [tilespmem:s7], [sflag:$0x5], $0x80, $0x38;
	[tilespmem:$0x16F28] =	vst v63  }
0x703: {  	s8 =	sand.u32 @!p1 $0x7FFFF8, s8;
	s5 =	simm.s32 $0x9098;
	s7 =	simm.s32 $0x0  }
0x704: {  	s1 =	simm.s32 $0x0;
	s3 =	simm.s32 $0x8C5A;
	s7 =	simm.s32 @!p1 $0x810  }
.LBB3_54:
0x705: {  	s0 =	sadd.s32 @!p1 $0x200, s0;
	s8 =	sadd.s32 @!p1 s4, s8;
	s1 =	sadd.s32 s1, s7  }
0x706: {  	[hbm4b:s8+s6] =	stream.linear.scatter @!p1 [tilespmem:s0], [sflag:$0x5], $0x4, $0x38;
	[tilespmem:$0x16F28] =	vst v63  }
0x707: {  	s2 =	sadd.s32 $0xFFFFFFFF, s2;
	s0 =	smov.u32 s5;
	v0 =	vld.msk [tilespmem:s3+$0x0], $0x1  }
0x708: {  	p2 =	sne.s32 s2, $0x0;
	_ =	sdelay $0x3  }
0x709: {  	(v2sf) =	vpush v0, $0x0;
	_ =	sdelay $0xe  }
0x70a: {  	s7 =	spop (v2sf)  }
0x70b: {  	s5 =	sadd.s32 $0x210, s5;
	s3 =	sadd.s32 $0x1, s3;
	p1 =	sgt.u32 s7, $0x3D06FF  }
0x70c: {  	s6 =	sand.u32 @!p1 $0x3FFFF8, s7;
	s8 =	sadd.s32 @!p1 $0x80, s7;
	s9 =	sadd.s32 @!p1 $0x100, s7  }
0x70d: {  	s10 =	sadd.s32 @!p1 s4, s6;
	s6 =	sand.u32 @!p1 $0x7, s7;
	s8 =	sand.u32 @!p1 $0x7FFFF8, s8  }
0x70e: {  	[hbm4b:s10+s6] =	stream.linear.scatter @!p1 [tilespmem:s0], [sflag:$0x5], $0x80, $0x38;
	[tilespmem:$0x16F28] =	vst v63  }
0x70f: {  	s9 =	sand.u32 @!p1 $0x7FFFF8, s9;
	s10 =	sadd.s32 @!p1 $0x80, s0;
	s8 =	sadd.s32 @!p1 s4, s8  }
0x710: {  	[hbm4b:s8+s6] =	stream.linear.scatter @!p1 [tilespmem:s10], [sflag:$0x5], $0x80, $0x38;
	[tilespmem:$0x16F28] =	vst v63  }
0x711: {  	s9 =	sadd.s32 @!p1 s4, s9;
	s8 =	sadd.s32 @!p1 $0x100, s0;
	s10 =	sadd.s32 @!p1 $0x180, s7  }
0x712: {  	[hbm4b:s9+s6] =	stream.linear.scatter @!p1 [tilespmem:s8], [sflag:$0x5], $0x80, $0x38;
	[tilespmem:$0x16F28] =	vst v63  }
.Ltmp55:
0x713: {  	_ = 	snop;
	(pc) =	sbr.rel @p2 .LBB3_54-.Ltmp55, $4  }
0x714: {  	s9 =	sadd.s32 @!p1 $0x180, s0  }
0x715: {  	s8 =	sand.u32 @!p1 $0x7FFFF8, s10;
	s10 =	sadd.s32 @!p1 $0x200, s7;
	s7 =	simm.s32 $0x0  }
0x716: {  	s7 =	simm.s32 @!p1 $0x810;
	s11 =	sadd.s32 @!p1 s4, s8;
	s8 =	sand.u32 @!p1 $0x7FFFF8, s10  }
0x717: {  	[hbm4b:s11+s6] =	stream.linear.scatter @!p1 [tilespmem:s9], [sflag:$0x5], $0x80, $0x38;
	[tilespmem:$0x16F28] =	vst v63  }
.LBB3_55:
0x718: {  	s0 =	sadd.s32 @!p1 $0x200, s0;
	s2 =	sadd.s32 @!p1 s4, s8;
	s31 =	sadd.s32 s1, s7  }
0x719: {  	[hbm4b:s2+s6] =	stream.linear.scatter @!p1 [tilespmem:s0], [sflag:$0x5], $0x4, $0x38;
	[tilespmem:$0x16F28] =	vst v63  }
0x71a: {  	s0 =	sshrl.u32 s31, $0x2  }
.LBB3_56:
0x71b: {  	s1 =	simm.s32 $0x5  }
0x71c: {  	_ =	swait.ge [sflag:s1], s0  }
0x71d: {  	s31 =	ssub.s32 $0x0, s0;
	[sflag:s1] =	ssyncset.done $0x0  }
0x71e: {  	[sflag:s1] =	ssyncadd.s32 s31  }
0x71f: {  	[sflag:s1] =	ssyncpa.u1 $0x1  }
.LBB3_57:
0x720: {  	s0 =	sor.u32 s18, s17  }
0x721: {  	p1 =	sne.s32 s0, $0x0  }
.Ltmp56:
0x722: {  	_ = 	snop;
	(pc) =	sbr.rel @p1 .LBB3_80-.Ltmp56, $3  }
0x723: {  	_ =	sdelay $0x1  }
0x724: {  	[bflag:$0x0] =	sbarrier.arrive $0xFFFF  }
0x725: {  	_ =	sfence  }
0x726: {  	s0 =	simm.s32 $0x7  }
0x727: {  	s1 =	simm.s32 $0x4200;
	s2 =	simm.s32 $0x8C58;
	[sflag:s0] =	ssyncpa.u1 $0x0  }
0x728: {  	[tilespmem:s2], [sflag:$0x7] =	stream.linear.gather [spmem:s1], $0x20, $0x38;
	[tilespmem:$0x16F28] =	vst v63  }
0x729: {  	s1 =	simm.s32 $0x0;
	s2 =	simm.s32 $0x8C78  }
0x72a: {  	[tilespmem:s2], [sflag:$0x7] =	stream.linear.gather [spmem:s1], $0x4200, $0x38;
	[tilespmem:$0x16F28] =	vst v63  }
.Ltmp57:
0x72b: {  	_ = 	snop;
	(pc) =	sbr.rel .LBB3_59-.Ltmp57, $4  }
0x72c: {  	_ =	swait.ge [sflag:s0], $0x4220  }
0x72d: {  	s3 =	simm.s32 $0x8;
	s5 =	simm.s32 $0x8AB8;
	[sflag:s0] =	ssyncset.done $0x0  }
0x72e: {  	s6 =	simm.s32 $0x8B38;
	s7 =	simm.s32 $0x8BB8;
	[sflag:s0] =	ssyncadd.s32 $0xFFFFBDE0  }
0x72f: {  	s8 =	simm.s32 $0x8C38;
	s9 =	simm.s32 $0x0;
	[sflag:s3] =	ssyncpa.u1 $0x0  }
.LBB3_74:
0x730: {  	s9 =	sadd.s32 $0x1, s9  }
0x731: {  	p1 =	sne.s32 s9, $0x20  }
.Ltmp58:
0x732: {  	_ = 	snop;
	(pc) =	sbr.rel @!p1 .LBB3_75-.Ltmp58, $2  }
0x733: {  	_ =	sdelay $0x2  }
0x734: {  	s2 =	sadd.s32 $0x210, s2  }
.LBB3_59:
0x735: {  	v0 =	vld.msk [tilespmem:s9+$0x8C58], $0x1;
	_ =	sdelay $0x4  }
0x736: {  	(v2sf) =	vpush v0, $0x0;
	_ =	sdelay $0xe  }
0x737: {  	s0 =	spop (v2sf)  }
0x738: {  	p1 =	seq.s32 s0, $0xFFFFFFFF  }
.Ltmp59:
0x739: {  	_ = 	snop;
	(pc) =	sbr.rel @p1 .LBB3_74-.Ltmp59, $1  }
0x73a: {  	_ =	sdelay $0x3  }
0x73b: {  	p1 =	slt.s32 s1, $0x1  }
.Ltmp60:
0x73c: {  	_ = 	snop;
	(pc) =	sbr.rel @p1 .LBB3_67-.Ltmp60, $1  }
0x73d: {  	_ =	sdelay $0x3  }
0x73e: {  	s10 =	simm.s32 $0x8C58;
	p1 =	por $0x0, $0x0  }
0x73f: {  	v1 =	vld.msk @!p1 [tilespmem:s10+$0x0], $0x1;
	_ =	sdelay $0x4  }
0x740: {  	(v2sf) =	vpush @!p1 v1, $0x0;
	_ =	sdelay $0xd  }
0x741: {  	p3 =	sne.s32 s1, $0x1  }
.Ltmp61:
0x742: {  	s11 =	spop @!p1 (v2sf);
	(pc) =	sbr.rel @!p3 .LBB3_63-.Ltmp61, $4  }
0x743: {  	p2 =	seq.s32 @!p1 s0, s11  }
0x744: {  	s11 =	simm.s32 $0x0;
	p2 =	por !p2, p1  }
0x745: {  	s13 =	simm.s32 $0xFFFFFFFF;
	s11 =	simm.s32 @p2 $0xFFFFFFFF  }
0x746: {  	s12 =	simm.s32 $0x1;
	s11 =	smov.u32 @p1 s13  }
.LBB3_62:
0x747: {  	s13 =	smov.u32 s11;
	p1 =	sne.s32 s11, $0xFFFFFFFF  }
0x748: {  	s10 =	sadd.s32 $0x1, s10;
	s11 =	smov.u32 s12;
	s12 =	sadd.s32 $0x1, s12  }
0x749: {  	p2 =	sne.s32 s1, s12;
	v1 =	vld.msk @!p1 [tilespmem:s10+$0x0], $0x1;
	_ =	sdelay $0x4  }
0x74a: {  	(v2sf) =	vpush @!p1 v1, $0x0;
	_ =	sdelay $0xe  }
.Ltmp62:
0x74b: {  	s14 =	spop @!p1 (v2sf);
	(pc) =	sbr.rel @p2 .LBB3_62-.Ltmp62, $4  }
0x74c: {  	p3 =	seq.s32 @!p1 s0, s14  }
0x74d: {  	p3 =	por !p3, p1  }
0x74e: {  	s11 =	simm.s32 @p3 $0xFFFFFFFF  }
0x74f: {  	s11 =	smov.u32 @p1 s13  }
.LBB3_63:
0x750: {  	p1 =	seq.s32 s11, $0xFFFFFFFF  }
.Ltmp63:
0x751: {  	_ = 	snop;
	(pc) =	sbr.rel @p1 .LBB3_67-.Ltmp63, $1  }
0x752: {  	_ =	sdelay $0x3  }
0x753: {  	s0 =	smul.u32 $0x840, s11;
	_ =	sdelay $0x1  }
0x754: {  	s0 =	sshra.s32 s0, $0x2  }
0x755: {  	s10 =	simm.s32 $0x0;
	v0 =	vld [tilespmem:s2+$0x0];
	s11 =	smov.u32 s2;
	s0 =	sadd.s32 $0x8C78, s0  }
.LBB3_65:
0x756: {  	s10 =	sadd.s32 $0x10, s10  }
0x757: {  	p1 =	slt.u32 s10, $0x200  }
.Ltmp64:
0x758: {  	_ = 	snop;
	(pc) =	sbr.rel @p1 .LBB3_65-.Ltmp64, $3  }
0x759: {  	_ =	sdelay $0x1  }
0x75a: {  	s11 =	sadd.s32 $0x10, s11;
	[tilespmem:s0+$0x0] =	vst.add.f32.msk $0xffff, v0;
	s0 =	sadd.s32 $0x10, s0  }
0x75b: {  	v0 =	vld [tilespmem:s11+$0x0]  }
.Ltmp65:
0x75c: {  	_ = 	snop;
	(pc) =	sbr.rel .LBB3_74-.Ltmp65, $2  }
0x75d: {  	_ =	sdelay $0x2  }
0x75e: {  	[tilespmem:s0+$0x0] =	vst.add.f32.msk $0xffff, v0  }
.LBB3_67:
0x75f: {  	p1 =	sgt.u32 s0, $0x3D06FF  }
.Ltmp66:
0x760: {  	_ = 	snop;
	(pc) =	sbr.rel @p1 .LBB3_71-.Ltmp66, $1  }
0x761: {  	_ =	sdelay $0x3  }
0x762: {  	s10 =	sand.u32 $0x3FFFF8, s0;
	s12 =	sand.u32 $0x7, s0  }
0x763: {  	s28 =	sadd.s32 $0x80, s0;
	s11 =	sadd.s32 s4, s10;
	s10 =	simm.s32 $0x8A38  }
0x764: {  	[tilespmem:s10], [sflag:$0x8] =	stream.linear.gather [hbm4b:s11+s12], $0x80, $0x38;
	[tilespmem:$0x16F28] =	vst v63  }
0x765: {  	s11 =	sand.u32 $0x7FFFF8, s28  }
0x766: {  	s29 =	sadd.s32 $0x100, s0;
	s11 =	sadd.s32 s4, s11  }
0x767: {  	[tilespmem:s5], [sflag:$0x8] =	stream.linear.gather [hbm4b:s11+s12], $0x80, $0x38;
	[tilespmem:$0x16F28] =	vst v63  }
0x768: {  	s11 =	sand.u32 $0x7FFFF8, s29  }
0x769: {  	s30 =	sadd.s32 $0x180, s0;
	s11 =	sadd.s32 s4, s11  }
0x76a: {  	[tilespmem:s6], [sflag:$0x8] =	stream.linear.gather [hbm4b:s11+s12], $0x80, $0x38;
	[tilespmem:$0x16F28] =	vst v63  }
0x76b: {  	s31 =	sadd.s32 $0x200, s0;
	s11 =	sand.u32 $0x7FFFF8, s30  }
0x76c: {  	s0 =	sand.u32 $0x7FFFF8, s31;
	s11 =	sadd.s32 s4, s11  }
0x76d: {  	[tilespmem:s7], [sflag:$0x8] =	stream.linear.gather [hbm4b:s11+s12], $0x80, $0x38;
	[tilespmem:$0x16F28] =	vst v63  }
0x76e: {  	s0 =	sadd.s32 s4, s0  }
0x76f: {  	[tilespmem:s8], [sflag:$0x8] =	stream.linear.gather [hbm4b:s0+s12], $0x4, $0x38;
	[tilespmem:$0x16F28] =	vst v63  }
0x770: {  	_ =	swait.ge [sflag:s3], $0x204  }
0x771: {  	[sflag:s3] =	ssyncset.done $0x0  }
0x772: {  	[sflag:s3] =	ssyncadd.s32 $0xFFFFFDFC  }
0x773: {  	s11 =	smov.u32 s2;
	s0 =	simm.s32 $0x0;
	v1 =	vld [tilespmem:s10+$0x0]  }
.LBB3_69:
0x774: {  	s0 =	sadd.s32 $0x10, s0  }
0x775: {  	p1 =	slt.u32 s0, $0x200  }
.Ltmp67:
0x776: {  	_ = 	snop;
	(pc) =	sbr.rel @p1 .LBB3_69-.Ltmp67, $3  }
0x777: {  	_ =	sdelay $0x1  }
0x778: {  	s10 =	sadd.s32 $0x10, s10;
	[tilespmem:s11+$0x0] =	vst.add.f32.msk $0xffff, v1;
	s11 =	sadd.s32 $0x10, s11  }
0x779: {  	v1 =	vld [tilespmem:s10+$0x0]  }
0x77a: {  	_ =	sdelay $0x3  }
0x77b: {  	[tilespmem:s11+$0x0] =	vst.add.f32.msk $0xffff, v1  }
.LBB3_71:
0x77c: {  	s0 =	smul.u32 $0x840, s1;
	_ =	sdelay $0x1  }
0x77d: {  	[tilespmem:s1+$0x8C58] =	vst.msk $0x1, v0;
	s0 =	sshra.s32 s0, $0x2  }
0x77e: {  	s10 =	simm.s32 $0x0;
	s11 =	smov.u32 s2;
	v0 =	vld [tilespmem:s2+$0x0];
	s0 =	sadd.s32 $0x8C78, s0  }
.LBB3_72:
0x77f: {  	s10 =	sadd.s32 $0x10, s10  }
0x780: {  	p1 =	slt.u32 s10, $0x200  }
.Ltmp68:
0x781: {  	_ = 	snop;
	(pc) =	sbr.rel @p1 .LBB3_72-.Ltmp68, $3  }
0x782: {  	_ =	sdelay $0x1  }
0x783: {  	s11 =	sadd.s32 $0x10, s11;
	[tilespmem:s0+$0x0] =	vst v0;
	s0 =	sadd.s32 $0x10, s0  }
0x784: {  	v0 =	vld [tilespmem:s11+$0x0]  }
.Ltmp69:
0x785: {  	_ = 	snop;
	(pc) =	sbr.rel .LBB3_74-.Ltmp69, $2  }
0x786: {  	_ =	sdelay $0x2  }
0x787: {  	s1 =	sadd.s32 $0x1, s1;
	[tilespmem:s0+$0x0] =	vst v0  }
.LBB3_75:
0x788: {  	p1 =	slt.s32 s1, $0x1  }
.Ltmp70:
0x789: {  	_ = 	snop;
	(pc) =	sbr.rel @p1 .LBB3_79-.Ltmp70, $3  }
0x78a: {  	_ =	sdelay $0x1  }
0x78b: {  	s0 =	simm.s32 $0x8  }
0x78c: {  	[sflag:s0] =	ssyncpa.u1 $0x1;
	s0 =	simm.s32 $0x0  }
0x78d: {  	s2 =	simm.s32 $0x8C58  }
0x78e: {  	v0 =	vld.msk [tilespmem:s2+$0x0], $0x1;
	_ =	sdelay $0x4  }
0x78f: {  	(v2sf) =	vpush v0, $0x0;
	_ =	sdelay $0xe  }
0x790: {  	s1 =	sadd.s32 $0xFFFFFFFF, s1;
	s5 =	spop (v2sf)  }
0x791: {  	s2 =	simm.s32 $0x8C78;
	p2 =	sne.s32 s1, $0x0;
	p1 =	sgt.u32 s5, $0x3D06FF  }
0x792: {  	s3 =	sand.u32 @!p1 $0x3FFFF8, s5;
	s7 =	sadd.s32 @!p1 $0x80, s5;
	s8 =	sadd.s32 @!p1 $0x100, s5  }
0x793: {  	s6 =	sand.u32 @!p1 $0x7, s5;
	s3 =	sadd.s32 @!p1 s4, s3;
	s7 =	sand.u32 @!p1 $0x7FFFF8, s7  }
0x794: {  	[hbm4b:s3+s6] =	stream.linear.scatter @!p1 [tilespmem:s2], [sflag:$0x7], $0x80, $0x38;
	[tilespmem:$0x16F28] =	vst v63  }
0x795: {  	s8 =	sand.u32 @!p1 $0x7FFFF8, s8;
	s3 =	simm.s32 @!p1 $0x8CF8;
	s7 =	sadd.s32 @!p1 s4, s7  }
0x796: {  	[hbm4b:s7+s6] =	stream.linear.scatter @!p1 [tilespmem:s3], [sflag:$0x7], $0x80, $0x38;
	[tilespmem:$0x16F28] =	vst v63  }
0x797: {  	s3 =	simm.s32 @!p1 $0x8D78;
	s7 =	sadd.s32 @!p1 s4, s8;
	s8 =	sadd.s32 @!p1 $0x180, s5  }
0x798: {  	[hbm4b:s7+s6] =	stream.linear.scatter @!p1 [tilespmem:s3], [sflag:$0x7], $0x80, $0x38;
	[tilespmem:$0x16F28] =	vst v63  }
.Ltmp71:
0x799: {  	s3 =	sand.u32 @!p1 $0x7FFFF8, s8;
	(pc) =	sbr.rel @!p2 .LBB3_78-.Ltmp71, $4  }
0x79a: {  	s7 =	simm.s32 $0x0;
	s8 =	simm.s32 @!p1 $0x8DF8;
	s3 =	sadd.s32 @!p1 s4, s3  }
0x79b: {  	[hbm4b:s3+s6] =	stream.linear.scatter @!p1 [tilespmem:s8], [sflag:$0x7], $0x80, $0x38;
	[tilespmem:$0x16F28] =	vst v63  }
0x79c: {  	s7 =	simm.s32 @!p1 $0x810;
	s8 =	sadd.s32 @!p1 $0x200, s5  }
0x79d: {  	s3 =	simm.s32 $0x8C59;
	s5 =	simm.s32 $0x8E88;
	s8 =	sand.u32 @!p1 $0x7FFFF8, s8  }
.LBB3_77:
0x79e: {  	s2 =	sadd.s32 @!p1 $0x200, s2;
	s8 =	sadd.s32 @!p1 s4, s8;
	s0 =	sadd.s32 s0, s7  }
0x79f: {  	[hbm4b:s8+s6] =	stream.linear.scatter @!p1 [tilespmem:s2], [sflag:$0x7], $0x4, $0x38;
	[tilespmem:$0x16F28] =	vst v63  }
0x7a0: {  	s1 =	sadd.s32 $0xFFFFFFFF, s1;
	s2 =	smov.u32 s5;
	v0 =	vld.msk [tilespmem:s3+$0x0], $0x1  }
0x7a1: {  	p2 =	sne.s32 s1, $0x0;
	_ =	sdelay $0x3  }
0x7a2: {  	(v2sf) =	vpush v0, $0x0;
	_ =	sdelay $0xe  }
0x7a3: {  	s7 =	spop (v2sf)  }
0x7a4: {  	s5 =	sadd.s32 $0x210, s5;
	s3 =	sadd.s32 $0x1, s3;
	p1 =	sgt.u32 s7, $0x3D06FF  }
0x7a5: {  	s6 =	sand.u32 @!p1 $0x3FFFF8, s7;
	s8 =	sadd.s32 @!p1 $0x80, s7;
	s9 =	sadd.s32 @!p1 $0x100, s7  }
0x7a6: {  	s10 =	sadd.s32 @!p1 s4, s6;
	s6 =	sand.u32 @!p1 $0x7, s7;
	s8 =	sand.u32 @!p1 $0x7FFFF8, s8  }
0x7a7: {  	[hbm4b:s10+s6] =	stream.linear.scatter @!p1 [tilespmem:s2], [sflag:$0x7], $0x80, $0x38;
	[tilespmem:$0x16F28] =	vst v63  }
0x7a8: {  	s9 =	sand.u32 @!p1 $0x7FFFF8, s9;
	s10 =	sadd.s32 @!p1 $0x80, s2;
	s8 =	sadd.s32 @!p1 s4, s8  }
0x7a9: {  	[hbm4b:s8+s6] =	stream.linear.scatter @!p1 [tilespmem:s10], [sflag:$0x7], $0x80, $0x38;
	[tilespmem:$0x16F28] =	vst v63  }
0x7aa: {  	s9 =	sadd.s32 @!p1 s4, s9;
	s8 =	sadd.s32 @!p1 $0x100, s2;
	s10 =	sadd.s32 @!p1 $0x180, s7  }
0x7ab: {  	[hbm4b:s9+s6] =	stream.linear.scatter @!p1 [tilespmem:s8], [sflag:$0x7], $0x80, $0x38;
	[tilespmem:$0x16F28] =	vst v63  }
.Ltmp72:
0x7ac: {  	_ = 	snop;
	(pc) =	sbr.rel @p2 .LBB3_77-.Ltmp72, $4  }
0x7ad: {  	s9 =	sadd.s32 @!p1 $0x180, s2  }
0x7ae: {  	s8 =	sand.u32 @!p1 $0x7FFFF8, s10;
	s10 =	sadd.s32 @!p1 $0x200, s7;
	s7 =	simm.s32 $0x0  }
0x7af: {  	s7 =	simm.s32 @!p1 $0x810;
	s11 =	sadd.s32 @!p1 s4, s8;
	s8 =	sand.u32 @!p1 $0x7FFFF8, s10  }
0x7b0: {  	[hbm4b:s11+s6] =	stream.linear.scatter @!p1 [tilespmem:s9], [sflag:$0x7], $0x80, $0x38;
	[tilespmem:$0x16F28] =	vst v63  }
.LBB3_78:
0x7b1: {  	s1 =	sadd.s32 @!p1 $0x200, s2;
	s2 =	sadd.s32 @!p1 s4, s8;
	s0 =	sadd.s32 s0, s7  }
0x7b2: {  	[hbm4b:s2+s6] =	stream.linear.scatter @!p1 [tilespmem:s1], [sflag:$0x7], $0x4, $0x38;
	[tilespmem:$0x16F28] =	vst v63  }
0x7b3: {  	s0 =	sshrl.u32 s0, $0x2  }
.LBB3_79:
0x7b4: {  	s1 =	simm.s32 $0x7  }
0x7b5: {  	_ =	swait.ge [sflag:s1], s0  }
0x7b6: {  	s31 =	ssub.s32 $0x0, s0;
	[sflag:s1] =	ssyncset.done $0x0  }
0x7b7: {  	[sflag:s1] =	ssyncadd.s32 s31  }
0x7b8: {  	[sflag:s1] =	ssyncpa.u1 $0x1  }
.LBB3_80:
0x7b9: {  	_ =	sfence;
	s0 =	simm.s32 $0x1  }
0x7ba: {  	[sflag:s0] =	ssyncpa.u1 $0x1  }
0x7bb: {  	_ =	strace $0x90000062  }
0x7bc: {  	[bflag:$0x2] =	sbarrier.arrive $0xFFFF  }
0x7bd: {  	s0 =	rddreg [dreg:$0x3]  }
0x7be: {  	s0 =	sadd.s32 @!p0 $0x100000, s0  }
0x7bf: {  	[sflag:s0] =	ssyncadd.tile.s32 @!p0 $0x1;
	_ =	shalt  }
.Lfunc_end3:
_tile_overlayer_lowered:
.L_overlay_start_3:
0x7c0: {  	(tag) =	ssettag $0x3  }
0x7c1: {  	s0 =	rddreg [dreg:$0x0];
	s2 =	stileid.u32  }
0x7c2: {  	s1 =	rddreg [dreg:$0x1];
	p0 =	sne.s32 s2, $0x0  }
0x7c3: {  	s3 =	rddreg [dreg:$0x2];
	[bflag:$0x3] =	sbarrier.arrive $0xFFFF;
	s2 =	simm.s32 @!p0 $0x1C01  }
0x7c4: {  	[timem:s3], [sflag:s2] =	dma.local @!p0 [hbm:s0], s1  }
0x7c5: {  	s0 =	simm.s32 @!p0 $0x1  }
0x7c6: {  	_ =	swait.ge @!p0 [sflag:s0], s1  }
0x7c7: {  	s1 =	ssub.s32 @!p0 $0x0, s1;
	[sflag:s0] =	ssyncset.done @!p0 $0x0  }
0x7c8: {  	[sflag:s0] =	ssyncadd.s32 @!p0 s1  }
0x7c9: {  	[bflag:$0x3] =	sbarrier.arrive $0xFFFF  }
0x7ca: {  	_ =	shalt  }

// kernel: sparse-core-data-format-call.1.cloned.1.call-start
scs
called_computation.3_lowered:
.L_overlay_start_0:
0x0: {  	s2 =	sld [smem:$0x3FD9]  }
0x1: {  	s3 =	sld [smem:$0x3FFE];
	_ =	sdelay $0x1  }
0x2: {  	s1 =	srdreg.scid  }
0x3: {  	s0 =	sand.u32 $0x1, s1  }
0x4: {  	s18 =	sshll.u32 s0, $0xA;
	s2 =	sadd.s32 s3, s2  }
0x5: {  	s2 =	sadd.s32 s2, s18  }
0x6: {  	[smem:$0x3FB0] =	sst s2  }
0x7: {  	_ = 	snop  }
0x8: {  	(tm) =	ssettm $0x1  }
0x9: {  	s19 =	sld [smem:$0x3FFB];
	_ =	sdelay $0x3  }
0xa: {  	_ =	strace s19  }
0xb: {  	s2 =	sld [smem:$0x3FFC];
	_ =	sdelay $0x3  }
0xc: {  	_ =	strace s2  }
0xd: {  	s2 =	sld [smem:$0x3FFD];
	_ =	sdelay $0x3  }
0xe: {  	_ =	strace s2  }
0xf: {  	_ =	strace $0x8FFFFFFF  }
0x10: {  	s20 =	sld [smem:$0x3FDB];
	_ =	sdelay $0x1  }
0x11: {  	s21 =	simm.s32 $_scs_section_size  }
0x12: {  	s4 =	simm.s32 $_size__tile_overlayer_lowered;
	s5 =	simm.s32 $_tile_overlayer_lowered  }
0x13: {  	s6 =	simm.s32 $0x1BFF;
	s22 =	sshll.u32 s5, $0x1;
	s3 =	sadd.s32 s21, s20  }
0x14: {  	s23 =	simm.s32 $0x0;
	s4 =	sshll.u32 s4, $0x1;
	s5 =	sadd.s32 s22, s3  }
0x15: {  	[timem:s23], [sflag:s6] =	dma.local [hbm:s5], s4  }
0x16: {  	_ =	swait.ge [sflag:s6], s4  }
0x17: {  	s4 =	ssub.s32 $0x0, s4;
	[sflag:s6] =	ssyncset.done $0x0  }
0x18: {  	[sflag:s6] =	ssyncadd.s32 s4;
	_ =	sdelay $0x1  }
0x19: {  	s24 =	simm.s32 $0x1B8B  }
0x1a: {  	_ =	swait.ge [sflag:s24], $0x1  }
0x1b: {  	[sflag:s24] =	ssyncset.done $0x0  }
0x1c: {  	[sflag:s24] =	ssyncadd.s32 $0xFFFFFFFF  }
0x1d: {  	s4 =	sld [smem:$0x0]  }
0x1e: {  	s5 =	sand.u32 $0xFFFFFFFE, s1  }
0x1f: {  	p0 =	sne.s32 s1, s5  }
0x20: {  	s5 =	sshll.u32 @p0 s5, $0xE  }
0x21: {  	s5 =	sadd.s32 @p0 $0x11B8D, s5;
	s6 =	sshll.u32 @p0 s4, $0x11  }
0x22: {  	s5 =	sor.u32 @p0 s6, s5  }
0x23: {  	[sflag:s5] =	ssyncadd.remote.s32 @p0 $0x1;
	_ =	sdelay $0x1  }
0x24: {  	s5 =	simm.s32 @p0 $0x1B8D  }
0x25: {  	_ =	swait.eq @p0 [sflag:s5], $0x1  }
0x26: {  	[sflag:s5] =	ssyncadd.s32 @p0 $0xFFFFFFFF  }
0x27: {  	s6 =	sshll.u32 @!p0 s1, $0xE  }
0x28: {  	s6 =	sor.u32 @!p0 $0x4000, s6;
	s5 =	simm.s32 @!p0 $0x1B8D  }
0x29: {  	s4 =	sshll.u32 @!p0 s4, $0x11;
	s6 =	sadd.s32 @!p0 $0x11B8D, s6;
	_ =	swait.eq @!p0 [sflag:s5], $0x1  }
0x2a: {  	s4 =	sor.u32 @!p0 s4, s6;
	[sflag:s5] =	ssyncadd.s32 @!p0 $0xFFFFFFFF  }
0x2b: {  	s26 =	simm.s32 $0x1B8E;
	s25 =	sld [smem:$0x3FFE];
	[sflag:s4] =	ssyncadd.remote.s32 @!p0 $0x1  }
0x2c: {  	s27 =	simm.s32 $execute0_lowered;
	[smem:$0x3FD2] =	sst s26  }
0x2d: {  	s5 =	sshll.u32 s27, $0x1;
	_ =	strace $0x8000005B;
	[dreg:$0x1] =	wrdreg $0xFFFFFFFF  }
0x2e: {  	s28 =	simm.s32 $_size_execute0_lowered;
	s3 =	sadd.s32 s3, s5;
	[dreg:$0x0] =	wrdreg $0x0  }
0x2f: {  	s5 =	sshll.u32 s28, $0x1;
	[dreg:$0x2] =	wrdreg s3  }
0x30: {  	[dreg:$0x3] =	wrdreg s5  }
0x31: {  	[dreg:$0x4] =	wrdreg $0xC0  }
0x32: {  	_ =	task [dreg:s23], $0x5FFFF  }
0x33: {  	[dreg:$0x1] =	wrdreg $0xFFFFFFFF  }
0x34: {  	[dreg:$0x0] =	wrdreg $0x60  }
0x35: {  	[dreg:$0x2] =	wrdreg s25  }
0x36: {  	[dreg:$0x3] =	wrdreg $0xB  }
0x37: {  	_ =	task.clear_ibuf [dreg:s23], $0x4FFFF;
	_ =	strace $0x9000005B  }
0x38: {  	s29 =	simm.s32 $0xB;
	_ =	strace $0x8000005D  }
0x39: {  	_ =	swait.ge [sflag:s29], $0x1  }
0x3a: {  	[sflag:s29] =	ssyncadd.s32 $0xFFFFFFFF  }
0x3b: {  	_ =	strace $0x9000005D  }
0x3c: {  	_ =	sfence  }
0x3d: {  	s30 =	sld [smem:$0x0];
	_ =	sdelay $0x2  }
0x3e: {  	s31 =	sshll.u32 s1, $0xD;
	s1 =	sshrl.u32 s1, $0x2  }
0x3f: {  	s4 =	sand.u32 $0x4000, s31;
	s1 =	sadd.s32 s1, s30  }
0x40: {  	s0 =	sor.u32 s4, s0;
	s1 =	sshll.u32 s1, $0x11  }
0x41: {  	s0 =	sor.u32 s1, s0  }
0x42: {  	s0 =	sadd.s32 $0x8F2B, s0  }
0x43: {  	[sflag:s0] =	ssyncadd.remote.s32 $0x1  }
0x44: {  	_ =	sfence.sel $0xFFFF  }
0x45: {  	[dreg:$0x0] =	wrdreg $0xFFFFFFFF;
	(pc) =	sbr.abs _section_cstart, $3  }
0x46: {  	[dreg:$0x1] =	wrdreg $0xFFFFFFFF  }
0x47: {  	_ =	task.clear_ibuf [dreg:s23], $0x2FFFF;
	_ =	strace $0x9FFFFFFF  }
0x48: {  	(tm) =	ssettm $0x7FFFFFFF  }
0x49: {  	_ =	shalt  }
tec
execute0_lowered:
.L_overlay_start_1:
0x0: {  	(tag) =	ssettag $0x1  }
0x1: {  	s0 =	srdreg.scid  }
0x2: {  	s3 =	rddreg [dreg:$0x0];
	s1 =	stileid.u32;
	s5 =	simm.s32 $0x1  }
0x3: {  	s7 =	simm.s32 $0x2;
	s8 =	simm.s32 $0x0;
	s11 =	simm.s32 $0x0  }
0x4: {  	s10 =	simm.s32 $0x0;
	s2 =	sshll.u32 s0, $0x4;
	s0 =	rddreg [dreg:$0x1]  }
.Ltmp0:
0x5: {  	_ =	strace $0x8000005C;
	s2 =	sand.u32 $0x10, s2;
	(pc) =	sbr.rel .LBB1_1-.Ltmp0, $4  }
0x6: {  	[sflag:s5] =	ssyncpa.u1 $0x0;
	s6 =	sor.u32 s1, s2;
	s2 =	sadd.s32 $0x5D1F400, s3  }
0x7: {  	s4 =	sshll.u32 s6, $0x2;
	p0 =	seq.s32 s6, $0x1F;
	s6 =	simm.s32 $0x124  }
0x8: {  	s3 =	sadd.s32 $0x1D24C00, s3;
	[sflag:s7] =	ssyncpa.u1 $0x0;
	s6 =	simm.s32 @!p0 $0x125  }
0x9: {  	p0 =	por $0x0, $0x0;
	s9 =	smov.u32 s4;
	s7 =	sadd.s32 $0x1, s6  }
.LBB1_9:
0xa: {  	s13 =	sadd.s32 $0x80, s9  }
0xb: {  	p2 =	sgt.s32 s13, $0x927B  }
0xc: {  	s13 =	smov.u32 @p2 s4;
	p2 =	sne.s32 s10, s7  }
.Ltmp1:
0xd: {  	p1 =	slt.u32 s10, $0x2;
	(pc) =	sbr.rel @!p2 .LBB1_10-.Ltmp1, $4  }
0xe: {  	s12 =	simm.s32 @!p1 $0x2  }
0xf: {  	s14 =	sadd.s32 $0x1, s10;
	_ =	swait.ge @!p1 [sflag:s12], $0x4000  }
0x10: {  	s11 =	smov.u32 s9;
	p0 =	por !p0, !p0;
	[sflag:s12] =	ssyncset.done @!p1 $0x0  }
0x11: {  	s10 =	smov.u32 s14;
	s9 =	smov.u32 s13;
	[sflag:s12] =	ssyncadd.s32 @!p1 $0xFFFFC000  }
.LBB1_1:
0x12: {  	p1 =	sge.u32 s10, s6  }
0x13: {  	s12 =	sxor.u32 @!p1 $0xFFFFFFFF, s10  }
0x14: {  	s31 =	sadd.s32 $0xFFFFFFFF, s10;
	s13 =	sshll.u32 @!p1 s9, $0x9;
	s12 =	sshll.u32 @!p1 s12, $0xE  }
0x15: {  	s14 =	simm.s32 @!p1 $0x0;
	s13 =	sadd.s32 @!p1 s2, s13;
	s12 =	sand.u32 @!p1 $0x4000, s12  }
0x16: {  	[tilespmem:s12], [sflag:$0x1] =	stream.linear.gather @!p1 [hbm4b:s13+s14], $0x4000, $0x38;
	[tilespmem:$0x10000] =	vst v63  }
0x17: {  	p1 =	sge.u32 s31, s6  }
.Ltmp2:
0x18: {  	_ = 	snop;
	(pc) =	sbr.rel @p1 .LBB1_9-.Ltmp2, $1  }
0x19: {  	_ =	sdelay $0x3  }
0x1a: {  	s12 =	simm.s32 $0x1;
	_ =	swait.ge [sflag:s5], $0x4000;
	s14 =	sshll.u32 s10, $0xE  }
0x1b: {  	s15 =	simm.s32 $0x0;
	s12 =	simm.s32 @!p0 $0x0;
	[sflag:s5] =	ssyncset.done $0x0  }
0x1c: {  	s14 =	sand.u32 $0x4000, s14;
	s13 =	sshll.u32 s12, $0xE;
	[sflag:s5] =	ssyncadd.s32 $0xFFFFC000  }
0x1d: {  	s14 =	sor.u32 $0x8000, s14;
	s12 =	sor.u32 $0x8040, s13;
	s13 =	sor.u32 $0x40, s13  }
.LBB1_3:
0x1e: {  	s16 =	smov.u32 s13;
	s17 =	smov.u32 s12;
	s18 =	simm.s32 $0x0  }
.LBB1_4:
0x1f: {  	v0 =	vmov s16;
	_ =	sdelay $0x3  }
0x20: {  	s20 =	simm.s32 $0x0  }
0x21: {  	v6 =	vld.idx.msk [tilespmem:v0+s20+$0x30 ss:$0x1], $0xffff  }
0x22: {  	v7 =	vld.idx.msk [tilespmem:v0+s20+$0xFFFFFFC0 ss:$0x1], $0xffff  }
0x23: {  	v5 =	vld.idx.msk [tilespmem:v0+s20+$0xFFFFFFD0 ss:$0x1], $0xffff  }
0x24: {  	v4 =	vld.idx.msk [tilespmem:v0+s20+$0xFFFFFFE0 ss:$0x1], $0xffff  }
0x25: {  	v3 =	vld.idx.msk [tilespmem:v0+s20+$0xFFFFFFF0 ss:$0x1], $0xffff  }
0x26: {  	v1 =	vld.idx.msk [tilespmem:v0+s20+$0x0 ss:$0x1], $0xffff  }
0x27: {  	v2 =	vld.idx.msk [tilespmem:v0+s20+$0x10 ss:$0x1], $0xffff;
	[tilespmem:s17+$0x30] =	vst v6  }
0x28: {  	s19 =	simm.s32 $0x80;
	s21 =	simm.s32 $0x400;
	[tilespmem:s17+$0xFFFFFFC0] =	vst v7;
	v6 =	vld.idx.msk [tilespmem:v0+s20+$0x20 ss:$0x1], $0xffff;
	s20 =	smov.u32 s17  }
.LBB1_5:
0x29: {  	p1 =	sne.s32 s21, $0x600;
	v7 =	vld.idx.msk [tilespmem:v0+s19+$0x30 ss:$0x1], $0xffff;
	[tilespmem:s20+$0xFFFFFFD0] =	vst v5  }
0x2a: {  	v8 =	vld.idx.msk [tilespmem:v0+s19+$0xFFFFFFC0 ss:$0x1], $0xffff;
	[tilespmem:s20+$0xFFFFFFE0] =	vst v4  }
0x2b: {  	v5 =	vld.idx.msk [tilespmem:v0+s19+$0xFFFFFFD0 ss:$0x1], $0xffff;
	[tilespmem:s20+$0xFFFFFFF0] =	vst v3  }
.Ltmp3:
0x2c: {  	v4 =	vld.idx.msk [tilespmem:v0+s19+$0xFFFFFFE0 ss:$0x1], $0xffff;
	[tilespmem:s20+$0x0] =	vst v1;
	(pc) =	sbr.rel @p1 .LBB1_5-.Ltmp3, $4  }
0x2d: {  	v3 =	vld.idx.msk [tilespmem:v0+s19+$0xFFFFFFF0 ss:$0x1], $0xffff;
	[tilespmem:s20+$0x10] =	vst v2  }
0x2e: {  	v1 =	vld.idx.msk [tilespmem:v0+s19+$0x0 ss:$0x1], $0xffff;
	[tilespmem:s20+$0x20] =	vst v6;
	s20 =	sadd.s32 $0x400, s20  }
0x2f: {  	v2 =	vld.idx.msk [tilespmem:v0+s19+$0x10 ss:$0x1], $0xffff;
	[tilespmem:s20+$0x30] =	vst v7  }
0x30: {  	[tilespmem:s20+$0xFFFFFFC0] =	vst v8;
	v6 =	vld.idx.msk [tilespmem:v0+s19+$0x20 ss:$0x1], $0xffff;
	s19 =	sshra.s32 s21, $0x2;
	s21 =	sadd.s32 $0x200, s21  }
0x31: {  	_ =	sdelay $0x2  }
0x32: {  	[tilespmem:s20+$0xFFFFFFD0] =	vst v5  }
0x33: {  	v56 =	vld.idx.msk [tilespmem:v0+s19+$0x30 ss:$0x1], $0xffff;
	[tilespmem:s20+$0xFFFFFFE0] =	vst v4  }
0x34: {  	v57 =	vld.idx.msk [tilespmem:v0+s19+$0xFFFFFFC0 ss:$0x1], $0xffff;
	[tilespmem:s20+$0xFFFFFFF0] =	vst v3  }
0x35: {  	v58 =	vld.idx.msk [tilespmem:v0+s19+$0xFFFFFFD0 ss:$0x1], $0xffff;
	[tilespmem:s20+$0x0] =	vst v1  }
0x36: {  	v59 =	vld.idx.msk [tilespmem:v0+s19+$0xFFFFFFE0 ss:$0x1], $0xffff;
	[tilespmem:s20+$0x10] =	vst v2  }
0x37: {  	v60 =	vld.idx.msk [tilespmem:v0+s19+$0xFFFFFFF0 ss:$0x1], $0xffff;
	s31 =	sadd.s32 $0x400, s20;
	[tilespmem:s20+$0x20] =	vst v6  }
0x38: {  	v61 =	vld.idx.msk [tilespmem:v0+s19+$0x0 ss:$0x1], $0xffff;
	[tilespmem:s31+$0x30] =	vst v56  }
0x39: {  	v62 =	vld.idx.msk [tilespmem:v0+s19+$0x10 ss:$0x1], $0xffff;
	s18 =	sadd.s32 $0x1, s18;
	[tilespmem:s31+$0xFFFFFFC0] =	vst v57  }
0x3a: {  	v63 =	vld.idx.msk [tilespmem:v0+s19+$0x20 ss:$0x1], $0xffff;
	p1 =	sne.s32 s18, $0x8;
	[tilespmem:s31+$0xFFFFFFD0] =	vst v58  }
.Ltmp4:
0x3b: {  	[tilespmem:s31+$0xFFFFFFE0] =	vst v59;
	(pc) =	sbr.rel @p1 .LBB1_4-.Ltmp4, $4  }
0x3c: {  	[tilespmem:s31+$0xFFFFFFF0] =	vst v60  }
0x3d: {  	[tilespmem:s31+$0x0] =	vst v61  }
0x3e: {  	[tilespmem:s31+$0x10] =	vst v62  }
0x3f: {  	s17 =	sadd.s32 $0x80, s17;
	s16 =	sadd.s32 $0x200, s16;
	[tilespmem:s31+$0x20] =	vst v63  }
0x40: {  	s15 =	sadd.s32 $0x1, s15  }
0x41: {  	p1 =	sne.s32 s15, $0x4  }
.Ltmp5:
0x42: {  	_ = 	snop;
	(pc) =	sbr.rel @p1 .LBB1_3-.Ltmp5, $2  }
0x43: {  	_ =	sdelay $0x2  }
0x44: {  	s12 =	sadd.s32 $0x1000, s12;
	s13 =	sadd.s32 $0x1000, s13  }
.Ltmp6:
0x45: {  	(pc) =	sbr.rel .LBB1_9-.Ltmp6, $4  }
0x46: {  	_ = 	snop  }
0x47: {  	s11 =	sshll.u32 s11, $0x9  }
0x48: {  	s11 =	sadd.s32 s3, s11  }
0x49: {  	[hbm4b:s11+s8] =	stream.linear.scatter [tilespmem:s14], [sflag:$0x2], $0x4000, $0x38;
	[tilespmem:$0x10000] =	vst v63  }
.LBB1_10:
0x4a: {  	_ =	sfence.sel $0x180000  }
0x4b: {  	s2 =	simm.s32 $0x1;
	[bflag:$0x0] =	sbarrier.arrive $0xFFFF  }
0x4c: {  	s31 =	simm.s32 $0x2;
	[sflag:s2] =	ssyncpa.u1 $0x1  }
0x4d: {  	[sflag:s31] =	ssyncpa.u1 $0x1  }
0x4e: {  	p0 =	sne.s32 s1, $0x0;
	_ =	strace $0x9000005C  }
0x4f: {  	s0 =	sadd.s32 @!p0 $0x100000, s0;
	[bflag:$0x2] =	sbarrier.arrive $0xFFFF  }
0x50: {  	[sflag:s0] =	ssyncadd.tile.s32 @!p0 $0x1;
	_ =	shalt  }
.Lfunc_end1:
_tile_overlayer_lowered:
.L_overlay_start_2:
0x51: {  	(tag) =	ssettag $0x2  }
0x52: {  	s0 =	rddreg [dreg:$0x0];
	s2 =	stileid.u32  }
0x53: {  	s1 =	rddreg [dreg:$0x1];
	p0 =	sne.s32 s2, $0x0  }
0x54: {  	s3 =	rddreg [dreg:$0x2];
	[bflag:$0x3] =	sbarrier.arrive $0xFFFF;
	s2 =	simm.s32 @!p0 $0x1C01  }
0x55: {  	[timem:s3], [sflag:s2] =	dma.local @!p0 [hbm:s0], s1  }
0x56: {  	s0 =	simm.s32 @!p0 $0x1  }
0x57: {  	_ =	swait.ge @!p0 [sflag:s0], s1  }
0x58: {  	s1 =	ssub.s32 @!p0 $0x0, s1;
	[sflag:s0] =	ssyncset.done @!p0 $0x0  }
0x59: {  	[sflag:s0] =	ssyncadd.s32 @!p0 s1  }
0x5a: {  	[bflag:$0x3] =	sbarrier.arrive $0xFFFF  }
0x5b: {  	_ =	shalt  }

// kernel: sparse-core-data-format-call.cloned.1.call-start
scs
called_computation.2_lowered:
.L_overlay_start_0:
0x0: {  	s2 =	sld [smem:$0x3FD9]  }
0x1: {  	s3 =	sld [smem:$0x3FFE];
	_ =	sdelay $0x1  }
0x2: {  	s1 =	srdreg.scid  }
0x3: {  	s0 =	sand.u32 $0x1, s1  }
0x4: {  	s18 =	sshll.u32 s0, $0xA;
	s2 =	sadd.s32 s3, s2  }
0x5: {  	s2 =	sadd.s32 s2, s18  }
0x6: {  	[smem:$0x3FB0] =	sst s2  }
0x7: {  	_ = 	snop  }
0x8: {  	(tm) =	ssettm $0x1  }
0x9: {  	s19 =	sld [smem:$0x3FFB];
	_ =	sdelay $0x3  }
0xa: {  	_ =	strace s19  }
0xb: {  	s2 =	sld [smem:$0x3FFC];
	_ =	sdelay $0x3  }
0xc: {  	_ =	strace s2  }
0xd: {  	s2 =	sld [smem:$0x3FFD];
	_ =	sdelay $0x3  }
0xe: {  	_ =	strace s2  }
0xf: {  	_ =	strace $0x8FFFFFFF  }
0x10: {  	s20 =	sld [smem:$0x3FDB];
	_ =	sdelay $0x1  }
0x11: {  	s21 =	simm.s32 $_scs_section_size  }
0x12: {  	s4 =	simm.s32 $_size__tile_overlayer_lowered;
	s5 =	simm.s32 $_tile_overlayer_lowered  }
0x13: {  	s6 =	simm.s32 $0x1BFF;
	s22 =	sshll.u32 s5, $0x1;
	s3 =	sadd.s32 s21, s20  }
0x14: {  	s23 =	simm.s32 $0x0;
	s4 =	sshll.u32 s4, $0x1;
	s5 =	sadd.s32 s22, s3  }
0x15: {  	[timem:s23], [sflag:s6] =	dma.local [hbm:s5], s4  }
0x16: {  	_ =	swait.ge [sflag:s6], s4  }
0x17: {  	s4 =	ssub.s32 $0x0, s4;
	[sflag:s6] =	ssyncset.done $0x0  }
0x18: {  	[sflag:s6] =	ssyncadd.s32 s4;
	_ =	sdelay $0x1  }
0x19: {  	s24 =	simm.s32 $0x1B8B  }
0x1a: {  	_ =	swait.ge [sflag:s24], $0x1  }
0x1b: {  	[sflag:s24] =	ssyncset.done $0x0  }
0x1c: {  	[sflag:s24] =	ssyncadd.s32 $0xFFFFFFFF  }
0x1d: {  	s4 =	sld [smem:$0x0]  }
0x1e: {  	s5 =	sand.u32 $0xFFFFFFFE, s1  }
0x1f: {  	p0 =	sne.s32 s1, s5  }
0x20: {  	s5 =	sshll.u32 @p0 s5, $0xE  }
0x21: {  	s5 =	sadd.s32 @p0 $0x11B8D, s5;
	s6 =	sshll.u32 @p0 s4, $0x11  }
0x22: {  	s5 =	sor.u32 @p0 s6, s5  }
0x23: {  	[sflag:s5] =	ssyncadd.remote.s32 @p0 $0x1;
	_ =	sdelay $0x1  }
0x24: {  	s5 =	simm.s32 @p0 $0x1B8D  }
0x25: {  	_ =	swait.eq @p0 [sflag:s5], $0x1  }
0x26: {  	[sflag:s5] =	ssyncadd.s32 @p0 $0xFFFFFFFF  }
0x27: {  	s6 =	sshll.u32 @!p0 s1, $0xE  }
0x28: {  	s6 =	sor.u32 @!p0 $0x4000, s6;
	s5 =	simm.s32 @!p0 $0x1B8D  }
0x29: {  	s4 =	sshll.u32 @!p0 s4, $0x11;
	s6 =	sadd.s32 @!p0 $0x11B8D, s6;
	_ =	swait.eq @!p0 [sflag:s5], $0x1  }
0x2a: {  	s4 =	sor.u32 @!p0 s4, s6;
	[sflag:s5] =	ssyncadd.s32 @!p0 $0xFFFFFFFF  }
0x2b: {  	s26 =	simm.s32 $0x1B8E;
	s25 =	sld [smem:$0x3FFE];
	[sflag:s4] =	ssyncadd.remote.s32 @!p0 $0x1  }
0x2c: {  	s27 =	simm.s32 $execute0_lowered;
	[smem:$0x3FD2] =	sst s26  }
0x2d: {  	s5 =	sshll.u32 s27, $0x1;
	_ =	strace $0x80000058;
	[dreg:$0x1] =	wrdreg $0xFFFFFFFF  }
0x2e: {  	s28 =	simm.s32 $_size_execute0_lowered;
	s3 =	sadd.s32 s3, s5;
	[dreg:$0x0] =	wrdreg $0x0  }
0x2f: {  	s5 =	sshll.u32 s28, $0x1;
	[dreg:$0x2] =	wrdreg s3  }
0x30: {  	[dreg:$0x3] =	wrdreg s5  }
0x31: {  	[dreg:$0x4] =	wrdreg $0xC0  }
0x32: {  	_ =	task [dreg:s23], $0x5FFFF  }
0x33: {  	[dreg:$0x1] =	wrdreg $0xFFFFFFFF  }
0x34: {  	[dreg:$0x0] =	wrdreg $0x60  }
0x35: {  	[dreg:$0x2] =	wrdreg s25  }
0x36: {  	[dreg:$0x3] =	wrdreg $0x9  }
0x37: {  	_ =	task.clear_ibuf [dreg:s23], $0x4FFFF;
	_ =	strace $0x90000058  }
0x38: {  	s29 =	simm.s32 $0x9;
	_ =	strace $0x8000005A  }
0x39: {  	_ =	swait.ge [sflag:s29], $0x1  }
0x3a: {  	[sflag:s29] =	ssyncadd.s32 $0xFFFFFFFF  }
0x3b: {  	_ =	strace $0x9000005A  }
0x3c: {  	_ =	sfence  }
0x3d: {  	s30 =	sld [smem:$0x0];
	_ =	sdelay $0x2  }
0x3e: {  	s31 =	sshll.u32 s1, $0xD;
	s1 =	sshrl.u32 s1, $0x2  }
0x3f: {  	s4 =	sand.u32 $0x4000, s31;
	s1 =	sadd.s32 s1, s30  }
0x40: {  	s0 =	sor.u32 s4, s0;
	s1 =	sshll.u32 s1, $0x11  }
0x41: {  	s0 =	sor.u32 s1, s0  }
0x42: {  	s0 =	sadd.s32 $0x8F2B, s0  }
0x43: {  	[sflag:s0] =	ssyncadd.remote.s32 $0x1  }
0x44: {  	_ =	sfence.sel $0xFFFF  }
0x45: {  	[dreg:$0x0] =	wrdreg $0xFFFFFFFF;
	(pc) =	sbr.abs _section_cstart, $3  }
0x46: {  	[dreg:$0x1] =	wrdreg $0xFFFFFFFF  }
0x47: {  	_ =	task.clear_ibuf [dreg:s23], $0x2FFFF;
	_ =	strace $0x9FFFFFFF  }
0x48: {  	(tm) =	ssettm $0x7FFFFFFF  }
0x49: {  	_ =	shalt  }
tec
execute0_lowered:
.L_overlay_start_1:
0x0: {  	(tag) =	ssettag $0x1  }
0x1: {  	s0 =	srdreg.scid  }
0x2: {  	s3 =	rddreg [dreg:$0x0];
	s1 =	stileid.u32;
	s5 =	simm.s32 $0x1  }
0x3: {  	s7 =	simm.s32 $0x2;
	s8 =	simm.s32 $0x0;
	s11 =	simm.s32 $0x0  }
0x4: {  	s10 =	simm.s32 $0x0;
	s2 =	sshll.u32 s0, $0x4;
	s0 =	rddreg [dreg:$0x1]  }
.Ltmp0:
0x5: {  	_ =	strace $0x80000059;
	s2 =	sand.u32 $0x10, s2;
	(pc) =	sbr.rel .LBB1_1-.Ltmp0, $4  }
0x6: {  	[sflag:s5] =	ssyncpa.u1 $0x0;
	s6 =	sor.u32 s1, s2;
	s2 =	sadd.s32 $0x3880400, s3  }
0x7: {  	s4 =	sshll.u32 s6, $0x2;
	p0 =	seq.s32 s6, $0x1F;
	s6 =	simm.s32 $0x124  }
0x8: {  	s3 =	sadd.s32 $0x4ACFC00, s3;
	[sflag:s7] =	ssyncpa.u1 $0x0;
	s6 =	simm.s32 @!p0 $0x125  }
0x9: {  	p0 =	por $0x0, $0x0;
	s9 =	smov.u32 s4;
	s7 =	sadd.s32 $0x1, s6  }
.LBB1_9:
0xa: {  	s13 =	sadd.s32 $0x80, s9  }
0xb: {  	p2 =	sgt.s32 s13, $0x927B  }
0xc: {  	s13 =	smov.u32 @p2 s4;
	p2 =	sne.s32 s10, s7  }
.Ltmp1:
0xd: {  	p1 =	slt.u32 s10, $0x2;
	(pc) =	sbr.rel @!p2 .LBB1_10-.Ltmp1, $4  }
0xe: {  	s12 =	simm.s32 @!p1 $0x2  }
0xf: {  	s14 =	sadd.s32 $0x1, s10;
	_ =	swait.ge @!p1 [sflag:s12], $0x4000  }
0x10: {  	s11 =	smov.u32 s9;
	p0 =	por !p0, !p0;
	[sflag:s12] =	ssyncset.done @!p1 $0x0  }
0x11: {  	s10 =	smov.u32 s14;
	s9 =	smov.u32 s13;
	[sflag:s12] =	ssyncadd.s32 @!p1 $0xFFFFC000  }
.LBB1_1:
0x12: {  	p1 =	sge.u32 s10, s6  }
0x13: {  	s12 =	sxor.u32 @!p1 $0xFFFFFFFF, s10  }
0x14: {  	s31 =	sadd.s32 $0xFFFFFFFF, s10;
	s13 =	sshll.u32 @!p1 s9, $0x9;
	s12 =	sshll.u32 @!p1 s12, $0xE  }
0x15: {  	s14 =	simm.s32 @!p1 $0x0;
	s13 =	sadd.s32 @!p1 s2, s13;
	s12 =	sand.u32 @!p1 $0x4000, s12  }
0x16: {  	[tilespmem:s12], [sflag:$0x1] =	stream.linear.gather @!p1 [hbm4b:s13+s14], $0x4000, $0x38;
	[tilespmem:$0x10000] =	vst v63  }
0x17: {  	p1 =	sge.u32 s31, s6  }
.Ltmp2:
0x18: {  	_ = 	snop;
	(pc) =	sbr.rel @p1 .LBB1_9-.Ltmp2, $1  }
0x19: {  	_ =	sdelay $0x3  }
0x1a: {  	s12 =	simm.s32 $0x1;
	_ =	swait.ge [sflag:s5], $0x4000;
	s14 =	sshll.u32 s10, $0xE  }
0x1b: {  	s15 =	simm.s32 $0x0;
	s12 =	simm.s32 @!p0 $0x0;
	[sflag:s5] =	ssyncset.done $0x0  }
0x1c: {  	s14 =	sand.u32 $0x4000, s14;
	s13 =	sshll.u32 s12, $0xE;
	[sflag:s5] =	ssyncadd.s32 $0xFFFFC000  }
0x1d: {  	s14 =	sor.u32 $0x8000, s14;
	s12 =	sor.u32 $0x8040, s13;
	s13 =	sor.u32 $0x40, s13  }
.LBB1_3:
0x1e: {  	s16 =	smov.u32 s13;
	s17 =	smov.u32 s12;
	s18 =	simm.s32 $0x0  }
.LBB1_4:
0x1f: {  	v0 =	vmov s16;
	_ =	sdelay $0x3  }
0x20: {  	s20 =	simm.s32 $0x0  }
0x21: {  	v6 =	vld.idx.msk [tilespmem:v0+s20+$0x30 ss:$0x1], $0xffff  }
0x22: {  	v7 =	vld.idx.msk [tilespmem:v0+s20+$0xFFFFFFC0 ss:$0x1], $0xffff  }
0x23: {  	v5 =	vld.idx.msk [tilespmem:v0+s20+$0xFFFFFFD0 ss:$0x1], $0xffff  }
0x24: {  	v4 =	vld.idx.msk [tilespmem:v0+s20+$0xFFFFFFE0 ss:$0x1], $0xffff  }
0x25: {  	v3 =	vld.idx.msk [tilespmem:v0+s20+$0xFFFFFFF0 ss:$0x1], $0xffff  }
0x26: {  	v1 =	vld.idx.msk [tilespmem:v0+s20+$0x0 ss:$0x1], $0xffff  }
0x27: {  	v2 =	vld.idx.msk [tilespmem:v0+s20+$0x10 ss:$0x1], $0xffff;
	[tilespmem:s17+$0x30] =	vst v6  }
0x28: {  	s19 =	simm.s32 $0x80;
	s21 =	simm.s32 $0x400;
	[tilespmem:s17+$0xFFFFFFC0] =	vst v7;
	v6 =	vld.idx.msk [tilespmem:v0+s20+$0x20 ss:$0x1], $0xffff;
	s20 =	smov.u32 s17  }
.LBB1_5:
0x29: {  	p1 =	sne.s32 s21, $0x600;
	v7 =	vld.idx.msk [tilespmem:v0+s19+$0x30 ss:$0x1], $0xffff;
	[tilespmem:s20+$0xFFFFFFD0] =	vst v5  }
0x2a: {  	v8 =	vld.idx.msk [tilespmem:v0+s19+$0xFFFFFFC0 ss:$0x1], $0xffff;
	[tilespmem:s20+$0xFFFFFFE0] =	vst v4  }
0x2b: {  	v5 =	vld.idx.msk [tilespmem:v0+s19+$0xFFFFFFD0 ss:$0x1], $0xffff;
	[tilespmem:s20+$0xFFFFFFF0] =	vst v3  }
.Ltmp3:
0x2c: {  	v4 =	vld.idx.msk [tilespmem:v0+s19+$0xFFFFFFE0 ss:$0x1], $0xffff;
	[tilespmem:s20+$0x0] =	vst v1;
	(pc) =	sbr.rel @p1 .LBB1_5-.Ltmp3, $4  }
0x2d: {  	v3 =	vld.idx.msk [tilespmem:v0+s19+$0xFFFFFFF0 ss:$0x1], $0xffff;
	[tilespmem:s20+$0x10] =	vst v2  }
0x2e: {  	v1 =	vld.idx.msk [tilespmem:v0+s19+$0x0 ss:$0x1], $0xffff;
	[tilespmem:s20+$0x20] =	vst v6;
	s20 =	sadd.s32 $0x400, s20  }
0x2f: {  	v2 =	vld.idx.msk [tilespmem:v0+s19+$0x10 ss:$0x1], $0xffff;
	[tilespmem:s20+$0x30] =	vst v7  }
0x30: {  	[tilespmem:s20+$0xFFFFFFC0] =	vst v8;
	v6 =	vld.idx.msk [tilespmem:v0+s19+$0x20 ss:$0x1], $0xffff;
	s19 =	sshra.s32 s21, $0x2;
	s21 =	sadd.s32 $0x200, s21  }
0x31: {  	_ =	sdelay $0x2  }
0x32: {  	[tilespmem:s20+$0xFFFFFFD0] =	vst v5  }
0x33: {  	v56 =	vld.idx.msk [tilespmem:v0+s19+$0x30 ss:$0x1], $0xffff;
	[tilespmem:s20+$0xFFFFFFE0] =	vst v4  }
0x34: {  	v57 =	vld.idx.msk [tilespmem:v0+s19+$0xFFFFFFC0 ss:$0x1], $0xffff;
	[tilespmem:s20+$0xFFFFFFF0] =	vst v3  }
0x35: {  	v58 =	vld.idx.msk [tilespmem:v0+s19+$0xFFFFFFD0 ss:$0x1], $0xffff;
	[tilespmem:s20+$0x0] =	vst v1  }
0x36: {  	v59 =	vld.idx.msk [tilespmem:v0+s19+$0xFFFFFFE0 ss:$0x1], $0xffff;
	[tilespmem:s20+$0x10] =	vst v2  }
0x37: {  	v60 =	vld.idx.msk [tilespmem:v0+s19+$0xFFFFFFF0 ss:$0x1], $0xffff;
	s31 =	sadd.s32 $0x400, s20;
	[tilespmem:s20+$0x20] =	vst v6  }
0x38: {  	v61 =	vld.idx.msk [tilespmem:v0+s19+$0x0 ss:$0x1], $0xffff;
	[tilespmem:s31+$0x30] =	vst v56  }
0x39: {  	v62 =	vld.idx.msk [tilespmem:v0+s19+$0x10 ss:$0x1], $0xffff;
	s18 =	sadd.s32 $0x1, s18;
	[tilespmem:s31+$0xFFFFFFC0] =	vst v57  }
0x3a: {  	v63 =	vld.idx.msk [tilespmem:v0+s19+$0x20 ss:$0x1], $0xffff;
	p1 =	sne.s32 s18, $0x8;
	[tilespmem:s31+$0xFFFFFFD0] =	vst v58  }
.Ltmp4:
0x3b: {  	[tilespmem:s31+$0xFFFFFFE0] =	vst v59;
	(pc) =	sbr.rel @p1 .LBB1_4-.Ltmp4, $4  }
0x3c: {  	[tilespmem:s31+$0xFFFFFFF0] =	vst v60  }
0x3d: {  	[tilespmem:s31+$0x0] =	vst v61  }
0x3e: {  	[tilespmem:s31+$0x10] =	vst v62  }
0x3f: {  	s17 =	sadd.s32 $0x80, s17;
	s16 =	sadd.s32 $0x200, s16;
	[tilespmem:s31+$0x20] =	vst v63  }
0x40: {  	s15 =	sadd.s32 $0x1, s15  }
0x41: {  	p1 =	sne.s32 s15, $0x4  }
.Ltmp5:
0x42: {  	_ = 	snop;
	(pc) =	sbr.rel @p1 .LBB1_3-.Ltmp5, $2  }
0x43: {  	_ =	sdelay $0x2  }
0x44: {  	s12 =	sadd.s32 $0x1000, s12;
	s13 =	sadd.s32 $0x1000, s13  }
.Ltmp6:
0x45: {  	(pc) =	sbr.rel .LBB1_9-.Ltmp6, $4  }
0x46: {  	_ = 	snop  }
0x47: {  	s11 =	sshll.u32 s11, $0x9  }
0x48: {  	s11 =	sadd.s32 s3, s11  }
0x49: {  	[hbm4b:s11+s8] =	stream.linear.scatter [tilespmem:s14], [sflag:$0x2], $0x4000, $0x38;
	[tilespmem:$0x10000] =	vst v63  }
.LBB1_10:
0x4a: {  	_ =	sfence.sel $0x180000  }
0x4b: {  	s2 =	simm.s32 $0x1;
	[bflag:$0x0] =	sbarrier.arrive $0xFFFF  }
0x4c: {  	s31 =	simm.s32 $0x2;
	[sflag:s2] =	ssyncpa.u1 $0x1  }
0x4d: {  	[sflag:s31] =	ssyncpa.u1 $0x1  }
0x4e: {  	p0 =	sne.s32 s1, $0x0;
	_ =	strace $0x90000059  }
0x4f: {  	s0 =	sadd.s32 @!p0 $0x100000, s0;
	[bflag:$0x2] =	sbarrier.arrive $0xFFFF  }
0x50: {  	[sflag:s0] =	ssyncadd.tile.s32 @!p0 $0x1;
	_ =	shalt  }
.Lfunc_end1:
_tile_overlayer_lowered:
.L_overlay_start_2:
0x51: {  	(tag) =	ssettag $0x2  }
0x52: {  	s0 =	rddreg [dreg:$0x0];
	s2 =	stileid.u32  }
0x53: {  	s1 =	rddreg [dreg:$0x1];
	p0 =	sne.s32 s2, $0x0  }
0x54: {  	s3 =	rddreg [dreg:$0x2];
	[bflag:$0x3] =	sbarrier.arrive $0xFFFF;
	s2 =	simm.s32 @!p0 $0x1C01  }
0x55: {  	[timem:s3], [sflag:s2] =	dma.local @!p0 [hbm:s0], s1  }
0x56: {  	s0 =	simm.s32 @!p0 $0x1  }
0x57: {  	_ =	swait.ge @!p0 [sflag:s0], s1  }
0x58: {  	s1 =	ssub.s32 @!p0 $0x0, s1;
	[sflag:s0] =	ssyncset.done @!p0 $0x0  }
0x59: {  	[sflag:s0] =	ssyncadd.s32 @!p0 s1  }
0x5a: {  	[bflag:$0x3] =	sbarrier.arrive $0xFFFF  }
0x5b: {  	_ =	shalt  }

</sc_bundles>
